<compile_context>
chip_gen: v7x
topology: tpu7x:2x2x1
jax: 0.10.2.dev20260603
libtpu: 0.0.44.dev20260713+nightly
codegen_flags: <defaults>
</compile_context>

<pallas_src>
import functools

import jax
import jax.numpy as jnp
from jax import lax
from jax.experimental import pallas as pl
from jax.experimental.pallas import tpu as pltpu
from jax.experimental.pallas import tpu_sc as plsc

N = 10000
E = 320000
DF = 128
DE = 16
H = 128
NM = 1000
DEPTH = 3

NPAD = 10240
EPAD = 327680
MPAD = 1024
KE = 64
CH_E = EPAD // (32 * KE)
CHH = CH_E // 2
KA = 64
CH_A = NPAD // (32 * KA)
ROWS_T = NPAD // 16
MROWS_T = MPAD // 16

_mesh = plsc.VectorSubcoreMesh(core_axis_name="c", subcore_axis_name="s")
_f32 = jnp.float32


def _fill_rows(buf, val, nrows):
    v = jnp.full((16,), val, _f32)

    def body(i, carry):
        for l in range(8):
            buf[i, pl.ds(l * 16, 16)] = v
        return carry

    lax.fori_loop(0, nrows, body, 0)


NBUF = 2


@functools.partial(
    pl.kernel,
    out_type=jax.ShapeDtypeStruct((2, NPAD, H), _f32),
    mesh=_mesh,
    scratch_types=[
        pltpu.VMEM((2 * CHH, KE), jnp.int32),
        pltpu.VMEM((NBUF, KE, H), _f32),
        pltpu.VMEM_SHARED((NPAD, H), _f32),
        pltpu.SemaphoreType.DMA,
        pltpu.SemaphoreType.DMA,
    ],
)
def _sc_gather_scatter(h_hbm, src_hbm, dst_hbm, out_hbm,
                       idx, rows, accum, *sems):
    c = lax.axis_index("c")
    s = lax.axis_index("s")
    wid = c * 16 + s
    _fill_rows(rows.at[0], 0.0, KE)

    def zbody(i, carry):
        pltpu.sync_copy(rows.at[0], accum.at[pl.ds(s * ROWS_T + i * KE, KE)])
        return carry

    lax.fori_loop(0, ROWS_T // KE, zbody, 0)
    plsc.subcore_barrier()

    for half in range(CH_E // CHH):
        base = wid * CH_E + half * CHH
        pltpu.sync_copy(src_hbm.at[pl.ds(base, CHH)], idx.at[pl.ds(0, CHH)])
        pltpu.sync_copy(dst_hbm.at[pl.ds(base, CHH)], idx.at[pl.ds(CHH, CHH)])

        for b in range(NBUF):
            pltpu.async_copy(h_hbm.at[idx.at[b]], rows.at[b], sems[b])

        def body(g, carry):
            for b in range(NBUF):
                j = g * NBUF + b
                pltpu.make_async_copy(h_hbm.at[idx.at[j]], rows.at[b],
                                      sems[b]).wait()
                pltpu.sync_copy(rows.at[b], accum.at[idx.at[CHH + j]],
                                add=True)
                pltpu.async_copy(h_hbm.at[idx.at[j + NBUF]], rows.at[b],
                                 sems[b])
            return carry

        lax.fori_loop(0, CHH // NBUF - 1, body, 0)
        for b in range(NBUF):
            j = CHH - NBUF + b
            pltpu.make_async_copy(h_hbm.at[idx.at[j]], rows.at[b],
                                  sems[b]).wait()
            pltpu.sync_copy(rows.at[b], accum.at[idx.at[CHH + j]], add=True)
    plsc.subcore_barrier()
    pltpu.sync_copy(accum.at[pl.ds(s * ROWS_T, ROWS_T)],
                    out_hbm.at[c, pl.ds(s * ROWS_T, ROWS_T)])


@functools.partial(
    pl.kernel,
    out_type=jax.ShapeDtypeStruct((2, NPAD, H), _f32),
    mesh=_mesh,
    scratch_types=[
        pltpu.VMEM((CH_E, KE), jnp.int32),
        pltpu.VMEM((NBUF, KE, H), _f32),
        pltpu.VMEM_SHARED((NPAD, H), _f32),
        pltpu.SemaphoreType.DMA,
        pltpu.SemaphoreType.DMA,
    ],
)
def _sc_scatter_linear(val_hbm, dst_hbm, out_hbm, didx, rows, accum,
                       *sems):
    c = lax.axis_index("c")
    s = lax.axis_index("s")
    wid = c * 16 + s
    _fill_rows(rows.at[0], 0.0, KE)

    def zbody(i, carry):
        pltpu.sync_copy(rows.at[0], accum.at[pl.ds(s * ROWS_T + i * KE, KE)])
        return carry

    lax.fori_loop(0, ROWS_T // KE, zbody, 0)
    pltpu.sync_copy(dst_hbm.at[pl.ds(wid * CH_E, CH_E)], didx)
    plsc.subcore_barrier()

    for b in range(NBUF):
        pltpu.async_copy(val_hbm.at[pl.ds((wid * CH_E + b) * KE, KE)],
                         rows.at[b], sems[b])

    def body(g, carry):
        for b in range(NBUF):
            j = g * NBUF + b
            pltpu.make_async_copy(
                val_hbm.at[pl.ds((wid * CH_E + j) * KE, KE)], rows.at[b],
                sems[b]).wait()
            pltpu.sync_copy(rows.at[b], accum.at[didx.at[j]], add=True)
            pltpu.async_copy(
                val_hbm.at[pl.ds((wid * CH_E + j + NBUF) * KE, KE)],
                rows.at[b], sems[b])
        return carry

    lax.fori_loop(0, CH_E // NBUF - 1, body, 0)
    for b in range(NBUF):
        j = CH_E - NBUF + b
        pltpu.make_async_copy(
            val_hbm.at[pl.ds((wid * CH_E + j) * KE, KE)], rows.at[b],
            sems[b]).wait()
        pltpu.sync_copy(rows.at[b], accum.at[didx.at[j]], add=True)
    plsc.subcore_barrier()
    pltpu.sync_copy(accum.at[pl.ds(s * ROWS_T, ROWS_T)],
                    out_hbm.at[c, pl.ds(s * ROWS_T, ROWS_T)])


@functools.partial(
    pl.kernel,
    out_type=[jax.ShapeDtypeStruct((2, MPAD, H), _f32),
              jax.ShapeDtypeStruct((2, MPAD, H), _f32)],
    mesh=_mesh,
    scratch_types=[
        pltpu.VMEM((NPAD // KA, KA), jnp.int32),
        pltpu.VMEM((KA, H), _f32),
        pltpu.VMEM((KA, H), _f32),
        pltpu.VMEM((MROWS_T, H), _f32),
        pltpu.VMEM_SHARED((MPAD, H), _f32),
        pltpu.VMEM_SHARED((MPAD, H), _f32),
    ],
)
def _sc_readout(a_hbm, b_hbm, mol_hbm, cnt_hbm,
                bidx, rows, ones, ztile, macc, cacc):
    c = lax.axis_index("c")
    s = lax.axis_index("s")
    wid = c * 16 + s
    _fill_rows(ones, 1.0, KA)
    _fill_rows(ztile, 0.0, MROWS_T)
    pltpu.sync_copy(ztile, macc.at[pl.ds(s * MROWS_T, MROWS_T)])
    pltpu.sync_copy(ztile, cacc.at[pl.ds(s * MROWS_T, MROWS_T)])
    pltpu.sync_copy(b_hbm, bidx)
    plsc.subcore_barrier()

    def body(j, carry):
        pltpu.sync_copy(a_hbm.at[pl.ds((wid * CH_A + j) * KA, KA)], rows)
        pltpu.sync_copy(rows, macc.at[bidx.at[wid * CH_A + j]], add=True)
        pltpu.sync_copy(ones, cacc.at[bidx.at[wid * CH_A + j]], add=True)
        return carry

    lax.fori_loop(0, CH_A, body, 0)
    plsc.subcore_barrier()
    pltpu.sync_copy(macc.at[pl.ds(s * MROWS_T, MROWS_T)],
                    mol_hbm.at[c, pl.ds(s * MROWS_T, MROWS_T)])
    pltpu.sync_copy(cacc.at[pl.ds(s * MROWS_T, MROWS_T)],
                    cnt_hbm.at[c, pl.ds(s * MROWS_T, MROWS_T)])



def _dot(a, b):
    return jnp.dot(a, b, preferred_element_type=_f32)


def _emb_body(ea_ref, we_ref, o_ref):
    o_ref[...] = jnp.maximum(_dot(ea_ref[...], we_ref[...]), 0.0)


def _edge_embed(eap, W_e):
    bm = 5120
    return pl.pallas_call(
        _emb_body,
        grid=(EPAD // bm,),
        in_specs=[pl.BlockSpec((bm, DE), lambda i: (i, 0)),
                  pl.BlockSpec((DE, H), lambda i: (0, 0))],
        out_specs=pl.BlockSpec((bm, H), lambda i: (i, 0)),
        out_shape=jax.ShapeDtypeStruct((EPAD, H), _f32),
    )(eap, W_e)


def _base_body(x_ref, wi_ref, e0_ref, e1_ref, wh_ref, h0_ref, base_ref):
    h0 = jnp.maximum(_dot(x_ref[...], wi_ref[...]), 0.0)
    h0_ref[...] = h0
    base_ref[...] = h0 + _dot(e0_ref[...] + e1_ref[...], wh_ref[...])


def _make_base(xp, W_i, e0, e1, W_h):
    bm = 1024
    return pl.pallas_call(
        _base_body,
        grid=(NPAD // bm,),
        in_specs=[pl.BlockSpec((bm, DF), lambda i: (i, 0)),
                  pl.BlockSpec((DF, H), lambda i: (0, 0)),
                  pl.BlockSpec((bm, H), lambda i: (i, 0)),
                  pl.BlockSpec((bm, H), lambda i: (i, 0)),
                  pl.BlockSpec((H, H), lambda i: (0, 0))],
        out_specs=[pl.BlockSpec((bm, H), lambda i: (i, 0)),
                   pl.BlockSpec((bm, H), lambda i: (i, 0))],
        out_shape=[jax.ShapeDtypeStruct((NPAD, H), _f32),
                   jax.ShapeDtypeStruct((NPAD, H), _f32)],
    )(xp, W_i, e0, e1, W_h)


def _upd_body(a0_ref, a1_ref, base_ref, wh_ref, h_ref):
    h_ref[...] = jnp.maximum(
        base_ref[...] + _dot(a0_ref[...] + a1_ref[...], wh_ref[...]), 0.0)


def _update_h(a0, a1, base, W_h):
    bm = 1024
    return pl.pallas_call(
        _upd_body,
        grid=(NPAD // bm,),
        in_specs=[pl.BlockSpec((bm, H), lambda i: (i, 0)),
                  pl.BlockSpec((bm, H), lambda i: (i, 0)),
                  pl.BlockSpec((bm, H), lambda i: (i, 0)),
                  pl.BlockSpec((H, H), lambda i: (0, 0))],
        out_specs=pl.BlockSpec((bm, H), lambda i: (i, 0)),
        out_shape=jax.ShapeDtypeStruct((NPAD, H), _f32),
    )(a0, a1, base, W_h)


def _atom_body(x_ref, h_ref, wx_ref, wh_ref, a_ref):
    a_ref[...] = jnp.maximum(
        _dot(x_ref[...], wx_ref[...]) + _dot(h_ref[...], wh_ref[...]), 0.0)


def _atom_out(xp, h, W_ox, W_oh):
    bm = 1024
    return pl.pallas_call(
        _atom_body,
        grid=(NPAD // bm,),
        in_specs=[pl.BlockSpec((bm, DF), lambda i: (i, 0)),
                  pl.BlockSpec((bm, H), lambda i: (i, 0)),
                  pl.BlockSpec((DF, H), lambda i: (0, 0)),
                  pl.BlockSpec((H, H), lambda i: (0, 0))],
        out_specs=pl.BlockSpec((bm, H), lambda i: (i, 0)),
        out_shape=jax.ShapeDtypeStruct((NPAD, H), _f32),
    )(xp, h, W_ox, W_oh)


def _head_body(m0_ref, m1_ref, c0_ref, c1_ref, w1_ref, b1_ref, w2_ref,
               b2_ref, o_ref):
    cnt = jnp.maximum(c0_ref[...] + c1_ref[...], 1.0)
    mol = (m0_ref[...] + m1_ref[...]) / cnt
    hdn = jnp.maximum(_dot(mol, w1_ref[...]) + b1_ref[...], 0.0)
    o_ref[...] = _dot(hdn, w2_ref[...]) + b2_ref[...]


def _head(m0, m1, c0, c1, W1, b1, W2, b2):
    return pl.pallas_call(
        _head_body,
        out_shape=jax.ShapeDtypeStruct((MPAD, 1), _f32),
    )(m0, m1, c0, c1, W1, b1, W2, b2)


def kernel(x, edge_index, edge_attr, batch, W_i, W_e, W_h, W_o, W1, b1, W2, b2):
    xp = jnp.zeros((NPAD, DF), _f32).at[:N].set(x)
    src = jnp.concatenate(
        [edge_index[0], jnp.zeros((EPAD - E,), jnp.int32)]).reshape(EPAD // KE, KE)
    pad_dst = N + jnp.arange(EPAD - E, dtype=jnp.int32) % (NPAD - N)
    dst = jnp.concatenate(
        [edge_index[1], pad_dst]).reshape(EPAD // KE, KE)
    eap = jnp.zeros((EPAD, DE), _f32).at[:E].set(edge_attr)
    pad_b = NM + jnp.arange(NPAD - N, dtype=jnp.int32) % (MPAD - NM)
    bp = jnp.concatenate([batch, pad_b]).reshape(NPAD // KA, KA)

    e_emb = _edge_embed(eap, W_e)
    eagg = _sc_scatter_linear(e_emb, dst)
    h0, base = _make_base(xp, W_i, eagg[0], eagg[1], W_h)
    h = h0
    for _ in range(DEPTH):
        agg = _sc_gather_scatter(h, src, dst)
        h = _update_h(agg[0], agg[1], base, W_h)
    a = _atom_out(xp, h, W_o[:DF], W_o[DF:])
    mol2, cnt2 = _sc_readout(a, bp)
    out = _head(mol2[0], mol2[1], cnt2[0], cnt2[1],
                W1, b1.reshape(1, H), W2, b2.reshape(1, 1))
    return out[:NM]

# --- scband reference (transcript-rebuilt; emitter-appended) ---
"""Pipeline reference for scband-molecule-model-27797028340334 (READ-ONLY COPY).

The authoritative reference and input builder live on the scoring server;
editing this copy changes nothing except your own understanding.
"""

import jax, jax.numpy as jnp
import numpy as np

N = 10000
E = 320000
D_FEAT = 128
D_EDGE = 16
HIDDEN = 128
FFN_HIDDEN = 128
N_TASKS = 1
N_MOLS = 1000
DEPTH = 3


def setup_inputs(seed: int = 0) -> dict:
    key = jax.random.key(seed)
    ks = jax.random.split(key, 13)

    def glorot(k, shape):
        fan_in = shape[0]
        return jax.random.normal(k, shape, jnp.float32) * (1.0 / np.sqrt(fan_in))

    x = jax.random.normal(ks[0], (N, D_FEAT), jnp.float32)
    edge_index = jax.random.randint(ks[1], (2, E), 0, N, dtype=jnp.int32)
    edge_attr = jax.random.normal(ks[2], (E, D_EDGE), jnp.float32)
    batch = jnp.sort(jax.random.randint(ks[3], (N,), 0, N_MOLS, dtype=jnp.int32))
    W_i = glorot(ks[4], (D_FEAT, HIDDEN))
    W_e = glorot(ks[5], (D_EDGE, HIDDEN))
    W_h = glorot(ks[6], (HIDDEN, HIDDEN))
    W_o = glorot(ks[7], (D_FEAT + HIDDEN, HIDDEN))
    W1 = glorot(ks[8], (HIDDEN, FFN_HIDDEN))
    b1 = jnp.zeros((FFN_HIDDEN,), jnp.float32)
    W2 = glorot(ks[9], (FFN_HIDDEN, N_TASKS))
    b2 = jnp.zeros((N_TASKS,), jnp.float32)
    return {"x": x, "edge_index": edge_index, "edge_attr": edge_attr, "batch": batch,
            "W_i": W_i, "W_e": W_e, "W_h": W_h, "W_o": W_o,
            "W1": W1, "b1": b1, "W2": W2, "b2": b2}


def reference(x, edge_index, edge_attr, batch, W_i, W_e, W_h, W_o, W1, b1, W2, b2):
    # MPN encoder (atom-message D-MPNN style, depth iterations of gather/scatter)
    src = edge_index[0]
    dst = edge_index[1]
    h0 = jax.nn.relu(x @ W_i)                      # initial atom hidden states
    e_emb = jax.nn.relu(edge_attr @ W_e)           # bond feature embedding
    h = h0
    for _ in range(DEPTH):
        m = h[src] + e_emb                         # gather messages along edges
        agg = jax.ops.segment_sum(m, dst, num_segments=N)  # scatter-add to dst atoms
        h = jax.nn.relu(h0 + agg @ W_h)
    a = jax.nn.relu(jnp.concatenate([x, h], axis=1) @ W_o)  # atom output transform
    # mean readout per molecule (aggregation='mean')
    mol_sum = jax.ops.segment_sum(a, batch, num_segments=N_MOLS)
    counts = jax.ops.segment_sum(jnp.ones((x.shape[0], 1), jnp.float32), batch, num_segments=N_MOLS)
    mol = mol_sum / jnp.maximum(counts, 1.0)
    # FFN head (2 layers, ReLU, dropout=0 -> identity in eval); regression -> no sigmoid
    hdn = jax.nn.relu(mol @ W1 + b1)
    out = hdn @ W2 + b2
    return out

if __name__ == "__main__":
    import jax
    _d = setup_inputs()
    print(jax.jit(kernel)(*tuple(_d.values())))

</pallas_src>

<mosaic_0001>
#map = affine_map<(d0, d1) -> (0, 0)>
#map1 = affine_map<(d0, d1) -> (0, 0, 0)>
module attributes {stable_mosaic.version = 14 : i64} {
  func.func @_sc_gather_scatter(%arg0: i32, %arg1: i32, %arg2: memref<10240x128xf32, #tpu.memory_space<hbm>>, %arg3: memref<5120x64xi32, #tpu.memory_space<hbm>>, %arg4: memref<5120x64xi32, #tpu.memory_space<hbm>>, %arg5: memref<2x10240x128xf32, #tpu.memory_space<hbm>>, %arg6: memref<160x64xi32, #tpu.memory_space<vmem>>, %arg7: memref<2x64x128xf32, #tpu.memory_space<vmem>>, %arg8: memref<10240x128xf32, #tpu.memory_space<vmem_shared>>, %arg9: memref<!tpu.dma_semaphore, #tpu.memory_space<semaphore_mem>>, %arg10: memref<!tpu.dma_semaphore, #tpu.memory_space<semaphore_mem>>) attributes {dimension_semantics = [#tpu.dimension_semantics<core_parallel>, #tpu.dimension_semantics<subcore_parallel>], iteration_bounds = array<i64: 2, 16>, scalar_prefetch = 0 : i64, scratch_operands = 5 : i64, tpu.core_type = #tpu.core_type<sc_vector_subcore>, window_params = [{transform_indices = #map}, {transform_indices = #map}, {transform_indices = #map}, {transform_indices = #map1}]} {
    %mul3A = arith.constant 16 : i32
    %mul3A_0 = arith.muli %arg0, %mul3A : i32
    %add3A = arith.addi %mul3A_0, %arg1 : i32
    %broadcast_in_dim3A = arith.constant 0.000000e+00 : f32
    %broadcast_in_dim3A_1 = vector.broadcast %broadcast_in_dim3A : f32 to vector<16xf32>
    %scan3A = arith.constant 0 : i32
    %scan3A_2 = arith.constant 0 : i32
    %scan3A_3 = arith.constant 0 : i32
    %scan3A_4 = arith.constant 64 : i32
    %scan3A_5 = arith.addi %scan3A_3, %scan3A_4 : i32
    %scan3A_6 = arith.constant 1 : i32
    scf.for %scan3A_140 = %scan3A_3 to %scan3A_5 step %scan3A_6  : i32 {
      %swap3A = arith.constant 0 : i32
      %swap3A_141 = arith.constant 0 : i32
      %swap3A_142 = tpu.memref_slice %arg7[%scan3A_2, %swap3A, %swap3A_141] : memref<2x64x128xf32, #tpu.memory_space<vmem>> -> memref<1x64x128xf32, #tpu.memory_space<vmem>>
      %swap3A_143 = tpu.memref_squeeze %swap3A_142 : memref<1x64x128xf32, #tpu.memory_space<vmem>> -> memref<64x128xf32, #tpu.memory_space<vmem>>
      %swap3A_144 = arith.index_cast %scan3A_140 : i32 to index
      %swap3A_145 = arith.constant 0 : index
      %swap3A_146 = tpu.vector_load %swap3A_143[%swap3A_144, %swap3A_145] {strides = array<i32>} : memref<64x128xf32, #tpu.memory_space<vmem>>, vector<1x16xf32>,
      %swap3A_147 = vector.shape_cast %swap3A_146 : vector<1x16xf32> to vector<16xf32>
      %swap3A_148 = vector.shape_cast %broadcast_in_dim3A_1 : vector<16xf32> to vector<1x16xf32>
      tpu.vector_store %swap3A_143[%swap3A_144, %swap3A_145], %swap3A_148 {strides = array<i32>} : memref<64x128xf32, #tpu.memory_space<vmem>>, vector<1x16xf32>,
      %swap3A_149 = arith.constant 0 : i32
      %swap3A_150 = arith.constant 0 : i32
      %swap3A_151 = tpu.memref_slice %arg7[%scan3A_2, %swap3A_149, %swap3A_150] : memref<2x64x128xf32, #tpu.memory_space<vmem>> -> memref<1x64x128xf32, #tpu.memory_space<vmem>>
      %swap3A_152 = tpu.memref_squeeze %swap3A_151 : memref<1x64x128xf32, #tpu.memory_space<vmem>> -> memref<64x128xf32, #tpu.memory_space<vmem>>
      %swap3A_153 = arith.index_cast %scan3A_140 : i32 to index
      %swap3A_154 = arith.constant 16 : index
      %swap3A_155 = tpu.vector_load %swap3A_152[%swap3A_153, %swap3A_154] {strides = array<i32>} : memref<64x128xf32, #tpu.memory_space<vmem>>, vector<1x16xf32>,
      %swap3A_156 = vector.shape_cast %swap3A_155 : vector<1x16xf32> to vector<16xf32>
      %swap3A_157 = vector.shape_cast %broadcast_in_dim3A_1 : vector<16xf32> to vector<1x16xf32>
      tpu.vector_store %swap3A_152[%swap3A_153, %swap3A_154], %swap3A_157 {strides = array<i32>} : memref<64x128xf32, #tpu.memory_space<vmem>>, vector<1x16xf32>,
      %swap3A_158 = arith.constant 0 : i32
      %swap3A_159 = arith.constant 0 : i32
      %swap3A_160 = tpu.memref_slice %arg7[%scan3A_2, %swap3A_158, %swap3A_159] : memref<2x64x128xf32, #tpu.memory_space<vmem>> -> memref<1x64x128xf32, #tpu.memory_space<vmem>>
      %swap3A_161 = tpu.memref_squeeze %swap3A_160 : memref<1x64x128xf32, #tpu.memory_space<vmem>> -> memref<64x128xf32, #tpu.memory_space<vmem>>
      %swap3A_162 = arith.index_cast %scan3A_140 : i32 to index
      %swap3A_163 = arith.constant 32 : index
      %swap3A_164 = tpu.vector_load %swap3A_161[%swap3A_162, %swap3A_163] {strides = array<i32>} : memref<64x128xf32, #tpu.memory_space<vmem>>, vector<1x16xf32>,
      %swap3A_165 = vector.shape_cast %swap3A_164 : vector<1x16xf32> to vector<16xf32>
      %swap3A_166 = vector.shape_cast %broadcast_in_dim3A_1 : vector<16xf32> to vector<1x16xf32>
      tpu.vector_store %swap3A_161[%swap3A_162, %swap3A_163], %swap3A_166 {strides = array<i32>} : memref<64x128xf32, #tpu.memory_space<vmem>>, vector<1x16xf32>,
      %swap3A_167 = arith.constant 0 : i32
      %swap3A_168 = arith.constant 0 : i32
      %swap3A_169 = tpu.memref_slice %arg7[%scan3A_2, %swap3A_167, %swap3A_168] : memref<2x64x128xf32, #tpu.memory_space<vmem>> -> memref<1x64x128xf32, #tpu.memory_space<vmem>>
      %swap3A_170 = tpu.memref_squeeze %swap3A_169 : memref<1x64x128xf32, #tpu.memory_space<vmem>> -> memref<64x128xf32, #tpu.memory_space<vmem>>
      %swap3A_171 = arith.index_cast %scan3A_140 : i32 to index
      %swap3A_172 = arith.constant 48 : index
      %swap3A_173 = tpu.vector_load %swap3A_170[%swap3A_171, %swap3A_172] {strides = array<i32>} : memref<64x128xf32, #tpu.memory_space<vmem>>, vector<1x16xf32>,
      %swap3A_174 = vector.shape_cast %swap3A_173 : vector<1x16xf32> to vector<16xf32>
      %swap3A_175 = vector.shape_cast %broadcast_in_dim3A_1 : vector<16xf32> to vector<1x16xf32>
      tpu.vector_store %swap3A_170[%swap3A_171, %swap3A_172], %swap3A_175 {strides = array<i32>} : memref<64x128xf32, #tpu.memory_space<vmem>>, vector<1x16xf32>,
      %swap3A_176 = arith.constant 0 : i32
      %swap3A_177 = arith.constant 0 : i32
      %swap3A_178 = tpu.memref_slice %arg7[%scan3A_2, %swap3A_176, %swap3A_177] : memref<2x64x128xf32, #tpu.memory_space<vmem>> -> memref<1x64x128xf32, #tpu.memory_space<vmem>>
      %swap3A_179 = tpu.memref_squeeze %swap3A_178 : memref<1x64x128xf32, #tpu.memory_space<vmem>> -> memref<64x128xf32, #tpu.memory_space<vmem>>
      %swap3A_180 = arith.index_cast %scan3A_140 : i32 to index
      %swap3A_181 = arith.constant 64 : index
      %swap3A_182 = tpu.vector_load %swap3A_179[%swap3A_180, %swap3A_181] {strides = array<i32>} : memref<64x128xf32, #tpu.memory_space<vmem>>, vector<1x16xf32>,
      %swap3A_183 = vector.shape_cast %swap3A_182 : vector<1x16xf32> to vector<16xf32>
      %swap3A_184 = vector.shape_cast %broadcast_in_dim3A_1 : vector<16xf32> to vector<1x16xf32>
      tpu.vector_store %swap3A_179[%swap3A_180, %swap3A_181], %swap3A_184 {strides = array<i32>} : memref<64x128xf32, #tpu.memory_space<vmem>>, vector<1x16xf32>,
      %swap3A_185 = arith.constant 0 : i32
      %swap3A_186 = arith.constant 0 : i32
      %swap3A_187 = tpu.memref_slice %arg7[%scan3A_2, %swap3A_185, %swap3A_186] : memref<2x64x128xf32, #tpu.memory_space<vmem>> -> memref<1x64x128xf32, #tpu.memory_space<vmem>>
      %swap3A_188 = tpu.memref_squeeze %swap3A_187 : memref<1x64x128xf32, #tpu.memory_space<vmem>> -> memref<64x128xf32, #tpu.memory_space<vmem>>
      %swap3A_189 = arith.index_cast %scan3A_140 : i32 to index
      %swap3A_190 = arith.constant 80 : index
      %swap3A_191 = tpu.vector_load %swap3A_188[%swap3A_189, %swap3A_190] {strides = array<i32>} : memref<64x128xf32, #tpu.memory_space<vmem>>, vector<1x16xf32>,
      %swap3A_192 = vector.shape_cast %swap3A_191 : vector<1x16xf32> to vector<16xf32>
      %swap3A_193 = vector.shape_cast %broadcast_in_dim3A_1 : vector<16xf32> to vector<1x16xf32>
      tpu.vector_store %swap3A_188[%swap3A_189, %swap3A_190], %swap3A_193 {strides = array<i32>} : memref<64x128xf32, #tpu.memory_space<vmem>>, vector<1x16xf32>,
      %swap3A_194 = arith.constant 0 : i32
      %swap3A_195 = arith.constant 0 : i32
      %swap3A_196 = tpu.memref_slice %arg7[%scan3A_2, %swap3A_194, %swap3A_195] : memref<2x64x128xf32, #tpu.memory_space<vmem>> -> memref<1x64x128xf32, #tpu.memory_space<vmem>>
      %swap3A_197 = tpu.memref_squeeze %swap3A_196 : memref<1x64x128xf32, #tpu.memory_space<vmem>> -> memref<64x128xf32, #tpu.memory_space<vmem>>
      %swap3A_198 = arith.index_cast %scan3A_140 : i32 to index
      %swap3A_199 = arith.constant 96 : index
      %swap3A_200 = tpu.vector_load %swap3A_197[%swap3A_198, %swap3A_199] {strides = array<i32>} : memref<64x128xf32, #tpu.memory_space<vmem>>, vector<1x16xf32>,
      %swap3A_201 = vector.shape_cast %swap3A_200 : vector<1x16xf32> to vector<16xf32>
      %swap3A_202 = vector.shape_cast %broadcast_in_dim3A_1 : vector<16xf32> to vector<1x16xf32>
      tpu.vector_store %swap3A_197[%swap3A_198, %swap3A_199], %swap3A_202 {strides = array<i32>} : memref<64x128xf32, #tpu.memory_space<vmem>>, vector<1x16xf32>,
      %swap3A_203 = arith.constant 0 : i32
      %swap3A_204 = arith.constant 0 : i32
      %swap3A_205 = tpu.memref_slice %arg7[%scan3A_2, %swap3A_203, %swap3A_204] : memref<2x64x128xf32, #tpu.memory_space<vmem>> -> memref<1x64x128xf32, #tpu.memory_space<vmem>>
      %swap3A_206 = tpu.memref_squeeze %swap3A_205 : memref<1x64x128xf32, #tpu.memory_space<vmem>> -> memref<64x128xf32, #tpu.memory_space<vmem>>
      %swap3A_207 = arith.index_cast %scan3A_140 : i32 to index
      %swap3A_208 = arith.constant 112 : index
      %swap3A_209 = tpu.vector_load %swap3A_206[%swap3A_207, %swap3A_208] {strides = array<i32>} : memref<64x128xf32, #tpu.memory_space<vmem>>, vector<1x16xf32>,
      %swap3A_210 = vector.shape_cast %swap3A_209 : vector<1x16xf32> to vector<16xf32>
      %swap3A_211 = vector.shape_cast %broadcast_in_dim3A_1 : vector<16xf32> to vector<1x16xf32>
      tpu.vector_store %swap3A_206[%swap3A_207, %swap3A_208], %swap3A_211 {strides = array<i32>} : memref<64x128xf32, #tpu.memory_space<vmem>>, vector<1x16xf32>,
    }
    %scan3A_7 = arith.constant 64 : i32
    %scan3A_8 = arith.constant 0 : i32
    %scan3A_9 = arith.constant 0 : i32
    %scan3A_10 = arith.constant 10 : i32
    %scan3A_11 = arith.addi %scan3A_9, %scan3A_10 : i32
    %scan3A_12 = arith.constant 1 : i32
    scf.for %scan3A_140 = %scan3A_9 to %scan3A_11 step %scan3A_12  : i32 {
      %mul3A_141 = arith.constant 640 : i32
      %mul3A_142 = arith.muli %arg1, %mul3A_141 : i32
      %mul3A_143 = arith.constant 64 : i32
      %mul3A_144 = arith.muli %scan3A_140, %mul3A_143 : i32
      %add3A_145 = arith.addi %mul3A_142, %mul3A_144 : i32
      %run_scoped3A_146 = arith.constant 0 : i32
      "tpu.region"() ({
        %run_scoped3A_147 = tpu.sem_alloc : memref<!tpu.dma_semaphore, #tpu.memory_space<semaphore_mem>>
        %dma_start3A_148 = arith.constant 0 : i32
        %dma_start3A_149 = arith.constant 0 : i32
        %dma_start3A_150 = tpu.memref_slice %arg7[%run_scoped3A_146, %dma_start3A_148, %dma_start3A_149] : memref<2x64x128xf32, #tpu.memory_space<vmem>> -> memref<1x64x128xf32, #tpu.memory_space<vmem>>
        %dma_start3A_151 = tpu.memref_squeeze %dma_start3A_150 : memref<1x64x128xf32, #tpu.memory_space<vmem>> -> memref<64x128xf32, #tpu.memory_space<vmem>>
        %dma_start3A_152 = arith.constant 0 : i32
        %dma_start3A_153 = tpu.memref_slice %arg8[%add3A_145, %dma_start3A_152] : memref<10240x128xf32, #tpu.memory_space<vmem_shared>> -> memref<64x128xf32, #tpu.memory_space<vmem_shared>>
        %dma_start3A_154 = arith.constant 0 : i32
        %dma_start3A_155 = tpu.memref_slice %arg8[%add3A_145, %dma_start3A_154] : memref<10240x128xf32, #tpu.memory_space<vmem_shared>> -> memref<64x128xf32, #tpu.memory_space<vmem_shared>>
        %dma_start3A_156 = arith.constant 0 : i32
        %dma_start3A_157 = arith.constant 0 : i32
        %dma_start3A_158 = tpu.memref_slice %arg7[%run_scoped3A_146, %dma_start3A_156, %dma_start3A_157] : memref<2x64x128xf32, #tpu.memory_space<vmem>> -> memref<1x64x128xf32, #tpu.memory_space<vmem>>
        %dma_start3A_159 = tpu.memref_squeeze %dma_start3A_158 : memref<1x64x128xf32, #tpu.memory_space<vmem>> -> memref<64x128xf32, #tpu.memory_space<vmem>>
        tpu.enqueue_dma source(%dma_start3A_159 : memref<64x128xf32, #tpu.memory_space<vmem>>) target(%dma_start3A_155 : memref<64x128xf32, #tpu.memory_space<vmem_shared>>) target_semaphore(%run_scoped3A_147 : memref<!tpu.dma_semaphore, #tpu.memory_space<semaphore_mem>>)
        %dma_wait3A_160 = arith.constant 0 : i32
        %dma_wait3A_161 = arith.constant 0 : i32
        %dma_wait3A_162 = tpu.memref_slice %arg7[%run_scoped3A_146, %dma_wait3A_160, %dma_wait3A_161] : memref<2x64x128xf32, #tpu.memory_space<vmem>> -> memref<1x64x128xf32, #tpu.memory_space<vmem>>
        %dma_wait3A_163 = tpu.memref_squeeze %dma_wait3A_162 : memref<1x64x128xf32, #tpu.memory_space<vmem>> -> memref<64x128xf32, #tpu.memory_space<vmem>>
        %dma_wait3A_164 = arith.constant 0 : i32
        %dma_wait3A_165 = tpu.memref_slice %arg8[%add3A_145, %dma_wait3A_164] : memref<10240x128xf32, #tpu.memory_space<vmem_shared>> -> memref<64x128xf32, #tpu.memory_space<vmem_shared>>
        %dma_wait3A_166 = arith.constant 0 : i32
        %dma_wait3A_167 = tpu.memref_slice %arg8[%add3A_145, %dma_wait3A_166] : memref<10240x128xf32, #tpu.memory_space<vmem_shared>> -> memref<64x128xf32, #tpu.memory_space<vmem_shared>>
        %dma_wait3A_168 = arith.constant 0 : i32
        %dma_wait3A_169 = arith.constant 0 : i32
        %dma_wait3A_170 = tpu.memref_slice %arg7[%run_scoped3A_146, %dma_wait3A_168, %dma_wait3A_169] : memref<2x64x128xf32, #tpu.memory_space<vmem>> -> memref<1x64x128xf32, #tpu.memory_space<vmem>>
        %dma_wait3A_171 = tpu.memref_squeeze %dma_wait3A_170 : memref<1x64x128xf32, #tpu.memory_space<vmem>> -> memref<64x128xf32, #tpu.memory_space<vmem>>
        tpu.wait_dma2 semaphore(%run_scoped3A_147 : memref<!tpu.dma_semaphore, #tpu.memory_space<semaphore_mem>>) src(%dma_wait3A_171 : memref<64x128xf32, #tpu.memory_space<vmem>>) dst(%dma_wait3A_167 : memref<64x128xf32, #tpu.memory_space<vmem_shared>>)
        tpu.yield
      }) : () -> ()
    }
    %scan3A_13 = arith.constant 10 : i32
    %barrier3A = arith.constant 0 : index
    tpu.barrier barrier_id(%barrier3A)
    %mul3A_14 = arith.constant 160 : i32
    %mul3A_15 = arith.muli %add3A, %mul3A_14 : i32
    %add3A_16 = arith.constant 0 : i32
    %add3A_17 = arith.addi %mul3A_15, %add3A_16 : i32
    "tpu.region"() ({
      %run_scoped3A_140 = tpu.sem_alloc : memref<!tpu.dma_semaphore, #tpu.memory_space<semaphore_mem>>
      %dma_start3A_141 = arith.constant 0 : i32
      %dma_start3A_142 = arith.constant 0 : i32
      %dma_start3A_143 = tpu.memref_slice %arg6[%dma_start3A_141, %dma_start3A_142] : memref<160x64xi32, #tpu.memory_space<vmem>> -> memref<80x64xi32, #tpu.memory_space<vmem>>
      %dma_start3A_144 = arith.constant 0 : i32
      %dma_start3A_145 = tpu.memref_slice %arg3[%add3A_17, %dma_start3A_144] : memref<5120x64xi32, #tpu.memory_space<hbm>> -> memref<80x64xi32, #tpu.memory_space<hbm>>
      %dma_start3A_146 = arith.constant 0 : i32
      %dma_start3A_147 = arith.constant 0 : i32
      %dma_start3A_148 = tpu.memref_slice %arg6[%dma_start3A_146, %dma_start3A_147] : memref<160x64xi32, #tpu.memory_space<vmem>> -> memref<80x64xi32, #tpu.memory_space<vmem>>
      %dma_start3A_149 = arith.constant 0 : i32
      %dma_start3A_150 = tpu.memref_slice %arg3[%add3A_17, %dma_start3A_149] : memref<5120x64xi32, #tpu.memory_space<hbm>> -> memref<80x64xi32, #tpu.memory_space<hbm>>
      tpu.enqueue_dma source(%dma_start3A_150 : memref<80x64xi32, #tpu.memory_space<hbm>>) target(%dma_start3A_148 : memref<80x64xi32, #tpu.memory_space<vmem>>) target_semaphore(%run_scoped3A_140 : memref<!tpu.dma_semaphore, #tpu.memory_space<semaphore_mem>>)
      %dma_wait3A_151 = arith.constant 0 : i32
      %dma_wait3A_152 = arith.constant 0 : i32
      %dma_wait3A_153 = tpu.memref_slice %arg6[%dma_wait3A_151, %dma_wait3A_152] : memref<160x64xi32, #tpu.memory_space<vmem>> -> memref<80x64xi32, #tpu.memory_space<vmem>>
      %dma_wait3A_154 = arith.constant 0 : i32
      %dma_wait3A_155 = tpu.memref_slice %arg3[%add3A_17, %dma_wait3A_154] : memref<5120x64xi32, #tpu.memory_space<hbm>> -> memref<80x64xi32, #tpu.memory_space<hbm>>
      %dma_wait3A_156 = arith.constant 0 : i32
      %dma_wait3A_157 = arith.constant 0 : i32
      %dma_wait3A_158 = tpu.memref_slice %arg6[%dma_wait3A_156, %dma_wait3A_157] : memref<160x64xi32, #tpu.memory_space<vmem>> -> memref<80x64xi32, #tpu.memory_space<vmem>>
      %dma_wait3A_159 = arith.constant 0 : i32
      %dma_wait3A_160 = tpu.memref_slice %arg3[%add3A_17, %dma_wait3A_159] : memref<5120x64xi32, #tpu.memory_space<hbm>> -> memref<80x64xi32, #tpu.memory_space<hbm>>
      tpu.wait_dma2 semaphore(%run_scoped3A_140 : memref<!tpu.dma_semaphore, #tpu.memory_space<semaphore_mem>>) src(%dma_wait3A_160 : memref<80x64xi32, #tpu.memory_space<hbm>>) dst(%dma_wait3A_158 : memref<80x64xi32, #tpu.memory_space<vmem>>)
      tpu.yield
    }) : () -> ()
    "tpu.region"() ({
      %run_scoped3A_140 = tpu.sem_alloc : memref<!tpu.dma_semaphore, #tpu.memory_space<semaphore_mem>>
      %dma_start3A_141 = arith.constant 80 : i32
      %dma_start3A_142 = arith.constant 0 : i32
      %dma_start3A_143 = tpu.memref_slice %arg6[%dma_start3A_141, %dma_start3A_142] : memref<160x64xi32, #tpu.memory_space<vmem>> -> memref<80x64xi32, #tpu.memory_space<vmem>>
      %dma_start3A_144 = arith.constant 0 : i32
      %dma_start3A_145 = tpu.memref_slice %arg4[%add3A_17, %dma_start3A_144] : memref<5120x64xi32, #tpu.memory_space<hbm>> -> memref<80x64xi32, #tpu.memory_space<hbm>>
      %dma_start3A_146 = arith.constant 80 : i32
      %dma_start3A_147 = arith.constant 0 : i32
      %dma_start3A_148 = tpu.memref_slice %arg6[%dma_start3A_146, %dma_start3A_147] : memref<160x64xi32, #tpu.memory_space<vmem>> -> memref<80x64xi32, #tpu.memory_space<vmem>>
      %dma_start3A_149 = arith.constant 0 : i32
      %dma_start3A_150 = tpu.memref_slice %arg4[%add3A_17, %dma_start3A_149] : memref<5120x64xi32, #tpu.memory_space<hbm>> -> memref<80x64xi32, #tpu.memory_space<hbm>>
      tpu.enqueue_dma source(%dma_start3A_150 : memref<80x64xi32, #tpu.memory_space<hbm>>) target(%dma_start3A_148 : memref<80x64xi32, #tpu.memory_space<vmem>>) target_semaphore(%run_scoped3A_140 : memref<!tpu.dma_semaphore, #tpu.memory_space<semaphore_mem>>)
      %dma_wait3A_151 = arith.constant 80 : i32
      %dma_wait3A_152 = arith.constant 0 : i32
      %dma_wait3A_153 = tpu.memref_slice %arg6[%dma_wait3A_151, %dma_wait3A_152] : memref<160x64xi32, #tpu.memory_space<vmem>> -> memref<80x64xi32, #tpu.memory_space<vmem>>
      %dma_wait3A_154 = arith.constant 0 : i32
      %dma_wait3A_155 = tpu.memref_slice %arg4[%add3A_17, %dma_wait3A_154] : memref<5120x64xi32, #tpu.memory_space<hbm>> -> memref<80x64xi32, #tpu.memory_space<hbm>>
      %dma_wait3A_156 = arith.constant 80 : i32
      %dma_wait3A_157 = arith.constant 0 : i32
      %dma_wait3A_158 = tpu.memref_slice %arg6[%dma_wait3A_156, %dma_wait3A_157] : memref<160x64xi32, #tpu.memory_space<vmem>> -> memref<80x64xi32, #tpu.memory_space<vmem>>
      %dma_wait3A_159 = arith.constant 0 : i32
      %dma_wait3A_160 = tpu.memref_slice %arg4[%add3A_17, %dma_wait3A_159] : memref<5120x64xi32, #tpu.memory_space<hbm>> -> memref<80x64xi32, #tpu.memory_space<hbm>>
      tpu.wait_dma2 semaphore(%run_scoped3A_140 : memref<!tpu.dma_semaphore, #tpu.memory_space<semaphore_mem>>) src(%dma_wait3A_160 : memref<80x64xi32, #tpu.memory_space<hbm>>) dst(%dma_wait3A_158 : memref<80x64xi32, #tpu.memory_space<vmem>>)
      tpu.yield
    }) : () -> ()
    %dma_start3A = arith.constant 0 : i32
    %dma_start3A_18 = arith.constant 0 : i32
    %dma_start3A_19 = arith.constant 0 : i32
    %dma_start3A_20 = arith.constant 0 : i32
    %dma_start3A_21 = tpu.memref_slice %arg7[%dma_start3A_18, %dma_start3A_19, %dma_start3A_20] : memref<2x64x128xf32, #tpu.memory_space<vmem>> -> memref<1x64x128xf32, #tpu.memory_space<vmem>>
    %dma_start3A_22 = tpu.memref_squeeze %dma_start3A_21 : memref<1x64x128xf32, #tpu.memory_space<vmem>> -> memref<64x128xf32, #tpu.memory_space<vmem>>
    %dma_start3A_23 = arith.constant 0 : i32
    %dma_start3A_24 = tpu.memref_slice %arg6[%dma_start3A, %dma_start3A_23] : memref<160x64xi32, #tpu.memory_space<vmem>> -> memref<1x64xi32, #tpu.memory_space<vmem>>
    %dma_start3A_25 = tpu.memref_squeeze %dma_start3A_24 : memref<1x64xi32, #tpu.memory_space<vmem>> -> memref<64xi32, #tpu.memory_space<vmem>>
    %dma_start3A_26 = arith.constant 0 : i32
    %dma_start3A_27 = arith.constant 0 : i32
    %dma_start3A_28 = tpu.memref_slice %arg2[%dma_start3A_26, %dma_start3A_27] : memref<10240x128xf32, #tpu.memory_space<hbm>> -> memref<10240x128xf32, #tpu.memory_space<hbm>>
    tpu.enqueue_indirect_dma source(%dma_start3A_28 : memref<10240x128xf32, #tpu.memory_space<hbm>>) target(%dma_start3A_22 : memref<64x128xf32, #tpu.memory_space<vmem>>) offsets(%dma_start3A_25 : memref<64xi32, #tpu.memory_space<vmem>>) semaphore(%arg9 : memref<!tpu.dma_semaphore, #tpu.memory_space<semaphore_mem>>)
    %dma_start3A_29 = arith.constant 1 : i32
    %dma_start3A_30 = arith.constant 1 : i32
    %dma_start3A_31 = arith.constant 0 : i32
    %dma_start3A_32 = arith.constant 0 : i32
    %dma_start3A_33 = tpu.memref_slice %arg7[%dma_start3A_30, %dma_start3A_31, %dma_start3A_32] : memref<2x64x128xf32, #tpu.memory_space<vmem>> -> memref<1x64x128xf32, #tpu.memory_space<vmem>>
    %dma_start3A_34 = tpu.memref_squeeze %dma_start3A_33 : memref<1x64x128xf32, #tpu.memory_space<vmem>> -> memref<64x128xf32, #tpu.memory_space<vmem>>
    %dma_start3A_35 = arith.constant 0 : i32
    %dma_start3A_36 = tpu.memref_slice %arg6[%dma_start3A_29, %dma_start3A_35] : memref<160x64xi32, #tpu.memory_space<vmem>> -> memref<1x64xi32, #tpu.memory_space<vmem>>
    %dma_start3A_37 = tpu.memref_squeeze %dma_start3A_36 : memref<1x64xi32, #tpu.memory_space<vmem>> -> memref<64xi32, #tpu.memory_space<vmem>>
    %dma_start3A_38 = arith.constant 0 : i32
    %dma_start3A_39 = arith.constant 0 : i32
    %dma_start3A_40 = tpu.memref_slice %arg2[%dma_start3A_38, %dma_start3A_39] : memref<10240x128xf32, #tpu.memory_space<hbm>> -> memref<10240x128xf32, #tpu.memory_space<hbm>>
    tpu.enqueue_indirect_dma source(%dma_start3A_40 : memref<10240x128xf32, #tpu.memory_space<hbm>>) target(%dma_start3A_34 : memref<64x128xf32, #tpu.memory_space<vmem>>) offsets(%dma_start3A_37 : memref<64xi32, #tpu.memory_space<vmem>>) semaphore(%arg10 : memref<!tpu.dma_semaphore, #tpu.memory_space<semaphore_mem>>)
    %scan3A_41 = arith.constant 0 : i32
    %scan3A_42 = arith.constant 0 : i32
    %scan3A_43 = arith.constant 39 : i32
    %scan3A_44 = arith.addi %scan3A_42, %scan3A_43 : i32
    %scan3A_45 = arith.constant 1 : i32
    scf.for %scan3A_140 = %scan3A_42 to %scan3A_44 step %scan3A_45  : i32 {
      %mul3A_141 = arith.constant 2 : i32
      %mul3A_142 = arith.muli %scan3A_140, %mul3A_141 : i32
      %add3A_143 = arith.constant 0 : i32
      %add3A_144 = arith.addi %mul3A_142, %add3A_143 : i32
      %dma_wait3A_145 = arith.constant 0 : i32
      %dma_wait3A_146 = arith.constant 0 : i32
      %dma_wait3A_147 = arith.constant 0 : i32
      %dma_wait3A_148 = tpu.memref_slice %arg7[%dma_wait3A_145, %dma_wait3A_146, %dma_wait3A_147] : memref<2x64x128xf32, #tpu.memory_space<vmem>> -> memref<1x64x128xf32, #tpu.memory_space<vmem>>
      %dma_wait3A_149 = tpu.memref_squeeze %dma_wait3A_148 : memref<1x64x128xf32, #tpu.memory_space<vmem>> -> memref<64x128xf32, #tpu.memory_space<vmem>>
      %dma_wait3A_150 = arith.constant 0 : i32
      %dma_wait3A_151 = tpu.memref_slice %arg6[%add3A_144, %dma_wait3A_150] : memref<160x64xi32, #tpu.memory_space<vmem>> -> memref<1x64xi32, #tpu.memory_space<vmem>>
      %dma_wait3A_152 = tpu.memref_squeeze %dma_wait3A_151 : memref<1x64xi32, #tpu.memory_space<vmem>> -> memref<64xi32, #tpu.memory_space<vmem>>
      %dma_wait3A_153 = arith.constant 0 : i32
      %dma_wait3A_154 = arith.constant 0 : i32
      %dma_wait3A_155 = tpu.memref_slice %arg2[%dma_wait3A_153, %dma_wait3A_154] : memref<10240x128xf32, #tpu.memory_space<hbm>> -> memref<10240x128xf32, #tpu.memory_space<hbm>>
      tpu.wait_indirect_dma semaphore(%arg9 : memref<!tpu.dma_semaphore, #tpu.memory_space<semaphore_mem>>) src(%dma_wait3A_155 : memref<10240x128xf32, #tpu.memory_space<hbm>>) dst(%dma_wait3A_149 : memref<64x128xf32, #tpu.memory_space<vmem>>)
      %add3A_156 = arith.constant 80 : i32
      %add3A_157 = arith.addi %add3A_156, %add3A_144 : i32
      %run_scoped3A_158 = arith.constant 0 : i32
      "tpu.region"() ({
        %run_scoped3A_203 = tpu.sem_alloc : memref<!tpu.dma_semaphore, #tpu.memory_space<semaphore_mem>>
        %dma_start3A_204 = arith.constant 0 : i32
        %dma_start3A_205 = arith.constant 0 : i32
        %dma_start3A_206 = tpu.memref_slice %arg7[%run_scoped3A_158, %dma_start3A_204, %dma_start3A_205] : memref<2x64x128xf32, #tpu.memory_space<vmem>> -> memref<1x64x128xf32, #tpu.memory_space<vmem>>
        %dma_start3A_207 = tpu.memref_squeeze %dma_start3A_206 : memref<1x64x128xf32, #tpu.memory_space<vmem>> -> memref<64x128xf32, #tpu.memory_space<vmem>>
        %dma_start3A_208 = arith.constant 0 : i32
        %dma_start3A_209 = tpu.memref_slice %arg6[%add3A_157, %dma_start3A_208] : memref<160x64xi32, #tpu.memory_space<vmem>> -> memref<1x64xi32, #tpu.memory_space<vmem>>
        %dma_start3A_210 = tpu.memref_squeeze %dma_start3A_209 : memref<1x64xi32, #tpu.memory_space<vmem>> -> memref<64xi32, #tpu.memory_space<vmem>>
        %dma_start3A_211 = arith.constant 0 : i32
        %dma_start3A_212 = arith.constant 0 : i32
        %dma_start3A_213 = tpu.memref_slice %arg8[%dma_start3A_211, %dma_start3A_212] : memref<10240x128xf32, #tpu.memory_space<vmem_shared>> -> memref<10240x128xf32, #tpu.memory_space<vmem_shared>>
        tpu.enqueue_indirect_dma source(%dma_start3A_207 : memref<64x128xf32, #tpu.memory_space<vmem>>) target(%dma_start3A_213 : memref<10240x128xf32, #tpu.memory_space<vmem_shared>>) offsets(%dma_start3A_210 : memref<64xi32, #tpu.memory_space<vmem>>) semaphore(%run_scoped3A_203 : memref<!tpu.dma_semaphore, #tpu.memory_space<semaphore_mem>>) {add = true}
        %dma_wait3A_214 = arith.constant 0 : i32
        %dma_wait3A_215 = arith.constant 0 : i32
        %dma_wait3A_216 = tpu.memref_slice %arg7[%run_scoped3A_158, %dma_wait3A_214, %dma_wait3A_215] : memref<2x64x128xf32, #tpu.memory_space<vmem>> -> memref<1x64x128xf32, #tpu.memory_space<vmem>>
        %dma_wait3A_217 = tpu.memref_squeeze %dma_wait3A_216 : memref<1x64x128xf32, #tpu.memory_space<vmem>> -> memref<64x128xf32, #tpu.memory_space<vmem>>
        %dma_wait3A_218 = arith.constant 0 : i32
        %dma_wait3A_219 = tpu.memref_slice %arg6[%add3A_157, %dma_wait3A_218] : memref<160x64xi32, #tpu.memory_space<vmem>> -> memref<1x64xi32, #tpu.memory_space<vmem>>
        %dma_wait3A_220 = tpu.memref_squeeze %dma_wait3A_219 : memref<1x64xi32, #tpu.memory_space<vmem>> -> memref<64xi32, #tpu.memory_space<vmem>>
        %dma_wait3A_221 = arith.constant 0 : i32
        %dma_wait3A_222 = arith.constant 0 : i32
        %dma_wait3A_223 = tpu.memref_slice %arg8[%dma_wait3A_221, %dma_wait3A_222] : memref<10240x128xf32, #tpu.memory_space<vmem_shared>> -> memref<10240x128xf32, #tpu.memory_space<vmem_shared>>
        tpu.wait_indirect_dma semaphore(%run_scoped3A_203 : memref<!tpu.dma_semaphore, #tpu.memory_space<semaphore_mem>>) src(%dma_wait3A_217 : memref<64x128xf32, #tpu.memory_space<vmem>>) dst(%dma_wait3A_223 : memref<10240x128xf32, #tpu.memory_space<vmem_shared>>)
        tpu.yield
      }) : () -> ()
      %add3A_159 = arith.constant 2 : i32
      %add3A_160 = arith.addi %add3A_144, %add3A_159 : i32
      %dma_start3A_161 = arith.constant 0 : i32
      %dma_start3A_162 = arith.constant 0 : i32
      %dma_start3A_163 = arith.constant 0 : i32
      %dma_start3A_164 = tpu.memref_slice %arg7[%dma_start3A_161, %dma_start3A_162, %dma_start3A_163] : memref<2x64x128xf32, #tpu.memory_space<vmem>> -> memref<1x64x128xf32, #tpu.memory_space<vmem>>
      %dma_start3A_165 = tpu.memref_squeeze %dma_start3A_164 : memref<1x64x128xf32, #tpu.memory_space<vmem>> -> memref<64x128xf32, #tpu.memory_space<vmem>>
      %dma_start3A_166 = arith.constant 0 : i32
      %dma_start3A_167 = tpu.memref_slice %arg6[%add3A_160, %dma_start3A_166] : memref<160x64xi32, #tpu.memory_space<vmem>> -> memref<1x64xi32, #tpu.memory_space<vmem>>
      %dma_start3A_168 = tpu.memref_squeeze %dma_start3A_167 : memref<1x64xi32, #tpu.memory_space<vmem>> -> memref<64xi32, #tpu.memory_space<vmem>>
      %dma_start3A_169 = arith.constant 0 : i32
      %dma_start3A_170 = arith.constant 0 : i32
      %dma_start3A_171 = tpu.memref_slice %arg2[%dma_start3A_169, %dma_start3A_170] : memref<10240x128xf32, #tpu.memory_space<hbm>> -> memref<10240x128xf32, #tpu.memory_space<hbm>>
      tpu.enqueue_indirect_dma source(%dma_start3A_171 : memref<10240x128xf32, #tpu.memory_space<hbm>>) target(%dma_start3A_165 : memref<64x128xf32, #tpu.memory_space<vmem>>) offsets(%dma_start3A_168 : memref<64xi32, #tpu.memory_space<vmem>>) semaphore(%arg9 : memref<!tpu.dma_semaphore, #tpu.memory_space<semaphore_mem>>)
      %mul3A_172 = arith.constant 2 : i32
      %mul3A_173 = arith.muli %scan3A_140, %mul3A_172 : i32
      %add3A_174 = arith.constant 1 : i32
      %add3A_175 = arith.addi %mul3A_173, %add3A_174 : i32
      %dma_wait3A_176 = arith.constant 1 : i32
      %dma_wait3A_177 = arith.constant 0 : i32
      %dma_wait3A_178 = arith.constant 0 : i32
      %dma_wait3A_179 = tpu.memref_slice %arg7[%dma_wait3A_176, %dma_wait3A_177, %dma_wait3A_178] : memref<2x64x128xf32, #tpu.memory_space<vmem>> -> memref<1x64x128xf32, #tpu.memory_space<vmem>>
      %dma_wait3A_180 = tpu.memref_squeeze %dma_wait3A_179 : memref<1x64x128xf32, #tpu.memory_space<vmem>> -> memref<64x128xf32, #tpu.memory_space<vmem>>
      %dma_wait3A_181 = arith.constant 0 : i32
      %dma_wait3A_182 = tpu.memref_slice %arg6[%add3A_175, %dma_wait3A_181] : memref<160x64xi32, #tpu.memory_space<vmem>> -> memref<1x64xi32, #tpu.memory_space<vmem>>
      %dma_wait3A_183 = tpu.memref_squeeze %dma_wait3A_182 : memref<1x64xi32, #tpu.memory_space<vmem>> -> memref<64xi32, #tpu.memory_space<vmem>>
      %dma_wait3A_184 = arith.constant 0 : i32
      %dma_wait3A_185 = arith.constant 0 : i32
      %dma_wait3A_186 = tpu.memref_slice %arg2[%dma_wait3A_184, %dma_wait3A_185] : memref<10240x128xf32, #tpu.memory_space<hbm>> -> memref<10240x128xf32, #tpu.memory_space<hbm>>
      tpu.wait_indirect_dma semaphore(%arg10 : memref<!tpu.dma_semaphore, #tpu.memory_space<semaphore_mem>>) src(%dma_wait3A_186 : memref<10240x128xf32, #tpu.memory_space<hbm>>) dst(%dma_wait3A_180 : memref<64x128xf32, #tpu.memory_space<vmem>>)
      %add3A_187 = arith.constant 80 : i32
      %add3A_188 = arith.addi %add3A_187, %add3A_175 : i32
      %run_scoped3A_189 = arith.constant 1 : i32
      "tpu.region"() ({
        %run_scoped3A_203 = tpu.sem_alloc : memref<!tpu.dma_semaphore, #tpu.memory_space<semaphore_mem>>
        %dma_start3A_204 = arith.constant 0 : i32
        %dma_start3A_205 = arith.constant 0 : i32
        %dma_start3A_206 = tpu.memref_slice %arg7[%run_scoped3A_189, %dma_start3A_204, %dma_start3A_205] : memref<2x64x128xf32, #tpu.memory_space<vmem>> -> memref<1x64x128xf32, #tpu.memory_space<vmem>>
        %dma_start3A_207 = tpu.memref_squeeze %dma_start3A_206 : memref<1x64x128xf32, #tpu.memory_space<vmem>> -> memref<64x128xf32, #tpu.memory_space<vmem>>
        %dma_start3A_208 = arith.constant 0 : i32
        %dma_start3A_209 = tpu.memref_slice %arg6[%add3A_188, %dma_start3A_208] : memref<160x64xi32, #tpu.memory_space<vmem>> -> memref<1x64xi32, #tpu.memory_space<vmem>>
        %dma_start3A_210 = tpu.memref_squeeze %dma_start3A_209 : memref<1x64xi32, #tpu.memory_space<vmem>> -> memref<64xi32, #tpu.memory_space<vmem>>
        %dma_start3A_211 = arith.constant 0 : i32
        %dma_start3A_212 = arith.constant 0 : i32
        %dma_start3A_213 = tpu.memref_slice %arg8[%dma_start3A_211, %dma_start3A_212] : memref<10240x128xf32, #tpu.memory_space<vmem_shared>> -> memref<10240x128xf32, #tpu.memory_space<vmem_shared>>
        tpu.enqueue_indirect_dma source(%dma_start3A_207 : memref<64x128xf32, #tpu.memory_space<vmem>>) target(%dma_start3A_213 : memref<10240x128xf32, #tpu.memory_space<vmem_shared>>) offsets(%dma_start3A_210 : memref<64xi32, #tpu.memory_space<vmem>>) semaphore(%run_scoped3A_203 : memref<!tpu.dma_semaphore, #tpu.memory_space<semaphore_mem>>) {add = true}
        %dma_wait3A_214 = arith.constant 0 : i32
        %dma_wait3A_215 = arith.constant 0 : i32
        %dma_wait3A_216 = tpu.memref_slice %arg7[%run_scoped3A_189, %dma_wait3A_214, %dma_wait3A_215] : memref<2x64x128xf32, #tpu.memory_space<vmem>> -> memref<1x64x128xf32, #tpu.memory_space<vmem>>
        %dma_wait3A_217 = tpu.memref_squeeze %dma_wait3A_216 : memref<1x64x128xf32, #tpu.memory_space<vmem>> -> memref<64x128xf32, #tpu.memory_space<vmem>>
        %dma_wait3A_218 = arith.constant 0 : i32
        %dma_wait3A_219 = tpu.memref_slice %arg6[%add3A_188, %dma_wait3A_218] : memref<160x64xi32, #tpu.memory_space<vmem>> -> memref<1x64xi32, #tpu.memory_space<vmem>>
        %dma_wait3A_220 = tpu.memref_squeeze %dma_wait3A_219 : memref<1x64xi32, #tpu.memory_space<vmem>> -> memref<64xi32, #tpu.memory_space<vmem>>
        %dma_wait3A_221 = arith.constant 0 : i32
        %dma_wait3A_222 = arith.constant 0 : i32
        %dma_wait3A_223 = tpu.memref_slice %arg8[%dma_wait3A_221, %dma_wait3A_222] : memref<10240x128xf32, #tpu.memory_space<vmem_shared>> -> memref<10240x128xf32, #tpu.memory_space<vmem_shared>>
        tpu.wait_indirect_dma semaphore(%run_scoped3A_203 : memref<!tpu.dma_semaphore, #tpu.memory_space<semaphore_mem>>) src(%dma_wait3A_217 : memref<64x128xf32, #tpu.memory_space<vmem>>) dst(%dma_wait3A_223 : memref<10240x128xf32, #tpu.memory_space<vmem_shared>>)
        tpu.yield
      }) : () -> ()
      %add3A_190 = arith.constant 2 : i32
      %add3A_191 = arith.addi %add3A_175, %add3A_190 : i32
      %dma_start3A_192 = arith.constant 1 : i32
      %dma_start3A_193 = arith.constant 0 : i32
      %dma_start3A_194 = arith.constant 0 : i32
      %dma_start3A_195 = tpu.memref_slice %arg7[%dma_start3A_192, %dma_start3A_193, %dma_start3A_194] : memref<2x64x128xf32, #tpu.memory_space<vmem>> -> memref<1x64x128xf32, #tpu.memory_space<vmem>>
      %dma_start3A_196 = tpu.memref_squeeze %dma_start3A_195 : memref<1x64x128xf32, #tpu.memory_space<vmem>> -> memref<64x128xf32, #tpu.memory_space<vmem>>
      %dma_start3A_197 = arith.constant 0 : i32
      %dma_start3A_198 = tpu.memref_slice %arg6[%add3A_191, %dma_start3A_197] : memref<160x64xi32, #tpu.memory_space<vmem>> -> memref<1x64xi32, #tpu.memory_space<vmem>>
      %dma_start3A_199 = tpu.memref_squeeze %dma_start3A_198 : memref<1x64xi32, #tpu.memory_space<vmem>> -> memref<64xi32, #tpu.memory_space<vmem>>
      %dma_start3A_200 = arith.constant 0 : i32
      %dma_start3A_201 = arith.constant 0 : i32
      %dma_start3A_202 = tpu.memref_slice %arg2[%dma_start3A_200, %dma_start3A_201] : memref<10240x128xf32, #tpu.memory_space<hbm>> -> memref<10240x128xf32, #tpu.memory_space<hbm>>
      tpu.enqueue_indirect_dma source(%dma_start3A_202 : memref<10240x128xf32, #tpu.memory_space<hbm>>) target(%dma_start3A_196 : memref<64x128xf32, #tpu.memory_space<vmem>>) offsets(%dma_start3A_199 : memref<64xi32, #tpu.memory_space<vmem>>) semaphore(%arg10 : memref<!tpu.dma_semaphore, #tpu.memory_space<semaphore_mem>>)
    }
    %scan3A_46 = arith.constant 39 : i32
    %dma_wait3A = arith.constant 78 : i32
    %dma_wait3A_47 = arith.constant 0 : i32
    %dma_wait3A_48 = arith.constant 0 : i32
    %dma_wait3A_49 = arith.constant 0 : i32
    %dma_wait3A_50 = tpu.memref_slice %arg7[%dma_wait3A_47, %dma_wait3A_48, %dma_wait3A_49] : memref<2x64x128xf32, #tpu.memory_space<vmem>> -> memref<1x64x128xf32, #tpu.memory_space<vmem>>
    %dma_wait3A_51 = tpu.memref_squeeze %dma_wait3A_50 : memref<1x64x128xf32, #tpu.memory_space<vmem>> -> memref<64x128xf32, #tpu.memory_space<vmem>>
    %dma_wait3A_52 = arith.constant 0 : i32
    %dma_wait3A_53 = tpu.memref_slice %arg6[%dma_wait3A, %dma_wait3A_52] : memref<160x64xi32, #tpu.memory_space<vmem>> -> memref<1x64xi32, #tpu.memory_space<vmem>>
    %dma_wait3A_54 = tpu.memref_squeeze %dma_wait3A_53 : memref<1x64xi32, #tpu.memory_space<vmem>> -> memref<64xi32, #tpu.memory_space<vmem>>
    %dma_wait3A_55 = arith.constant 0 : i32
    %dma_wait3A_56 = arith.constant 0 : i32
    %dma_wait3A_57 = tpu.memref_slice %arg2[%dma_wait3A_55, %dma_wait3A_56] : memref<10240x128xf32, #tpu.memory_space<hbm>> -> memref<10240x128xf32, #tpu.memory_space<hbm>>
    tpu.wait_indirect_dma semaphore(%arg9 : memref<!tpu.dma_semaphore, #tpu.memory_space<semaphore_mem>>) src(%dma_wait3A_57 : memref<10240x128xf32, #tpu.memory_space<hbm>>) dst(%dma_wait3A_51 : memref<64x128xf32, #tpu.memory_space<vmem>>)
    %run_scoped3A = arith.constant 0 : i32
    %run_scoped3A_58 = arith.constant 158 : i32
    "tpu.region"() ({
      %run_scoped3A_140 = tpu.sem_alloc : memref<!tpu.dma_semaphore, #tpu.memory_space<semaphore_mem>>
      %dma_start3A_141 = arith.constant 0 : i32
      %dma_start3A_142 = arith.constant 0 : i32
      %dma_start3A_143 = tpu.memref_slice %arg7[%run_scoped3A, %dma_start3A_141, %dma_start3A_142] : memref<2x64x128xf32, #tpu.memory_space<vmem>> -> memref<1x64x128xf32, #tpu.memory_space<vmem>>
      %dma_start3A_144 = tpu.memref_squeeze %dma_start3A_143 : memref<1x64x128xf32, #tpu.memory_space<vmem>> -> memref<64x128xf32, #tpu.memory_space<vmem>>
      %dma_start3A_145 = arith.constant 0 : i32
      %dma_start3A_146 = tpu.memref_slice %arg6[%run_scoped3A_58, %dma_start3A_145] : memref<160x64xi32, #tpu.memory_space<vmem>> -> memref<1x64xi32, #tpu.memory_space<vmem>>
      %dma_start3A_147 = tpu.memref_squeeze %dma_start3A_146 : memref<1x64xi32, #tpu.memory_space<vmem>> -> memref<64xi32, #tpu.memory_space<vmem>>
      %dma_start3A_148 = arith.constant 0 : i32
      %dma_start3A_149 = arith.constant 0 : i32
      %dma_start3A_150 = tpu.memref_slice %arg8[%dma_start3A_148, %dma_start3A_149] : memref<10240x128xf32, #tpu.memory_space<vmem_shared>> -> memref<10240x128xf32, #tpu.memory_space<vmem_shared>>
      tpu.enqueue_indirect_dma source(%dma_start3A_144 : memref<64x128xf32, #tpu.memory_space<vmem>>) target(%dma_start3A_150 : memref<10240x128xf32, #tpu.memory_space<vmem_shared>>) offsets(%dma_start3A_147 : memref<64xi32, #tpu.memory_space<vmem>>) semaphore(%run_scoped3A_140 : memref<!tpu.dma_semaphore, #tpu.memory_space<semaphore_mem>>) {add = true}
      %dma_wait3A_151 = arith.constant 0 : i32
      %dma_wait3A_152 = arith.constant 0 : i32
      %dma_wait3A_153 = tpu.memref_slice %arg7[%run_scoped3A, %dma_wait3A_151, %dma_wait3A_152] : memref<2x64x128xf32, #tpu.memory_space<vmem>> -> memref<1x64x128xf32, #tpu.memory_space<vmem>>
      %dma_wait3A_154 = tpu.memref_squeeze %dma_wait3A_153 : memref<1x64x128xf32, #tpu.memory_space<vmem>> -> memref<64x128xf32, #tpu.memory_space<vmem>>
      %dma_wait3A_155 = arith.constant 0 : i32
      %dma_wait3A_156 = tpu.memref_slice %arg6[%run_scoped3A_58, %dma_wait3A_155] : memref<160x64xi32, #tpu.memory_space<vmem>> -> memref<1x64xi32, #tpu.memory_space<vmem>>
      %dma_wait3A_157 = tpu.memref_squeeze %dma_wait3A_156 : memref<1x64xi32, #tpu.memory_space<vmem>> -> memref<64xi32, #tpu.memory_space<vmem>>
      %dma_wait3A_158 = arith.constant 0 : i32
      %dma_wait3A_159 = arith.constant 0 : i32
      %dma_wait3A_160 = tpu.memref_slice %arg8[%dma_wait3A_158, %dma_wait3A_159] : memref<10240x128xf32, #tpu.memory_space<vmem_shared>> -> memref<10240x128xf32, #tpu.memory_space<vmem_shared>>
      tpu.wait_indirect_dma semaphore(%run_scoped3A_140 : memref<!tpu.dma_semaphore, #tpu.memory_space<semaphore_mem>>) src(%dma_wait3A_154 : memref<64x128xf32, #tpu.memory_space<vmem>>) dst(%dma_wait3A_160 : memref<10240x128xf32, #tpu.memory_space<vmem_shared>>)
      tpu.yield
    }) : () -> ()
    %dma_wait3A_59 = arith.constant 79 : i32
    %dma_wait3A_60 = arith.constant 1 : i32
    %dma_wait3A_61 = arith.constant 0 : i32
    %dma_wait3A_62 = arith.constant 0 : i32
    %dma_wait3A_63 = tpu.memref_slice %arg7[%dma_wait3A_60, %dma_wait3A_61, %dma_wait3A_62] : memref<2x64x128xf32, #tpu.memory_space<vmem>> -> memref<1x64x128xf32, #tpu.memory_space<vmem>>
    %dma_wait3A_64 = tpu.memref_squeeze %dma_wait3A_63 : memref<1x64x128xf32, #tpu.memory_space<vmem>> -> memref<64x128xf32, #tpu.memory_space<vmem>>
    %dma_wait3A_65 = arith.constant 0 : i32
    %dma_wait3A_66 = tpu.memref_slice %arg6[%dma_wait3A_59, %dma_wait3A_65] : memref<160x64xi32, #tpu.memory_space<vmem>> -> memref<1x64xi32, #tpu.memory_space<vmem>>
    %dma_wait3A_67 = tpu.memref_squeeze %dma_wait3A_66 : memref<1x64xi32, #tpu.memory_space<vmem>> -> memref<64xi32, #tpu.memory_space<vmem>>
    %dma_wait3A_68 = arith.constant 0 : i32
    %dma_wait3A_69 = arith.constant 0 : i32
    %dma_wait3A_70 = tpu.memref_slice %arg2[%dma_wait3A_68, %dma_wait3A_69] : memref<10240x128xf32, #tpu.memory_space<hbm>> -> memref<10240x128xf32, #tpu.memory_space<hbm>>
    tpu.wait_indirect_dma semaphore(%arg10 : memref<!tpu.dma_semaphore, #tpu.memory_space<semaphore_mem>>) src(%dma_wait3A_70 : memref<10240x128xf32, #tpu.memory_space<hbm>>) dst(%dma_wait3A_64 : memref<64x128xf32, #tpu.memory_space<vmem>>)
    %run_scoped3A_71 = arith.constant 1 : i32
    %run_scoped3A_72 = arith.constant 159 : i32
    "tpu.region"() ({
      %run_scoped3A_140 = tpu.sem_alloc : memref<!tpu.dma_semaphore, #tpu.memory_space<semaphore_mem>>
      %dma_start3A_141 = arith.constant 0 : i32
      %dma_start3A_142 = arith.constant 0 : i32
      %dma_start3A_143 = tpu.memref_slice %arg7[%run_scoped3A_71, %dma_start3A_141, %dma_start3A_142] : memref<2x64x128xf32, #tpu.memory_space<vmem>> -> memref<1x64x128xf32, #tpu.memory_space<vmem>>
      %dma_start3A_144 = tpu.memref_squeeze %dma_start3A_143 : memref<1x64x128xf32, #tpu.memory_space<vmem>> -> memref<64x128xf32, #tpu.memory_space<vmem>>
      %dma_start3A_145 = arith.constant 0 : i32
      %dma_start3A_146 = tpu.memref_slice %arg6[%run_scoped3A_72, %dma_start3A_145] : memref<160x64xi32, #tpu.memory_space<vmem>> -> memref<1x64xi32, #tpu.memory_space<vmem>>
      %dma_start3A_147 = tpu.memref_squeeze %dma_start3A_146 : memref<1x64xi32, #tpu.memory_space<vmem>> -> memref<64xi32, #tpu.memory_space<vmem>>
      %dma_start3A_148 = arith.constant 0 : i32
      %dma_start3A_149 = arith.constant 0 : i32
      %dma_start3A_150 = tpu.memref_slice %arg8[%dma_start3A_148, %dma_start3A_149] : memref<10240x128xf32, #tpu.memory_space<vmem_shared>> -> memref<10240x128xf32, #tpu.memory_space<vmem_shared>>
      tpu.enqueue_indirect_dma source(%dma_start3A_144 : memref<64x128xf32, #tpu.memory_space<vmem>>) target(%dma_start3A_150 : memref<10240x128xf32, #tpu.memory_space<vmem_shared>>) offsets(%dma_start3A_147 : memref<64xi32, #tpu.memory_space<vmem>>) semaphore(%run_scoped3A_140 : memref<!tpu.dma_semaphore, #tpu.memory_space<semaphore_mem>>) {add = true}
      %dma_wait3A_151 = arith.constant 0 : i32
      %dma_wait3A_152 = arith.constant 0 : i32
      %dma_wait3A_153 = tpu.memref_slice %arg7[%run_scoped3A_71, %dma_wait3A_151, %dma_wait3A_152] : memref<2x64x128xf32, #tpu.memory_space<vmem>> -> memref<1x64x128xf32, #tpu.memory_space<vmem>>
      %dma_wait3A_154 = tpu.memref_squeeze %dma_wait3A_153 : memref<1x64x128xf32, #tpu.memory_space<vmem>> -> memref<64x128xf32, #tpu.memory_space<vmem>>
      %dma_wait3A_155 = arith.constant 0 : i32
      %dma_wait3A_156 = tpu.memref_slice %arg6[%run_scoped3A_72, %dma_wait3A_155] : memref<160x64xi32, #tpu.memory_space<vmem>> -> memref<1x64xi32, #tpu.memory_space<vmem>>
      %dma_wait3A_157 = tpu.memref_squeeze %dma_wait3A_156 : memref<1x64xi32, #tpu.memory_space<vmem>> -> memref<64xi32, #tpu.memory_space<vmem>>
      %dma_wait3A_158 = arith.constant 0 : i32
      %dma_wait3A_159 = arith.constant 0 : i32
      %dma_wait3A_160 = tpu.memref_slice %arg8[%dma_wait3A_158, %dma_wait3A_159] : memref<10240x128xf32, #tpu.memory_space<vmem_shared>> -> memref<10240x128xf32, #tpu.memory_space<vmem_shared>>
      tpu.wait_indirect_dma semaphore(%run_scoped3A_140 : memref<!tpu.dma_semaphore, #tpu.memory_space<semaphore_mem>>) src(%dma_wait3A_154 : memref<64x128xf32, #tpu.memory_space<vmem>>) dst(%dma_wait3A_160 : memref<10240x128xf32, #tpu.memory_space<vmem_shared>>)
      tpu.yield
    }) : () -> ()
    %mul3A_73 = arith.constant 160 : i32
    %mul3A_74 = arith.muli %add3A, %mul3A_73 : i32
    %add3A_75 = arith.constant 80 : i32
    %add3A_76 = arith.addi %mul3A_74, %add3A_75 : i32
    "tpu.region"() ({
      %run_scoped3A_140 = tpu.sem_alloc : memref<!tpu.dma_semaphore, #tpu.memory_space<semaphore_mem>>
      %dma_start3A_141 = arith.constant 0 : i32
      %dma_start3A_142 = arith.constant 0 : i32
      %dma_start3A_143 = tpu.memref_slice %arg6[%dma_start3A_141, %dma_start3A_142] : memref<160x64xi32, #tpu.memory_space<vmem>> -> memref<80x64xi32, #tpu.memory_space<vmem>>
      %dma_start3A_144 = arith.constant 0 : i32
      %dma_start3A_145 = tpu.memref_slice %arg3[%add3A_76, %dma_start3A_144] : memref<5120x64xi32, #tpu.memory_space<hbm>> -> memref<80x64xi32, #tpu.memory_space<hbm>>
      %dma_start3A_146 = arith.constant 0 : i32
      %dma_start3A_147 = arith.constant 0 : i32
      %dma_start3A_148 = tpu.memref_slice %arg6[%dma_start3A_146, %dma_start3A_147] : memref<160x64xi32, #tpu.memory_space<vmem>> -> memref<80x64xi32, #tpu.memory_space<vmem>>
      %dma_start3A_149 = arith.constant 0 : i32
      %dma_start3A_150 = tpu.memref_slice %arg3[%add3A_76, %dma_start3A_149] : memref<5120x64xi32, #tpu.memory_space<hbm>> -> memref<80x64xi32, #tpu.memory_space<hbm>>
      tpu.enqueue_dma source(%dma_start3A_150 : memref<80x64xi32, #tpu.memory_space<hbm>>) target(%dma_start3A_148 : memref<80x64xi32, #tpu.memory_space<vmem>>) target_semaphore(%run_scoped3A_140 : memref<!tpu.dma_semaphore, #tpu.memory_space<semaphore_mem>>)
      %dma_wait3A_151 = arith.constant 0 : i32
      %dma_wait3A_152 = arith.constant 0 : i32
      %dma_wait3A_153 = tpu.memref_slice %arg6[%dma_wait3A_151, %dma_wait3A_152] : memref<160x64xi32, #tpu.memory_space<vmem>> -> memref<80x64xi32, #tpu.memory_space<vmem>>
      %dma_wait3A_154 = arith.constant 0 : i32
      %dma_wait3A_155 = tpu.memref_slice %arg3[%add3A_76, %dma_wait3A_154] : memref<5120x64xi32, #tpu.memory_space<hbm>> -> memref<80x64xi32, #tpu.memory_space<hbm>>
      %dma_wait3A_156 = arith.constant 0 : i32
      %dma_wait3A_157 = arith.constant 0 : i32
      %dma_wait3A_158 = tpu.memref_slice %arg6[%dma_wait3A_156, %dma_wait3A_157] : memref<160x64xi32, #tpu.memory_space<vmem>> -> memref<80x64xi32, #tpu.memory_space<vmem>>
      %dma_wait3A_159 = arith.constant 0 : i32
      %dma_wait3A_160 = tpu.memref_slice %arg3[%add3A_76, %dma_wait3A_159] : memref<5120x64xi32, #tpu.memory_space<hbm>> -> memref<80x64xi32, #tpu.memory_space<hbm>>
      tpu.wait_dma2 semaphore(%run_scoped3A_140 : memref<!tpu.dma_semaphore, #tpu.memory_space<semaphore_mem>>) src(%dma_wait3A_160 : memref<80x64xi32, #tpu.memory_space<hbm>>) dst(%dma_wait3A_158 : memref<80x64xi32, #tpu.memory_space<vmem>>)
      tpu.yield
    }) : () -> ()
    "tpu.region"() ({
      %run_scoped3A_140 = tpu.sem_alloc : memref<!tpu.dma_semaphore, #tpu.memory_space<semaphore_mem>>
      %dma_start3A_141 = arith.constant 80 : i32
      %dma_start3A_142 = arith.constant 0 : i32
      %dma_start3A_143 = tpu.memref_slice %arg6[%dma_start3A_141, %dma_start3A_142] : memref<160x64xi32, #tpu.memory_space<vmem>> -> memref<80x64xi32, #tpu.memory_space<vmem>>
      %dma_start3A_144 = arith.constant 0 : i32
      %dma_start3A_145 = tpu.memref_slice %arg4[%add3A_76, %dma_start3A_144] : memref<5120x64xi32, #tpu.memory_space<hbm>> -> memref<80x64xi32, #tpu.memory_space<hbm>>
      %dma_start3A_146 = arith.constant 80 : i32
      %dma_start3A_147 = arith.constant 0 : i32
      %dma_start3A_148 = tpu.memref_slice %arg6[%dma_start3A_146, %dma_start3A_147] : memref<160x64xi32, #tpu.memory_space<vmem>> -> memref<80x64xi32, #tpu.memory_space<vmem>>
      %dma_start3A_149 = arith.constant 0 : i32
      %dma_start3A_150 = tpu.memref_slice %arg4[%add3A_76, %dma_start3A_149] : memref<5120x64xi32, #tpu.memory_space<hbm>> -> memref<80x64xi32, #tpu.memory_space<hbm>>
      tpu.enqueue_dma source(%dma_start3A_150 : memref<80x64xi32, #tpu.memory_space<hbm>>) target(%dma_start3A_148 : memref<80x64xi32, #tpu.memory_space<vmem>>) target_semaphore(%run_scoped3A_140 : memref<!tpu.dma_semaphore, #tpu.memory_space<semaphore_mem>>)
      %dma_wait3A_151 = arith.constant 80 : i32
      %dma_wait3A_152 = arith.constant 0 : i32
      %dma_wait3A_153 = tpu.memref_slice %arg6[%dma_wait3A_151, %dma_wait3A_152] : memref<160x64xi32, #tpu.memory_space<vmem>> -> memref<80x64xi32, #tpu.memory_space<vmem>>
      %dma_wait3A_154 = arith.constant 0 : i32
      %dma_wait3A_155 = tpu.memref_slice %arg4[%add3A_76, %dma_wait3A_154] : memref<5120x64xi32, #tpu.memory_space<hbm>> -> memref<80x64xi32, #tpu.memory_space<hbm>>
      %dma_wait3A_156 = arith.constant 80 : i32
      %dma_wait3A_157 = arith.constant 0 : i32
      %dma_wait3A_158 = tpu.memref_slice %arg6[%dma_wait3A_156, %dma_wait3A_157] : memref<160x64xi32, #tpu.memory_space<vmem>> -> memref<80x64xi32, #tpu.memory_space<vmem>>
      %dma_wait3A_159 = arith.constant 0 : i32
      %dma_wait3A_160 = tpu.memref_slice %arg4[%add3A_76, %dma_wait3A_159] : memref<5120x64xi32, #tpu.memory_space<hbm>> -> memref<80x64xi32, #tpu.memory_space<hbm>>
      tpu.wait_dma2 semaphore(%run_scoped3A_140 : memref<!tpu.dma_semaphore, #tpu.memory_space<semaphore_mem>>) src(%dma_wait3A_160 : memref<80x64xi32, #tpu.memory_space<hbm>>) dst(%dma_wait3A_158 : memref<80x64xi32, #tpu.memory_space<vmem>>)
      tpu.yield
    }) : () -> ()
    %dma_start3A_77 = arith.constant 0 : i32
    %dma_start3A_78 = arith.constant 0 : i32
    %dma_start3A_79 = arith.constant 0 : i32
    %dma_start3A_80 = arith.constant 0 : i32
    %dma_start3A_81 = tpu.memref_slice %arg7[%dma_start3A_78, %dma_start3A_79, %dma_start3A_80] : memref<2x64x128xf32, #tpu.memory_space<vmem>> -> memref<1x64x128xf32, #tpu.memory_space<vmem>>
    %dma_start3A_82 = tpu.memref_squeeze %dma_start3A_81 : memref<1x64x128xf32, #tpu.memory_space<vmem>> -> memref<64x128xf32, #tpu.memory_space<vmem>>
    %dma_start3A_83 = arith.constant 0 : i32
    %dma_start3A_84 = tpu.memref_slice %arg6[%dma_start3A_77, %dma_start3A_83] : memref<160x64xi32, #tpu.memory_space<vmem>> -> memref<1x64xi32, #tpu.memory_space<vmem>>
    %dma_start3A_85 = tpu.memref_squeeze %dma_start3A_84 : memref<1x64xi32, #tpu.memory_space<vmem>> -> memref<64xi32, #tpu.memory_space<vmem>>
    %dma_start3A_86 = arith.constant 0 : i32
    %dma_start3A_87 = arith.constant 0 : i32
    %dma_start3A_88 = tpu.memref_slice %arg2[%dma_start3A_86, %dma_start3A_87] : memref<10240x128xf32, #tpu.memory_space<hbm>> -> memref<10240x128xf32, #tpu.memory_space<hbm>>
    tpu.enqueue_indirect_dma source(%dma_start3A_88 : memref<10240x128xf32, #tpu.memory_space<hbm>>) target(%dma_start3A_82 : memref<64x128xf32, #tpu.memory_space<vmem>>) offsets(%dma_start3A_85 : memref<64xi32, #tpu.memory_space<vmem>>) semaphore(%arg9 : memref<!tpu.dma_semaphore, #tpu.memory_space<semaphore_mem>>)
    %dma_start3A_89 = arith.constant 1 : i32
    %dma_start3A_90 = arith.constant 1 : i32
    %dma_start3A_91 = arith.constant 0 : i32
    %dma_start3A_92 = arith.constant 0 : i32
    %dma_start3A_93 = tpu.memref_slice %arg7[%dma_start3A_90, %dma_start3A_91, %dma_start3A_92] : memref<2x64x128xf32, #tpu.memory_space<vmem>> -> memref<1x64x128xf32, #tpu.memory_space<vmem>>
    %dma_start3A_94 = tpu.memref_squeeze %dma_start3A_93 : memref<1x64x128xf32, #tpu.memory_space<vmem>> -> memref<64x128xf32, #tpu.memory_space<vmem>>
    %dma_start3A_95 = arith.constant 0 : i32
    %dma_start3A_96 = tpu.memref_slice %arg6[%dma_start3A_89, %dma_start3A_95] : memref<160x64xi32, #tpu.memory_space<vmem>> -> memref<1x64xi32, #tpu.memory_space<vmem>>
    %dma_start3A_97 = tpu.memref_squeeze %dma_start3A_96 : memref<1x64xi32, #tpu.memory_space<vmem>> -> memref<64xi32, #tpu.memory_space<vmem>>
    %dma_start3A_98 = arith.constant 0 : i32
    %dma_start3A_99 = arith.constant 0 : i32
    %dma_start3A_100 = tpu.memref_slice %arg2[%dma_start3A_98, %dma_start3A_99] : memref<10240x128xf32, #tpu.memory_space<hbm>> -> memref<10240x128xf32, #tpu.memory_space<hbm>>
    tpu.enqueue_indirect_dma source(%dma_start3A_100 : memref<10240x128xf32, #tpu.memory_space<hbm>>) target(%dma_start3A_94 : memref<64x128xf32, #tpu.memory_space<vmem>>) offsets(%dma_start3A_97 : memref<64xi32, #tpu.memory_space<vmem>>) semaphore(%arg10 : memref<!tpu.dma_semaphore, #tpu.memory_space<semaphore_mem>>)
    %scan3A_101 = arith.constant 0 : i32
    %scan3A_102 = arith.constant 0 : i32
    %scan3A_103 = arith.constant 39 : i32
    %scan3A_104 = arith.addi %scan3A_102, %scan3A_103 : i32
    %scan3A_105 = arith.constant 1 : i32
    scf.for %scan3A_140 = %scan3A_102 to %scan3A_104 step %scan3A_105  : i32 {
      %mul3A_141 = arith.constant 2 : i32
      %mul3A_142 = arith.muli %scan3A_140, %mul3A_141 : i32
      %add3A_143 = arith.constant 0 : i32
      %add3A_144 = arith.addi %mul3A_142, %add3A_143 : i32
      %dma_wait3A_145 = arith.constant 0 : i32
      %dma_wait3A_146 = arith.constant 0 : i32
      %dma_wait3A_147 = arith.constant 0 : i32
      %dma_wait3A_148 = tpu.memref_slice %arg7[%dma_wait3A_145, %dma_wait3A_146, %dma_wait3A_147] : memref<2x64x128xf32, #tpu.memory_space<vmem>> -> memref<1x64x128xf32, #tpu.memory_space<vmem>>
      %dma_wait3A_149 = tpu.memref_squeeze %dma_wait3A_148 : memref<1x64x128xf32, #tpu.memory_space<vmem>> -> memref<64x128xf32, #tpu.memory_space<vmem>>
      %dma_wait3A_150 = arith.constant 0 : i32
      %dma_wait3A_151 = tpu.memref_slice %arg6[%add3A_144, %dma_wait3A_150] : memref<160x64xi32, #tpu.memory_space<vmem>> -> memref<1x64xi32, #tpu.memory_space<vmem>>
      %dma_wait3A_152 = tpu.memref_squeeze %dma_wait3A_151 : memref<1x64xi32, #tpu.memory_space<vmem>> -> memref<64xi32, #tpu.memory_space<vmem>>
      %dma_wait3A_153 = arith.constant 0 : i32
      %dma_wait3A_154 = arith.constant 0 : i32
      %dma_wait3A_155 = tpu.memref_slice %arg2[%dma_wait3A_153, %dma_wait3A_154] : memref<10240x128xf32, #tpu.memory_space<hbm>> -> memref<10240x128xf32, #tpu.memory_space<hbm>>
      tpu.wait_indirect_dma semaphore(%arg9 : memref<!tpu.dma_semaphore, #tpu.memory_space<semaphore_mem>>) src(%dma_wait3A_155 : memref<10240x128xf32, #tpu.memory_space<hbm>>) dst(%dma_wait3A_149 : memref<64x128xf32, #tpu.memory_space<vmem>>)
      %add3A_156 = arith.constant 80 : i32
      %add3A_157 = arith.addi %add3A_156, %add3A_144 : i32
      %run_scoped3A_158 = arith.constant 0 : i32
      "tpu.region"() ({
        %run_scoped3A_203 = tpu.sem_alloc : memref<!tpu.dma_semaphore, #tpu.memory_space<semaphore_mem>>
        %dma_start3A_204 = arith.constant 0 : i32
        %dma_start3A_205 = arith.constant 0 : i32
        %dma_start3A_206 = tpu.memref_slice %arg7[%run_scoped3A_158, %dma_start3A_204, %dma_start3A_205] : memref<2x64x128xf32, #tpu.memory_space<vmem>> -> memref<1x64x128xf32, #tpu.memory_space<vmem>>
        %dma_start3A_207 = tpu.memref_squeeze %dma_start3A_206 : memref<1x64x128xf32, #tpu.memory_space<vmem>> -> memref<64x128xf32, #tpu.memory_space<vmem>>
        %dma_start3A_208 = arith.constant 0 : i32
        %dma_start3A_209 = tpu.memref_slice %arg6[%add3A_157, %dma_start3A_208] : memref<160x64xi32, #tpu.memory_space<vmem>> -> memref<1x64xi32, #tpu.memory_space<vmem>>
        %dma_start3A_210 = tpu.memref_squeeze %dma_start3A_209 : memref<1x64xi32, #tpu.memory_space<vmem>> -> memref<64xi32, #tpu.memory_space<vmem>>
        %dma_start3A_211 = arith.constant 0 : i32
        %dma_start3A_212 = arith.constant 0 : i32
        %dma_start3A_213 = tpu.memref_slice %arg8[%dma_start3A_211, %dma_start3A_212] : memref<10240x128xf32, #tpu.memory_space<vmem_shared>> -> memref<10240x128xf32, #tpu.memory_space<vmem_shared>>
        tpu.enqueue_indirect_dma source(%dma_start3A_207 : memref<64x128xf32, #tpu.memory_space<vmem>>) target(%dma_start3A_213 : memref<10240x128xf32, #tpu.memory_space<vmem_shared>>) offsets(%dma_start3A_210 : memref<64xi32, #tpu.memory_space<vmem>>) semaphore(%run_scoped3A_203 : memref<!tpu.dma_semaphore, #tpu.memory_space<semaphore_mem>>) {add = true}
        %dma_wait3A_214 = arith.constant 0 : i32
        %dma_wait3A_215 = arith.constant 0 : i32
        %dma_wait3A_216 = tpu.memref_slice %arg7[%run_scoped3A_158, %dma_wait3A_214, %dma_wait3A_215] : memref<2x64x128xf32, #tpu.memory_space<vmem>> -> memref<1x64x128xf32, #tpu.memory_space<vmem>>
        %dma_wait3A_217 = tpu.memref_squeeze %dma_wait3A_216 : memref<1x64x128xf32, #tpu.memory_space<vmem>> -> memref<64x128xf32, #tpu.memory_space<vmem>>
        %dma_wait3A_218 = arith.constant 0 : i32
        %dma_wait3A_219 = tpu.memref_slice %arg6[%add3A_157, %dma_wait3A_218] : memref<160x64xi32, #tpu.memory_space<vmem>> -> memref<1x64xi32, #tpu.memory_space<vmem>>
        %dma_wait3A_220 = tpu.memref_squeeze %dma_wait3A_219 : memref<1x64xi32, #tpu.memory_space<vmem>> -> memref<64xi32, #tpu.memory_space<vmem>>
        %dma_wait3A_221 = arith.constant 0 : i32
        %dma_wait3A_222 = arith.constant 0 : i32
        %dma_wait3A_223 = tpu.memref_slice %arg8[%dma_wait3A_221, %dma_wait3A_222] : memref<10240x128xf32, #tpu.memory_space<vmem_shared>> -> memref<10240x128xf32, #tpu.memory_space<vmem_shared>>
        tpu.wait_indirect_dma semaphore(%run_scoped3A_203 : memref<!tpu.dma_semaphore, #tpu.memory_space<semaphore_mem>>) src(%dma_wait3A_217 : memref<64x128xf32, #tpu.memory_space<vmem>>) dst(%dma_wait3A_223 : memref<10240x128xf32, #tpu.memory_space<vmem_shared>>)
        tpu.yield
      }) : () -> ()
      %add3A_159 = arith.constant 2 : i32
      %add3A_160 = arith.addi %add3A_144, %add3A_159 : i32
      %dma_start3A_161 = arith.constant 0 : i32
      %dma_start3A_162 = arith.constant 0 : i32
      %dma_start3A_163 = arith.constant 0 : i32
      %dma_start3A_164 = tpu.memref_slice %arg7[%dma_start3A_161, %dma_start3A_162, %dma_start3A_163] : memref<2x64x128xf32, #tpu.memory_space<vmem>> -> memref<1x64x128xf32, #tpu.memory_space<vmem>>
      %dma_start3A_165 = tpu.memref_squeeze %dma_start3A_164 : memref<1x64x128xf32, #tpu.memory_space<vmem>> -> memref<64x128xf32, #tpu.memory_space<vmem>>
      %dma_start3A_166 = arith.constant 0 : i32
      %dma_start3A_167 = tpu.memref_slice %arg6[%add3A_160, %dma_start3A_166] : memref<160x64xi32, #tpu.memory_space<vmem>> -> memref<1x64xi32, #tpu.memory_space<vmem>>
      %dma_start3A_168 = tpu.memref_squeeze %dma_start3A_167 : memref<1x64xi32, #tpu.memory_space<vmem>> -> memref<64xi32, #tpu.memory_space<vmem>>
      %dma_start3A_169 = arith.constant 0 : i32
      %dma_start3A_170 = arith.constant 0 : i32
      %dma_start3A_171 = tpu.memref_slice %arg2[%dma_start3A_169, %dma_start3A_170] : memref<10240x128xf32, #tpu.memory_space<hbm>> -> memref<10240x128xf32, #tpu.memory_space<hbm>>
      tpu.enqueue_indirect_dma source(%dma_start3A_171 : memref<10240x128xf32, #tpu.memory_space<hbm>>) target(%dma_start3A_165 : memref<64x128xf32, #tpu.memory_space<vmem>>) offsets(%dma_start3A_168 : memref<64xi32, #tpu.memory_space<vmem>>) semaphore(%arg9 : memref<!tpu.dma_semaphore, #tpu.memory_space<semaphore_mem>>)
      %mul3A_172 = arith.constant 2 : i32
      %mul3A_173 = arith.muli %scan3A_140, %mul3A_172 : i32
      %add3A_174 = arith.constant 1 : i32
      %add3A_175 = arith.addi %mul3A_173, %add3A_174 : i32
      %dma_wait3A_176 = arith.constant 1 : i32
      %dma_wait3A_177 = arith.constant 0 : i32
      %dma_wait3A_178 = arith.constant 0 : i32
      %dma_wait3A_179 = tpu.memref_slice %arg7[%dma_wait3A_176, %dma_wait3A_177, %dma_wait3A_178] : memref<2x64x128xf32, #tpu.memory_space<vmem>> -> memref<1x64x128xf32, #tpu.memory_space<vmem>>
      %dma_wait3A_180 = tpu.memref_squeeze %dma_wait3A_179 : memref<1x64x128xf32, #tpu.memory_space<vmem>> -> memref<64x128xf32, #tpu.memory_space<vmem>>
      %dma_wait3A_181 = arith.constant 0 : i32
      %dma_wait3A_182 = tpu.memref_slice %arg6[%add3A_175, %dma_wait3A_181] : memref<160x64xi32, #tpu.memory_space<vmem>> -> memref<1x64xi32, #tpu.memory_space<vmem>>
      %dma_wait3A_183 = tpu.memref_squeeze %dma_wait3A_182 : memref<1x64xi32, #tpu.memory_space<vmem>> -> memref<64xi32, #tpu.memory_space<vmem>>
      %dma_wait3A_184 = arith.constant 0 : i32
      %dma_wait3A_185 = arith.constant 0 : i32
      %dma_wait3A_186 = tpu.memref_slice %arg2[%dma_wait3A_184, %dma_wait3A_185] : memref<10240x128xf32, #tpu.memory_space<hbm>> -> memref<10240x128xf32, #tpu.memory_space<hbm>>
      tpu.wait_indirect_dma semaphore(%arg10 : memref<!tpu.dma_semaphore, #tpu.memory_space<semaphore_mem>>) src(%dma_wait3A_186 : memref<10240x128xf32, #tpu.memory_space<hbm>>) dst(%dma_wait3A_180 : memref<64x128xf32, #tpu.memory_space<vmem>>)
      %add3A_187 = arith.constant 80 : i32
      %add3A_188 = arith.addi %add3A_187, %add3A_175 : i32
      %run_scoped3A_189 = arith.constant 1 : i32
      "tpu.region"() ({
        %run_scoped3A_203 = tpu.sem_alloc : memref<!tpu.dma_semaphore, #tpu.memory_space<semaphore_mem>>
        %dma_start3A_204 = arith.constant 0 : i32
        %dma_start3A_205 = arith.constant 0 : i32
        %dma_start3A_206 = tpu.memref_slice %arg7[%run_scoped3A_189, %dma_start3A_204, %dma_start3A_205] : memref<2x64x128xf32, #tpu.memory_space<vmem>> -> memref<1x64x128xf32, #tpu.memory_space<vmem>>
        %dma_start3A_207 = tpu.memref_squeeze %dma_start3A_206 : memref<1x64x128xf32, #tpu.memory_space<vmem>> -> memref<64x128xf32, #tpu.memory_space<vmem>>
        %dma_start3A_208 = arith.constant 0 : i32
        %dma_start3A_209 = tpu.memref_slice %arg6[%add3A_188, %dma_start3A_208] : memref<160x64xi32, #tpu.memory_space<vmem>> -> memref<1x64xi32, #tpu.memory_space<vmem>>
        %dma_start3A_210 = tpu.memref_squeeze %dma_start3A_209 : memref<1x64xi32, #tpu.memory_space<vmem>> -> memref<64xi32, #tpu.memory_space<vmem>>
        %dma_start3A_211 = arith.constant 0 : i32
        %dma_start3A_212 = arith.constant 0 : i32
        %dma_start3A_213 = tpu.memref_slice %arg8[%dma_start3A_211, %dma_start3A_212] : memref<10240x128xf32, #tpu.memory_space<vmem_shared>> -> memref<10240x128xf32, #tpu.memory_space<vmem_shared>>
        tpu.enqueue_indirect_dma source(%dma_start3A_207 : memref<64x128xf32, #tpu.memory_space<vmem>>) target(%dma_start3A_213 : memref<10240x128xf32, #tpu.memory_space<vmem_shared>>) offsets(%dma_start3A_210 : memref<64xi32, #tpu.memory_space<vmem>>) semaphore(%run_scoped3A_203 : memref<!tpu.dma_semaphore, #tpu.memory_space<semaphore_mem>>) {add = true}
        %dma_wait3A_214 = arith.constant 0 : i32
        %dma_wait3A_215 = arith.constant 0 : i32
        %dma_wait3A_216 = tpu.memref_slice %arg7[%run_scoped3A_189, %dma_wait3A_214, %dma_wait3A_215] : memref<2x64x128xf32, #tpu.memory_space<vmem>> -> memref<1x64x128xf32, #tpu.memory_space<vmem>>
        %dma_wait3A_217 = tpu.memref_squeeze %dma_wait3A_216 : memref<1x64x128xf32, #tpu.memory_space<vmem>> -> memref<64x128xf32, #tpu.memory_space<vmem>>
        %dma_wait3A_218 = arith.constant 0 : i32
        %dma_wait3A_219 = tpu.memref_slice %arg6[%add3A_188, %dma_wait3A_218] : memref<160x64xi32, #tpu.memory_space<vmem>> -> memref<1x64xi32, #tpu.memory_space<vmem>>
        %dma_wait3A_220 = tpu.memref_squeeze %dma_wait3A_219 : memref<1x64xi32, #tpu.memory_space<vmem>> -> memref<64xi32, #tpu.memory_space<vmem>>
        %dma_wait3A_221 = arith.constant 0 : i32
        %dma_wait3A_222 = arith.constant 0 : i32
        %dma_wait3A_223 = tpu.memref_slice %arg8[%dma_wait3A_221, %dma_wait3A_222] : memref<10240x128xf32, #tpu.memory_space<vmem_shared>> -> memref<10240x128xf32, #tpu.memory_space<vmem_shared>>
        tpu.wait_indirect_dma semaphore(%run_scoped3A_203 : memref<!tpu.dma_semaphore, #tpu.memory_space<semaphore_mem>>) src(%dma_wait3A_217 : memref<64x128xf32, #tpu.memory_space<vmem>>) dst(%dma_wait3A_223 : memref<10240x128xf32, #tpu.memory_space<vmem_shared>>)
        tpu.yield
      }) : () -> ()
      %add3A_190 = arith.constant 2 : i32
      %add3A_191 = arith.addi %add3A_175, %add3A_190 : i32
      %dma_start3A_192 = arith.constant 1 : i32
      %dma_start3A_193 = arith.constant 0 : i32
      %dma_start3A_194 = arith.constant 0 : i32
      %dma_start3A_195 = tpu.memref_slice %arg7[%dma_start3A_192, %dma_start3A_193, %dma_start3A_194] : memref<2x64x128xf32, #tpu.memory_space<vmem>> -> memref<1x64x128xf32, #tpu.memory_space<vmem>>
      %dma_start3A_196 = tpu.memref_squeeze %dma_start3A_195 : memref<1x64x128xf32, #tpu.memory_space<vmem>> -> memref<64x128xf32, #tpu.memory_space<vmem>>
      %dma_start3A_197 = arith.constant 0 : i32
      %dma_start3A_198 = tpu.memref_slice %arg6[%add3A_191, %dma_start3A_197] : memref<160x64xi32, #tpu.memory_space<vmem>> -> memref<1x64xi32, #tpu.memory_space<vmem>>
      %dma_start3A_199 = tpu.memref_squeeze %dma_start3A_198 : memref<1x64xi32, #tpu.memory_space<vmem>> -> memref<64xi32, #tpu.memory_space<vmem>>
      %dma_start3A_200 = arith.constant 0 : i32
      %dma_start3A_201 = arith.constant 0 : i32
      %dma_start3A_202 = tpu.memref_slice %arg2[%dma_start3A_200, %dma_start3A_201] : memref<10240x128xf32, #tpu.memory_space<hbm>> -> memref<10240x128xf32, #tpu.memory_space<hbm>>
      tpu.enqueue_indirect_dma source(%dma_start3A_202 : memref<10240x128xf32, #tpu.memory_space<hbm>>) target(%dma_start3A_196 : memref<64x128xf32, #tpu.memory_space<vmem>>) offsets(%dma_start3A_199 : memref<64xi32, #tpu.memory_space<vmem>>) semaphore(%arg10 : memref<!tpu.dma_semaphore, #tpu.memory_space<semaphore_mem>>)
    }
    %scan3A_106 = arith.constant 39 : i32
    %dma_wait3A_107 = arith.constant 78 : i32
    %dma_wait3A_108 = arith.constant 0 : i32
    %dma_wait3A_109 = arith.constant 0 : i32
    %dma_wait3A_110 = arith.constant 0 : i32
    %dma_wait3A_111 = tpu.memref_slice %arg7[%dma_wait3A_108, %dma_wait3A_109, %dma_wait3A_110] : memref<2x64x128xf32, #tpu.memory_space<vmem>> -> memref<1x64x128xf32, #tpu.memory_space<vmem>>
    %dma_wait3A_112 = tpu.memref_squeeze %dma_wait3A_111 : memref<1x64x128xf32, #tpu.memory_space<vmem>> -> memref<64x128xf32, #tpu.memory_space<vmem>>
    %dma_wait3A_113 = arith.constant 0 : i32
    %dma_wait3A_114 = tpu.memref_slice %arg6[%dma_wait3A_107, %dma_wait3A_113] : memref<160x64xi32, #tpu.memory_space<vmem>> -> memref<1x64xi32, #tpu.memory_space<vmem>>
    %dma_wait3A_115 = tpu.memref_squeeze %dma_wait3A_114 : memref<1x64xi32, #tpu.memory_space<vmem>> -> memref<64xi32, #tpu.memory_space<vmem>>
    %dma_wait3A_116 = arith.constant 0 : i32
    %dma_wait3A_117 = arith.constant 0 : i32
    %dma_wait3A_118 = tpu.memref_slice %arg2[%dma_wait3A_116, %dma_wait3A_117] : memref<10240x128xf32, #tpu.memory_space<hbm>> -> memref<10240x128xf32, #tpu.memory_space<hbm>>
    tpu.wait_indirect_dma semaphore(%arg9 : memref<!tpu.dma_semaphore, #tpu.memory_space<semaphore_mem>>) src(%dma_wait3A_118 : memref<10240x128xf32, #tpu.memory_space<hbm>>) dst(%dma_wait3A_112 : memref<64x128xf32, #tpu.memory_space<vmem>>)
    %run_scoped3A_119 = arith.constant 0 : i32
    %run_scoped3A_120 = arith.constant 158 : i32
    "tpu.region"() ({
      %run_scoped3A_140 = tpu.sem_alloc : memref<!tpu.dma_semaphore, #tpu.memory_space<semaphore_mem>>
      %dma_start3A_141 = arith.constant 0 : i32
      %dma_start3A_142 = arith.constant 0 : i32
      %dma_start3A_143 = tpu.memref_slice %arg7[%run_scoped3A_119, %dma_start3A_141, %dma_start3A_142] : memref<2x64x128xf32, #tpu.memory_space<vmem>> -> memref<1x64x128xf32, #tpu.memory_space<vmem>>
      %dma_start3A_144 = tpu.memref_squeeze %dma_start3A_143 : memref<1x64x128xf32, #tpu.memory_space<vmem>> -> memref<64x128xf32, #tpu.memory_space<vmem>>
      %dma_start3A_145 = arith.constant 0 : i32
      %dma_start3A_146 = tpu.memref_slice %arg6[%run_scoped3A_120, %dma_start3A_145] : memref<160x64xi32, #tpu.memory_space<vmem>> -> memref<1x64xi32, #tpu.memory_space<vmem>>
      %dma_start3A_147 = tpu.memref_squeeze %dma_start3A_146 : memref<1x64xi32, #tpu.memory_space<vmem>> -> memref<64xi32, #tpu.memory_space<vmem>>
      %dma_start3A_148 = arith.constant 0 : i32
      %dma_start3A_149 = arith.constant 0 : i32
      %dma_start3A_150 = tpu.memref_slice %arg8[%dma_start3A_148, %dma_start3A_149] : memref<10240x128xf32, #tpu.memory_space<vmem_shared>> -> memref<10240x128xf32, #tpu.memory_space<vmem_shared>>
      tpu.enqueue_indirect_dma source(%dma_start3A_144 : memref<64x128xf32, #tpu.memory_space<vmem>>) target(%dma_start3A_150 : memref<10240x128xf32, #tpu.memory_space<vmem_shared>>) offsets(%dma_start3A_147 : memref<64xi32, #tpu.memory_space<vmem>>) semaphore(%run_scoped3A_140 : memref<!tpu.dma_semaphore, #tpu.memory_space<semaphore_mem>>) {add = true}
      %dma_wait3A_151 = arith.constant 0 : i32
      %dma_wait3A_152 = arith.constant 0 : i32
      %dma_wait3A_153 = tpu.memref_slice %arg7[%run_scoped3A_119, %dma_wait3A_151, %dma_wait3A_152] : memref<2x64x128xf32, #tpu.memory_space<vmem>> -> memref<1x64x128xf32, #tpu.memory_space<vmem>>
      %dma_wait3A_154 = tpu.memref_squeeze %dma_wait3A_153 : memref<1x64x128xf32, #tpu.memory_space<vmem>> -> memref<64x128xf32, #tpu.memory_space<vmem>>
      %dma_wait3A_155 = arith.constant 0 : i32
      %dma_wait3A_156 = tpu.memref_slice %arg6[%run_scoped3A_120, %dma_wait3A_155] : memref<160x64xi32, #tpu.memory_space<vmem>> -> memref<1x64xi32, #tpu.memory_space<vmem>>
      %dma_wait3A_157 = tpu.memref_squeeze %dma_wait3A_156 : memref<1x64xi32, #tpu.memory_space<vmem>> -> memref<64xi32, #tpu.memory_space<vmem>>
      %dma_wait3A_158 = arith.constant 0 : i32
      %dma_wait3A_159 = arith.constant 0 : i32
      %dma_wait3A_160 = tpu.memref_slice %arg8[%dma_wait3A_158, %dma_wait3A_159] : memref<10240x128xf32, #tpu.memory_space<vmem_shared>> -> memref<10240x128xf32, #tpu.memory_space<vmem_shared>>
      tpu.wait_indirect_dma semaphore(%run_scoped3A_140 : memref<!tpu.dma_semaphore, #tpu.memory_space<semaphore_mem>>) src(%dma_wait3A_154 : memref<64x128xf32, #tpu.memory_space<vmem>>) dst(%dma_wait3A_160 : memref<10240x128xf32, #tpu.memory_space<vmem_shared>>)
      tpu.yield
    }) : () -> ()
    %dma_wait3A_121 = arith.constant 79 : i32
    %dma_wait3A_122 = arith.constant 1 : i32
    %dma_wait3A_123 = arith.constant 0 : i32
    %dma_wait3A_124 = arith.constant 0 : i32
    %dma_wait3A_125 = tpu.memref_slice %arg7[%dma_wait3A_122, %dma_wait3A_123, %dma_wait3A_124] : memref<2x64x128xf32, #tpu.memory_space<vmem>> -> memref<1x64x128xf32, #tpu.memory_space<vmem>>
    %dma_wait3A_126 = tpu.memref_squeeze %dma_wait3A_125 : memref<1x64x128xf32, #tpu.memory_space<vmem>> -> memref<64x128xf32, #tpu.memory_space<vmem>>
    %dma_wait3A_127 = arith.constant 0 : i32
    %dma_wait3A_128 = tpu.memref_slice %arg6[%dma_wait3A_121, %dma_wait3A_127] : memref<160x64xi32, #tpu.memory_space<vmem>> -> memref<1x64xi32, #tpu.memory_space<vmem>>
    %dma_wait3A_129 = tpu.memref_squeeze %dma_wait3A_128 : memref<1x64xi32, #tpu.memory_space<vmem>> -> memref<64xi32, #tpu.memory_space<vmem>>
    %dma_wait3A_130 = arith.constant 0 : i32
    %dma_wait3A_131 = arith.constant 0 : i32
    %dma_wait3A_132 = tpu.memref_slice %arg2[%dma_wait3A_130, %dma_wait3A_131] : memref<10240x128xf32, #tpu.memory_space<hbm>> -> memref<10240x128xf32, #tpu.memory_space<hbm>>
    tpu.wait_indirect_dma semaphore(%arg10 : memref<!tpu.dma_semaphore, #tpu.memory_space<semaphore_mem>>) src(%dma_wait3A_132 : memref<10240x128xf32, #tpu.memory_space<hbm>>) dst(%dma_wait3A_126 : memref<64x128xf32, #tpu.memory_space<vmem>>)
    %run_scoped3A_133 = arith.constant 1 : i32
    %run_scoped3A_134 = arith.constant 159 : i32
    "tpu.region"() ({
      %run_scoped3A_140 = tpu.sem_alloc : memref<!tpu.dma_semaphore, #tpu.memory_space<semaphore_mem>>
      %dma_start3A_141 = arith.constant 0 : i32
      %dma_start3A_142 = arith.constant 0 : i32
      %dma_start3A_143 = tpu.memref_slice %arg7[%run_scoped3A_133, %dma_start3A_141, %dma_start3A_142] : memref<2x64x128xf32, #tpu.memory_space<vmem>> -> memref<1x64x128xf32, #tpu.memory_space<vmem>>
      %dma_start3A_144 = tpu.memref_squeeze %dma_start3A_143 : memref<1x64x128xf32, #tpu.memory_space<vmem>> -> memref<64x128xf32, #tpu.memory_space<vmem>>
      %dma_start3A_145 = arith.constant 0 : i32
      %dma_start3A_146 = tpu.memref_slice %arg6[%run_scoped3A_134, %dma_start3A_145] : memref<160x64xi32, #tpu.memory_space<vmem>> -> memref<1x64xi32, #tpu.memory_space<vmem>>
      %dma_start3A_147 = tpu.memref_squeeze %dma_start3A_146 : memref<1x64xi32, #tpu.memory_space<vmem>> -> memref<64xi32, #tpu.memory_space<vmem>>
      %dma_start3A_148 = arith.constant 0 : i32
      %dma_start3A_149 = arith.constant 0 : i32
      %dma_start3A_150 = tpu.memref_slice %arg8[%dma_start3A_148, %dma_start3A_149] : memref<10240x128xf32, #tpu.memory_space<vmem_shared>> -> memref<10240x128xf32, #tpu.memory_space<vmem_shared>>
      tpu.enqueue_indirect_dma source(%dma_start3A_144 : memref<64x128xf32, #tpu.memory_space<vmem>>) target(%dma_start3A_150 : memref<10240x128xf32, #tpu.memory_space<vmem_shared>>) offsets(%dma_start3A_147 : memref<64xi32, #tpu.memory_space<vmem>>) semaphore(%run_scoped3A_140 : memref<!tpu.dma_semaphore, #tpu.memory_space<semaphore_mem>>) {add = true}
      %dma_wait3A_151 = arith.constant 0 : i32
      %dma_wait3A_152 = arith.constant 0 : i32
      %dma_wait3A_153 = tpu.memref_slice %arg7[%run_scoped3A_133, %dma_wait3A_151, %dma_wait3A_152] : memref<2x64x128xf32, #tpu.memory_space<vmem>> -> memref<1x64x128xf32, #tpu.memory_space<vmem>>
      %dma_wait3A_154 = tpu.memref_squeeze %dma_wait3A_153 : memref<1x64x128xf32, #tpu.memory_space<vmem>> -> memref<64x128xf32, #tpu.memory_space<vmem>>
      %dma_wait3A_155 = arith.constant 0 : i32
      %dma_wait3A_156 = tpu.memref_slice %arg6[%run_scoped3A_134, %dma_wait3A_155] : memref<160x64xi32, #tpu.memory_space<vmem>> -> memref<1x64xi32, #tpu.memory_space<vmem>>
      %dma_wait3A_157 = tpu.memref_squeeze %dma_wait3A_156 : memref<1x64xi32, #tpu.memory_space<vmem>> -> memref<64xi32, #tpu.memory_space<vmem>>
      %dma_wait3A_158 = arith.constant 0 : i32
      %dma_wait3A_159 = arith.constant 0 : i32
      %dma_wait3A_160 = tpu.memref_slice %arg8[%dma_wait3A_158, %dma_wait3A_159] : memref<10240x128xf32, #tpu.memory_space<vmem_shared>> -> memref<10240x128xf32, #tpu.memory_space<vmem_shared>>
      tpu.wait_indirect_dma semaphore(%run_scoped3A_140 : memref<!tpu.dma_semaphore, #tpu.memory_space<semaphore_mem>>) src(%dma_wait3A_154 : memref<64x128xf32, #tpu.memory_space<vmem>>) dst(%dma_wait3A_160 : memref<10240x128xf32, #tpu.memory_space<vmem_shared>>)
      tpu.yield
    }) : () -> ()
    %barrier3A_135 = arith.constant 0 : index
    tpu.barrier barrier_id(%barrier3A_135)
    %mul3A_136 = arith.constant 640 : i32
    %mul3A_137 = arith.muli %arg1, %mul3A_136 : i32
    %mul3A_138 = arith.constant 640 : i32
    %mul3A_139 = arith.muli %arg1, %mul3A_138 : i32
    "tpu.region"() ({
      %run_scoped3A_140 = tpu.sem_alloc : memref<!tpu.dma_semaphore, #tpu.memory_space<semaphore_mem>>
      %dma_start3A_141 = arith.constant 0 : i32
      %dma_start3A_142 = tpu.memref_slice %arg5[%arg0, %mul3A_139, %dma_start3A_141] : memref<2x10240x128xf32, #tpu.memory_space<hbm>> -> memref<1x640x128xf32, #tpu.memory_space<hbm>>
      %dma_start3A_143 = tpu.memref_squeeze %dma_start3A_142 : memref<1x640x128xf32, #tpu.memory_space<hbm>> -> memref<640x128xf32, #tpu.memory_space<hbm>>
      %dma_start3A_144 = arith.constant 0 : i32
      %dma_start3A_145 = tpu.memref_slice %arg8[%mul3A_137, %dma_start3A_144] : memref<10240x128xf32, #tpu.memory_space<vmem_shared>> -> memref<640x128xf32, #tpu.memory_space<vmem_shared>>
      tpu.enqueue_dma source(%dma_start3A_145 : memref<640x128xf32, #tpu.memory_space<vmem_shared>>) target(%dma_start3A_143 : memref<640x128xf32, #tpu.memory_space<hbm>>) target_semaphore(%run_scoped3A_140 : memref<!tpu.dma_semaphore, #tpu.memory_space<semaphore_mem>>)
      %dma_wait3A_146 = arith.constant 0 : i32
      %dma_wait3A_147 = tpu.memref_slice %arg5[%arg0, %mul3A_139, %dma_wait3A_146] : memref<2x10240x128xf32, #tpu.memory_space<hbm>> -> memref<1x640x128xf32, #tpu.memory_space<hbm>>
      %dma_wait3A_148 = tpu.memref_squeeze %dma_wait3A_147 : memref<1x640x128xf32, #tpu.memory_space<hbm>> -> memref<640x128xf32, #tpu.memory_space<hbm>>
      %dma_wait3A_149 = arith.constant 0 : i32
      %dma_wait3A_150 = tpu.memref_slice %arg8[%mul3A_137, %dma_wait3A_149] : memref<10240x128xf32, #tpu.memory_space<vmem_shared>> -> memref<640x128xf32, #tpu.memory_space<vmem_shared>>
      tpu.wait_dma2 semaphore(%run_scoped3A_140 : memref<!tpu.dma_semaphore, #tpu.memory_space<semaphore_mem>>) src(%dma_wait3A_150 : memref<640x128xf32, #tpu.memory_space<vmem_shared>>) dst(%dma_wait3A_148 : memref<640x128xf32, #tpu.memory_space<hbm>>)
      tpu.yield
    }) : () -> ()
    return
  }
}

#map = affine_map<(d0, d1) -> (0, 0)>
#map1 = affine_map<(d0, d1) -> (0, 0, 0)>
module attributes {stable_mosaic.version = 14 : i64} {
  func.func @_sc_gather_scatter(%arg0: i32, %arg1: i32, %arg2: memref<10240x128xf32, #tpu.memory_space<hbm>>, %arg3: memref<5120x64xi32, #tpu.memory_space<hbm>>, %arg4: memref<5120x64xi32, #tpu.memory_space<hbm>>, %arg5: memref<2x10240x128xf32, #tpu.memory_space<hbm>>, %arg6: memref<160x64xi32, #tpu.memory_space<vmem>>, %arg7: memref<2x64x128xf32, #tpu.memory_space<vmem>>, %arg8: memref<10240x128xf32, #tpu.memory_space<vmem_shared>>, %arg9: memref<!tpu.dma_semaphore, #tpu.memory_space<semaphore_mem>>, %arg10: memref<!tpu.dma_semaphore, #tpu.memory_space<semaphore_mem>>) attributes {dimension_semantics = [#tpu.dimension_semantics<core_parallel>, #tpu.dimension_semantics<subcore_parallel>], iteration_bounds = array<i64: 2, 16>, scalar_prefetch = 0 : i64, scratch_operands = 5 : i64, tpu.core_type = #tpu.core_type<sc_vector_subcore>, window_params = [{transform_indices = #map}, {transform_indices = #map}, {transform_indices = #map}, {transform_indices = #map1}]} {
    %mul3A = arith.constant 16 : i32
    %mul3A_0 = arith.muli %arg0, %mul3A : i32
    %add3A = arith.addi %mul3A_0, %arg1 : i32
    %broadcast_in_dim3A = arith.constant 0.000000e+00 : f32
    %broadcast_in_dim3A_1 = vector.broadcast %broadcast_in_dim3A : f32 to vector<16xf32>
    %scan3A = arith.constant 0 : i32
    %scan3A_2 = arith.constant 0 : i32
    %scan3A_3 = arith.constant 0 : i32
    %scan3A_4 = arith.constant 64 : i32
    %scan3A_5 = arith.addi %scan3A_3, %scan3A_4 : i32
    %scan3A_6 = arith.constant 1 : i32
    scf.for %scan3A_140 = %scan3A_3 to %scan3A_5 step %scan3A_6  : i32 {
      %swap3A = arith.constant 0 : i32
      %swap3A_141 = arith.constant 0 : i32
      %swap3A_142 = tpu.memref_slice %arg7[%scan3A_2, %swap3A, %swap3A_141] : memref<2x64x128xf32, #tpu.memory_space<vmem>> -> memref<1x64x128xf32, #tpu.memory_space<vmem>>
      %swap3A_143 = tpu.memref_squeeze %swap3A_142 : memref<1x64x128xf32, #tpu.memory_space<vmem>> -> memref<64x128xf32, #tpu.memory_space<vmem>>
      %swap3A_144 = arith.index_cast %scan3A_140 : i32 to index
      %swap3A_145 = arith.constant 0 : index
      %swap3A_146 = tpu.vector_load %swap3A_143[%swap3A_144, %swap3A_145] {strides = array<i32>} : memref<64x128xf32, #tpu.memory_space<vmem>>, vector<1x16xf32>,
      %swap3A_147 = vector.shape_cast %swap3A_146 : vector<1x16xf32> to vector<16xf32>
      %swap3A_148 = vector.shape_cast %broadcast_in_dim3A_1 : vector<16xf32> to vector<1x16xf32>
      tpu.vector_store %swap3A_143[%swap3A_144, %swap3A_145], %swap3A_148 {strides = array<i32>} : memref<64x128xf32, #tpu.memory_space<vmem>>, vector<1x16xf32>,
      %swap3A_149 = arith.constant 0 : i32
      %swap3A_150 = arith.constant 0 : i32
      %swap3A_151 = tpu.memref_slice %arg7[%scan3A_2, %swap3A_149, %swap3A_150] : memref<2x64x128xf32, #tpu.memory_space<vmem>> -> memref<1x64x128xf32, #tpu.memory_space<vmem>>
      %swap3A_152 = tpu.memref_squeeze %swap3A_151 : memref<1x64x128xf32, #tpu.memory_space<vmem>> -> memref<64x128xf32, #tpu.memory_space<vmem>>
      %swap3A_153 = arith.index_cast %scan3A_140 : i32 to index
      %swap3A_154 = arith.constant 16 : index
      %swap3A_155 = tpu.vector_load %swap3A_152[%swap3A_153, %swap3A_154] {strides = array<i32>} : memref<64x128xf32, #tpu.memory_space<vmem>>, vector<1x16xf32>,
      %swap3A_156 = vector.shape_cast %swap3A_155 : vector<1x16xf32> to vector<16xf32>
      %swap3A_157 = vector.shape_cast %broadcast_in_dim3A_1 : vector<16xf32> to vector<1x16xf32>
      tpu.vector_store %swap3A_152[%swap3A_153, %swap3A_154], %swap3A_157 {strides = array<i32>} : memref<64x128xf32, #tpu.memory_space<vmem>>, vector<1x16xf32>,
      %swap3A_158 = arith.constant 0 : i32
      %swap3A_159 = arith.constant 0 : i32
      %swap3A_160 = tpu.memref_slice %arg7[%scan3A_2, %swap3A_158, %swap3A_159] : memref<2x64x128xf32, #tpu.memory_space<vmem>> -> memref<1x64x128xf32, #tpu.memory_space<vmem>>
      %swap3A_161 = tpu.memref_squeeze %swap3A_160 : memref<1x64x128xf32, #tpu.memory_space<vmem>> -> memref<64x128xf32, #tpu.memory_space<vmem>>
      %swap3A_162 = arith.index_cast %scan3A_140 : i32 to index
      %swap3A_163 = arith.constant 32 : index
      %swap3A_164 = tpu.vector_load %swap3A_161[%swap3A_162, %swap3A_163] {strides = array<i32>} : memref<64x128xf32, #tpu.memory_space<vmem>>, vector<1x16xf32>,
      %swap3A_165 = vector.shape_cast %swap3A_164 : vector<1x16xf32> to vector<16xf32>
      %swap3A_166 = vector.shape_cast %broadcast_in_dim3A_1 : vector<16xf32> to vector<1x16xf32>
      tpu.vector_store %swap3A_161[%swap3A_162, %swap3A_163], %swap3A_166 {strides = array<i32>} : memref<64x128xf32, #tpu.memory_space<vmem>>, vector<1x16xf32>,
      %swap3A_167 = arith.constant 0 : i32
      %swap3A_168 = arith.constant 0 : i32
      %swap3A_169 = tpu.memref_slice %arg7[%scan3A_2, %swap3A_167, %swap3A_168] : memref<2x64x128xf32, #tpu.memory_space<vmem>> -> memref<1x64x128xf32, #tpu.memory_space<vmem>>
      %swap3A_170 = tpu.memref_squeeze %swap3A_169 : memref<1x64x128xf32, #tpu.memory_space<vmem>> -> memref<64x128xf32, #tpu.memory_space<vmem>>
      %swap3A_171 = arith.index_cast %scan3A_140 : i32 to index
      %swap3A_172 = arith.constant 48 : index
      %swap3A_173 = tpu.vector_load %swap3A_170[%swap3A_171, %swap3A_172] {strides = array<i32>} : memref<64x128xf32, #tpu.memory_space<vmem>>, vector<1x16xf32>,
      %swap3A_174 = vector.shape_cast %swap3A_173 : vector<1x16xf32> to vector<16xf32>
      %swap3A_175 = vector.shape_cast %broadcast_in_dim3A_1 : vector<16xf32> to vector<1x16xf32>
      tpu.vector_store %swap3A_170[%swap3A_171, %swap3A_172], %swap3A_175 {strides = array<i32>} : memref<64x128xf32, #tpu.memory_space<vmem>>, vector<1x16xf32>,
      %swap3A_176 = arith.constant 0 : i32
      %swap3A_177 = arith.constant 0 : i32
      %swap3A_178 = tpu.memref_slice %arg7[%scan3A_2, %swap3A_176, %swap3A_177] : memref<2x64x128xf32, #tpu.memory_space<vmem>> -> memref<1x64x128xf32, #tpu.memory_space<vmem>>
      %swap3A_179 = tpu.memref_squeeze %swap3A_178 : memref<1x64x128xf32, #tpu.memory_space<vmem>> -> memref<64x128xf32, #tpu.memory_space<vmem>>
      %swap3A_180 = arith.index_cast %scan3A_140 : i32 to index
      %swap3A_181 = arith.constant 64 : index
      %swap3A_182 = tpu.vector_load %swap3A_179[%swap3A_180, %swap3A_181] {strides = array<i32>} : memref<64x128xf32, #tpu.memory_space<vmem>>, vector<1x16xf32>,
      %swap3A_183 = vector.shape_cast %swap3A_182 : vector<1x16xf32> to vector<16xf32>
      %swap3A_184 = vector.shape_cast %broadcast_in_dim3A_1 : vector<16xf32> to vector<1x16xf32>
      tpu.vector_store %swap3A_179[%swap3A_180, %swap3A_181], %swap3A_184 {strides = array<i32>} : memref<64x128xf32, #tpu.memory_space<vmem>>, vector<1x16xf32>,
      %swap3A_185 = arith.constant 0 : i32
      %swap3A_186 = arith.constant 0 : i32
      %swap3A_187 = tpu.memref_slice %arg7[%scan3A_2, %swap3A_185, %swap3A_186] : memref<2x64x128xf32, #tpu.memory_space<vmem>> -> memref<1x64x128xf32, #tpu.memory_space<vmem>>
      %swap3A_188 = tpu.memref_squeeze %swap3A_187 : memref<1x64x128xf32, #tpu.memory_space<vmem>> -> memref<64x128xf32, #tpu.memory_space<vmem>>
      %swap3A_189 = arith.index_cast %scan3A_140 : i32 to index
      %swap3A_190 = arith.constant 80 : index
      %swap3A_191 = tpu.vector_load %swap3A_188[%swap3A_189, %swap3A_190] {strides = array<i32>} : memref<64x128xf32, #tpu.memory_space<vmem>>, vector<1x16xf32>,
      %swap3A_192 = vector.shape_cast %swap3A_191 : vector<1x16xf32> to vector<16xf32>
      %swap3A_193 = vector.shape_cast %broadcast_in_dim3A_1 : vector<16xf32> to vector<1x16xf32>
      tpu.vector_store %swap3A_188[%swap3A_189, %swap3A_190], %swap3A_193 {strides = array<i32>} : memref<64x128xf32, #tpu.memory_space<vmem>>, vector<1x16xf32>,
      %swap3A_194 = arith.constant 0 : i32
      %swap3A_195 = arith.constant 0 : i32
      %swap3A_196 = tpu.memref_slice %arg7[%scan3A_2, %swap3A_194, %swap3A_195] : memref<2x64x128xf32, #tpu.memory_space<vmem>> -> memref<1x64x128xf32, #tpu.memory_space<vmem>>
      %swap3A_197 = tpu.memref_squeeze %swap3A_196 : memref<1x64x128xf32, #tpu.memory_space<vmem>> -> memref<64x128xf32, #tpu.memory_space<vmem>>
      %swap3A_198 = arith.index_cast %scan3A_140 : i32 to index
      %swap3A_199 = arith.constant 96 : index
      %swap3A_200 = tpu.vector_load %swap3A_197[%swap3A_198, %swap3A_199] {strides = array<i32>} : memref<64x128xf32, #tpu.memory_space<vmem>>, vector<1x16xf32>,
      %swap3A_201 = vector.shape_cast %swap3A_200 : vector<1x16xf32> to vector<16xf32>
      %swap3A_202 = vector.shape_cast %broadcast_in_dim3A_1 : vector<16xf32> to vector<1x16xf32>
      tpu.vector_store %swap3A_197[%swap3A_198, %swap3A_199], %swap3A_202 {strides = array<i32>} : memref<64x128xf32, #tpu.memory_space<vmem>>, vector<1x16xf32>,
      %swap3A_203 = arith.constant 0 : i32
      %swap3A_204 = arith.constant 0 : i32
      %swap3A_205 = tpu.memref_slice %arg7[%scan3A_2, %swap3A_203, %swap3A_204] : memref<2x64x128xf32, #tpu.memory_space<vmem>> -> memref<1x64x128xf32, #tpu.memory_space<vmem>>
      %swap3A_206 = tpu.memref_squeeze %swap3A_205 : memref<1x64x128xf32, #tpu.memory_space<vmem>> -> memref<64x128xf32, #tpu.memory_space<vmem>>
      %swap3A_207 = arith.index_cast %scan3A_140 : i32 to index
      %swap3A_208 = arith.constant 112 : index
      %swap3A_209 = tpu.vector_load %swap3A_206[%swap3A_207, %swap3A_208] {strides = array<i32>} : memref<64x128xf32, #tpu.memory_space<vmem>>, vector<1x16xf32>,
      %swap3A_210 = vector.shape_cast %swap3A_209 : vector<1x16xf32> to vector<16xf32>
      %swap3A_211 = vector.shape_cast %broadcast_in_dim3A_1 : vector<16xf32> to vector<1x16xf32>
      tpu.vector_store %swap3A_206[%swap3A_207, %swap3A_208], %swap3A_211 {strides = array<i32>} : memref<64x128xf32, #tpu.memory_space<vmem>>, vector<1x16xf32>,
    }
    %scan3A_7 = arith.constant 64 : i32
    %scan3A_8 = arith.constant 0 : i32
    %scan3A_9 = arith.constant 0 : i32
    %scan3A_10 = arith.constant 10 : i32
    %scan3A_11 = arith.addi %scan3A_9, %scan3A_10 : i32
    %scan3A_12 = arith.constant 1 : i32
    scf.for %scan3A_140 = %scan3A_9 to %scan3A_11 step %scan3A_12  : i32 {
      %mul3A_141 = arith.constant 640 : i32
      %mul3A_142 = arith.muli %arg1, %mul3A_141 : i32
      %mul3A_143 = arith.constant 64 : i32
      %mul3A_144 = arith.muli %scan3A_140, %mul3A_143 : i32
      %add3A_145 = arith.addi %mul3A_142, %mul3A_144 : i32
      %run_scoped3A_146 = arith.constant 0 : i32
      "tpu.region"() ({
        %run_scoped3A_147 = tpu.sem_alloc : memref<!tpu.dma_semaphore, #tpu.memory_space<semaphore_mem>>
        %dma_start3A_148 = arith.constant 0 : i32
        %dma_start3A_149 = arith.constant 0 : i32
        %dma_start3A_150 = tpu.memref_slice %arg7[%run_scoped3A_146, %dma_start3A_148, %dma_start3A_149] : memref<2x64x128xf32, #tpu.memory_space<vmem>> -> memref<1x64x128xf32, #tpu.memory_space<vmem>>
        %dma_start3A_151 = tpu.memref_squeeze %dma_start3A_150 : memref<1x64x128xf32, #tpu.memory_space<vmem>> -> memref<64x128xf32, #tpu.memory_space<vmem>>
        %dma_start3A_152 = arith.constant 0 : i32
        %dma_start3A_153 = tpu.memref_slice %arg8[%add3A_145, %dma_start3A_152] : memref<10240x128xf32, #tpu.memory_space<vmem_shared>> -> memref<64x128xf32, #tpu.memory_space<vmem_shared>>
        %dma_start3A_154 = arith.constant 0 : i32
        %dma_start3A_155 = tpu.memref_slice %arg8[%add3A_145, %dma_start3A_154] : memref<10240x128xf32, #tpu.memory_space<vmem_shared>> -> memref<64x128xf32, #tpu.memory_space<vmem_shared>>
        %dma_start3A_156 = arith.constant 0 : i32
        %dma_start3A_157 = arith.constant 0 : i32
        %dma_start3A_158 = tpu.memref_slice %arg7[%run_scoped3A_146, %dma_start3A_156, %dma_start3A_157] : memref<2x64x128xf32, #tpu.memory_space<vmem>> -> memref<1x64x128xf32, #tpu.memory_space<vmem>>
        %dma_start3A_159 = tpu.memref_squeeze %dma_start3A_158 : memref<1x64x128xf32, #tpu.memory_space<vmem>> -> memref<64x128xf32, #tpu.memory_space<vmem>>
        tpu.enqueue_dma source(%dma_start3A_159 : memref<64x128xf32, #tpu.memory_space<vmem>>) target(%dma_start3A_155 : memref<64x128xf32, #tpu.memory_space<vmem_shared>>) target_semaphore(%run_scoped3A_147 : memref<!tpu.dma_semaphore, #tpu.memory_space<semaphore_mem>>)
        %dma_wait3A_160 = arith.constant 0 : i32
        %dma_wait3A_161 = arith.constant 0 : i32
        %dma_wait3A_162 = tpu.memref_slice %arg7[%run_scoped3A_146, %dma_wait3A_160, %dma_wait3A_161] : memref<2x64x128xf32, #tpu.memory_space<vmem>> -> memref<1x64x128xf32, #tpu.memory_space<vmem>>
        %dma_wait3A_163 = tpu.memref_squeeze %dma_wait3A_162 : memref<1x64x128xf32, #tpu.memory_space<vmem>> -> memref<64x128xf32, #tpu.memory_space<vmem>>
        %dma_wait3A_164 = arith.constant 0 : i32
        %dma_wait3A_165 = tpu.memref_slice %arg8[%add3A_145, %dma_wait3A_164] : memref<10240x128xf32, #tpu.memory_space<vmem_shared>> -> memref<64x128xf32, #tpu.memory_space<vmem_shared>>
        %dma_wait3A_166 = arith.constant 0 : i32
        %dma_wait3A_167 = tpu.memref_slice %arg8[%add3A_145, %dma_wait3A_166] : memref<10240x128xf32, #tpu.memory_space<vmem_shared>> -> memref<64x128xf32, #tpu.memory_space<vmem_shared>>
        %dma_wait3A_168 = arith.constant 0 : i32
        %dma_wait3A_169 = arith.constant 0 : i32
        %dma_wait3A_170 = tpu.memref_slice %arg7[%run_scoped3A_146, %dma_wait3A_168, %dma_wait3A_169] : memref<2x64x128xf32, #tpu.memory_space<vmem>> -> memref<1x64x128xf32, #tpu.memory_space<vmem>>
        %dma_wait3A_171 = tpu.memref_squeeze %dma_wait3A_170 : memref<1x64x128xf32, #tpu.memory_space<vmem>> -> memref<64x128xf32, #tpu.memory_space<vmem>>
        tpu.wait_dma2 semaphore(%run_scoped3A_147 : memref<!tpu.dma_semaphore, #tpu.memory_space<semaphore_mem>>) src(%dma_wait3A_171 : memref<64x128xf32, #tpu.memory_space<vmem>>) dst(%dma_wait3A_167 : memref<64x128xf32, #tpu.memory_space<vmem_shared>>)
        tpu.yield
      }) : () -> ()
    }
    %scan3A_13 = arith.constant 10 : i32
    %barrier3A = arith.constant 0 : index
    tpu.barrier barrier_id(%barrier3A)
    %mul3A_14 = arith.constant 160 : i32
    %mul3A_15 = arith.muli %add3A, %mul3A_14 : i32
    %add3A_16 = arith.constant 0 : i32
    %add3A_17 = arith.addi %mul3A_15, %add3A_16 : i32
    "tpu.region"() ({
      %run_scoped3A_140 = tpu.sem_alloc : memref<!tpu.dma_semaphore, #tpu.memory_space<semaphore_mem>>
      %dma_start3A_141 = arith.constant 0 : i32
      %dma_start3A_142 = arith.constant 0 : i32
      %dma_start3A_143 = tpu.memref_slice %arg6[%dma_start3A_141, %dma_start3A_142] : memref<160x64xi32, #tpu.memory_space<vmem>> -> memref<80x64xi32, #tpu.memory_space<vmem>>
      %dma_start3A_144 = arith.constant 0 : i32
      %dma_start3A_145 = tpu.memref_slice %arg3[%add3A_17, %dma_start3A_144] : memref<5120x64xi32, #tpu.memory_space<hbm>> -> memref<80x64xi32, #tpu.memory_space<hbm>>
      %dma_start3A_146 = arith.constant 0 : i32
      %dma_start3A_147 = arith.constant 0 : i32
      %dma_start3A_148 = tpu.memref_slice %arg6[%dma_start3A_146, %dma_start3A_147] : memref<160x64xi32, #tpu.memory_space<vmem>> -> memref<80x64xi32, #tpu.memory_space<vmem>>
      %dma_start3A_149 = arith.constant 0 : i32
      %dma_start3A_150 = tpu.memref_slice %arg3[%add3A_17, %dma_start3A_149] : memref<5120x64xi32, #tpu.memory_space<hbm>> -> memref<80x64xi32, #tpu.memory_space<hbm>>
      tpu.enqueue_dma source(%dma_start3A_150 : memref<80x64xi32, #tpu.memory_space<hbm>>) target(%dma_start3A_148 : memref<80x64xi32, #tpu.memory_space<vmem>>) target_semaphore(%run_scoped3A_140 : memref<!tpu.dma_semaphore, #tpu.memory_space<semaphore_mem>>)
      %dma_wait3A_151 = arith.constant 0 : i32
      %dma_wait3A_152 = arith.constant 0 : i32
      %dma_wait3A_153 = tpu.memref_slice %arg6[%dma_wait3A_151, %dma_wait3A_152] : memref<160x64xi32, #tpu.memory_space<vmem>> -> memref<80x64xi32, #tpu.memory_space<vmem>>
      %dma_wait3A_154 = arith.constant 0 : i32
      %dma_wait3A_155 = tpu.memref_slice %arg3[%add3A_17, %dma_wait3A_154] : memref<5120x64xi32, #tpu.memory_space<hbm>> -> memref<80x64xi32, #tpu.memory_space<hbm>>
      %dma_wait3A_156 = arith.constant 0 : i32
      %dma_wait3A_157 = arith.constant 0 : i32
      %dma_wait3A_158 = tpu.memref_slice %arg6[%dma_wait3A_156, %dma_wait3A_157] : memref<160x64xi32, #tpu.memory_space<vmem>> -> memref<80x64xi32, #tpu.memory_space<vmem>>
      %dma_wait3A_159 = arith.constant 0 : i32
      %dma_wait3A_160 = tpu.memref_slice %arg3[%add3A_17, %dma_wait3A_159] : memref<5120x64xi32, #tpu.memory_space<hbm>> -> memref<80x64xi32, #tpu.memory_space<hbm>>
      tpu.wait_dma2 semaphore(%run_scoped3A_140 : memref<!tpu.dma_semaphore, #tpu.memory_space<semaphore_mem>>) src(%dma_wait3A_160 : memref<80x64xi32, #tpu.memory_space<hbm>>) dst(%dma_wait3A_158 : memref<80x64xi32, #tpu.memory_space<vmem>>)
      tpu.yield
    }) : () -> ()
    "tpu.region"() ({
      %run_scoped3A_140 = tpu.sem_alloc : memref<!tpu.dma_semaphore, #tpu.memory_space<semaphore_mem>>
      %dma_start3A_141 = arith.constant 80 : i32
      %dma_start3A_142 = arith.constant 0 : i32
      %dma_start3A_143 = tpu.memref_slice %arg6[%dma_start3A_141, %dma_start3A_142] : memref<160x64xi32, #tpu.memory_space<vmem>> -> memref<80x64xi32, #tpu.memory_space<vmem>>
      %dma_start3A_144 = arith.constant 0 : i32
      %dma_start3A_145 = tpu.memref_slice %arg4[%add3A_17, %dma_start3A_144] : memref<5120x64xi32, #tpu.memory_space<hbm>> -> memref<80x64xi32, #tpu.memory_space<hbm>>
      %dma_start3A_146 = arith.constant 80 : i32
      %dma_start3A_147 = arith.constant 0 : i32
      %dma_start3A_148 = tpu.memref_slice %arg6[%dma_start3A_146, %dma_start3A_147] : memref<160x64xi32, #tpu.memory_space<vmem>> -> memref<80x64xi32, #tpu.memory_space<vmem>>
      %dma_start3A_149 = arith.constant 0 : i32
      %dma_start3A_150 = tpu.memref_slice %arg4[%add3A_17, %dma_start3A_149] : memref<5120x64xi32, #tpu.memory_space<hbm>> -> memref<80x64xi32, #tpu.memory_space<hbm>>
      tpu.enqueue_dma source(%dma_start3A_150 : memref<80x64xi32, #tpu.memory_space<hbm>>) target(%dma_start3A_148 : memref<80x64xi32, #tpu.memory_space<vmem>>) target_semaphore(%run_scoped3A_140 : memref<!tpu.dma_semaphore, #tpu.memory_space<semaphore_mem>>)
      %dma_wait3A_151 = arith.constant 80 : i32
      %dma_wait3A_152 = arith.constant 0 : i32
      %dma_wait3A_153 = tpu.memref_slice %arg6[%dma_wait3A_151, %dma_wait3A_152] : memref<160x64xi32, #tpu.memory_space<vmem>> -> memref<80x64xi32, #tpu.memory_space<vmem>>
      %dma_wait3A_154 = arith.constant 0 : i32
      %dma_wait3A_155 = tpu.memref_slice %arg4[%add3A_17, %dma_wait3A_154] : memref<5120x64xi32, #tpu.memory_space<hbm>> -> memref<80x64xi32, #tpu.memory_space<hbm>>
      %dma_wait3A_156 = arith.constant 80 : i32
      %dma_wait3A_157 = arith.constant 0 : i32
      %dma_wait3A_158 = tpu.memref_slice %arg6[%dma_wait3A_156, %dma_wait3A_157] : memref<160x64xi32, #tpu.memory_space<vmem>> -> memref<80x64xi32, #tpu.memory_space<vmem>>
      %dma_wait3A_159 = arith.constant 0 : i32
      %dma_wait3A_160 = tpu.memref_slice %arg4[%add3A_17, %dma_wait3A_159] : memref<5120x64xi32, #tpu.memory_space<hbm>> -> memref<80x64xi32, #tpu.memory_space<hbm>>
      tpu.wait_dma2 semaphore(%run_scoped3A_140 : memref<!tpu.dma_semaphore, #tpu.memory_space<semaphore_mem>>) src(%dma_wait3A_160 : memref<80x64xi32, #tpu.memory_space<hbm>>) dst(%dma_wait3A_158 : memref<80x64xi32, #tpu.memory_space<vmem>>)
      tpu.yield
    }) : () -> ()
    %dma_start3A = arith.constant 0 : i32
    %dma_start3A_18 = arith.constant 0 : i32
    %dma_start3A_19 = arith.constant 0 : i32
    %dma_start3A_20 = arith.constant 0 : i32
    %dma_start3A_21 = tpu.memref_slice %arg7[%dma_start3A_18, %dma_start3A_19, %dma_start3A_20] : memref<2x64x128xf32, #tpu.memory_space<vmem>> -> memref<1x64x128xf32, #tpu.memory_space<vmem>>
    %dma_start3A_22 = tpu.memref_squeeze %dma_start3A_21 : memref<1x64x128xf32, #tpu.memory_space<vmem>> -> memref<64x128xf32, #tpu.memory_space<vmem>>
    %dma_start3A_23 = arith.constant 0 : i32
    %dma_start3A_24 = tpu.memref_slice %arg6[%dma_start3A, %dma_start3A_23] : memref<160x64xi32, #tpu.memory_space<vmem>> -> memref<1x64xi32, #tpu.memory_space<vmem>>
    %dma_start3A_25 = tpu.memref_squeeze %dma_start3A_24 : memref<1x64xi32, #tpu.memory_space<vmem>> -> memref<64xi32, #tpu.memory_space<vmem>>
    %dma_start3A_26 = arith.constant 0 : i32
    %dma_start3A_27 = arith.constant 0 : i32
    %dma_start3A_28 = tpu.memref_slice %arg2[%dma_start3A_26, %dma_start3A_27] : memref<10240x128xf32, #tpu.memory_space<hbm>> -> memref<10240x128xf32, #tpu.memory_space<hbm>>
    tpu.enqueue_indirect_dma source(%dma_start3A_28 : memref<10240x128xf32, #tpu.memory_space<hbm>>) target(%dma_start3A_22 : memref<64x128xf32, #tpu.memory_space<vmem>>) offsets(%dma_start3A_25 : memref<64xi32, #tpu.memory_space<vmem>>) semaphore(%arg9 : memref<!tpu.dma_semaphore, #tpu.memory_space<semaphore_mem>>)
    %dma_start3A_29 = arith.constant 1 : i32
    %dma_start3A_30 = arith.constant 1 : i32
    %dma_start3A_31 = arith.constant 0 : i32
    %dma_start3A_32 = arith.constant 0 : i32
    %dma_start3A_33 = tpu.memref_slice %arg7[%dma_start3A_30, %dma_start3A_31, %dma_start3A_32] : memref<2x64x128xf32, #tpu.memory_space<vmem>> -> memref<1x64x128xf32, #tpu.memory_space<vmem>>
    %dma_start3A_34 = tpu.memref_squeeze %dma_start3A_33 : memref<1x64x128xf32, #tpu.memory_space<vmem>> -> memref<64x128xf32, #tpu.memory_space<vmem>>
    %dma_start3A_35 = arith.constant 0 : i32
    %dma_start3A_36 = tpu.memref_slice %arg6[%dma_start3A_29, %dma_start3A_35] : memref<160x64xi32, #tpu.memory_space<vmem>> -> memref<1x64xi32, #tpu.memory_space<vmem>>
    %dma_start3A_37 = tpu.memref_squeeze %dma_start3A_36 : memref<1x64xi32, #tpu.memory_space<vmem>> -> memref<64xi32, #tpu.memory_space<vmem>>
    %dma_start3A_38 = arith.constant 0 : i32
    %dma_start3A_39 = arith.constant 0 : i32
    %dma_start3A_40 = tpu.memref_slice %arg2[%dma_start3A_38, %dma_start3A_39] : memref<10240x128xf32, #tpu.memory_space<hbm>> -> memref<10240x128xf32, #tpu.memory_space<hbm>>
    tpu.enqueue_indirect_dma source(%dma_start3A_40 : memref<10240x128xf32, #tpu.memory_space<hbm>>) target(%dma_start3A_34 : memref<64x128xf32, #tpu.memory_space<vmem>>) offsets(%dma_start3A_37 : memref<64xi32, #tpu.memory_space<vmem>>) semaphore(%arg10 : memref<!tpu.dma_semaphore, #tpu.memory_space<semaphore_mem>>)
    %scan3A_41 = arith.constant 0 : i32
    %scan3A_42 = arith.constant 0 : i32
    %scan3A_43 = arith.constant 39 : i32
    %scan3A_44 = arith.addi %scan3A_42, %scan3A_43 : i32
    %scan3A_45 = arith.constant 1 : i32
    scf.for %scan3A_140 = %scan3A_42 to %scan3A_44 step %scan3A_45  : i32 {
      %mul3A_141 = arith.constant 2 : i32
      %mul3A_142 = arith.muli %scan3A_140, %mul3A_141 : i32
      %add3A_143 = arith.constant 0 : i32
      %add3A_144 = arith.addi %mul3A_142, %add3A_143 : i32
      %dma_wait3A_145 = arith.constant 0 : i32
      %dma_wait3A_146 = arith.constant 0 : i32
      %dma_wait3A_147 = arith.constant 0 : i32
      %dma_wait3A_148 = tpu.memref_slice %arg7[%dma_wait3A_145, %dma_wait3A_146, %dma_wait3A_147] : memref<2x64x128xf32, #tpu.memory_space<vmem>> -> memref<1x64x128xf32, #tpu.memory_space<vmem>>
      %dma_wait3A_149 = tpu.memref_squeeze %dma_wait3A_148 : memref<1x64x128xf32, #tpu.memory_space<vmem>> -> memref<64x128xf32, #tpu.memory_space<vmem>>
      %dma_wait3A_150 = arith.constant 0 : i32
      %dma_wait3A_151 = tpu.memref_slice %arg6[%add3A_144, %dma_wait3A_150] : memref<160x64xi32, #tpu.memory_space<vmem>> -> memref<1x64xi32, #tpu.memory_space<vmem>>
      %dma_wait3A_152 = tpu.memref_squeeze %dma_wait3A_151 : memref<1x64xi32, #tpu.memory_space<vmem>> -> memref<64xi32, #tpu.memory_space<vmem>>
      %dma_wait3A_153 = arith.constant 0 : i32
      %dma_wait3A_154 = arith.constant 0 : i32
      %dma_wait3A_155 = tpu.memref_slice %arg2[%dma_wait3A_153, %dma_wait3A_154] : memref<10240x128xf32, #tpu.memory_space<hbm>> -> memref<10240x128xf32, #tpu.memory_space<hbm>>
      tpu.wait_indirect_dma semaphore(%arg9 : memref<!tpu.dma_semaphore, #tpu.memory_space<semaphore_mem>>) src(%dma_wait3A_155 : memref<10240x128xf32, #tpu.memory_space<hbm>>) dst(%dma_wait3A_149 : memref<64x128xf32, #tpu.memory_space<vmem>>)
      %add3A_156 = arith.constant 80 : i32
      %add3A_157 = arith.addi %add3A_156, %add3A_144 : i32
      %run_scoped3A_158 = arith.constant 0 : i32
      "tpu.region"() ({
        %run_scoped3A_203 = tpu.sem_alloc : memref<!tpu.dma_semaphore, #tpu.memory_space<semaphore_mem>>
        %dma_start3A_204 = arith.constant 0 : i32
        %dma_start3A_205 = arith.constant 0 : i32
        %dma_start3A_206 = tpu.memref_slice %arg7[%run_scoped3A_158, %dma_start3A_204, %dma_start3A_205] : memref<2x64x128xf32, #tpu.memory_space<vmem>> -> memref<1x64x128xf32, #tpu.memory_space<vmem>>
        %dma_start3A_207 = tpu.memref_squeeze %dma_start3A_206 : memref<1x64x128xf32, #tpu.memory_space<vmem>> -> memref<64x128xf32, #tpu.memory_space<vmem>>
        %dma_start3A_208 = arith.constant 0 : i32
        %dma_start3A_209 = tpu.memref_slice %arg6[%add3A_157, %dma_start3A_208] : memref<160x64xi32, #tpu.memory_space<vmem>> -> memref<1x64xi32, #tpu.memory_space<vmem>>
        %dma_start3A_210 = tpu.memref_squeeze %dma_start3A_209 : memref<1x64xi32, #tpu.memory_space<vmem>> -> memref<64xi32, #tpu.memory_space<vmem>>
        %dma_start3A_211 = arith.constant 0 : i32
        %dma_start3A_212 = arith.constant 0 : i32
        %dma_start3A_213 = tpu.memref_slice %arg8[%dma_start3A_211, %dma_start3A_212] : memref<10240x128xf32, #tpu.memory_space<vmem_shared>> -> memref<10240x128xf32, #tpu.memory_space<vmem_shared>>
        tpu.enqueue_indirect_dma source(%dma_start3A_207 : memref<64x128xf32, #tpu.memory_space<vmem>>) target(%dma_start3A_213 : memref<10240x128xf32, #tpu.memory_space<vmem_shared>>) offsets(%dma_start3A_210 : memref<64xi32, #tpu.memory_space<vmem>>) semaphore(%run_scoped3A_203 : memref<!tpu.dma_semaphore, #tpu.memory_space<semaphore_mem>>) {add = true}
        %dma_wait3A_214 = arith.constant 0 : i32
        %dma_wait3A_215 = arith.constant 0 : i32
        %dma_wait3A_216 = tpu.memref_slice %arg7[%run_scoped3A_158, %dma_wait3A_214, %dma_wait3A_215] : memref<2x64x128xf32, #tpu.memory_space<vmem>> -> memref<1x64x128xf32, #tpu.memory_space<vmem>>
        %dma_wait3A_217 = tpu.memref_squeeze %dma_wait3A_216 : memref<1x64x128xf32, #tpu.memory_space<vmem>> -> memref<64x128xf32, #tpu.memory_space<vmem>>
        %dma_wait3A_218 = arith.constant 0 : i32
        %dma_wait3A_219 = tpu.memref_slice %arg6[%add3A_157, %dma_wait3A_218] : memref<160x64xi32, #tpu.memory_space<vmem>> -> memref<1x64xi32, #tpu.memory_space<vmem>>
        %dma_wait3A_220 = tpu.memref_squeeze %dma_wait3A_219 : memref<1x64xi32, #tpu.memory_space<vmem>> -> memref<64xi32, #tpu.memory_space<vmem>>
        %dma_wait3A_221 = arith.constant 0 : i32
        %dma_wait3A_222 = arith.constant 0 : i32
        %dma_wait3A_223 = tpu.memref_slice %arg8[%dma_wait3A_221, %dma_wait3A_222] : memref<10240x128xf32, #tpu.memory_space<vmem_shared>> -> memref<10240x128xf32, #tpu.memory_space<vmem_shared>>
        tpu.wait_indirect_dma semaphore(%run_scoped3A_203 : memref<!tpu.dma_semaphore, #tpu.memory_space<semaphore_mem>>) src(%dma_wait3A_217 : memref<64x128xf32, #tpu.memory_space<vmem>>) dst(%dma_wait3A_223 : memref<10240x128xf32, #tpu.memory_space<vmem_shared>>)
        tpu.yield
      }) : () -> ()
      %add3A_159 = arith.constant 2 : i32
      %add3A_160 = arith.addi %add3A_144, %add3A_159 : i32
      %dma_start3A_161 = arith.constant 0 : i32
      %dma_start3A_162 = arith.constant 0 : i32
      %dma_start3A_163 = arith.constant 0 : i32
      %dma_start3A_164 = tpu.memref_slice %arg7[%dma_start3A_161, %dma_start3A_162, %dma_start3A_163] : memref<2x64x128xf32, #tpu.memory_space<vmem>> -> memref<1x64x128xf32, #tpu.memory_space<vmem>>
      %dma_start3A_165 = tpu.memref_squeeze %dma_start3A_164 : memref<1x64x128xf32, #tpu.memory_space<vmem>> -> memref<64x128xf32, #tpu.memory_space<vmem>>
      %dma_start3A_166 = arith.constant 0 : i32
      %dma_start3A_167 = tpu.memref_slice %arg6[%add3A_160, %dma_start3A_166] : memref<160x64xi32, #tpu.memory_space<vmem>> -> memref<1x64xi32, #tpu.memory_space<vmem>>
      %dma_start3A_168 = tpu.memref_squeeze %dma_start3A_167 : memref<1x64xi32, #tpu.memory_space<vmem>> -> memref<64xi32, #tpu.memory_space<vmem>>
      %dma_start3A_169 = arith.constant 0 : i32
      %dma_start3A_170 = arith.constant 0 : i32
      %dma_start3A_171 = tpu.memref_slice %arg2[%dma_start3A_169, %dma_start3A_170] : memref<10240x128xf32, #tpu.memory_space<hbm>> -> memref<10240x128xf32, #tpu.memory_space<hbm>>
      tpu.enqueue_indirect_dma source(%dma_start3A_171 : memref<10240x128xf32, #tpu.memory_space<hbm>>) target(%dma_start3A_165 : memref<64x128xf32, #tpu.memory_space<vmem>>) offsets(%dma_start3A_168 : memref<64xi32, #tpu.memory_space<vmem>>) semaphore(%arg9 : memref<!tpu.dma_semaphore, #tpu.memory_space<semaphore_mem>>)
      %mul3A_172 = arith.constant 2 : i32
      %mul3A_173 = arith.muli %scan3A_140, %mul3A_172 : i32
      %add3A_174 = arith.constant 1 : i32
      %add3A_175 = arith.addi %mul3A_173, %add3A_174 : i32
      %dma_wait3A_176 = arith.constant 1 : i32
      %dma_wait3A_177 = arith.constant 0 : i32
      %dma_wait3A_178 = arith.constant 0 : i32
      %dma_wait3A_179 = tpu.memref_slice %arg7[%dma_wait3A_176, %dma_wait3A_177, %dma_wait3A_178] : memref<2x64x128xf32, #tpu.memory_space<vmem>> -> memref<1x64x128xf32, #tpu.memory_space<vmem>>
      %dma_wait3A_180 = tpu.memref_squeeze %dma_wait3A_179 : memref<1x64x128xf32, #tpu.memory_space<vmem>> -> memref<64x128xf32, #tpu.memory_space<vmem>>
      %dma_wait3A_181 = arith.constant 0 : i32
      %dma_wait3A_182 = tpu.memref_slice %arg6[%add3A_175, %dma_wait3A_181] : memref<160x64xi32, #tpu.memory_space<vmem>> -> memref<1x64xi32, #tpu.memory_space<vmem>>
      %dma_wait3A_183 = tpu.memref_squeeze %dma_wait3A_182 : memref<1x64xi32, #tpu.memory_space<vmem>> -> memref<64xi32, #tpu.memory_space<vmem>>
      %dma_wait3A_184 = arith.constant 0 : i32
      %dma_wait3A_185 = arith.constant 0 : i32
      %dma_wait3A_186 = tpu.memref_slice %arg2[%dma_wait3A_184, %dma_wait3A_185] : memref<10240x128xf32, #tpu.memory_space<hbm>> -> memref<10240x128xf32, #tpu.memory_space<hbm>>
      tpu.wait_indirect_dma semaphore(%arg10 : memref<!tpu.dma_semaphore, #tpu.memory_space<semaphore_mem>>) src(%dma_wait3A_186 : memref<10240x128xf32, #tpu.memory_space<hbm>>) dst(%dma_wait3A_180 : memref<64x128xf32, #tpu.memory_space<vmem>>)
      %add3A_187 = arith.constant 80 : i32
      %add3A_188 = arith.addi %add3A_187, %add3A_175 : i32
      %run_scoped3A_189 = arith.constant 1 : i32
      "tpu.region"() ({
        %run_scoped3A_203 = tpu.sem_alloc : memref<!tpu.dma_semaphore, #tpu.memory_space<semaphore_mem>>
        %dma_start3A_204 = arith.constant 0 : i32
        %dma_start3A_205 = arith.constant 0 : i32
        %dma_start3A_206 = tpu.memref_slice %arg7[%run_scoped3A_189, %dma_start3A_204, %dma_start3A_205] : memref<2x64x128xf32, #tpu.memory_space<vmem>> -> memref<1x64x128xf32, #tpu.memory_space<vmem>>
        %dma_start3A_207 = tpu.memref_squeeze %dma_start3A_206 : memref<1x64x128xf32, #tpu.memory_space<vmem>> -> memref<64x128xf32, #tpu.memory_space<vmem>>
        %dma_start3A_208 = arith.constant 0 : i32
        %dma_start3A_209 = tpu.memref_slice %arg6[%add3A_188, %dma_start3A_208] : memref<160x64xi32, #tpu.memory_space<vmem>> -> memref<1x64xi32, #tpu.memory_space<vmem>>
        %dma_start3A_210 = tpu.memref_squeeze %dma_start3A_209 : memref<1x64xi32, #tpu.memory_space<vmem>> -> memref<64xi32, #tpu.memory_space<vmem>>
        %dma_start3A_211 = arith.constant 0 : i32
        %dma_start3A_212 = arith.constant 0 : i32
        %dma_start3A_213 = tpu.memref_slice %arg8[%dma_start3A_211, %dma_start3A_212] : memref<10240x128xf32, #tpu.memory_space<vmem_shared>> -> memref<10240x128xf32, #tpu.memory_space<vmem_shared>>
        tpu.enqueue_indirect_dma source(%dma_start3A_207 : memref<64x128xf32, #tpu.memory_space<vmem>>) target(%dma_start3A_213 : memref<10240x128xf32, #tpu.memory_space<vmem_shared>>) offsets(%dma_start3A_210 : memref<64xi32, #tpu.memory_space<vmem>>) semaphore(%run_scoped3A_203 : memref<!tpu.dma_semaphore, #tpu.memory_space<semaphore_mem>>) {add = true}
        %dma_wait3A_214 = arith.constant 0 : i32
        %dma_wait3A_215 = arith.constant 0 : i32
        %dma_wait3A_216 = tpu.memref_slice %arg7[%run_scoped3A_189, %dma_wait3A_214, %dma_wait3A_215] : memref<2x64x128xf32, #tpu.memory_space<vmem>> -> memref<1x64x128xf32, #tpu.memory_space<vmem>>
        %dma_wait3A_217 = tpu.memref_squeeze %dma_wait3A_216 : memref<1x64x128xf32, #tpu.memory_space<vmem>> -> memref<64x128xf32, #tpu.memory_space<vmem>>
        %dma_wait3A_218 = arith.constant 0 : i32
        %dma_wait3A_219 = tpu.memref_slice %arg6[%add3A_188, %dma_wait3A_218] : memref<160x64xi32, #tpu.memory_space<vmem>> -> memref<1x64xi32, #tpu.memory_space<vmem>>
        %dma_wait3A_220 = tpu.memref_squeeze %dma_wait3A_219 : memref<1x64xi32, #tpu.memory_space<vmem>> -> memref<64xi32, #tpu.memory_space<vmem>>
        %dma_wait3A_221 = arith.constant 0 : i32
        %dma_wait3A_222 = arith.constant 0 : i32
        %dma_wait3A_223 = tpu.memref_slice %arg8[%dma_wait3A_221, %dma_wait3A_222] : memref<10240x128xf32, #tpu.memory_space<vmem_shared>> -> memref<10240x128xf32, #tpu.memory_space<vmem_shared>>
        tpu.wait_indirect_dma semaphore(%run_scoped3A_203 : memref<!tpu.dma_semaphore, #tpu.memory_space<semaphore_mem>>) src(%dma_wait3A_217 : memref<64x128xf32, #tpu.memory_space<vmem>>) dst(%dma_wait3A_223 : memref<10240x128xf32, #tpu.memory_space<vmem_shared>>)
        tpu.yield
      }) : () -> ()
      %add3A_190 = arith.constant 2 : i32
      %add3A_191 = arith.addi %add3A_175, %add3A_190 : i32
      %dma_start3A_192 = arith.constant 1 : i32
      %dma_start3A_193 = arith.constant 0 : i32
      %dma_start3A_194 = arith.constant 0 : i32
      %dma_start3A_195 = tpu.memref_slice %arg7[%dma_start3A_192, %dma_start3A_193, %dma_start3A_194] : memref<2x64x128xf32, #tpu.memory_space<vmem>> -> memref<1x64x128xf32, #tpu.memory_space<vmem>>
      %dma_start3A_196 = tpu.memref_squeeze %dma_start3A_195 : memref<1x64x128xf32, #tpu.memory_space<vmem>> -> memref<64x128xf32, #tpu.memory_space<vmem>>
      %dma_start3A_197 = arith.constant 0 : i32
      %dma_start3A_198 = tpu.memref_slice %arg6[%add3A_191, %dma_start3A_197] : memref<160x64xi32, #tpu.memory_space<vmem>> -> memref<1x64xi32, #tpu.memory_space<vmem>>
      %dma_start3A_199 = tpu.memref_squeeze %dma_start3A_198 : memref<1x64xi32, #tpu.memory_space<vmem>> -> memref<64xi32, #tpu.memory_space<vmem>>
      %dma_start3A_200 = arith.constant 0 : i32
      %dma_start3A_201 = arith.constant 0 : i32
      %dma_start3A_202 = tpu.memref_slice %arg2[%dma_start3A_200, %dma_start3A_201] : memref<10240x128xf32, #tpu.memory_space<hbm>> -> memref<10240x128xf32, #tpu.memory_space<hbm>>
      tpu.enqueue_indirect_dma source(%dma_start3A_202 : memref<10240x128xf32, #tpu.memory_space<hbm>>) target(%dma_start3A_196 : memref<64x128xf32, #tpu.memory_space<vmem>>) offsets(%dma_start3A_199 : memref<64xi32, #tpu.memory_space<vmem>>) semaphore(%arg10 : memref<!tpu.dma_semaphore, #tpu.memory_space<semaphore_mem>>)
    }
    %scan3A_46 = arith.constant 39 : i32
    %dma_wait3A = arith.constant 78 : i32
    %dma_wait3A_47 = arith.constant 0 : i32
    %dma_wait3A_48 = arith.constant 0 : i32
    %dma_wait3A_49 = arith.constant 0 : i32
    %dma_wait3A_50 = tpu.memref_slice %arg7[%dma_wait3A_47, %dma_wait3A_48, %dma_wait3A_49] : memref<2x64x128xf32, #tpu.memory_space<vmem>> -> memref<1x64x128xf32, #tpu.memory_space<vmem>>
    %dma_wait3A_51 = tpu.memref_squeeze %dma_wait3A_50 : memref<1x64x128xf32, #tpu.memory_space<vmem>> -> memref<64x128xf32, #tpu.memory_space<vmem>>
    %dma_wait3A_52 = arith.constant 0 : i32
    %dma_wait3A_53 = tpu.memref_slice %arg6[%dma_wait3A, %dma_wait3A_52] : memref<160x64xi32, #tpu.memory_space<vmem>> -> memref<1x64xi32, #tpu.memory_space<vmem>>
    %dma_wait3A_54 = tpu.memref_squeeze %dma_wait3A_53 : memref<1x64xi32, #tpu.memory_space<vmem>> -> memref<64xi32, #tpu.memory_space<vmem>>
    %dma_wait3A_55 = arith.constant 0 : i32
    %dma_wait3A_56 = arith.constant 0 : i32
    %dma_wait3A_57 = tpu.memref_slice %arg2[%dma_wait3A_55, %dma_wait3A_56] : memref<10240x128xf32, #tpu.memory_space<hbm>> -> memref<10240x128xf32, #tpu.memory_space<hbm>>
    tpu.wait_indirect_dma semaphore(%arg9 : memref<!tpu.dma_semaphore, #tpu.memory_space<semaphore_mem>>) src(%dma_wait3A_57 : memref<10240x128xf32, #tpu.memory_space<hbm>>) dst(%dma_wait3A_51 : memref<64x128xf32, #tpu.memory_space<vmem>>)
    %run_scoped3A = arith.constant 0 : i32
    %run_scoped3A_58 = arith.constant 158 : i32
    "tpu.region"() ({
      %run_scoped3A_140 = tpu.sem_alloc : memref<!tpu.dma_semaphore, #tpu.memory_space<semaphore_mem>>
      %dma_start3A_141 = arith.constant 0 : i32
      %dma_start3A_142 = arith.constant 0 : i32
      %dma_start3A_143 = tpu.memref_slice %arg7[%run_scoped3A, %dma_start3A_141, %dma_start3A_142] : memref<2x64x128xf32, #tpu.memory_space<vmem>> -> memref<1x64x128xf32, #tpu.memory_space<vmem>>
      %dma_start3A_144 = tpu.memref_squeeze %dma_start3A_143 : memref<1x64x128xf32, #tpu.memory_space<vmem>> -> memref<64x128xf32, #tpu.memory_space<vmem>>
      %dma_start3A_145 = arith.constant 0 : i32
      %dma_start3A_146 = tpu.memref_slice %arg6[%run_scoped3A_58, %dma_start3A_145] : memref<160x64xi32, #tpu.memory_space<vmem>> -> memref<1x64xi32, #tpu.memory_space<vmem>>
      %dma_start3A_147 = tpu.memref_squeeze %dma_start3A_146 : memref<1x64xi32, #tpu.memory_space<vmem>> -> memref<64xi32, #tpu.memory_space<vmem>>
      %dma_start3A_148 = arith.constant 0 : i32
      %dma_start3A_149 = arith.constant 0 : i32
      %dma_start3A_150 = tpu.memref_slice %arg8[%dma_start3A_148, %dma_start3A_149] : memref<10240x128xf32, #tpu.memory_space<vmem_shared>> -> memref<10240x128xf32, #tpu.memory_space<vmem_shared>>
      tpu.enqueue_indirect_dma source(%dma_start3A_144 : memref<64x128xf32, #tpu.memory_space<vmem>>) target(%dma_start3A_150 : memref<10240x128xf32, #tpu.memory_space<vmem_shared>>) offsets(%dma_start3A_147 : memref<64xi32, #tpu.memory_space<vmem>>) semaphore(%run_scoped3A_140 : memref<!tpu.dma_semaphore, #tpu.memory_space<semaphore_mem>>) {add = true}
      %dma_wait3A_151 = arith.constant 0 : i32
      %dma_wait3A_152 = arith.constant 0 : i32
      %dma_wait3A_153 = tpu.memref_slice %arg7[%run_scoped3A, %dma_wait3A_151, %dma_wait3A_152] : memref<2x64x128xf32, #tpu.memory_space<vmem>> -> memref<1x64x128xf32, #tpu.memory_space<vmem>>
      %dma_wait3A_154 = tpu.memref_squeeze %dma_wait3A_153 : memref<1x64x128xf32, #tpu.memory_space<vmem>> -> memref<64x128xf32, #tpu.memory_space<vmem>>
      %dma_wait3A_155 = arith.constant 0 : i32
      %dma_wait3A_156 = tpu.memref_slice %arg6[%run_scoped3A_58, %dma_wait3A_155] : memref<160x64xi32, #tpu.memory_space<vmem>> -> memref<1x64xi32, #tpu.memory_space<vmem>>
      %dma_wait3A_157 = tpu.memref_squeeze %dma_wait3A_156 : memref<1x64xi32, #tpu.memory_space<vmem>> -> memref<64xi32, #tpu.memory_space<vmem>>
      %dma_wait3A_158 = arith.constant 0 : i32
      %dma_wait3A_159 = arith.constant 0 : i32
      %dma_wait3A_160 = tpu.memref_slice %arg8[%dma_wait3A_158, %dma_wait3A_159] : memref<10240x128xf32, #tpu.memory_space<vmem_shared>> -> memref<10240x128xf32, #tpu.memory_space<vmem_shared>>
      tpu.wait_indirect_dma semaphore(%run_scoped3A_140 : memref<!tpu.dma_semaphore, #tpu.memory_space<semaphore_mem>>) src(%dma_wait3A_154 : memref<64x128xf32, #tpu.memory_space<vmem>>) dst(%dma_wait3A_160 : memref<10240x128xf32, #tpu.memory_space<vmem_shared>>)
      tpu.yield
    }) : () -> ()
    %dma_wait3A_59 = arith.constant 79 : i32
    %dma_wait3A_60 = arith.constant 1 : i32
    %dma_wait3A_61 = arith.constant 0 : i32
    %dma_wait3A_62 = arith.constant 0 : i32
    %dma_wait3A_63 = tpu.memref_slice %arg7[%dma_wait3A_60, %dma_wait3A_61, %dma_wait3A_62] : memref<2x64x128xf32, #tpu.memory_space<vmem>> -> memref<1x64x128xf32, #tpu.memory_space<vmem>>
    %dma_wait3A_64 = tpu.memref_squeeze %dma_wait3A_63 : memref<1x64x128xf32, #tpu.memory_space<vmem>> -> memref<64x128xf32, #tpu.memory_space<vmem>>
    %dma_wait3A_65 = arith.constant 0 : i32
    %dma_wait3A_66 = tpu.memref_slice %arg6[%dma_wait3A_59, %dma_wait3A_65] : memref<160x64xi32, #tpu.memory_space<vmem>> -> memref<1x64xi32, #tpu.memory_space<vmem>>
    %dma_wait3A_67 = tpu.memref_squeeze %dma_wait3A_66 : memref<1x64xi32, #tpu.memory_space<vmem>> -> memref<64xi32, #tpu.memory_space<vmem>>
    %dma_wait3A_68 = arith.constant 0 : i32
    %dma_wait3A_69 = arith.constant 0 : i32
    %dma_wait3A_70 = tpu.memref_slice %arg2[%dma_wait3A_68, %dma_wait3A_69] : memref<10240x128xf32, #tpu.memory_space<hbm>> -> memref<10240x128xf32, #tpu.memory_space<hbm>>
    tpu.wait_indirect_dma semaphore(%arg10 : memref<!tpu.dma_semaphore, #tpu.memory_space<semaphore_mem>>) src(%dma_wait3A_70 : memref<10240x128xf32, #tpu.memory_space<hbm>>) dst(%dma_wait3A_64 : memref<64x128xf32, #tpu.memory_space<vmem>>)
    %run_scoped3A_71 = arith.constant 1 : i32
    %run_scoped3A_72 = arith.constant 159 : i32
    "tpu.region"() ({
      %run_scoped3A_140 = tpu.sem_alloc : memref<!tpu.dma_semaphore, #tpu.memory_space<semaphore_mem>>
      %dma_start3A_141 = arith.constant 0 : i32
      %dma_start3A_142 = arith.constant 0 : i32
      %dma_start3A_143 = tpu.memref_slice %arg7[%run_scoped3A_71, %dma_start3A_141, %dma_start3A_142] : memref<2x64x128xf32, #tpu.memory_space<vmem>> -> memref<1x64x128xf32, #tpu.memory_space<vmem>>
      %dma_start3A_144 = tpu.memref_squeeze %dma_start3A_143 : memref<1x64x128xf32, #tpu.memory_space<vmem>> -> memref<64x128xf32, #tpu.memory_space<vmem>>
      %dma_start3A_145 = arith.constant 0 : i32
      %dma_start3A_146 = tpu.memref_slice %arg6[%run_scoped3A_72, %dma_start3A_145] : memref<160x64xi32, #tpu.memory_space<vmem>> -> memref<1x64xi32, #tpu.memory_space<vmem>>
      %dma_start3A_147 = tpu.memref_squeeze %dma_start3A_146 : memref<1x64xi32, #tpu.memory_space<vmem>> -> memref<64xi32, #tpu.memory_space<vmem>>
      %dma_start3A_148 = arith.constant 0 : i32
      %dma_start3A_149 = arith.constant 0 : i32
      %dma_start3A_150 = tpu.memref_slice %arg8[%dma_start3A_148, %dma_start3A_149] : memref<10240x128xf32, #tpu.memory_space<vmem_shared>> -> memref<10240x128xf32, #tpu.memory_space<vmem_shared>>
      tpu.enqueue_indirect_dma source(%dma_start3A_144 : memref<64x128xf32, #tpu.memory_space<vmem>>) target(%dma_start3A_150 : memref<10240x128xf32, #tpu.memory_space<vmem_shared>>) offsets(%dma_start3A_147 : memref<64xi32, #tpu.memory_space<vmem>>) semaphore(%run_scoped3A_140 : memref<!tpu.dma_semaphore, #tpu.memory_space<semaphore_mem>>) {add = true}
      %dma_wait3A_151 = arith.constant 0 : i32
      %dma_wait3A_152 = arith.constant 0 : i32
      %dma_wait3A_153 = tpu.memref_slice %arg7[%run_scoped3A_71, %dma_wait3A_151, %dma_wait3A_152] : memref<2x64x128xf32, #tpu.memory_space<vmem>> -> memref<1x64x128xf32, #tpu.memory_space<vmem>>
      %dma_wait3A_154 = tpu.memref_squeeze %dma_wait3A_153 : memref<1x64x128xf32, #tpu.memory_space<vmem>> -> memref<64x128xf32, #tpu.memory_space<vmem>>
      %dma_wait3A_155 = arith.constant 0 : i32
      %dma_wait3A_156 = tpu.memref_slice %arg6[%run_scoped3A_72, %dma_wait3A_155] : memref<160x64xi32, #tpu.memory_space<vmem>> -> memref<1x64xi32, #tpu.memory_space<vmem>>
      %dma_wait3A_157 = tpu.memref_squeeze %dma_wait3A_156 : memref<1x64xi32, #tpu.memory_space<vmem>> -> memref<64xi32, #tpu.memory_space<vmem>>
      %dma_wait3A_158 = arith.constant 0 : i32
      %dma_wait3A_159 = arith.constant 0 : i32
      %dma_wait3A_160 = tpu.memref_slice %arg8[%dma_wait3A_158, %dma_wait3A_159] : memref<10240x128xf32, #tpu.memory_space<vmem_shared>> -> memref<10240x128xf32, #tpu.memory_space<vmem_shared>>
      tpu.wait_indirect_dma semaphore(%run_scoped3A_140 : memref<!tpu.dma_semaphore, #tpu.memory_space<semaphore_mem>>) src(%dma_wait3A_154 : memref<64x128xf32, #tpu.memory_space<vmem>>) dst(%dma_wait3A_160 : memref<10240x128xf32, #tpu.memory_space<vmem_shared>>)
      tpu.yield
    }) : () -> ()
    %mul3A_73 = arith.constant 160 : i32
    %mul3A_74 = arith.muli %add3A, %mul3A_73 : i32
    %add3A_75 = arith.constant 80 : i32
    %add3A_76 = arith.addi %mul3A_74, %add3A_75 : i32
    "tpu.region"() ({
      %run_scoped3A_140 = tpu.sem_alloc : memref<!tpu.dma_semaphore, #tpu.memory_space<semaphore_mem>>
      %dma_start3A_141 = arith.constant 0 : i32
      %dma_start3A_142 = arith.constant 0 : i32
      %dma_start3A_143 = tpu.memref_slice %arg6[%dma_start3A_141, %dma_start3A_142] : memref<160x64xi32, #tpu.memory_space<vmem>> -> memref<80x64xi32, #tpu.memory_space<vmem>>
      %dma_start3A_144 = arith.constant 0 : i32
      %dma_start3A_145 = tpu.memref_slice %arg3[%add3A_76, %dma_start3A_144] : memref<5120x64xi32, #tpu.memory_space<hbm>> -> memref<80x64xi32, #tpu.memory_space<hbm>>
      %dma_start3A_146 = arith.constant 0 : i32
      %dma_start3A_147 = arith.constant 0 : i32
      %dma_start3A_148 = tpu.memref_slice %arg6[%dma_start3A_146, %dma_start3A_147] : memref<160x64xi32, #tpu.memory_space<vmem>> -> memref<80x64xi32, #tpu.memory_space<vmem>>
      %dma_start3A_149 = arith.constant 0 : i32
      %dma_start3A_150 = tpu.memref_slice %arg3[%add3A_76, %dma_start3A_149] : memref<5120x64xi32, #tpu.memory_space<hbm>> -> memref<80x64xi32, #tpu.memory_space<hbm>>
      tpu.enqueue_dma source(%dma_start3A_150 : memref<80x64xi32, #tpu.memory_space<hbm>>) target(%dma_start3A_148 : memref<80x64xi32, #tpu.memory_space<vmem>>) target_semaphore(%run_scoped3A_140 : memref<!tpu.dma_semaphore, #tpu.memory_space<semaphore_mem>>)
      %dma_wait3A_151 = arith.constant 0 : i32
      %dma_wait3A_152 = arith.constant 0 : i32
      %dma_wait3A_153 = tpu.memref_slice %arg6[%dma_wait3A_151, %dma_wait3A_152] : memref<160x64xi32, #tpu.memory_space<vmem>> -> memref<80x64xi32, #tpu.memory_space<vmem>>
      %dma_wait3A_154 = arith.constant 0 : i32
      %dma_wait3A_155 = tpu.memref_slice %arg3[%add3A_76, %dma_wait3A_154] : memref<5120x64xi32, #tpu.memory_space<hbm>> -> memref<80x64xi32, #tpu.memory_space<hbm>>
      %dma_wait3A_156 = arith.constant 0 : i32
      %dma_wait3A_157 = arith.constant 0 : i32
      %dma_wait3A_158 = tpu.memref_slice %arg6[%dma_wait3A_156, %dma_wait3A_157] : memref<160x64xi32, #tpu.memory_space<vmem>> -> memref<80x64xi32, #tpu.memory_space<vmem>>
      %dma_wait3A_159 = arith.constant 0 : i32
      %dma_wait3A_160 = tpu.memref_slice %arg3[%add3A_76, %dma_wait3A_159] : memref<5120x64xi32, #tpu.memory_space<hbm>> -> memref<80x64xi32, #tpu.memory_space<hbm>>
      tpu.wait_dma2 semaphore(%run_scoped3A_140 : memref<!tpu.dma_semaphore, #tpu.memory_space<semaphore_mem>>) src(%dma_wait3A_160 : memref<80x64xi32, #tpu.memory_space<hbm>>) dst(%dma_wait3A_158 : memref<80x64xi32, #tpu.memory_space<vmem>>)
      tpu.yield
    }) : () -> ()
    "tpu.region"() ({
      %run_scoped3A_140 = tpu.sem_alloc : memref<!tpu.dma_semaphore, #tpu.memory_space<semaphore_mem>>
      %dma_start3A_141 = arith.constant 80 : i32
      %dma_start3A_142 = arith.constant 0 : i32
      %dma_start3A_143 = tpu.memref_slice %arg6[%dma_start3A_141, %dma_start3A_142] : memref<160x64xi32, #tpu.memory_space<vmem>> -> memref<80x64xi32, #tpu.memory_space<vmem>>
      %dma_start3A_144 = arith.constant 0 : i32
      %dma_start3A_145 = tpu.memref_slice %arg4[%add3A_76, %dma_start3A_144] : memref<5120x64xi32, #tpu.memory_space<hbm>> -> memref<80x64xi32, #tpu.memory_space<hbm>>
      %dma_start3A_146 = arith.constant 80 : i32
      %dma_start3A_147 = arith.constant 0 : i32
      %dma_start3A_148 = tpu.memref_slice %arg6[%dma_start3A_146, %dma_start3A_147] : memref<160x64xi32, #tpu.memory_space<vmem>> -> memref<80x64xi32, #tpu.memory_space<vmem>>
      %dma_start3A_149 = arith.constant 0 : i32
      %dma_start3A_150 = tpu.memref_slice %arg4[%add3A_76, %dma_start3A_149] : memref<5120x64xi32, #tpu.memory_space<hbm>> -> memref<80x64xi32, #tpu.memory_space<hbm>>
      tpu.enqueue_dma source(%dma_start3A_150 : memref<80x64xi32, #tpu.memory_space<hbm>>) target(%dma_start3A_148 : memref<80x64xi32, #tpu.memory_space<vmem>>) target_semaphore(%run_scoped3A_140 : memref<!tpu.dma_semaphore, #tpu.memory_space<semaphore_mem>>)
      %dma_wait3A_151 = arith.constant 80 : i32
      %dma_wait3A_152 = arith.constant 0 : i32
      %dma_wait3A_153 = tpu.memref_slice %arg6[%dma_wait3A_151, %dma_wait3A_152] : memref<160x64xi32, #tpu.memory_space<vmem>> -> memref<80x64xi32, #tpu.memory_space<vmem>>
      %dma_wait3A_154 = arith.constant 0 : i32
      %dma_wait3A_155 = tpu.memref_slice %arg4[%add3A_76, %dma_wait3A_154] : memref<5120x64xi32, #tpu.memory_space<hbm>> -> memref<80x64xi32, #tpu.memory_space<hbm>>
      %dma_wait3A_156 = arith.constant 80 : i32
      %dma_wait3A_157 = arith.constant 0 : i32
      %dma_wait3A_158 = tpu.memref_slice %arg6[%dma_wait3A_156, %dma_wait3A_157] : memref<160x64xi32, #tpu.memory_space<vmem>> -> memref<80x64xi32, #tpu.memory_space<vmem>>
      %dma_wait3A_159 = arith.constant 0 : i32
      %dma_wait3A_160 = tpu.memref_slice %arg4[%add3A_76, %dma_wait3A_159] : memref<5120x64xi32, #tpu.memory_space<hbm>> -> memref<80x64xi32, #tpu.memory_space<hbm>>
      tpu.wait_dma2 semaphore(%run_scoped3A_140 : memref<!tpu.dma_semaphore, #tpu.memory_space<semaphore_mem>>) src(%dma_wait3A_160 : memref<80x64xi32, #tpu.memory_space<hbm>>) dst(%dma_wait3A_158 : memref<80x64xi32, #tpu.memory_space<vmem>>)
      tpu.yield
    }) : () -> ()
    %dma_start3A_77 = arith.constant 0 : i32
    %dma_start3A_78 = arith.constant 0 : i32
    %dma_start3A_79 = arith.constant 0 : i32
    %dma_start3A_80 = arith.constant 0 : i32
    %dma_start3A_81 = tpu.memref_slice %arg7[%dma_start3A_78, %dma_start3A_79, %dma_start3A_80] : memref<2x64x128xf32, #tpu.memory_space<vmem>> -> memref<1x64x128xf32, #tpu.memory_space<vmem>>
    %dma_start3A_82 = tpu.memref_squeeze %dma_start3A_81 : memref<1x64x128xf32, #tpu.memory_space<vmem>> -> memref<64x128xf32, #tpu.memory_space<vmem>>
    %dma_start3A_83 = arith.constant 0 : i32
    %dma_start3A_84 = tpu.memref_slice %arg6[%dma_start3A_77, %dma_start3A_83] : memref<160x64xi32, #tpu.memory_space<vmem>> -> memref<1x64xi32, #tpu.memory_space<vmem>>
    %dma_start3A_85 = tpu.memref_squeeze %dma_start3A_84 : memref<1x64xi32, #tpu.memory_space<vmem>> -> memref<64xi32, #tpu.memory_space<vmem>>
    %dma_start3A_86 = arith.constant 0 : i32
    %dma_start3A_87 = arith.constant 0 : i32
    %dma_start3A_88 = tpu.memref_slice %arg2[%dma_start3A_86, %dma_start3A_87] : memref<10240x128xf32, #tpu.memory_space<hbm>> -> memref<10240x128xf32, #tpu.memory_space<hbm>>
    tpu.enqueue_indirect_dma source(%dma_start3A_88 : memref<10240x128xf32, #tpu.memory_space<hbm>>) target(%dma_start3A_82 : memref<64x128xf32, #tpu.memory_space<vmem>>) offsets(%dma_start3A_85 : memref<64xi32, #tpu.memory_space<vmem>>) semaphore(%arg9 : memref<!tpu.dma_semaphore, #tpu.memory_space<semaphore_mem>>)
    %dma_start3A_89 = arith.constant 1 : i32
    %dma_start3A_90 = arith.constant 1 : i32
    %dma_start3A_91 = arith.constant 0 : i32
    %dma_start3A_92 = arith.constant 0 : i32
    %dma_start3A_93 = tpu.memref_slice %arg7[%dma_start3A_90, %dma_start3A_91, %dma_start3A_92] : memref<2x64x128xf32, #tpu.memory_space<vmem>> -> memref<1x64x128xf32, #tpu.memory_space<vmem>>
    %dma_start3A_94 = tpu.memref_squeeze %dma_start3A_93 : memref<1x64x128xf32, #tpu.memory_space<vmem>> -> memref<64x128xf32, #tpu.memory_space<vmem>>
    %dma_start3A_95 = arith.constant 0 : i32
    %dma_start3A_96 = tpu.memref_slice %arg6[%dma_start3A_89, %dma_start3A_95] : memref<160x64xi32, #tpu.memory_space<vmem>> -> memref<1x64xi32, #tpu.memory_space<vmem>>
    %dma_start3A_97 = tpu.memref_squeeze %dma_start3A_96 : memref<1x64xi32, #tpu.memory_space<vmem>> -> memref<64xi32, #tpu.memory_space<vmem>>
    %dma_start3A_98 = arith.constant 0 : i32
    %dma_start3A_99 = arith.constant 0 : i32
    %dma_start3A_100 = tpu.memref_slice %arg2[%dma_start3A_98, %dma_start3A_99] : memref<10240x128xf32, #tpu.memory_space<hbm>> -> memref<10240x128xf32, #tpu.memory_space<hbm>>
    tpu.enqueue_indirect_dma source(%dma_start3A_100 : memref<10240x128xf32, #tpu.memory_space<hbm>>) target(%dma_start3A_94 : memref<64x128xf32, #tpu.memory_space<vmem>>) offsets(%dma_start3A_97 : memref<64xi32, #tpu.memory_space<vmem>>) semaphore(%arg10 : memref<!tpu.dma_semaphore, #tpu.memory_space<semaphore_mem>>)
    %scan3A_101 = arith.constant 0 : i32
    %scan3A_102 = arith.constant 0 : i32
    %scan3A_103 = arith.constant 39 : i32
    %scan3A_104 = arith.addi %scan3A_102, %scan3A_103 : i32
    %scan3A_105 = arith.constant 1 : i32
    scf.for %scan3A_140 = %scan3A_102 to %scan3A_104 step %scan3A_105  : i32 {
      %mul3A_141 = arith.constant 2 : i32
      %mul3A_142 = arith.muli %scan3A_140, %mul3A_141 : i32
      %add3A_143 = arith.constant 0 : i32
      %add3A_144 = arith.addi %mul3A_142, %add3A_143 : i32
      %dma_wait3A_145 = arith.constant 0 : i32
      %dma_wait3A_146 = arith.constant 0 : i32
      %dma_wait3A_147 = arith.constant 0 : i32
      %dma_wait3A_148 = tpu.memref_slice %arg7[%dma_wait3A_145, %dma_wait3A_146, %dma_wait3A_147] : memref<2x64x128xf32, #tpu.memory_space<vmem>> -> memref<1x64x128xf32, #tpu.memory_space<vmem>>
      %dma_wait3A_149 = tpu.memref_squeeze %dma_wait3A_148 : memref<1x64x128xf32, #tpu.memory_space<vmem>> -> memref<64x128xf32, #tpu.memory_space<vmem>>
      %dma_wait3A_150 = arith.constant 0 : i32
      %dma_wait3A_151 = tpu.memref_slice %arg6[%add3A_144, %dma_wait3A_150] : memref<160x64xi32, #tpu.memory_space<vmem>> -> memref<1x64xi32, #tpu.memory_space<vmem>>
      %dma_wait3A_152 = tpu.memref_squeeze %dma_wait3A_151 : memref<1x64xi32, #tpu.memory_space<vmem>> -> memref<64xi32, #tpu.memory_space<vmem>>
      %dma_wait3A_153 = arith.constant 0 : i32
      %dma_wait3A_154 = arith.constant 0 : i32
      %dma_wait3A_155 = tpu.memref_slice %arg2[%dma_wait3A_153, %dma_wait3A_154] : memref<10240x128xf32, #tpu.memory_space<hbm>> -> memref<10240x128xf32, #tpu.memory_space<hbm>>
      tpu.wait_indirect_dma semaphore(%arg9 : memref<!tpu.dma_semaphore, #tpu.memory_space<semaphore_mem>>) src(%dma_wait3A_155 : memref<10240x128xf32, #tpu.memory_space<hbm>>) dst(%dma_wait3A_149 : memref<64x128xf32, #tpu.memory_space<vmem>>)
      %add3A_156 = arith.constant 80 : i32
      %add3A_157 = arith.addi %add3A_156, %add3A_144 : i32
      %run_scoped3A_158 = arith.constant 0 : i32
      "tpu.region"() ({
        %run_scoped3A_203 = tpu.sem_alloc : memref<!tpu.dma_semaphore, #tpu.memory_space<semaphore_mem>>
        %dma_start3A_204 = arith.constant 0 : i32
        %dma_start3A_205 = arith.constant 0 : i32
        %dma_start3A_206 = tpu.memref_slice %arg7[%run_scoped3A_158, %dma_start3A_204, %dma_start3A_205] : memref<2x64x128xf32, #tpu.memory_space<vmem>> -> memref<1x64x128xf32, #tpu.memory_space<vmem>>
        %dma_start3A_207 = tpu.memref_squeeze %dma_start3A_206 : memref<1x64x128xf32, #tpu.memory_space<vmem>> -> memref<64x128xf32, #tpu.memory_space<vmem>>
        %dma_start3A_208 = arith.constant 0 : i32
        %dma_start3A_209 = tpu.memref_slice %arg6[%add3A_157, %dma_start3A_208] : memref<160x64xi32, #tpu.memory_space<vmem>> -> memref<1x64xi32, #tpu.memory_space<vmem>>
        %dma_start3A_210 = tpu.memref_squeeze %dma_start3A_209 : memref<1x64xi32, #tpu.memory_space<vmem>> -> memref<64xi32, #tpu.memory_space<vmem>>
        %dma_start3A_211 = arith.constant 0 : i32
        %dma_start3A_212 = arith.constant 0 : i32
        %dma_start3A_213 = tpu.memref_slice %arg8[%dma_start3A_211, %dma_start3A_212] : memref<10240x128xf32, #tpu.memory_space<vmem_shared>> -> memref<10240x128xf32, #tpu.memory_space<vmem_shared>>
        tpu.enqueue_indirect_dma source(%dma_start3A_207 : memref<64x128xf32, #tpu.memory_space<vmem>>) target(%dma_start3A_213 : memref<10240x128xf32, #tpu.memory_space<vmem_shared>>) offsets(%dma_start3A_210 : memref<64xi32, #tpu.memory_space<vmem>>) semaphore(%run_scoped3A_203 : memref<!tpu.dma_semaphore, #tpu.memory_space<semaphore_mem>>) {add = true}
        %dma_wait3A_214 = arith.constant 0 : i32
        %dma_wait3A_215 = arith.constant 0 : i32
        %dma_wait3A_216 = tpu.memref_slice %arg7[%run_scoped3A_158, %dma_wait3A_214, %dma_wait3A_215] : memref<2x64x128xf32, #tpu.memory_space<vmem>> -> memref<1x64x128xf32, #tpu.memory_space<vmem>>
        %dma_wait3A_217 = tpu.memref_squeeze %dma_wait3A_216 : memref<1x64x128xf32, #tpu.memory_space<vmem>> -> memref<64x128xf32, #tpu.memory_space<vmem>>
        %dma_wait3A_218 = arith.constant 0 : i32
        %dma_wait3A_219 = tpu.memref_slice %arg6[%add3A_157, %dma_wait3A_218] : memref<160x64xi32, #tpu.memory_space<vmem>> -> memref<1x64xi32, #tpu.memory_space<vmem>>
        %dma_wait3A_220 = tpu.memref_squeeze %dma_wait3A_219 : memref<1x64xi32, #tpu.memory_space<vmem>> -> memref<64xi32, #tpu.memory_space<vmem>>
        %dma_wait3A_221 = arith.constant 0 : i32
        %dma_wait3A_222 = arith.constant 0 : i32
        %dma_wait3A_223 = tpu.memref_slice %arg8[%dma_wait3A_221, %dma_wait3A_222] : memref<10240x128xf32, #tpu.memory_space<vmem_shared>> -> memref<10240x128xf32, #tpu.memory_space<vmem_shared>>
        tpu.wait_indirect_dma semaphore(%run_scoped3A_203 : memref<!tpu.dma_semaphore, #tpu.memory_space<semaphore_mem>>) src(%dma_wait3A_217 : memref<64x128xf32, #tpu.memory_space<vmem>>) dst(%dma_wait3A_223 : memref<10240x128xf32, #tpu.memory_space<vmem_shared>>)
        tpu.yield
      }) : () -> ()
      %add3A_159 = arith.constant 2 : i32
      %add3A_160 = arith.addi %add3A_144, %add3A_159 : i32
      %dma_start3A_161 = arith.constant 0 : i32
      %dma_start3A_162 = arith.constant 0 : i32
      %dma_start3A_163 = arith.constant 0 : i32
      %dma_start3A_164 = tpu.memref_slice %arg7[%dma_start3A_161, %dma_start3A_162, %dma_start3A_163] : memref<2x64x128xf32, #tpu.memory_space<vmem>> -> memref<1x64x128xf32, #tpu.memory_space<vmem>>
      %dma_start3A_165 = tpu.memref_squeeze %dma_start3A_164 : memref<1x64x128xf32, #tpu.memory_space<vmem>> -> memref<64x128xf32, #tpu.memory_space<vmem>>
      %dma_start3A_166 = arith.constant 0 : i32
      %dma_start3A_167 = tpu.memref_slice %arg6[%add3A_160, %dma_start3A_166] : memref<160x64xi32, #tpu.memory_space<vmem>> -> memref<1x64xi32, #tpu.memory_space<vmem>>
      %dma_start3A_168 = tpu.memref_squeeze %dma_start3A_167 : memref<1x64xi32, #tpu.memory_space<vmem>> -> memref<64xi32, #tpu.memory_space<vmem>>
      %dma_start3A_169 = arith.constant 0 : i32
      %dma_start3A_170 = arith.constant 0 : i32
      %dma_start3A_171 = tpu.memref_slice %arg2[%dma_start3A_169, %dma_start3A_170] : memref<10240x128xf32, #tpu.memory_space<hbm>> -> memref<10240x128xf32, #tpu.memory_space<hbm>>
      tpu.enqueue_indirect_dma source(%dma_start3A_171 : memref<10240x128xf32, #tpu.memory_space<hbm>>) target(%dma_start3A_165 : memref<64x128xf32, #tpu.memory_space<vmem>>) offsets(%dma_start3A_168 : memref<64xi32, #tpu.memory_space<vmem>>) semaphore(%arg9 : memref<!tpu.dma_semaphore, #tpu.memory_space<semaphore_mem>>)
      %mul3A_172 = arith.constant 2 : i32
      %mul3A_173 = arith.muli %scan3A_140, %mul3A_172 : i32
      %add3A_174 = arith.constant 1 : i32
      %add3A_175 = arith.addi %mul3A_173, %add3A_174 : i32
      %dma_wait3A_176 = arith.constant 1 : i32
      %dma_wait3A_177 = arith.constant 0 : i32
      %dma_wait3A_178 = arith.constant 0 : i32
      %dma_wait3A_179 = tpu.memref_slice %arg7[%dma_wait3A_176, %dma_wait3A_177, %dma_wait3A_178] : memref<2x64x128xf32, #tpu.memory_space<vmem>> -> memref<1x64x128xf32, #tpu.memory_space<vmem>>
      %dma_wait3A_180 = tpu.memref_squeeze %dma_wait3A_179 : memref<1x64x128xf32, #tpu.memory_space<vmem>> -> memref<64x128xf32, #tpu.memory_space<vmem>>
      %dma_wait3A_181 = arith.constant 0 : i32
      %dma_wait3A_182 = tpu.memref_slice %arg6[%add3A_175, %dma_wait3A_181] : memref<160x64xi32, #tpu.memory_space<vmem>> -> memref<1x64xi32, #tpu.memory_space<vmem>>
      %dma_wait3A_183 = tpu.memref_squeeze %dma_wait3A_182 : memref<1x64xi32, #tpu.memory_space<vmem>> -> memref<64xi32, #tpu.memory_space<vmem>>
      %dma_wait3A_184 = arith.constant 0 : i32
      %dma_wait3A_185 = arith.constant 0 : i32
      %dma_wait3A_186 = tpu.memref_slice %arg2[%dma_wait3A_184, %dma_wait3A_185] : memref<10240x128xf32, #tpu.memory_space<hbm>> -> memref<10240x128xf32, #tpu.memory_space<hbm>>
      tpu.wait_indirect_dma semaphore(%arg10 : memref<!tpu.dma_semaphore, #tpu.memory_space<semaphore_mem>>) src(%dma_wait3A_186 : memref<10240x128xf32, #tpu.memory_space<hbm>>) dst(%dma_wait3A_180 : memref<64x128xf32, #tpu.memory_space<vmem>>)
      %add3A_187 = arith.constant 80 : i32
      %add3A_188 = arith.addi %add3A_187, %add3A_175 : i32
      %run_scoped3A_189 = arith.constant 1 : i32
      "tpu.region"() ({
        %run_scoped3A_203 = tpu.sem_alloc : memref<!tpu.dma_semaphore, #tpu.memory_space<semaphore_mem>>
        %dma_start3A_204 = arith.constant 0 : i32
        %dma_start3A_205 = arith.constant 0 : i32
        %dma_start3A_206 = tpu.memref_slice %arg7[%run_scoped3A_189, %dma_start3A_204, %dma_start3A_205] : memref<2x64x128xf32, #tpu.memory_space<vmem>> -> memref<1x64x128xf32, #tpu.memory_space<vmem>>
        %dma_start3A_207 = tpu.memref_squeeze %dma_start3A_206 : memref<1x64x128xf32, #tpu.memory_space<vmem>> -> memref<64x128xf32, #tpu.memory_space<vmem>>
        %dma_start3A_208 = arith.constant 0 : i32
        %dma_start3A_209 = tpu.memref_slice %arg6[%add3A_188, %dma_start3A_208] : memref<160x64xi32, #tpu.memory_space<vmem>> -> memref<1x64xi32, #tpu.memory_space<vmem>>
        %dma_start3A_210 = tpu.memref_squeeze %dma_start3A_209 : memref<1x64xi32, #tpu.memory_space<vmem>> -> memref<64xi32, #tpu.memory_space<vmem>>
        %dma_start3A_211 = arith.constant 0 : i32
        %dma_start3A_212 = arith.constant 0 : i32
        %dma_start3A_213 = tpu.memref_slice %arg8[%dma_start3A_211, %dma_start3A_212] : memref<10240x128xf32, #tpu.memory_space<vmem_shared>> -> memref<10240x128xf32, #tpu.memory_space<vmem_shared>>
        tpu.enqueue_indirect_dma source(%dma_start3A_207 : memref<64x128xf32, #tpu.memory_space<vmem>>) target(%dma_start3A_213 : memref<10240x128xf32, #tpu.memory_space<vmem_shared>>) offsets(%dma_start3A_210 : memref<64xi32, #tpu.memory_space<vmem>>) semaphore(%run_scoped3A_203 : memref<!tpu.dma_semaphore, #tpu.memory_space<semaphore_mem>>) {add = true}
        %dma_wait3A_214 = arith.constant 0 : i32
        %dma_wait3A_215 = arith.constant 0 : i32
        %dma_wait3A_216 = tpu.memref_slice %arg7[%run_scoped3A_189, %dma_wait3A_214, %dma_wait3A_215] : memref<2x64x128xf32, #tpu.memory_space<vmem>> -> memref<1x64x128xf32, #tpu.memory_space<vmem>>
        %dma_wait3A_217 = tpu.memref_squeeze %dma_wait3A_216 : memref<1x64x128xf32, #tpu.memory_space<vmem>> -> memref<64x128xf32, #tpu.memory_space<vmem>>
        %dma_wait3A_218 = arith.constant 0 : i32
        %dma_wait3A_219 = tpu.memref_slice %arg6[%add3A_188, %dma_wait3A_218] : memref<160x64xi32, #tpu.memory_space<vmem>> -> memref<1x64xi32, #tpu.memory_space<vmem>>
        %dma_wait3A_220 = tpu.memref_squeeze %dma_wait3A_219 : memref<1x64xi32, #tpu.memory_space<vmem>> -> memref<64xi32, #tpu.memory_space<vmem>>
        %dma_wait3A_221 = arith.constant 0 : i32
        %dma_wait3A_222 = arith.constant 0 : i32
        %dma_wait3A_223 = tpu.memref_slice %arg8[%dma_wait3A_221, %dma_wait3A_222] : memref<10240x128xf32, #tpu.memory_space<vmem_shared>> -> memref<10240x128xf32, #tpu.memory_space<vmem_shared>>
        tpu.wait_indirect_dma semaphore(%run_scoped3A_203 : memref<!tpu.dma_semaphore, #tpu.memory_space<semaphore_mem>>) src(%dma_wait3A_217 : memref<64x128xf32, #tpu.memory_space<vmem>>) dst(%dma_wait3A_223 : memref<10240x128xf32, #tpu.memory_space<vmem_shared>>)
        tpu.yield
      }) : () -> ()
      %add3A_190 = arith.constant 2 : i32
      %add3A_191 = arith.addi %add3A_175, %add3A_190 : i32
      %dma_start3A_192 = arith.constant 1 : i32
      %dma_start3A_193 = arith.constant 0 : i32
      %dma_start3A_194 = arith.constant 0 : i32
      %dma_start3A_195 = tpu.memref_slice %arg7[%dma_start3A_192, %dma_start3A_193, %dma_start3A_194] : memref<2x64x128xf32, #tpu.memory_space<vmem>> -> memref<1x64x128xf32, #tpu.memory_space<vmem>>
      %dma_start3A_196 = tpu.memref_squeeze %dma_start3A_195 : memref<1x64x128xf32, #tpu.memory_space<vmem>> -> memref<64x128xf32, #tpu.memory_space<vmem>>
      %dma_start3A_197 = arith.constant 0 : i32
      %dma_start3A_198 = tpu.memref_slice %arg6[%add3A_191, %dma_start3A_197] : memref<160x64xi32, #tpu.memory_space<vmem>> -> memref<1x64xi32, #tpu.memory_space<vmem>>
      %dma_start3A_199 = tpu.memref_squeeze %dma_start3A_198 : memref<1x64xi32, #tpu.memory_space<vmem>> -> memref<64xi32, #tpu.memory_space<vmem>>
      %dma_start3A_200 = arith.constant 0 : i32
      %dma_start3A_201 = arith.constant 0 : i32
      %dma_start3A_202 = tpu.memref_slice %arg2[%dma_start3A_200, %dma_start3A_201] : memref<10240x128xf32, #tpu.memory_space<hbm>> -> memref<10240x128xf32, #tpu.memory_space<hbm>>
      tpu.enqueue_indirect_dma source(%dma_start3A_202 : memref<10240x128xf32, #tpu.memory_space<hbm>>) target(%dma_start3A_196 : memref<64x128xf32, #tpu.memory_space<vmem>>) offsets(%dma_start3A_199 : memref<64xi32, #tpu.memory_space<vmem>>) semaphore(%arg10 : memref<!tpu.dma_semaphore, #tpu.memory_space<semaphore_mem>>)
    }
    %scan3A_106 = arith.constant 39 : i32
    %dma_wait3A_107 = arith.constant 78 : i32
    %dma_wait3A_108 = arith.constant 0 : i32
    %dma_wait3A_109 = arith.constant 0 : i32
    %dma_wait3A_110 = arith.constant 0 : i32
    %dma_wait3A_111 = tpu.memref_slice %arg7[%dma_wait3A_108, %dma_wait3A_109, %dma_wait3A_110] : memref<2x64x128xf32, #tpu.memory_space<vmem>> -> memref<1x64x128xf32, #tpu.memory_space<vmem>>
    %dma_wait3A_112 = tpu.memref_squeeze %dma_wait3A_111 : memref<1x64x128xf32, #tpu.memory_space<vmem>> -> memref<64x128xf32, #tpu.memory_space<vmem>>
    %dma_wait3A_113 = arith.constant 0 : i32
    %dma_wait3A_114 = tpu.memref_slice %arg6[%dma_wait3A_107, %dma_wait3A_113] : memref<160x64xi32, #tpu.memory_space<vmem>> -> memref<1x64xi32, #tpu.memory_space<vmem>>
    %dma_wait3A_115 = tpu.memref_squeeze %dma_wait3A_114 : memref<1x64xi32, #tpu.memory_space<vmem>> -> memref<64xi32, #tpu.memory_space<vmem>>
    %dma_wait3A_116 = arith.constant 0 : i32
    %dma_wait3A_117 = arith.constant 0 : i32
    %dma_wait3A_118 = tpu.memref_slice %arg2[%dma_wait3A_116, %dma_wait3A_117] : memref<10240x128xf32, #tpu.memory_space<hbm>> -> memref<10240x128xf32, #tpu.memory_space<hbm>>
    tpu.wait_indirect_dma semaphore(%arg9 : memref<!tpu.dma_semaphore, #tpu.memory_space<semaphore_mem>>) src(%dma_wait3A_118 : memref<10240x128xf32, #tpu.memory_space<hbm>>) dst(%dma_wait3A_112 : memref<64x128xf32, #tpu.memory_space<vmem>>)
    %run_scoped3A_119 = arith.constant 0 : i32
    %run_scoped3A_120 = arith.constant 158 : i32
    "tpu.region"() ({
      %run_scoped3A_140 = tpu.sem_alloc : memref<!tpu.dma_semaphore, #tpu.memory_space<semaphore_mem>>
      %dma_start3A_141 = arith.constant 0 : i32
      %dma_start3A_142 = arith.constant 0 : i32
      %dma_start3A_143 = tpu.memref_slice %arg7[%run_scoped3A_119, %dma_start3A_141, %dma_start3A_142] : memref<2x64x128xf32, #tpu.memory_space<vmem>> -> memref<1x64x128xf32, #tpu.memory_space<vmem>>
      %dma_start3A_144 = tpu.memref_squeeze %dma_start3A_143 : memref<1x64x128xf32, #tpu.memory_space<vmem>> -> memref<64x128xf32, #tpu.memory_space<vmem>>
      %dma_start3A_145 = arith.constant 0 : i32
      %dma_start3A_146 = tpu.memref_slice %arg6[%run_scoped3A_120, %dma_start3A_145] : memref<160x64xi32, #tpu.memory_space<vmem>> -> memref<1x64xi32, #tpu.memory_space<vmem>>
      %dma_start3A_147 = tpu.memref_squeeze %dma_start3A_146 : memref<1x64xi32, #tpu.memory_space<vmem>> -> memref<64xi32, #tpu.memory_space<vmem>>
      %dma_start3A_148 = arith.constant 0 : i32
      %dma_start3A_149 = arith.constant 0 : i32
      %dma_start3A_150 = tpu.memref_slice %arg8[%dma_start3A_148, %dma_start3A_149] : memref<10240x128xf32, #tpu.memory_space<vmem_shared>> -> memref<10240x128xf32, #tpu.memory_space<vmem_shared>>
      tpu.enqueue_indirect_dma source(%dma_start3A_144 : memref<64x128xf32, #tpu.memory_space<vmem>>) target(%dma_start3A_150 : memref<10240x128xf32, #tpu.memory_space<vmem_shared>>) offsets(%dma_start3A_147 : memref<64xi32, #tpu.memory_space<vmem>>) semaphore(%run_scoped3A_140 : memref<!tpu.dma_semaphore, #tpu.memory_space<semaphore_mem>>) {add = true}
      %dma_wait3A_151 = arith.constant 0 : i32
      %dma_wait3A_152 = arith.constant 0 : i32
      %dma_wait3A_153 = tpu.memref_slice %arg7[%run_scoped3A_119, %dma_wait3A_151, %dma_wait3A_152] : memref<2x64x128xf32, #tpu.memory_space<vmem>> -> memref<1x64x128xf32, #tpu.memory_space<vmem>>
      %dma_wait3A_154 = tpu.memref_squeeze %dma_wait3A_153 : memref<1x64x128xf32, #tpu.memory_space<vmem>> -> memref<64x128xf32, #tpu.memory_space<vmem>>
      %dma_wait3A_155 = arith.constant 0 : i32
      %dma_wait3A_156 = tpu.memref_slice %arg6[%run_scoped3A_120, %dma_wait3A_155] : memref<160x64xi32, #tpu.memory_space<vmem>> -> memref<1x64xi32, #tpu.memory_space<vmem>>
      %dma_wait3A_157 = tpu.memref_squeeze %dma_wait3A_156 : memref<1x64xi32, #tpu.memory_space<vmem>> -> memref<64xi32, #tpu.memory_space<vmem>>
      %dma_wait3A_158 = arith.constant 0 : i32
      %dma_wait3A_159 = arith.constant 0 : i32
      %dma_wait3A_160 = tpu.memref_slice %arg8[%dma_wait3A_158, %dma_wait3A_159] : memref<10240x128xf32, #tpu.memory_space<vmem_shared>> -> memref<10240x128xf32, #tpu.memory_space<vmem_shared>>
      tpu.wait_indirect_dma semaphore(%run_scoped3A_140 : memref<!tpu.dma_semaphore, #tpu.memory_space<semaphore_mem>>) src(%dma_wait3A_154 : memref<64x128xf32, #tpu.memory_space<vmem>>) dst(%dma_wait3A_160 : memref<10240x128xf32, #tpu.memory_space<vmem_shared>>)
      tpu.yield
    }) : () -> ()
    %dma_wait3A_121 = arith.constant 79 : i32
    %dma_wait3A_122 = arith.constant 1 : i32
    %dma_wait3A_123 = arith.constant 0 : i32
    %dma_wait3A_124 = arith.constant 0 : i32
    %dma_wait3A_125 = tpu.memref_slice %arg7[%dma_wait3A_122, %dma_wait3A_123, %dma_wait3A_124] : memref<2x64x128xf32, #tpu.memory_space<vmem>> -> memref<1x64x128xf32, #tpu.memory_space<vmem>>
    %dma_wait3A_126 = tpu.memref_squeeze %dma_wait3A_125 : memref<1x64x128xf32, #tpu.memory_space<vmem>> -> memref<64x128xf32, #tpu.memory_space<vmem>>
    %dma_wait3A_127 = arith.constant 0 : i32
    %dma_wait3A_128 = tpu.memref_slice %arg6[%dma_wait3A_121, %dma_wait3A_127] : memref<160x64xi32, #tpu.memory_space<vmem>> -> memref<1x64xi32, #tpu.memory_space<vmem>>
    %dma_wait3A_129 = tpu.memref_squeeze %dma_wait3A_128 : memref<1x64xi32, #tpu.memory_space<vmem>> -> memref<64xi32, #tpu.memory_space<vmem>>
    %dma_wait3A_130 = arith.constant 0 : i32
    %dma_wait3A_131 = arith.constant 0 : i32
    %dma_wait3A_132 = tpu.memref_slice %arg2[%dma_wait3A_130, %dma_wait3A_131] : memref<10240x128xf32, #tpu.memory_space<hbm>> -> memref<10240x128xf32, #tpu.memory_space<hbm>>
    tpu.wait_indirect_dma semaphore(%arg10 : memref<!tpu.dma_semaphore, #tpu.memory_space<semaphore_mem>>) src(%dma_wait3A_132 : memref<10240x128xf32, #tpu.memory_space<hbm>>) dst(%dma_wait3A_126 : memref<64x128xf32, #tpu.memory_space<vmem>>)
    %run_scoped3A_133 = arith.constant 1 : i32
    %run_scoped3A_134 = arith.constant 159 : i32
    "tpu.region"() ({
      %run_scoped3A_140 = tpu.sem_alloc : memref<!tpu.dma_semaphore, #tpu.memory_space<semaphore_mem>>
      %dma_start3A_141 = arith.constant 0 : i32
      %dma_start3A_142 = arith.constant 0 : i32
      %dma_start3A_143 = tpu.memref_slice %arg7[%run_scoped3A_133, %dma_start3A_141, %dma_start3A_142] : memref<2x64x128xf32, #tpu.memory_space<vmem>> -> memref<1x64x128xf32, #tpu.memory_space<vmem>>
      %dma_start3A_144 = tpu.memref_squeeze %dma_start3A_143 : memref<1x64x128xf32, #tpu.memory_space<vmem>> -> memref<64x128xf32, #tpu.memory_space<vmem>>
      %dma_start3A_145 = arith.constant 0 : i32
      %dma_start3A_146 = tpu.memref_slice %arg6[%run_scoped3A_134, %dma_start3A_145] : memref<160x64xi32, #tpu.memory_space<vmem>> -> memref<1x64xi32, #tpu.memory_space<vmem>>
      %dma_start3A_147 = tpu.memref_squeeze %dma_start3A_146 : memref<1x64xi32, #tpu.memory_space<vmem>> -> memref<64xi32, #tpu.memory_space<vmem>>
      %dma_start3A_148 = arith.constant 0 : i32
      %dma_start3A_149 = arith.constant 0 : i32
      %dma_start3A_150 = tpu.memref_slice %arg8[%dma_start3A_148, %dma_start3A_149] : memref<10240x128xf32, #tpu.memory_space<vmem_shared>> -> memref<10240x128xf32, #tpu.memory_space<vmem_shared>>
      tpu.enqueue_indirect_dma source(%dma_start3A_144 : memref<64x128xf32, #tpu.memory_space<vmem>>) target(%dma_start3A_150 : memref<10240x128xf32, #tpu.memory_space<vmem_shared>>) offsets(%dma_start3A_147 : memref<64xi32, #tpu.memory_space<vmem>>) semaphore(%run_scoped3A_140 : memref<!tpu.dma_semaphore, #tpu.memory_space<semaphore_mem>>) {add = true}
      %dma_wait3A_151 = arith.constant 0 : i32
      %dma_wait3A_152 = arith.constant 0 : i32
      %dma_wait3A_153 = tpu.memref_slice %arg7[%run_scoped3A_133, %dma_wait3A_151, %dma_wait3A_152] : memref<2x64x128xf32, #tpu.memory_space<vmem>> -> memref<1x64x128xf32, #tpu.memory_space<vmem>>
      %dma_wait3A_154 = tpu.memref_squeeze %dma_wait3A_153 : memref<1x64x128xf32, #tpu.memory_space<vmem>> -> memref<64x128xf32, #tpu.memory_space<vmem>>
      %dma_wait3A_155 = arith.constant 0 : i32
      %dma_wait3A_156 = tpu.memref_slice %arg6[%run_scoped3A_134, %dma_wait3A_155] : memref<160x64xi32, #tpu.memory_space<vmem>> -> memref<1x64xi32, #tpu.memory_space<vmem>>
      %dma_wait3A_157 = tpu.memref_squeeze %dma_wait3A_156 : memref<1x64xi32, #tpu.memory_space<vmem>> -> memref<64xi32, #tpu.memory_space<vmem>>
      %dma_wait3A_158 = arith.constant 0 : i32
      %dma_wait3A_159 = arith.constant 0 : i32
      %dma_wait3A_160 = tpu.memref_slice %arg8[%dma_wait3A_158, %dma_wait3A_159] : memref<10240x128xf32, #tpu.memory_space<vmem_shared>> -> memref<10240x128xf32, #tpu.memory_space<vmem_shared>>
      tpu.wait_indirect_dma semaphore(%run_scoped3A_140 : memref<!tpu.dma_semaphore, #tpu.memory_space<semaphore_mem>>) src(%dma_wait3A_154 : memref<64x128xf32, #tpu.memory_space<vmem>>) dst(%dma_wait3A_160 : memref<10240x128xf32, #tpu.memory_space<vmem_shared>>)
      tpu.yield
    }) : () -> ()
    %barrier3A_135 = arith.constant 0 : index
    tpu.barrier barrier_id(%barrier3A_135)
    %mul3A_136 = arith.constant 640 : i32
    %mul3A_137 = arith.muli %arg1, %mul3A_136 : i32
    %mul3A_138 = arith.constant 640 : i32
    %mul3A_139 = arith.muli %arg1, %mul3A_138 : i32
    "tpu.region"() ({
      %run_scoped3A_140 = tpu.sem_alloc : memref<!tpu.dma_semaphore, #tpu.memory_space<semaphore_mem>>
      %dma_start3A_141 = arith.constant 0 : i32
      %dma_start3A_142 = tpu.memref_slice %arg5[%arg0, %mul3A_139, %dma_start3A_141] : memref<2x10240x128xf32, #tpu.memory_space<hbm>> -> memref<1x640x128xf32, #tpu.memory_space<hbm>>
      %dma_start3A_143 = tpu.memref_squeeze %dma_start3A_142 : memref<1x640x128xf32, #tpu.memory_space<hbm>> -> memref<640x128xf32, #tpu.memory_space<hbm>>
      %dma_start3A_144 = arith.constant 0 : i32
      %dma_start3A_145 = tpu.memref_slice %arg8[%mul3A_137, %dma_start3A_144] : memref<10240x128xf32, #tpu.memory_space<vmem_shared>> -> memref<640x128xf32, #tpu.memory_space<vmem_shared>>
      tpu.enqueue_dma source(%dma_start3A_145 : memref<640x128xf32, #tpu.memory_space<vmem_shared>>) target(%dma_start3A_143 : memref<640x128xf32, #tpu.memory_space<hbm>>) target_semaphore(%run_scoped3A_140 : memref<!tpu.dma_semaphore, #tpu.memory_space<semaphore_mem>>)
      %dma_wait3A_146 = arith.constant 0 : i32
      %dma_wait3A_147 = tpu.memref_slice %arg5[%arg0, %mul3A_139, %dma_wait3A_146] : memref<2x10240x128xf32, #tpu.memory_space<hbm>> -> memref<1x640x128xf32, #tpu.memory_space<hbm>>
      %dma_wait3A_148 = tpu.memref_squeeze %dma_wait3A_147 : memref<1x640x128xf32, #tpu.memory_space<hbm>> -> memref<640x128xf32, #tpu.memory_space<hbm>>
      %dma_wait3A_149 = arith.constant 0 : i32
      %dma_wait3A_150 = tpu.memref_slice %arg8[%mul3A_137, %dma_wait3A_149] : memref<10240x128xf32, #tpu.memory_space<vmem_shared>> -> memref<640x128xf32, #tpu.memory_space<vmem_shared>>
      tpu.wait_dma2 semaphore(%run_scoped3A_140 : memref<!tpu.dma_semaphore, #tpu.memory_space<semaphore_mem>>) src(%dma_wait3A_150 : memref<640x128xf32, #tpu.memory_space<vmem_shared>>) dst(%dma_wait3A_148 : memref<640x128xf32, #tpu.memory_space<hbm>>)
      tpu.yield
    }) : () -> ()
    return
  }
}

#map = affine_map<(d0, d1) -> (0, 0)>
#map1 = affine_map<(d0, d1) -> (0, 0, 0)>
module attributes {stable_mosaic.version = 14 : i64} {
  func.func @_sc_scatter_linear(%arg0: i32, %arg1: i32, %arg2: memref<327680x128xf32, #tpu.memory_space<hbm>>, %arg3: memref<5120x64xi32, #tpu.memory_space<hbm>>, %arg4: memref<2x10240x128xf32, #tpu.memory_space<hbm>>, %arg5: memref<160x64xi32, #tpu.memory_space<vmem>>, %arg6: memref<2x64x128xf32, #tpu.memory_space<vmem>>, %arg7: memref<10240x128xf32, #tpu.memory_space<vmem_shared>>, %arg8: memref<!tpu.dma_semaphore, #tpu.memory_space<semaphore_mem>>, %arg9: memref<!tpu.dma_semaphore, #tpu.memory_space<semaphore_mem>>) attributes {dimension_semantics = [#tpu.dimension_semantics<core_parallel>, #tpu.dimension_semantics<subcore_parallel>], iteration_bounds = array<i64: 2, 16>, scalar_prefetch = 0 : i64, scratch_operands = 5 : i64, tpu.core_type = #tpu.core_type<sc_vector_subcore>, window_params = [{transform_indices = #map}, {transform_indices = #map}, {transform_indices = #map1}]} {
    %mul3A = arith.constant 16 : i32
    %mul3A_0 = arith.muli %arg0, %mul3A : i32
    %add3A = arith.addi %mul3A_0, %arg1 : i32
    %broadcast_in_dim3A = arith.constant 0.000000e+00 : f32
    %broadcast_in_dim3A_1 = vector.broadcast %broadcast_in_dim3A : f32 to vector<16xf32>
    %scan3A = arith.constant 0 : i32
    %scan3A_2 = arith.constant 0 : i32
    %scan3A_3 = arith.constant 0 : i32
    %scan3A_4 = arith.constant 64 : i32
    %scan3A_5 = arith.addi %scan3A_3, %scan3A_4 : i32
    %scan3A_6 = arith.constant 1 : i32
    scf.for %scan3A_104 = %scan3A_3 to %scan3A_5 step %scan3A_6  : i32 {
      %swap3A = arith.constant 0 : i32
      %swap3A_105 = arith.constant 0 : i32
      %swap3A_106 = tpu.memref_slice %arg6[%scan3A_2, %swap3A, %swap3A_105] : memref<2x64x128xf32, #tpu.memory_space<vmem>> -> memref<1x64x128xf32, #tpu.memory_space<vmem>>
      %swap3A_107 = tpu.memref_squeeze %swap3A_106 : memref<1x64x128xf32, #tpu.memory_space<vmem>> -> memref<64x128xf32, #tpu.memory_space<vmem>>
      %swap3A_108 = arith.index_cast %scan3A_104 : i32 to index
      %swap3A_109 = arith.constant 0 : index
      %swap3A_110 = tpu.vector_load %swap3A_107[%swap3A_108, %swap3A_109] {strides = array<i32>} : memref<64x128xf32, #tpu.memory_space<vmem>>, vector<1x16xf32>,
      %swap3A_111 = vector.shape_cast %swap3A_110 : vector<1x16xf32> to vector<16xf32>
      %swap3A_112 = vector.shape_cast %broadcast_in_dim3A_1 : vector<16xf32> to vector<1x16xf32>
      tpu.vector_store %swap3A_107[%swap3A_108, %swap3A_109], %swap3A_112 {strides = array<i32>} : memref<64x128xf32, #tpu.memory_space<vmem>>, vector<1x16xf32>,
      %swap3A_113 = arith.constant 0 : i32
      %swap3A_114 = arith.constant 0 : i32
      %swap3A_115 = tpu.memref_slice %arg6[%scan3A_2, %swap3A_113, %swap3A_114] : memref<2x64x128xf32, #tpu.memory_space<vmem>> -> memref<1x64x128xf32, #tpu.memory_space<vmem>>
      %swap3A_116 = tpu.memref_squeeze %swap3A_115 : memref<1x64x128xf32, #tpu.memory_space<vmem>> -> memref<64x128xf32, #tpu.memory_space<vmem>>
      %swap3A_117 = arith.index_cast %scan3A_104 : i32 to index
      %swap3A_118 = arith.constant 16 : index
      %swap3A_119 = tpu.vector_load %swap3A_116[%swap3A_117, %swap3A_118] {strides = array<i32>} : memref<64x128xf32, #tpu.memory_space<vmem>>, vector<1x16xf32>,
      %swap3A_120 = vector.shape_cast %swap3A_119 : vector<1x16xf32> to vector<16xf32>
      %swap3A_121 = vector.shape_cast %broadcast_in_dim3A_1 : vector<16xf32> to vector<1x16xf32>
      tpu.vector_store %swap3A_116[%swap3A_117, %swap3A_118], %swap3A_121 {strides = array<i32>} : memref<64x128xf32, #tpu.memory_space<vmem>>, vector<1x16xf32>,
      %swap3A_122 = arith.constant 0 : i32
      %swap3A_123 = arith.constant 0 : i32
      %swap3A_124 = tpu.memref_slice %arg6[%scan3A_2, %swap3A_122, %swap3A_123] : memref<2x64x128xf32, #tpu.memory_space<vmem>> -> memref<1x64x128xf32, #tpu.memory_space<vmem>>
      %swap3A_125 = tpu.memref_squeeze %swap3A_124 : memref<1x64x128xf32, #tpu.memory_space<vmem>> -> memref<64x128xf32, #tpu.memory_space<vmem>>
      %swap3A_126 = arith.index_cast %scan3A_104 : i32 to index
      %swap3A_127 = arith.constant 32 : index
      %swap3A_128 = tpu.vector_load %swap3A_125[%swap3A_126, %swap3A_127] {strides = array<i32>} : memref<64x128xf32, #tpu.memory_space<vmem>>, vector<1x16xf32>,
      %swap3A_129 = vector.shape_cast %swap3A_128 : vector<1x16xf32> to vector<16xf32>
      %swap3A_130 = vector.shape_cast %broadcast_in_dim3A_1 : vector<16xf32> to vector<1x16xf32>
      tpu.vector_store %swap3A_125[%swap3A_126, %swap3A_127], %swap3A_130 {strides = array<i32>} : memref<64x128xf32, #tpu.memory_space<vmem>>, vector<1x16xf32>,
      %swap3A_131 = arith.constant 0 : i32
      %swap3A_132 = arith.constant 0 : i32
      %swap3A_133 = tpu.memref_slice %arg6[%scan3A_2, %swap3A_131, %swap3A_132] : memref<2x64x128xf32, #tpu.memory_space<vmem>> -> memref<1x64x128xf32, #tpu.memory_space<vmem>>
      %swap3A_134 = tpu.memref_squeeze %swap3A_133 : memref<1x64x128xf32, #tpu.memory_space<vmem>> -> memref<64x128xf32, #tpu.memory_space<vmem>>
      %swap3A_135 = arith.index_cast %scan3A_104 : i32 to index
      %swap3A_136 = arith.constant 48 : index
      %swap3A_137 = tpu.vector_load %swap3A_134[%swap3A_135, %swap3A_136] {strides = array<i32>} : memref<64x128xf32, #tpu.memory_space<vmem>>, vector<1x16xf32>,
      %swap3A_138 = vector.shape_cast %swap3A_137 : vector<1x16xf32> to vector<16xf32>
      %swap3A_139 = vector.shape_cast %broadcast_in_dim3A_1 : vector<16xf32> to vector<1x16xf32>
      tpu.vector_store %swap3A_134[%swap3A_135, %swap3A_136], %swap3A_139 {strides = array<i32>} : memref<64x128xf32, #tpu.memory_space<vmem>>, vector<1x16xf32>,
      %swap3A_140 = arith.constant 0 : i32
      %swap3A_141 = arith.constant 0 : i32
      %swap3A_142 = tpu.memref_slice %arg6[%scan3A_2, %swap3A_140, %swap3A_141] : memref<2x64x128xf32, #tpu.memory_space<vmem>> -> memref<1x64x128xf32, #tpu.memory_space<vmem>>
      %swap3A_143 = tpu.memref_squeeze %swap3A_142 : memref<1x64x128xf32, #tpu.memory_space<vmem>> -> memref<64x128xf32, #tpu.memory_space<vmem>>
      %swap3A_144 = arith.index_cast %scan3A_104 : i32 to index
      %swap3A_145 = arith.constant 64 : index
      %swap3A_146 = tpu.vector_load %swap3A_143[%swap3A_144, %swap3A_145] {strides = array<i32>} : memref<64x128xf32, #tpu.memory_space<vmem>>, vector<1x16xf32>,
      %swap3A_147 = vector.shape_cast %swap3A_146 : vector<1x16xf32> to vector<16xf32>
      %swap3A_148 = vector.shape_cast %broadcast_in_dim3A_1 : vector<16xf32> to vector<1x16xf32>
      tpu.vector_store %swap3A_143[%swap3A_144, %swap3A_145], %swap3A_148 {strides = array<i32>} : memref<64x128xf32, #tpu.memory_space<vmem>>, vector<1x16xf32>,
      %swap3A_149 = arith.constant 0 : i32
      %swap3A_150 = arith.constant 0 : i32
      %swap3A_151 = tpu.memref_slice %arg6[%scan3A_2, %swap3A_149, %swap3A_150] : memref<2x64x128xf32, #tpu.memory_space<vmem>> -> memref<1x64x128xf32, #tpu.memory_space<vmem>>
      %swap3A_152 = tpu.memref_squeeze %swap3A_151 : memref<1x64x128xf32, #tpu.memory_space<vmem>> -> memref<64x128xf32, #tpu.memory_space<vmem>>
      %swap3A_153 = arith.index_cast %scan3A_104 : i32 to index
      %swap3A_154 = arith.constant 80 : index
      %swap3A_155 = tpu.vector_load %swap3A_152[%swap3A_153, %swap3A_154] {strides = array<i32>} : memref<64x128xf32, #tpu.memory_space<vmem>>, vector<1x16xf32>,
      %swap3A_156 = vector.shape_cast %swap3A_155 : vector<1x16xf32> to vector<16xf32>
      %swap3A_157 = vector.shape_cast %broadcast_in_dim3A_1 : vector<16xf32> to vector<1x16xf32>
      tpu.vector_store %swap3A_152[%swap3A_153, %swap3A_154], %swap3A_157 {strides = array<i32>} : memref<64x128xf32, #tpu.memory_space<vmem>>, vector<1x16xf32>,
      %swap3A_158 = arith.constant 0 : i32
      %swap3A_159 = arith.constant 0 : i32
      %swap3A_160 = tpu.memref_slice %arg6[%scan3A_2, %swap3A_158, %swap3A_159] : memref<2x64x128xf32, #tpu.memory_space<vmem>> -> memref<1x64x128xf32, #tpu.memory_space<vmem>>
      %swap3A_161 = tpu.memref_squeeze %swap3A_160 : memref<1x64x128xf32, #tpu.memory_space<vmem>> -> memref<64x128xf32, #tpu.memory_space<vmem>>
      %swap3A_162 = arith.index_cast %scan3A_104 : i32 to index
      %swap3A_163 = arith.constant 96 : index
      %swap3A_164 = tpu.vector_load %swap3A_161[%swap3A_162, %swap3A_163] {strides = array<i32>} : memref<64x128xf32, #tpu.memory_space<vmem>>, vector<1x16xf32>,
      %swap3A_165 = vector.shape_cast %swap3A_164 : vector<1x16xf32> to vector<16xf32>
      %swap3A_166 = vector.shape_cast %broadcast_in_dim3A_1 : vector<16xf32> to vector<1x16xf32>
      tpu.vector_store %swap3A_161[%swap3A_162, %swap3A_163], %swap3A_166 {strides = array<i32>} : memref<64x128xf32, #tpu.memory_space<vmem>>, vector<1x16xf32>,
      %swap3A_167 = arith.constant 0 : i32
      %swap3A_168 = arith.constant 0 : i32
      %swap3A_169 = tpu.memref_slice %arg6[%scan3A_2, %swap3A_167, %swap3A_168] : memref<2x64x128xf32, #tpu.memory_space<vmem>> -> memref<1x64x128xf32, #tpu.memory_space<vmem>>
      %swap3A_170 = tpu.memref_squeeze %swap3A_169 : memref<1x64x128xf32, #tpu.memory_space<vmem>> -> memref<64x128xf32, #tpu.memory_space<vmem>>
      %swap3A_171 = arith.index_cast %scan3A_104 : i32 to index
      %swap3A_172 = arith.constant 112 : index
      %swap3A_173 = tpu.vector_load %swap3A_170[%swap3A_171, %swap3A_172] {strides = array<i32>} : memref<64x128xf32, #tpu.memory_space<vmem>>, vector<1x16xf32>,
      %swap3A_174 = vector.shape_cast %swap3A_173 : vector<1x16xf32> to vector<16xf32>
      %swap3A_175 = vector.shape_cast %broadcast_in_dim3A_1 : vector<16xf32> to vector<1x16xf32>
      tpu.vector_store %swap3A_170[%swap3A_171, %swap3A_172], %swap3A_175 {strides = array<i32>} : memref<64x128xf32, #tpu.memory_space<vmem>>, vector<1x16xf32>,
    }
    %scan3A_7 = arith.constant 64 : i32
    %scan3A_8 = arith.constant 0 : i32
    %scan3A_9 = arith.constant 0 : i32
    %scan3A_10 = arith.constant 10 : i32
    %scan3A_11 = arith.addi %scan3A_9, %scan3A_10 : i32
    %scan3A_12 = arith.constant 1 : i32
    scf.for %scan3A_104 = %scan3A_9 to %scan3A_11 step %scan3A_12  : i32 {
      %mul3A_105 = arith.constant 640 : i32
      %mul3A_106 = arith.muli %arg1, %mul3A_105 : i32
      %mul3A_107 = arith.constant 64 : i32
      %mul3A_108 = arith.muli %scan3A_104, %mul3A_107 : i32
      %add3A_109 = arith.addi %mul3A_106, %mul3A_108 : i32
      %run_scoped3A_110 = arith.constant 0 : i32
      "tpu.region"() ({
        %run_scoped3A_111 = tpu.sem_alloc : memref<!tpu.dma_semaphore, #tpu.memory_space<semaphore_mem>>
        %dma_start3A_112 = arith.constant 0 : i32
        %dma_start3A_113 = arith.constant 0 : i32
        %dma_start3A_114 = tpu.memref_slice %arg6[%run_scoped3A_110, %dma_start3A_112, %dma_start3A_113] : memref<2x64x128xf32, #tpu.memory_space<vmem>> -> memref<1x64x128xf32, #tpu.memory_space<vmem>>
        %dma_start3A_115 = tpu.memref_squeeze %dma_start3A_114 : memref<1x64x128xf32, #tpu.memory_space<vmem>> -> memref<64x128xf32, #tpu.memory_space<vmem>>
        %dma_start3A_116 = arith.constant 0 : i32
        %dma_start3A_117 = tpu.memref_slice %arg7[%add3A_109, %dma_start3A_116] : memref<10240x128xf32, #tpu.memory_space<vmem_shared>> -> memref<64x128xf32, #tpu.memory_space<vmem_shared>>
        %dma_start3A_118 = arith.constant 0 : i32
        %dma_start3A_119 = tpu.memref_slice %arg7[%add3A_109, %dma_start3A_118] : memref<10240x128xf32, #tpu.memory_space<vmem_shared>> -> memref<64x128xf32, #tpu.memory_space<vmem_shared>>
        %dma_start3A_120 = arith.constant 0 : i32
        %dma_start3A_121 = arith.constant 0 : i32
        %dma_start3A_122 = tpu.memref_slice %arg6[%run_scoped3A_110, %dma_start3A_120, %dma_start3A_121] : memref<2x64x128xf32, #tpu.memory_space<vmem>> -> memref<1x64x128xf32, #tpu.memory_space<vmem>>
        %dma_start3A_123 = tpu.memref_squeeze %dma_start3A_122 : memref<1x64x128xf32, #tpu.memory_space<vmem>> -> memref<64x128xf32, #tpu.memory_space<vmem>>
        tpu.enqueue_dma source(%dma_start3A_123 : memref<64x128xf32, #tpu.memory_space<vmem>>) target(%dma_start3A_119 : memref<64x128xf32, #tpu.memory_space<vmem_shared>>) target_semaphore(%run_scoped3A_111 : memref<!tpu.dma_semaphore, #tpu.memory_space<semaphore_mem>>)
        %dma_wait3A_124 = arith.constant 0 : i32
        %dma_wait3A_125 = arith.constant 0 : i32
        %dma_wait3A_126 = tpu.memref_slice %arg6[%run_scoped3A_110, %dma_wait3A_124, %dma_wait3A_125] : memref<2x64x128xf32, #tpu.memory_space<vmem>> -> memref<1x64x128xf32, #tpu.memory_space<vmem>>
        %dma_wait3A_127 = tpu.memref_squeeze %dma_wait3A_126 : memref<1x64x128xf32, #tpu.memory_space<vmem>> -> memref<64x128xf32, #tpu.memory_space<vmem>>
        %dma_wait3A_128 = arith.constant 0 : i32
        %dma_wait3A_129 = tpu.memref_slice %arg7[%add3A_109, %dma_wait3A_128] : memref<10240x128xf32, #tpu.memory_space<vmem_shared>> -> memref<64x128xf32, #tpu.memory_space<vmem_shared>>
        %dma_wait3A_130 = arith.constant 0 : i32
        %dma_wait3A_131 = tpu.memref_slice %arg7[%add3A_109, %dma_wait3A_130] : memref<10240x128xf32, #tpu.memory_space<vmem_shared>> -> memref<64x128xf32, #tpu.memory_space<vmem_shared>>
        %dma_wait3A_132 = arith.constant 0 : i32
        %dma_wait3A_133 = arith.constant 0 : i32
        %dma_wait3A_134 = tpu.memref_slice %arg6[%run_scoped3A_110, %dma_wait3A_132, %dma_wait3A_133] : memref<2x64x128xf32, #tpu.memory_space<vmem>> -> memref<1x64x128xf32, #tpu.memory_space<vmem>>
        %dma_wait3A_135 = tpu.memref_squeeze %dma_wait3A_134 : memref<1x64x128xf32, #tpu.memory_space<vmem>> -> memref<64x128xf32, #tpu.memory_space<vmem>>
        tpu.wait_dma2 semaphore(%run_scoped3A_111 : memref<!tpu.dma_semaphore, #tpu.memory_space<semaphore_mem>>) src(%dma_wait3A_135 : memref<64x128xf32, #tpu.memory_space<vmem>>) dst(%dma_wait3A_131 : memref<64x128xf32, #tpu.memory_space<vmem_shared>>)
        tpu.yield
      }) : () -> ()
    }
    %scan3A_13 = arith.constant 10 : i32
    %mul3A_14 = arith.constant 160 : i32
    %mul3A_15 = arith.muli %add3A, %mul3A_14 : i32
    "tpu.region"() ({
      %run_scoped3A_104 = tpu.sem_alloc : memref<!tpu.dma_semaphore, #tpu.memory_space<semaphore_mem>>
      %dma_start3A_105 = arith.constant 0 : i32
      %dma_start3A_106 = tpu.memref_slice %arg3[%mul3A_15, %dma_start3A_105] : memref<5120x64xi32, #tpu.memory_space<hbm>> -> memref<160x64xi32, #tpu.memory_space<hbm>>
      %dma_start3A_107 = arith.constant 0 : i32
      %dma_start3A_108 = tpu.memref_slice %arg3[%mul3A_15, %dma_start3A_107] : memref<5120x64xi32, #tpu.memory_space<hbm>> -> memref<160x64xi32, #tpu.memory_space<hbm>>
      tpu.enqueue_dma source(%dma_start3A_108 : memref<160x64xi32, #tpu.memory_space<hbm>>) target(%arg5 : memref<160x64xi32, #tpu.memory_space<vmem>>) target_semaphore(%run_scoped3A_104 : memref<!tpu.dma_semaphore, #tpu.memory_space<semaphore_mem>>)
      %dma_wait3A_109 = arith.constant 0 : i32
      %dma_wait3A_110 = tpu.memref_slice %arg3[%mul3A_15, %dma_wait3A_109] : memref<5120x64xi32, #tpu.memory_space<hbm>> -> memref<160x64xi32, #tpu.memory_space<hbm>>
      %dma_wait3A_111 = arith.constant 0 : i32
      %dma_wait3A_112 = tpu.memref_slice %arg3[%mul3A_15, %dma_wait3A_111] : memref<5120x64xi32, #tpu.memory_space<hbm>> -> memref<160x64xi32, #tpu.memory_space<hbm>>
      tpu.wait_dma2 semaphore(%run_scoped3A_104 : memref<!tpu.dma_semaphore, #tpu.memory_space<semaphore_mem>>) src(%dma_wait3A_112 : memref<160x64xi32, #tpu.memory_space<hbm>>) dst(%arg5 : memref<160x64xi32, #tpu.memory_space<vmem>>)
      tpu.yield
    }) : () -> ()
    %barrier3A = arith.constant 0 : index
    tpu.barrier barrier_id(%barrier3A)
    %mul3A_16 = arith.constant 160 : i32
    %mul3A_17 = arith.muli %add3A, %mul3A_16 : i32
    %add3A_18 = arith.constant 0 : i32
    %add3A_19 = arith.addi %mul3A_17, %add3A_18 : i32
    %mul3A_20 = arith.constant 64 : i32
    %mul3A_21 = arith.muli %add3A_19, %mul3A_20 : i32
    %dma_start3A = arith.constant 0 : i32
    %dma_start3A_22 = arith.constant 0 : i32
    %dma_start3A_23 = arith.constant 0 : i32
    %dma_start3A_24 = tpu.memref_slice %arg6[%dma_start3A, %dma_start3A_22, %dma_start3A_23] : memref<2x64x128xf32, #tpu.memory_space<vmem>> -> memref<1x64x128xf32, #tpu.memory_space<vmem>>
    %dma_start3A_25 = tpu.memref_squeeze %dma_start3A_24 : memref<1x64x128xf32, #tpu.memory_space<vmem>> -> memref<64x128xf32, #tpu.memory_space<vmem>>
    %dma_start3A_26 = arith.constant 0 : i32
    %dma_start3A_27 = tpu.memref_slice %arg2[%mul3A_21, %dma_start3A_26] : memref<327680x128xf32, #tpu.memory_space<hbm>> -> memref<64x128xf32, #tpu.memory_space<hbm>>
    %dma_start3A_28 = arith.constant 0 : i32
    %dma_start3A_29 = arith.constant 0 : i32
    %dma_start3A_30 = tpu.memref_slice %arg6[%dma_start3A, %dma_start3A_28, %dma_start3A_29] : memref<2x64x128xf32, #tpu.memory_space<vmem>> -> memref<1x64x128xf32, #tpu.memory_space<vmem>>
    %dma_start3A_31 = tpu.memref_squeeze %dma_start3A_30 : memref<1x64x128xf32, #tpu.memory_space<vmem>> -> memref<64x128xf32, #tpu.memory_space<vmem>>
    %dma_start3A_32 = arith.constant 0 : i32
    %dma_start3A_33 = tpu.memref_slice %arg2[%mul3A_21, %dma_start3A_32] : memref<327680x128xf32, #tpu.memory_space<hbm>> -> memref<64x128xf32, #tpu.memory_space<hbm>>
    tpu.enqueue_dma source(%dma_start3A_33 : memref<64x128xf32, #tpu.memory_space<hbm>>) target(%dma_start3A_31 : memref<64x128xf32, #tpu.memory_space<vmem>>) target_semaphore(%arg8 : memref<!tpu.dma_semaphore, #tpu.memory_space<semaphore_mem>>)
    %mul3A_34 = arith.constant 160 : i32
    %mul3A_35 = arith.muli %add3A, %mul3A_34 : i32
    %add3A_36 = arith.constant 1 : i32
    %add3A_37 = arith.addi %mul3A_35, %add3A_36 : i32
    %mul3A_38 = arith.constant 64 : i32
    %mul3A_39 = arith.muli %add3A_37, %mul3A_38 : i32
    %dma_start3A_40 = arith.constant 1 : i32
    %dma_start3A_41 = arith.constant 0 : i32
    %dma_start3A_42 = arith.constant 0 : i32
    %dma_start3A_43 = tpu.memref_slice %arg6[%dma_start3A_40, %dma_start3A_41, %dma_start3A_42] : memref<2x64x128xf32, #tpu.memory_space<vmem>> -> memref<1x64x128xf32, #tpu.memory_space<vmem>>
    %dma_start3A_44 = tpu.memref_squeeze %dma_start3A_43 : memref<1x64x128xf32, #tpu.memory_space<vmem>> -> memref<64x128xf32, #tpu.memory_space<vmem>>
    %dma_start3A_45 = arith.constant 0 : i32
    %dma_start3A_46 = tpu.memref_slice %arg2[%mul3A_39, %dma_start3A_45] : memref<327680x128xf32, #tpu.memory_space<hbm>> -> memref<64x128xf32, #tpu.memory_space<hbm>>
    %dma_start3A_47 = arith.constant 0 : i32
    %dma_start3A_48 = arith.constant 0 : i32
    %dma_start3A_49 = tpu.memref_slice %arg6[%dma_start3A_40, %dma_start3A_47, %dma_start3A_48] : memref<2x64x128xf32, #tpu.memory_space<vmem>> -> memref<1x64x128xf32, #tpu.memory_space<vmem>>
    %dma_start3A_50 = tpu.memref_squeeze %dma_start3A_49 : memref<1x64x128xf32, #tpu.memory_space<vmem>> -> memref<64x128xf32, #tpu.memory_space<vmem>>
    %dma_start3A_51 = arith.constant 0 : i32
    %dma_start3A_52 = tpu.memref_slice %arg2[%mul3A_39, %dma_start3A_51] : memref<327680x128xf32, #tpu.memory_space<hbm>> -> memref<64x128xf32, #tpu.memory_space<hbm>>
    tpu.enqueue_dma source(%dma_start3A_52 : memref<64x128xf32, #tpu.memory_space<hbm>>) target(%dma_start3A_50 : memref<64x128xf32, #tpu.memory_space<vmem>>) target_semaphore(%arg9 : memref<!tpu.dma_semaphore, #tpu.memory_space<semaphore_mem>>)
    %scan3A_53 = arith.constant 0 : i32
    %scan3A_54 = arith.constant 0 : i32
    %scan3A_55 = arith.constant 79 : i32
    %scan3A_56 = arith.addi %scan3A_54, %scan3A_55 : i32
    %scan3A_57 = arith.constant 1 : i32
    scf.for %scan3A_104 = %scan3A_54 to %scan3A_56 step %scan3A_57  : i32 {
      %mul3A_105 = arith.constant 2 : i32
      %mul3A_106 = arith.muli %scan3A_104, %mul3A_105 : i32
      %add3A_107 = arith.constant 0 : i32
      %add3A_108 = arith.addi %mul3A_106, %add3A_107 : i32
      %mul3A_109 = arith.constant 160 : i32
      %mul3A_110 = arith.muli %add3A, %mul3A_109 : i32
      %add3A_111 = arith.addi %mul3A_110, %add3A_108 : i32
      %mul3A_112 = arith.constant 64 : i32
      %mul3A_113 = arith.muli %add3A_111, %mul3A_112 : i32
      %dma_wait3A_114 = arith.constant 0 : i32
      %dma_wait3A_115 = arith.constant 0 : i32
      %dma_wait3A_116 = arith.constant 0 : i32
      %dma_wait3A_117 = tpu.memref_slice %arg6[%dma_wait3A_114, %dma_wait3A_115, %dma_wait3A_116] : memref<2x64x128xf32, #tpu.memory_space<vmem>> -> memref<1x64x128xf32, #tpu.memory_space<vmem>>
      %dma_wait3A_118 = tpu.memref_squeeze %dma_wait3A_117 : memref<1x64x128xf32, #tpu.memory_space<vmem>> -> memref<64x128xf32, #tpu.memory_space<vmem>>
      %dma_wait3A_119 = arith.constant 0 : i32
      %dma_wait3A_120 = tpu.memref_slice %arg2[%mul3A_113, %dma_wait3A_119] : memref<327680x128xf32, #tpu.memory_space<hbm>> -> memref<64x128xf32, #tpu.memory_space<hbm>>
      %dma_wait3A_121 = arith.constant 0 : i32
      %dma_wait3A_122 = arith.constant 0 : i32
      %dma_wait3A_123 = tpu.memref_slice %arg6[%dma_wait3A_114, %dma_wait3A_121, %dma_wait3A_122] : memref<2x64x128xf32, #tpu.memory_space<vmem>> -> memref<1x64x128xf32, #tpu.memory_space<vmem>>
      %dma_wait3A_124 = tpu.memref_squeeze %dma_wait3A_123 : memref<1x64x128xf32, #tpu.memory_space<vmem>> -> memref<64x128xf32, #tpu.memory_space<vmem>>
      %dma_wait3A_125 = arith.constant 0 : i32
      %dma_wait3A_126 = tpu.memref_slice %arg2[%mul3A_113, %dma_wait3A_125] : memref<327680x128xf32, #tpu.memory_space<hbm>> -> memref<64x128xf32, #tpu.memory_space<hbm>>
      tpu.wait_dma2 semaphore(%arg8 : memref<!tpu.dma_semaphore, #tpu.memory_space<semaphore_mem>>) src(%dma_wait3A_126 : memref<64x128xf32, #tpu.memory_space<hbm>>) dst(%dma_wait3A_124 : memref<64x128xf32, #tpu.memory_space<vmem>>)
      %run_scoped3A_127 = arith.constant 0 : i32
      "tpu.region"() ({
        %run_scoped3A_191 = tpu.sem_alloc : memref<!tpu.dma_semaphore, #tpu.memory_space<semaphore_mem>>
        %dma_start3A_192 = arith.constant 0 : i32
        %dma_start3A_193 = arith.constant 0 : i32
        %dma_start3A_194 = tpu.memref_slice %arg6[%run_scoped3A_127, %dma_start3A_192, %dma_start3A_193] : memref<2x64x128xf32, #tpu.memory_space<vmem>> -> memref<1x64x128xf32, #tpu.memory_space<vmem>>
        %dma_start3A_195 = tpu.memref_squeeze %dma_start3A_194 : memref<1x64x128xf32, #tpu.memory_space<vmem>> -> memref<64x128xf32, #tpu.memory_space<vmem>>
        %dma_start3A_196 = arith.constant 0 : i32
        %dma_start3A_197 = tpu.memref_slice %arg5[%add3A_108, %dma_start3A_196] : memref<160x64xi32, #tpu.memory_space<vmem>> -> memref<1x64xi32, #tpu.memory_space<vmem>>
        %dma_start3A_198 = tpu.memref_squeeze %dma_start3A_197 : memref<1x64xi32, #tpu.memory_space<vmem>> -> memref<64xi32, #tpu.memory_space<vmem>>
        %dma_start3A_199 = arith.constant 0 : i32
        %dma_start3A_200 = arith.constant 0 : i32
        %dma_start3A_201 = tpu.memref_slice %arg7[%dma_start3A_199, %dma_start3A_200] : memref<10240x128xf32, #tpu.memory_space<vmem_shared>> -> memref<10240x128xf32, #tpu.memory_space<vmem_shared>>
        tpu.enqueue_indirect_dma source(%dma_start3A_195 : memref<64x128xf32, #tpu.memory_space<vmem>>) target(%dma_start3A_201 : memref<10240x128xf32, #tpu.memory_space<vmem_shared>>) offsets(%dma_start3A_198 : memref<64xi32, #tpu.memory_space<vmem>>) semaphore(%run_scoped3A_191 : memref<!tpu.dma_semaphore, #tpu.memory_space<semaphore_mem>>) {add = true}
        %dma_wait3A_202 = arith.constant 0 : i32
        %dma_wait3A_203 = arith.constant 0 : i32
        %dma_wait3A_204 = tpu.memref_slice %arg6[%run_scoped3A_127, %dma_wait3A_202, %dma_wait3A_203] : memref<2x64x128xf32, #tpu.memory_space<vmem>> -> memref<1x64x128xf32, #tpu.memory_space<vmem>>
        %dma_wait3A_205 = tpu.memref_squeeze %dma_wait3A_204 : memref<1x64x128xf32, #tpu.memory_space<vmem>> -> memref<64x128xf32, #tpu.memory_space<vmem>>
        %dma_wait3A_206 = arith.constant 0 : i32
        %dma_wait3A_207 = tpu.memref_slice %arg5[%add3A_108, %dma_wait3A_206] : memref<160x64xi32, #tpu.memory_space<vmem>> -> memref<1x64xi32, #tpu.memory_space<vmem>>
        %dma_wait3A_208 = tpu.memref_squeeze %dma_wait3A_207 : memref<1x64xi32, #tpu.memory_space<vmem>> -> memref<64xi32, #tpu.memory_space<vmem>>
        %dma_wait3A_209 = arith.constant 0 : i32
        %dma_wait3A_210 = arith.constant 0 : i32
        %dma_wait3A_211 = tpu.memref_slice %arg7[%dma_wait3A_209, %dma_wait3A_210] : memref<10240x128xf32, #tpu.memory_space<vmem_shared>> -> memref<10240x128xf32, #tpu.memory_space<vmem_shared>>
        tpu.wait_indirect_dma semaphore(%run_scoped3A_191 : memref<!tpu.dma_semaphore, #tpu.memory_space<semaphore_mem>>) src(%dma_wait3A_205 : memref<64x128xf32, #tpu.memory_space<vmem>>) dst(%dma_wait3A_211 : memref<10240x128xf32, #tpu.memory_space<vmem_shared>>)
        tpu.yield
      }) : () -> ()
      %mul3A_128 = arith.constant 160 : i32
      %mul3A_129 = arith.muli %add3A, %mul3A_128 : i32
      %add3A_130 = arith.addi %mul3A_129, %add3A_108 : i32
      %add3A_131 = arith.constant 2 : i32
      %add3A_132 = arith.addi %add3A_130, %add3A_131 : i32
      %mul3A_133 = arith.constant 64 : i32
      %mul3A_134 = arith.muli %add3A_132, %mul3A_133 : i32
      %dma_start3A_135 = arith.constant 0 : i32
      %dma_start3A_136 = arith.constant 0 : i32
      %dma_start3A_137 = arith.constant 0 : i32
      %dma_start3A_138 = tpu.memref_slice %arg6[%dma_start3A_135, %dma_start3A_136, %dma_start3A_137] : memref<2x64x128xf32, #tpu.memory_space<vmem>> -> memref<1x64x128xf32, #tpu.memory_space<vmem>>
      %dma_start3A_139 = tpu.memref_squeeze %dma_start3A_138 : memref<1x64x128xf32, #tpu.memory_space<vmem>> -> memref<64x128xf32, #tpu.memory_space<vmem>>
      %dma_start3A_140 = arith.constant 0 : i32
      %dma_start3A_141 = tpu.memref_slice %arg2[%mul3A_134, %dma_start3A_140] : memref<327680x128xf32, #tpu.memory_space<hbm>> -> memref<64x128xf32, #tpu.memory_space<hbm>>
      %dma_start3A_142 = arith.constant 0 : i32
      %dma_start3A_143 = arith.constant 0 : i32
      %dma_start3A_144 = tpu.memref_slice %arg6[%dma_start3A_135, %dma_start3A_142, %dma_start3A_143] : memref<2x64x128xf32, #tpu.memory_space<vmem>> -> memref<1x64x128xf32, #tpu.memory_space<vmem>>
      %dma_start3A_145 = tpu.memref_squeeze %dma_start3A_144 : memref<1x64x128xf32, #tpu.memory_space<vmem>> -> memref<64x128xf32, #tpu.memory_space<vmem>>
      %dma_start3A_146 = arith.constant 0 : i32
      %dma_start3A_147 = tpu.memref_slice %arg2[%mul3A_134, %dma_start3A_146] : memref<327680x128xf32, #tpu.memory_space<hbm>> -> memref<64x128xf32, #tpu.memory_space<hbm>>
      tpu.enqueue_dma source(%dma_start3A_147 : memref<64x128xf32, #tpu.memory_space<hbm>>) target(%dma_start3A_145 : memref<64x128xf32, #tpu.memory_space<vmem>>) target_semaphore(%arg8 : memref<!tpu.dma_semaphore, #tpu.memory_space<semaphore_mem>>)
      %mul3A_148 = arith.constant 2 : i32
      %mul3A_149 = arith.muli %scan3A_104, %mul3A_148 : i32
      %add3A_150 = arith.constant 1 : i32
      %add3A_151 = arith.addi %mul3A_149, %add3A_150 : i32
      %mul3A_152 = arith.constant 160 : i32
      %mul3A_153 = arith.muli %add3A, %mul3A_152 : i32
      %add3A_154 = arith.addi %mul3A_153, %add3A_151 : i32
      %mul3A_155 = arith.constant 64 : i32
      %mul3A_156 = arith.muli %add3A_154, %mul3A_155 : i32
      %dma_wait3A_157 = arith.constant 1 : i32
      %dma_wait3A_158 = arith.constant 0 : i32
      %dma_wait3A_159 = arith.constant 0 : i32
      %dma_wait3A_160 = tpu.memref_slice %arg6[%dma_wait3A_157, %dma_wait3A_158, %dma_wait3A_159] : memref<2x64x128xf32, #tpu.memory_space<vmem>> -> memref<1x64x128xf32, #tpu.memory_space<vmem>>
      %dma_wait3A_161 = tpu.memref_squeeze %dma_wait3A_160 : memref<1x64x128xf32, #tpu.memory_space<vmem>> -> memref<64x128xf32, #tpu.memory_space<vmem>>
      %dma_wait3A_162 = arith.constant 0 : i32
      %dma_wait3A_163 = tpu.memref_slice %arg2[%mul3A_156, %dma_wait3A_162] : memref<327680x128xf32, #tpu.memory_space<hbm>> -> memref<64x128xf32, #tpu.memory_space<hbm>>
      %dma_wait3A_164 = arith.constant 0 : i32
      %dma_wait3A_165 = arith.constant 0 : i32
      %dma_wait3A_166 = tpu.memref_slice %arg6[%dma_wait3A_157, %dma_wait3A_164, %dma_wait3A_165] : memref<2x64x128xf32, #tpu.memory_space<vmem>> -> memref<1x64x128xf32, #tpu.memory_space<vmem>>
      %dma_wait3A_167 = tpu.memref_squeeze %dma_wait3A_166 : memref<1x64x128xf32, #tpu.memory_space<vmem>> -> memref<64x128xf32, #tpu.memory_space<vmem>>
      %dma_wait3A_168 = arith.constant 0 : i32
      %dma_wait3A_169 = tpu.memref_slice %arg2[%mul3A_156, %dma_wait3A_168] : memref<327680x128xf32, #tpu.memory_space<hbm>> -> memref<64x128xf32, #tpu.memory_space<hbm>>
      tpu.wait_dma2 semaphore(%arg9 : memref<!tpu.dma_semaphore, #tpu.memory_space<semaphore_mem>>) src(%dma_wait3A_169 : memref<64x128xf32, #tpu.memory_space<hbm>>) dst(%dma_wait3A_167 : memref<64x128xf32, #tpu.memory_space<vmem>>)
      %run_scoped3A_170 = arith.constant 1 : i32
      "tpu.region"() ({
        %run_scoped3A_191 = tpu.sem_alloc : memref<!tpu.dma_semaphore, #tpu.memory_space<semaphore_mem>>
        %dma_start3A_192 = arith.constant 0 : i32
        %dma_start3A_193 = arith.constant 0 : i32
        %dma_start3A_194 = tpu.memref_slice %arg6[%run_scoped3A_170, %dma_start3A_192, %dma_start3A_193] : memref<2x64x128xf32, #tpu.memory_space<vmem>> -> memref<1x64x128xf32, #tpu.memory_space<vmem>>
        %dma_start3A_195 = tpu.memref_squeeze %dma_start3A_194 : memref<1x64x128xf32, #tpu.memory_space<vmem>> -> memref<64x128xf32, #tpu.memory_space<vmem>>
        %dma_start3A_196 = arith.constant 0 : i32
        %dma_start3A_197 = tpu.memref_slice %arg5[%add3A_151, %dma_start3A_196] : memref<160x64xi32, #tpu.memory_space<vmem>> -> memref<1x64xi32, #tpu.memory_space<vmem>>
        %dma_start3A_198 = tpu.memref_squeeze %dma_start3A_197 : memref<1x64xi32, #tpu.memory_space<vmem>> -> memref<64xi32, #tpu.memory_space<vmem>>
        %dma_start3A_199 = arith.constant 0 : i32
        %dma_start3A_200 = arith.constant 0 : i32
        %dma_start3A_201 = tpu.memref_slice %arg7[%dma_start3A_199, %dma_start3A_200] : memref<10240x128xf32, #tpu.memory_space<vmem_shared>> -> memref<10240x128xf32, #tpu.memory_space<vmem_shared>>
        tpu.enqueue_indirect_dma source(%dma_start3A_195 : memref<64x128xf32, #tpu.memory_space<vmem>>) target(%dma_start3A_201 : memref<10240x128xf32, #tpu.memory_space<vmem_shared>>) offsets(%dma_start3A_198 : memref<64xi32, #tpu.memory_space<vmem>>) semaphore(%run_scoped3A_191 : memref<!tpu.dma_semaphore, #tpu.memory_space<semaphore_mem>>) {add = true}
        %dma_wait3A_202 = arith.constant 0 : i32
        %dma_wait3A_203 = arith.constant 0 : i32
        %dma_wait3A_204 = tpu.memref_slice %arg6[%run_scoped3A_170, %dma_wait3A_202, %dma_wait3A_203] : memref<2x64x128xf32, #tpu.memory_space<vmem>> -> memref<1x64x128xf32, #tpu.memory_space<vmem>>
        %dma_wait3A_205 = tpu.memref_squeeze %dma_wait3A_204 : memref<1x64x128xf32, #tpu.memory_space<vmem>> -> memref<64x128xf32, #tpu.memory_space<vmem>>
        %dma_wait3A_206 = arith.constant 0 : i32
        %dma_wait3A_207 = tpu.memref_slice %arg5[%add3A_151, %dma_wait3A_206] : memref<160x64xi32, #tpu.memory_space<vmem>> -> memref<1x64xi32, #tpu.memory_space<vmem>>
        %dma_wait3A_208 = tpu.memref_squeeze %dma_wait3A_207 : memref<1x64xi32, #tpu.memory_space<vmem>> -> memref<64xi32, #tpu.memory_space<vmem>>
        %dma_wait3A_209 = arith.constant 0 : i32
        %dma_wait3A_210 = arith.constant 0 : i32
        %dma_wait3A_211 = tpu.memref_slice %arg7[%dma_wait3A_209, %dma_wait3A_210] : memref<10240x128xf32, #tpu.memory_space<vmem_shared>> -> memref<10240x128xf32, #tpu.memory_space<vmem_shared>>
        tpu.wait_indirect_dma semaphore(%run_scoped3A_191 : memref<!tpu.dma_semaphore, #tpu.memory_space<semaphore_mem>>) src(%dma_wait3A_205 : memref<64x128xf32, #tpu.memory_space<vmem>>) dst(%dma_wait3A_211 : memref<10240x128xf32, #tpu.memory_space<vmem_shared>>)
        tpu.yield
      }) : () -> ()
      %mul3A_171 = arith.constant 160 : i32
      %mul3A_172 = arith.muli %add3A, %mul3A_171 : i32
      %add3A_173 = arith.addi %mul3A_172, %add3A_151 : i32
      %add3A_174 = arith.constant 2 : i32
      %add3A_175 = arith.addi %add3A_173, %add3A_174 : i32
      %mul3A_176 = arith.constant 64 : i32
      %mul3A_177 = arith.muli %add3A_175, %mul3A_176 : i32
      %dma_start3A_178 = arith.constant 1 : i32
      %dma_start3A_179 = arith.constant 0 : i32
      %dma_start3A_180 = arith.constant 0 : i32
      %dma_start3A_181 = tpu.memref_slice %arg6[%dma_start3A_178, %dma_start3A_179, %dma_start3A_180] : memref<2x64x128xf32, #tpu.memory_space<vmem>> -> memref<1x64x128xf32, #tpu.memory_space<vmem>>
      %dma_start3A_182 = tpu.memref_squeeze %dma_start3A_181 : memref<1x64x128xf32, #tpu.memory_space<vmem>> -> memref<64x128xf32, #tpu.memory_space<vmem>>
      %dma_start3A_183 = arith.constant 0 : i32
      %dma_start3A_184 = tpu.memref_slice %arg2[%mul3A_177, %dma_start3A_183] : memref<327680x128xf32, #tpu.memory_space<hbm>> -> memref<64x128xf32, #tpu.memory_space<hbm>>
      %dma_start3A_185 = arith.constant 0 : i32
      %dma_start3A_186 = arith.constant 0 : i32
      %dma_start3A_187 = tpu.memref_slice %arg6[%dma_start3A_178, %dma_start3A_185, %dma_start3A_186] : memref<2x64x128xf32, #tpu.memory_space<vmem>> -> memref<1x64x128xf32, #tpu.memory_space<vmem>>
      %dma_start3A_188 = tpu.memref_squeeze %dma_start3A_187 : memref<1x64x128xf32, #tpu.memory_space<vmem>> -> memref<64x128xf32, #tpu.memory_space<vmem>>
      %dma_start3A_189 = arith.constant 0 : i32
      %dma_start3A_190 = tpu.memref_slice %arg2[%mul3A_177, %dma_start3A_189] : memref<327680x128xf32, #tpu.memory_space<hbm>> -> memref<64x128xf32, #tpu.memory_space<hbm>>
      tpu.enqueue_dma source(%dma_start3A_190 : memref<64x128xf32, #tpu.memory_space<hbm>>) target(%dma_start3A_188 : memref<64x128xf32, #tpu.memory_space<vmem>>) target_semaphore(%arg9 : memref<!tpu.dma_semaphore, #tpu.memory_space<semaphore_mem>>)
    }
    %scan3A_58 = arith.constant 79 : i32
    %mul3A_59 = arith.constant 160 : i32
    %mul3A_60 = arith.muli %add3A, %mul3A_59 : i32
    %add3A_61 = arith.constant 158 : i32
    %add3A_62 = arith.addi %mul3A_60, %add3A_61 : i32
    %mul3A_63 = arith.constant 64 : i32
    %mul3A_64 = arith.muli %add3A_62, %mul3A_63 : i32
    %dma_wait3A = arith.constant 0 : i32
    %dma_wait3A_65 = arith.constant 0 : i32
    %dma_wait3A_66 = arith.constant 0 : i32
    %dma_wait3A_67 = tpu.memref_slice %arg6[%dma_wait3A, %dma_wait3A_65, %dma_wait3A_66] : memref<2x64x128xf32, #tpu.memory_space<vmem>> -> memref<1x64x128xf32, #tpu.memory_space<vmem>>
    %dma_wait3A_68 = tpu.memref_squeeze %dma_wait3A_67 : memref<1x64x128xf32, #tpu.memory_space<vmem>> -> memref<64x128xf32, #tpu.memory_space<vmem>>
    %dma_wait3A_69 = arith.constant 0 : i32
    %dma_wait3A_70 = tpu.memref_slice %arg2[%mul3A_64, %dma_wait3A_69] : memref<327680x128xf32, #tpu.memory_space<hbm>> -> memref<64x128xf32, #tpu.memory_space<hbm>>
    %dma_wait3A_71 = arith.constant 0 : i32
    %dma_wait3A_72 = arith.constant 0 : i32
    %dma_wait3A_73 = tpu.memref_slice %arg6[%dma_wait3A, %dma_wait3A_71, %dma_wait3A_72] : memref<2x64x128xf32, #tpu.memory_space<vmem>> -> memref<1x64x128xf32, #tpu.memory_space<vmem>>
    %dma_wait3A_74 = tpu.memref_squeeze %dma_wait3A_73 : memref<1x64x128xf32, #tpu.memory_space<vmem>> -> memref<64x128xf32, #tpu.memory_space<vmem>>
    %dma_wait3A_75 = arith.constant 0 : i32
    %dma_wait3A_76 = tpu.memref_slice %arg2[%mul3A_64, %dma_wait3A_75] : memref<327680x128xf32, #tpu.memory_space<hbm>> -> memref<64x128xf32, #tpu.memory_space<hbm>>
    tpu.wait_dma2 semaphore(%arg8 : memref<!tpu.dma_semaphore, #tpu.memory_space<semaphore_mem>>) src(%dma_wait3A_76 : memref<64x128xf32, #tpu.memory_space<hbm>>) dst(%dma_wait3A_74 : memref<64x128xf32, #tpu.memory_space<vmem>>)
    %run_scoped3A = arith.constant 0 : i32
    %run_scoped3A_77 = arith.constant 158 : i32
    "tpu.region"() ({
      %run_scoped3A_104 = tpu.sem_alloc : memref<!tpu.dma_semaphore, #tpu.memory_space<semaphore_mem>>
      %dma_start3A_105 = arith.constant 0 : i32
      %dma_start3A_106 = arith.constant 0 : i32
      %dma_start3A_107 = tpu.memref_slice %arg6[%run_scoped3A, %dma_start3A_105, %dma_start3A_106] : memref<2x64x128xf32, #tpu.memory_space<vmem>> -> memref<1x64x128xf32, #tpu.memory_space<vmem>>
      %dma_start3A_108 = tpu.memref_squeeze %dma_start3A_107 : memref<1x64x128xf32, #tpu.memory_space<vmem>> -> memref<64x128xf32, #tpu.memory_space<vmem>>
      %dma_start3A_109 = arith.constant 0 : i32
      %dma_start3A_110 = tpu.memref_slice %arg5[%run_scoped3A_77, %dma_start3A_109] : memref<160x64xi32, #tpu.memory_space<vmem>> -> memref<1x64xi32, #tpu.memory_space<vmem>>
      %dma_start3A_111 = tpu.memref_squeeze %dma_start3A_110 : memref<1x64xi32, #tpu.memory_space<vmem>> -> memref<64xi32, #tpu.memory_space<vmem>>
      %dma_start3A_112 = arith.constant 0 : i32
      %dma_start3A_113 = arith.constant 0 : i32
      %dma_start3A_114 = tpu.memref_slice %arg7[%dma_start3A_112, %dma_start3A_113] : memref<10240x128xf32, #tpu.memory_space<vmem_shared>> -> memref<10240x128xf32, #tpu.memory_space<vmem_shared>>
      tpu.enqueue_indirect_dma source(%dma_start3A_108 : memref<64x128xf32, #tpu.memory_space<vmem>>) target(%dma_start3A_114 : memref<10240x128xf32, #tpu.memory_space<vmem_shared>>) offsets(%dma_start3A_111 : memref<64xi32, #tpu.memory_space<vmem>>) semaphore(%run_scoped3A_104 : memref<!tpu.dma_semaphore, #tpu.memory_space<semaphore_mem>>) {add = true}
      %dma_wait3A_115 = arith.constant 0 : i32
      %dma_wait3A_116 = arith.constant 0 : i32
      %dma_wait3A_117 = tpu.memref_slice %arg6[%run_scoped3A, %dma_wait3A_115, %dma_wait3A_116] : memref<2x64x128xf32, #tpu.memory_space<vmem>> -> memref<1x64x128xf32, #tpu.memory_space<vmem>>
      %dma_wait3A_118 = tpu.memref_squeeze %dma_wait3A_117 : memref<1x64x128xf32, #tpu.memory_space<vmem>> -> memref<64x128xf32, #tpu.memory_space<vmem>>
      %dma_wait3A_119 = arith.constant 0 : i32
      %dma_wait3A_120 = tpu.memref_slice %arg5[%run_scoped3A_77, %dma_wait3A_119] : memref<160x64xi32, #tpu.memory_space<vmem>> -> memref<1x64xi32, #tpu.memory_space<vmem>>
      %dma_wait3A_121 = tpu.memref_squeeze %dma_wait3A_120 : memref<1x64xi32, #tpu.memory_space<vmem>> -> memref<64xi32, #tpu.memory_space<vmem>>
      %dma_wait3A_122 = arith.constant 0 : i32
      %dma_wait3A_123 = arith.constant 0 : i32
      %dma_wait3A_124 = tpu.memref_slice %arg7[%dma_wait3A_122, %dma_wait3A_123] : memref<10240x128xf32, #tpu.memory_space<vmem_shared>> -> memref<10240x128xf32, #tpu.memory_space<vmem_shared>>
      tpu.wait_indirect_dma semaphore(%run_scoped3A_104 : memref<!tpu.dma_semaphore, #tpu.memory_space<semaphore_mem>>) src(%dma_wait3A_118 : memref<64x128xf32, #tpu.memory_space<vmem>>) dst(%dma_wait3A_124 : memref<10240x128xf32, #tpu.memory_space<vmem_shared>>)
      tpu.yield
    }) : () -> ()
    %mul3A_78 = arith.constant 160 : i32
    %mul3A_79 = arith.muli %add3A, %mul3A_78 : i32
    %add3A_80 = arith.constant 159 : i32
    %add3A_81 = arith.addi %mul3A_79, %add3A_80 : i32
    %mul3A_82 = arith.constant 64 : i32
    %mul3A_83 = arith.muli %add3A_81, %mul3A_82 : i32
    %dma_wait3A_84 = arith.constant 1 : i32
    %dma_wait3A_85 = arith.constant 0 : i32
    %dma_wait3A_86 = arith.constant 0 : i32
    %dma_wait3A_87 = tpu.memref_slice %arg6[%dma_wait3A_84, %dma_wait3A_85, %dma_wait3A_86] : memref<2x64x128xf32, #tpu.memory_space<vmem>> -> memref<1x64x128xf32, #tpu.memory_space<vmem>>
    %dma_wait3A_88 = tpu.memref_squeeze %dma_wait3A_87 : memref<1x64x128xf32, #tpu.memory_space<vmem>> -> memref<64x128xf32, #tpu.memory_space<vmem>>
    %dma_wait3A_89 = arith.constant 0 : i32
    %dma_wait3A_90 = tpu.memref_slice %arg2[%mul3A_83, %dma_wait3A_89] : memref<327680x128xf32, #tpu.memory_space<hbm>> -> memref<64x128xf32, #tpu.memory_space<hbm>>
    %dma_wait3A_91 = arith.constant 0 : i32
    %dma_wait3A_92 = arith.constant 0 : i32
    %dma_wait3A_93 = tpu.memref_slice %arg6[%dma_wait3A_84, %dma_wait3A_91, %dma_wait3A_92] : memref<2x64x128xf32, #tpu.memory_space<vmem>> -> memref<1x64x128xf32, #tpu.memory_space<vmem>>
    %dma_wait3A_94 = tpu.memref_squeeze %dma_wait3A_93 : memref<1x64x128xf32, #tpu.memory_space<vmem>> -> memref<64x128xf32, #tpu.memory_space<vmem>>
    %dma_wait3A_95 = arith.constant 0 : i32
    %dma_wait3A_96 = tpu.memref_slice %arg2[%mul3A_83, %dma_wait3A_95] : memref<327680x128xf32, #tpu.memory_space<hbm>> -> memref<64x128xf32, #tpu.memory_space<hbm>>
    tpu.wait_dma2 semaphore(%arg9 : memref<!tpu.dma_semaphore, #tpu.memory_space<semaphore_mem>>) src(%dma_wait3A_96 : memref<64x128xf32, #tpu.memory_space<hbm>>) dst(%dma_wait3A_94 : memref<64x128xf32, #tpu.memory_space<vmem>>)
    %run_scoped3A_97 = arith.constant 1 : i32
    %run_scoped3A_98 = arith.constant 159 : i32
    "tpu.region"() ({
      %run_scoped3A_104 = tpu.sem_alloc : memref<!tpu.dma_semaphore, #tpu.memory_space<semaphore_mem>>
      %dma_start3A_105 = arith.constant 0 : i32
      %dma_start3A_106 = arith.constant 0 : i32
      %dma_start3A_107 = tpu.memref_slice %arg6[%run_scoped3A_97, %dma_start3A_105, %dma_start3A_106] : memref<2x64x128xf32, #tpu.memory_space<vmem>> -> memref<1x64x128xf32, #tpu.memory_space<vmem>>
      %dma_start3A_108 = tpu.memref_squeeze %dma_start3A_107 : memref<1x64x128xf32, #tpu.memory_space<vmem>> -> memref<64x128xf32, #tpu.memory_space<vmem>>
      %dma_start3A_109 = arith.constant 0 : i32
      %dma_start3A_110 = tpu.memref_slice %arg5[%run_scoped3A_98, %dma_start3A_109] : memref<160x64xi32, #tpu.memory_space<vmem>> -> memref<1x64xi32, #tpu.memory_space<vmem>>
      %dma_start3A_111 = tpu.memref_squeeze %dma_start3A_110 : memref<1x64xi32, #tpu.memory_space<vmem>> -> memref<64xi32, #tpu.memory_space<vmem>>
      %dma_start3A_112 = arith.constant 0 : i32
      %dma_start3A_113 = arith.constant 0 : i32
      %dma_start3A_114 = tpu.memref_slice %arg7[%dma_start3A_112, %dma_start3A_113] : memref<10240x128xf32, #tpu.memory_space<vmem_shared>> -> memref<10240x128xf32, #tpu.memory_space<vmem_shared>>
      tpu.enqueue_indirect_dma source(%dma_start3A_108 : memref<64x128xf32, #tpu.memory_space<vmem>>) target(%dma_start3A_114 : memref<10240x128xf32, #tpu.memory_space<vmem_shared>>) offsets(%dma_start3A_111 : memref<64xi32, #tpu.memory_space<vmem>>) semaphore(%run_scoped3A_104 : memref<!tpu.dma_semaphore, #tpu.memory_space<semaphore_mem>>) {add = true}
      %dma_wait3A_115 = arith.constant 0 : i32
      %dma_wait3A_116 = arith.constant 0 : i32
      %dma_wait3A_117 = tpu.memref_slice %arg6[%run_scoped3A_97, %dma_wait3A_115, %dma_wait3A_116] : memref<2x64x128xf32, #tpu.memory_space<vmem>> -> memref<1x64x128xf32, #tpu.memory_space<vmem>>
      %dma_wait3A_118 = tpu.memref_squeeze %dma_wait3A_117 : memref<1x64x128xf32, #tpu.memory_space<vmem>> -> memref<64x128xf32, #tpu.memory_space<vmem>>
      %dma_wait3A_119 = arith.constant 0 : i32
      %dma_wait3A_120 = tpu.memref_slice %arg5[%run_scoped3A_98, %dma_wait3A_119] : memref<160x64xi32, #tpu.memory_space<vmem>> -> memref<1x64xi32, #tpu.memory_space<vmem>>
      %dma_wait3A_121 = tpu.memref_squeeze %dma_wait3A_120 : memref<1x64xi32, #tpu.memory_space<vmem>> -> memref<64xi32, #tpu.memory_space<vmem>>
      %dma_wait3A_122 = arith.constant 0 : i32
      %dma_wait3A_123 = arith.constant 0 : i32
      %dma_wait3A_124 = tpu.memref_slice %arg7[%dma_wait3A_122, %dma_wait3A_123] : memref<10240x128xf32, #tpu.memory_space<vmem_shared>> -> memref<10240x128xf32, #tpu.memory_space<vmem_shared>>
      tpu.wait_indirect_dma semaphore(%run_scoped3A_104 : memref<!tpu.dma_semaphore, #tpu.memory_space<semaphore_mem>>) src(%dma_wait3A_118 : memref<64x128xf32, #tpu.memory_space<vmem>>) dst(%dma_wait3A_124 : memref<10240x128xf32, #tpu.memory_space<vmem_shared>>)
      tpu.yield
    }) : () -> ()
    %barrier3A_99 = arith.constant 0 : index
    tpu.barrier barrier_id(%barrier3A_99)
    %mul3A_100 = arith.constant 640 : i32
    %mul3A_101 = arith.muli %arg1, %mul3A_100 : i32
    %mul3A_102 = arith.constant 640 : i32
    %mul3A_103 = arith.muli %arg1, %mul3A_102 : i32
    "tpu.region"() ({
      %run_scoped3A_104 = tpu.sem_alloc : memref<!tpu.dma_semaphore, #tpu.memory_space<semaphore_mem>>
      %dma_start3A_105 = arith.constant 0 : i32
      %dma_start3A_106 = tpu.memref_slice %arg4[%arg0, %mul3A_103, %dma_start3A_105] : memref<2x10240x128xf32, #tpu.memory_space<hbm>> -> memref<1x640x128xf32, #tpu.memory_space<hbm>>
      %dma_start3A_107 = tpu.memref_squeeze %dma_start3A_106 : memref<1x640x128xf32, #tpu.memory_space<hbm>> -> memref<640x128xf32, #tpu.memory_space<hbm>>
      %dma_start3A_108 = arith.constant 0 : i32
      %dma_start3A_109 = tpu.memref_slice %arg7[%mul3A_101, %dma_start3A_108] : memref<10240x128xf32, #tpu.memory_space<vmem_shared>> -> memref<640x128xf32, #tpu.memory_space<vmem_shared>>
      tpu.enqueue_dma source(%dma_start3A_109 : memref<640x128xf32, #tpu.memory_space<vmem_shared>>) target(%dma_start3A_107 : memref<640x128xf32, #tpu.memory_space<hbm>>) target_semaphore(%run_scoped3A_104 : memref<!tpu.dma_semaphore, #tpu.memory_space<semaphore_mem>>)
      %dma_wait3A_110 = arith.constant 0 : i32
      %dma_wait3A_111 = tpu.memref_slice %arg4[%arg0, %mul3A_103, %dma_wait3A_110] : memref<2x10240x128xf32, #tpu.memory_space<hbm>> -> memref<1x640x128xf32, #tpu.memory_space<hbm>>
      %dma_wait3A_112 = tpu.memref_squeeze %dma_wait3A_111 : memref<1x640x128xf32, #tpu.memory_space<hbm>> -> memref<640x128xf32, #tpu.memory_space<hbm>>
      %dma_wait3A_113 = arith.constant 0 : i32
      %dma_wait3A_114 = tpu.memref_slice %arg7[%mul3A_101, %dma_wait3A_113] : memref<10240x128xf32, #tpu.memory_space<vmem_shared>> -> memref<640x128xf32, #tpu.memory_space<vmem_shared>>
      tpu.wait_dma2 semaphore(%run_scoped3A_104 : memref<!tpu.dma_semaphore, #tpu.memory_space<semaphore_mem>>) src(%dma_wait3A_114 : memref<640x128xf32, #tpu.memory_space<vmem_shared>>) dst(%dma_wait3A_112 : memref<640x128xf32, #tpu.memory_space<hbm>>)
      tpu.yield
    }) : () -> ()
    return
  }
}

#map = affine_map<(d0, d1) -> (0, 0)>
#map1 = affine_map<(d0, d1) -> (0, 0, 0)>
module attributes {stable_mosaic.version = 14 : i64} {
  func.func @_sc_gather_scatter(%arg0: i32, %arg1: i32, %arg2: memref<10240x128xf32, #tpu.memory_space<hbm>>, %arg3: memref<5120x64xi32, #tpu.memory_space<hbm>>, %arg4: memref<5120x64xi32, #tpu.memory_space<hbm>>, %arg5: memref<2x10240x128xf32, #tpu.memory_space<hbm>>, %arg6: memref<160x64xi32, #tpu.memory_space<vmem>>, %arg7: memref<2x64x128xf32, #tpu.memory_space<vmem>>, %arg8: memref<10240x128xf32, #tpu.memory_space<vmem_shared>>, %arg9: memref<!tpu.dma_semaphore, #tpu.memory_space<semaphore_mem>>, %arg10: memref<!tpu.dma_semaphore, #tpu.memory_space<semaphore_mem>>) attributes {dimension_semantics = [#tpu.dimension_semantics<core_parallel>, #tpu.dimension_semantics<subcore_parallel>], iteration_bounds = array<i64: 2, 16>, scalar_prefetch = 0 : i64, scratch_operands = 5 : i64, tpu.core_type = #tpu.core_type<sc_vector_subcore>, window_params = [{transform_indices = #map}, {transform_indices = #map}, {transform_indices = #map}, {transform_indices = #map1}]} {
    %mul3A = arith.constant 16 : i32
    %mul3A_0 = arith.muli %arg0, %mul3A : i32
    %add3A = arith.addi %mul3A_0, %arg1 : i32
    %broadcast_in_dim3A = arith.constant 0.000000e+00 : f32
    %broadcast_in_dim3A_1 = vector.broadcast %broadcast_in_dim3A : f32 to vector<16xf32>
    %scan3A = arith.constant 0 : i32
    %scan3A_2 = arith.constant 0 : i32
    %scan3A_3 = arith.constant 0 : i32
    %scan3A_4 = arith.constant 64 : i32
    %scan3A_5 = arith.addi %scan3A_3, %scan3A_4 : i32
    %scan3A_6 = arith.constant 1 : i32
    scf.for %scan3A_140 = %scan3A_3 to %scan3A_5 step %scan3A_6  : i32 {
      %swap3A = arith.constant 0 : i32
      %swap3A_141 = arith.constant 0 : i32
      %swap3A_142 = tpu.memref_slice %arg7[%scan3A_2, %swap3A, %swap3A_141] : memref<2x64x128xf32, #tpu.memory_space<vmem>> -> memref<1x64x128xf32, #tpu.memory_space<vmem>>
      %swap3A_143 = tpu.memref_squeeze %swap3A_142 : memref<1x64x128xf32, #tpu.memory_space<vmem>> -> memref<64x128xf32, #tpu.memory_space<vmem>>
      %swap3A_144 = arith.index_cast %scan3A_140 : i32 to index
      %swap3A_145 = arith.constant 0 : index
      %swap3A_146 = tpu.vector_load %swap3A_143[%swap3A_144, %swap3A_145] {strides = array<i32>} : memref<64x128xf32, #tpu.memory_space<vmem>>, vector<1x16xf32>,
      %swap3A_147 = vector.shape_cast %swap3A_146 : vector<1x16xf32> to vector<16xf32>
      %swap3A_148 = vector.shape_cast %broadcast_in_dim3A_1 : vector<16xf32> to vector<1x16xf32>
      tpu.vector_store %swap3A_143[%swap3A_144, %swap3A_145], %swap3A_148 {strides = array<i32>} : memref<64x128xf32, #tpu.memory_space<vmem>>, vector<1x16xf32>,
      %swap3A_149 = arith.constant 0 : i32
      %swap3A_150 = arith.constant 0 : i32
      %swap3A_151 = tpu.memref_slice %arg7[%scan3A_2, %swap3A_149, %swap3A_150] : memref<2x64x128xf32, #tpu.memory_space<vmem>> -> memref<1x64x128xf32, #tpu.memory_space<vmem>>
      %swap3A_152 = tpu.memref_squeeze %swap3A_151 : memref<1x64x128xf32, #tpu.memory_space<vmem>> -> memref<64x128xf32, #tpu.memory_space<vmem>>
      %swap3A_153 = arith.index_cast %scan3A_140 : i32 to index
      %swap3A_154 = arith.constant 16 : index
      %swap3A_155 = tpu.vector_load %swap3A_152[%swap3A_153, %swap3A_154] {strides = array<i32>} : memref<64x128xf32, #tpu.memory_space<vmem>>, vector<1x16xf32>,
      %swap3A_156 = vector.shape_cast %swap3A_155 : vector<1x16xf32> to vector<16xf32>
      %swap3A_157 = vector.shape_cast %broadcast_in_dim3A_1 : vector<16xf32> to vector<1x16xf32>
      tpu.vector_store %swap3A_152[%swap3A_153, %swap3A_154], %swap3A_157 {strides = array<i32>} : memref<64x128xf32, #tpu.memory_space<vmem>>, vector<1x16xf32>,
      %swap3A_158 = arith.constant 0 : i32
      %swap3A_159 = arith.constant 0 : i32
      %swap3A_160 = tpu.memref_slice %arg7[%scan3A_2, %swap3A_158, %swap3A_159] : memref<2x64x128xf32, #tpu.memory_space<vmem>> -> memref<1x64x128xf32, #tpu.memory_space<vmem>>
      %swap3A_161 = tpu.memref_squeeze %swap3A_160 : memref<1x64x128xf32, #tpu.memory_space<vmem>> -> memref<64x128xf32, #tpu.memory_space<vmem>>
      %swap3A_162 = arith.index_cast %scan3A_140 : i32 to index
      %swap3A_163 = arith.constant 32 : index
      %swap3A_164 = tpu.vector_load %swap3A_161[%swap3A_162, %swap3A_163] {strides = array<i32>} : memref<64x128xf32, #tpu.memory_space<vmem>>, vector<1x16xf32>,
      %swap3A_165 = vector.shape_cast %swap3A_164 : vector<1x16xf32> to vector<16xf32>
      %swap3A_166 = vector.shape_cast %broadcast_in_dim3A_1 : vector<16xf32> to vector<1x16xf32>
      tpu.vector_store %swap3A_161[%swap3A_162, %swap3A_163], %swap3A_166 {strides = array<i32>} : memref<64x128xf32, #tpu.memory_space<vmem>>, vector<1x16xf32>,
      %swap3A_167 = arith.constant 0 : i32
      %swap3A_168 = arith.constant 0 : i32
      %swap3A_169 = tpu.memref_slice %arg7[%scan3A_2, %swap3A_167, %swap3A_168] : memref<2x64x128xf32, #tpu.memory_space<vmem>> -> memref<1x64x128xf32, #tpu.memory_space<vmem>>
      %swap3A_170 = tpu.memref_squeeze %swap3A_169 : memref<1x64x128xf32, #tpu.memory_space<vmem>> -> memref<64x128xf32, #tpu.memory_space<vmem>>
      %swap3A_171 = arith.index_cast %scan3A_140 : i32 to index
      %swap3A_172 = arith.constant 48 : index
      %swap3A_173 = tpu.vector_load %swap3A_170[%swap3A_171, %swap3A_172] {strides = array<i32>} : memref<64x128xf32, #tpu.memory_space<vmem>>, vector<1x16xf32>,
      %swap3A_174 = vector.shape_cast %swap3A_173 : vector<1x16xf32> to vector<16xf32>
      %swap3A_175 = vector.shape_cast %broadcast_in_dim3A_1 : vector<16xf32> to vector<1x16xf32>
      tpu.vector_store %swap3A_170[%swap3A_171, %swap3A_172], %swap3A_175 {strides = array<i32>} : memref<64x128xf32, #tpu.memory_space<vmem>>, vector<1x16xf32>,
      %swap3A_176 = arith.constant 0 : i32
      %swap3A_177 = arith.constant 0 : i32
      %swap3A_178 = tpu.memref_slice %arg7[%scan3A_2, %swap3A_176, %swap3A_177] : memref<2x64x128xf32, #tpu.memory_space<vmem>> -> memref<1x64x128xf32, #tpu.memory_space<vmem>>
      %swap3A_179 = tpu.memref_squeeze %swap3A_178 : memref<1x64x128xf32, #tpu.memory_space<vmem>> -> memref<64x128xf32, #tpu.memory_space<vmem>>
      %swap3A_180 = arith.index_cast %scan3A_140 : i32 to index
      %swap3A_181 = arith.constant 64 : index
      %swap3A_182 = tpu.vector_load %swap3A_179[%swap3A_180, %swap3A_181] {strides = array<i32>} : memref<64x128xf32, #tpu.memory_space<vmem>>, vector<1x16xf32>,
      %swap3A_183 = vector.shape_cast %swap3A_182 : vector<1x16xf32> to vector<16xf32>
      %swap3A_184 = vector.shape_cast %broadcast_in_dim3A_1 : vector<16xf32> to vector<1x16xf32>
      tpu.vector_store %swap3A_179[%swap3A_180, %swap3A_181], %swap3A_184 {strides = array<i32>} : memref<64x128xf32, #tpu.memory_space<vmem>>, vector<1x16xf32>,
      %swap3A_185 = arith.constant 0 : i32
      %swap3A_186 = arith.constant 0 : i32
      %swap3A_187 = tpu.memref_slice %arg7[%scan3A_2, %swap3A_185, %swap3A_186] : memref<2x64x128xf32, #tpu.memory_space<vmem>> -> memref<1x64x128xf32, #tpu.memory_space<vmem>>
      %swap3A_188 = tpu.memref_squeeze %swap3A_187 : memref<1x64x128xf32, #tpu.memory_space<vmem>> -> memref<64x128xf32, #tpu.memory_space<vmem>>
      %swap3A_189 = arith.index_cast %scan3A_140 : i32 to index
      %swap3A_190 = arith.constant 80 : index
      %swap3A_191 = tpu.vector_load %swap3A_188[%swap3A_189, %swap3A_190] {strides = array<i32>} : memref<64x128xf32, #tpu.memory_space<vmem>>, vector<1x16xf32>,
      %swap3A_192 = vector.shape_cast %swap3A_191 : vector<1x16xf32> to vector<16xf32>
      %swap3A_193 = vector.shape_cast %broadcast_in_dim3A_1 : vector<16xf32> to vector<1x16xf32>
      tpu.vector_store %swap3A_188[%swap3A_189, %swap3A_190], %swap3A_193 {strides = array<i32>} : memref<64x128xf32, #tpu.memory_space<vmem>>, vector<1x16xf32>,
      %swap3A_194 = arith.constant 0 : i32
      %swap3A_195 = arith.constant 0 : i32
      %swap3A_196 = tpu.memref_slice %arg7[%scan3A_2, %swap3A_194, %swap3A_195] : memref<2x64x128xf32, #tpu.memory_space<vmem>> -> memref<1x64x128xf32, #tpu.memory_space<vmem>>
      %swap3A_197 = tpu.memref_squeeze %swap3A_196 : memref<1x64x128xf32, #tpu.memory_space<vmem>> -> memref<64x128xf32, #tpu.memory_space<vmem>>
      %swap3A_198 = arith.index_cast %scan3A_140 : i32 to index
      %swap3A_199 = arith.constant 96 : index
      %swap3A_200 = tpu.vector_load %swap3A_197[%swap3A_198, %swap3A_199] {strides = array<i32>} : memref<64x128xf32, #tpu.memory_space<vmem>>, vector<1x16xf32>,
      %swap3A_201 = vector.shape_cast %swap3A_200 : vector<1x16xf32> to vector<16xf32>
      %swap3A_202 = vector.shape_cast %broadcast_in_dim3A_1 : vector<16xf32> to vector<1x16xf32>
      tpu.vector_store %swap3A_197[%swap3A_198, %swap3A_199], %swap3A_202 {strides = array<i32>} : memref<64x128xf32, #tpu.memory_space<vmem>>, vector<1x16xf32>,
      %swap3A_203 = arith.constant 0 : i32
      %swap3A_204 = arith.constant 0 : i32
      %swap3A_205 = tpu.memref_slice %arg7[%scan3A_2, %swap3A_203, %swap3A_204] : memref<2x64x128xf32, #tpu.memory_space<vmem>> -> memref<1x64x128xf32, #tpu.memory_space<vmem>>
      %swap3A_206 = tpu.memref_squeeze %swap3A_205 : memref<1x64x128xf32, #tpu.memory_space<vmem>> -> memref<64x128xf32, #tpu.memory_space<vmem>>
      %swap3A_207 = arith.index_cast %scan3A_140 : i32 to index
      %swap3A_208 = arith.constant 112 : index
      %swap3A_209 = tpu.vector_load %swap3A_206[%swap3A_207, %swap3A_208] {strides = array<i32>} : memref<64x128xf32, #tpu.memory_space<vmem>>, vector<1x16xf32>,
      %swap3A_210 = vector.shape_cast %swap3A_209 : vector<1x16xf32> to vector<16xf32>
      %swap3A_211 = vector.shape_cast %broadcast_in_dim3A_1 : vector<16xf32> to vector<1x16xf32>
      tpu.vector_store %swap3A_206[%swap3A_207, %swap3A_208], %swap3A_211 {strides = array<i32>} : memref<64x128xf32, #tpu.memory_space<vmem>>, vector<1x16xf32>,
    }
    %scan3A_7 = arith.constant 64 : i32
    %scan3A_8 = arith.constant 0 : i32
    %scan3A_9 = arith.constant 0 : i32
    %scan3A_10 = arith.constant 10 : i32
    %scan3A_11 = arith.addi %scan3A_9, %scan3A_10 : i32
    %scan3A_12 = arith.constant 1 : i32
    scf.for %scan3A_140 = %scan3A_9 to %scan3A_11 step %scan3A_12  : i32 {
      %mul3A_141 = arith.constant 640 : i32
      %mul3A_142 = arith.muli %arg1, %mul3A_141 : i32
      %mul3A_143 = arith.constant 64 : i32
      %mul3A_144 = arith.muli %scan3A_140, %mul3A_143 : i32
      %add3A_145 = arith.addi %mul3A_142, %mul3A_144 : i32
      %run_scoped3A_146 = arith.constant 0 : i32
      "tpu.region"() ({
        %run_scoped3A_147 = tpu.sem_alloc : memref<!tpu.dma_semaphore, #tpu.memory_space<semaphore_mem>>
        %dma_start3A_148 = arith.constant 0 : i32
        %dma_start3A_149 = arith.constant 0 : i32
        %dma_start3A_150 = tpu.memref_slice %arg7[%run_scoped3A_146, %dma_start3A_148, %dma_start3A_149] : memref<2x64x128xf32, #tpu.memory_space<vmem>> -> memref<1x64x128xf32, #tpu.memory_space<vmem>>
        %dma_start3A_151 = tpu.memref_squeeze %dma_start3A_150 : memref<1x64x128xf32, #tpu.memory_space<vmem>> -> memref<64x128xf32, #tpu.memory_space<vmem>>
        %dma_start3A_152 = arith.constant 0 : i32
        %dma_start3A_153 = tpu.memref_slice %arg8[%add3A_145, %dma_start3A_152] : memref<10240x128xf32, #tpu.memory_space<vmem_shared>> -> memref<64x128xf32, #tpu.memory_space<vmem_shared>>
        %dma_start3A_154 = arith.constant 0 : i32
        %dma_start3A_155 = tpu.memref_slice %arg8[%add3A_145, %dma_start3A_154] : memref<10240x128xf32, #tpu.memory_space<vmem_shared>> -> memref<64x128xf32, #tpu.memory_space<vmem_shared>>
        %dma_start3A_156 = arith.constant 0 : i32
        %dma_start3A_157 = arith.constant 0 : i32
        %dma_start3A_158 = tpu.memref_slice %arg7[%run_scoped3A_146, %dma_start3A_156, %dma_start3A_157] : memref<2x64x128xf32, #tpu.memory_space<vmem>> -> memref<1x64x128xf32, #tpu.memory_space<vmem>>
        %dma_start3A_159 = tpu.memref_squeeze %dma_start3A_158 : memref<1x64x128xf32, #tpu.memory_space<vmem>> -> memref<64x128xf32, #tpu.memory_space<vmem>>
        tpu.enqueue_dma source(%dma_start3A_159 : memref<64x128xf32, #tpu.memory_space<vmem>>) target(%dma_start3A_155 : memref<64x128xf32, #tpu.memory_space<vmem_shared>>) target_semaphore(%run_scoped3A_147 : memref<!tpu.dma_semaphore, #tpu.memory_space<semaphore_mem>>)
        %dma_wait3A_160 = arith.constant 0 : i32
        %dma_wait3A_161 = arith.constant 0 : i32
        %dma_wait3A_162 = tpu.memref_slice %arg7[%run_scoped3A_146, %dma_wait3A_160, %dma_wait3A_161] : memref<2x64x128xf32, #tpu.memory_space<vmem>> -> memref<1x64x128xf32, #tpu.memory_space<vmem>>
        %dma_wait3A_163 = tpu.memref_squeeze %dma_wait3A_162 : memref<1x64x128xf32, #tpu.memory_space<vmem>> -> memref<64x128xf32, #tpu.memory_space<vmem>>
        %dma_wait3A_164 = arith.constant 0 : i32
        %dma_wait3A_165 = tpu.memref_slice %arg8[%add3A_145, %dma_wait3A_164] : memref<10240x128xf32, #tpu.memory_space<vmem_shared>> -> memref<64x128xf32, #tpu.memory_space<vmem_shared>>
        %dma_wait3A_166 = arith.constant 0 : i32
        %dma_wait3A_167 = tpu.memref_slice %arg8[%add3A_145, %dma_wait3A_166] : memref<10240x128xf32, #tpu.memory_space<vmem_shared>> -> memref<64x128xf32, #tpu.memory_space<vmem_shared>>
        %dma_wait3A_168 = arith.constant 0 : i32
        %dma_wait3A_169 = arith.constant 0 : i32
        %dma_wait3A_170 = tpu.memref_slice %arg7[%run_scoped3A_146, %dma_wait3A_168, %dma_wait3A_169] : memref<2x64x128xf32, #tpu.memory_space<vmem>> -> memref<1x64x128xf32, #tpu.memory_space<vmem>>
        %dma_wait3A_171 = tpu.memref_squeeze %dma_wait3A_170 : memref<1x64x128xf32, #tpu.memory_space<vmem>> -> memref<64x128xf32, #tpu.memory_space<vmem>>
        tpu.wait_dma2 semaphore(%run_scoped3A_147 : memref<!tpu.dma_semaphore, #tpu.memory_space<semaphore_mem>>) src(%dma_wait3A_171 : memref<64x128xf32, #tpu.memory_space<vmem>>) dst(%dma_wait3A_167 : memref<64x128xf32, #tpu.memory_space<vmem_shared>>)
        tpu.yield
      }) : () -> ()
    }
    %scan3A_13 = arith.constant 10 : i32
    %barrier3A = arith.constant 0 : index
    tpu.barrier barrier_id(%barrier3A)
    %mul3A_14 = arith.constant 160 : i32
    %mul3A_15 = arith.muli %add3A, %mul3A_14 : i32
    %add3A_16 = arith.constant 0 : i32
    %add3A_17 = arith.addi %mul3A_15, %add3A_16 : i32
    "tpu.region"() ({
      %run_scoped3A_140 = tpu.sem_alloc : memref<!tpu.dma_semaphore, #tpu.memory_space<semaphore_mem>>
      %dma_start3A_141 = arith.constant 0 : i32
      %dma_start3A_142 = arith.constant 0 : i32
      %dma_start3A_143 = tpu.memref_slice %arg6[%dma_start3A_141, %dma_start3A_142] : memref<160x64xi32, #tpu.memory_space<vmem>> -> memref<80x64xi32, #tpu.memory_space<vmem>>
      %dma_start3A_144 = arith.constant 0 : i32
      %dma_start3A_145 = tpu.memref_slice %arg3[%add3A_17, %dma_start3A_144] : memref<5120x64xi32, #tpu.memory_space<hbm>> -> memref<80x64xi32, #tpu.memory_space<hbm>>
      %dma_start3A_146 = arith.constant 0 : i32
      %dma_start3A_147 = arith.constant 0 : i32
      %dma_start3A_148 = tpu.memref_slice %arg6[%dma_start3A_146, %dma_start3A_147] : memref<160x64xi32, #tpu.memory_space<vmem>> -> memref<80x64xi32, #tpu.memory_space<vmem>>
      %dma_start3A_149 = arith.constant 0 : i32
      %dma_start3A_150 = tpu.memref_slice %arg3[%add3A_17, %dma_start3A_149] : memref<5120x64xi32, #tpu.memory_space<hbm>> -> memref<80x64xi32, #tpu.memory_space<hbm>>
      tpu.enqueue_dma source(%dma_start3A_150 : memref<80x64xi32, #tpu.memory_space<hbm>>) target(%dma_start3A_148 : memref<80x64xi32, #tpu.memory_space<vmem>>) target_semaphore(%run_scoped3A_140 : memref<!tpu.dma_semaphore, #tpu.memory_space<semaphore_mem>>)
      %dma_wait3A_151 = arith.constant 0 : i32
      %dma_wait3A_152 = arith.constant 0 : i32
      %dma_wait3A_153 = tpu.memref_slice %arg6[%dma_wait3A_151, %dma_wait3A_152] : memref<160x64xi32, #tpu.memory_space<vmem>> -> memref<80x64xi32, #tpu.memory_space<vmem>>
      %dma_wait3A_154 = arith.constant 0 : i32
      %dma_wait3A_155 = tpu.memref_slice %arg3[%add3A_17, %dma_wait3A_154] : memref<5120x64xi32, #tpu.memory_space<hbm>> -> memref<80x64xi32, #tpu.memory_space<hbm>>
      %dma_wait3A_156 = arith.constant 0 : i32
      %dma_wait3A_157 = arith.constant 0 : i32
      %dma_wait3A_158 = tpu.memref_slice %arg6[%dma_wait3A_156, %dma_wait3A_157] : memref<160x64xi32, #tpu.memory_space<vmem>> -> memref<80x64xi32, #tpu.memory_space<vmem>>
      %dma_wait3A_159 = arith.constant 0 : i32
      %dma_wait3A_160 = tpu.memref_slice %arg3[%add3A_17, %dma_wait3A_159] : memref<5120x64xi32, #tpu.memory_space<hbm>> -> memref<80x64xi32, #tpu.memory_space<hbm>>
      tpu.wait_dma2 semaphore(%run_scoped3A_140 : memref<!tpu.dma_semaphore, #tpu.memory_space<semaphore_mem>>) src(%dma_wait3A_160 : memref<80x64xi32, #tpu.memory_space<hbm>>) dst(%dma_wait3A_158 : memref<80x64xi32, #tpu.memory_space<vmem>>)
      tpu.yield
    }) : () -> ()
    "tpu.region"() ({
      %run_scoped3A_140 = tpu.sem_alloc : memref<!tpu.dma_semaphore, #tpu.memory_space<semaphore_mem>>
      %dma_start3A_141 = arith.constant 80 : i32
      %dma_start3A_142 = arith.constant 0 : i32
      %dma_start3A_143 = tpu.memref_slice %arg6[%dma_start3A_141, %dma_start3A_142] : memref<160x64xi32, #tpu.memory_space<vmem>> -> memref<80x64xi32, #tpu.memory_space<vmem>>
      %dma_start3A_144 = arith.constant 0 : i32
      %dma_start3A_145 = tpu.memref_slice %arg4[%add3A_17, %dma_start3A_144] : memref<5120x64xi32, #tpu.memory_space<hbm>> -> memref<80x64xi32, #tpu.memory_space<hbm>>
      %dma_start3A_146 = arith.constant 80 : i32
      %dma_start3A_147 = arith.constant 0 : i32
      %dma_start3A_148 = tpu.memref_slice %arg6[%dma_start3A_146, %dma_start3A_147] : memref<160x64xi32, #tpu.memory_space<vmem>> -> memref<80x64xi32, #tpu.memory_space<vmem>>
      %dma_start3A_149 = arith.constant 0 : i32
      %dma_start3A_150 = tpu.memref_slice %arg4[%add3A_17, %dma_start3A_149] : memref<5120x64xi32, #tpu.memory_space<hbm>> -> memref<80x64xi32, #tpu.memory_space<hbm>>
      tpu.enqueue_dma source(%dma_start3A_150 : memref<80x64xi32, #tpu.memory_space<hbm>>) target(%dma_start3A_148 : memref<80x64xi32, #tpu.memory_space<vmem>>) target_semaphore(%run_scoped3A_140 : memref<!tpu.dma_semaphore, #tpu.memory_space<semaphore_mem>>)
      %dma_wait3A_151 = arith.constant 80 : i32
      %dma_wait3A_152 = arith.constant 0 : i32
      %dma_wait3A_153 = tpu.memref_slice %arg6[%dma_wait3A_151, %dma_wait3A_152] : memref<160x64xi32, #tpu.memory_space<vmem>> -> memref<80x64xi32, #tpu.memory_space<vmem>>
      %dma_wait3A_154 = arith.constant 0 : i32
      %dma_wait3A_155 = tpu.memref_slice %arg4[%add3A_17, %dma_wait3A_154] : memref<5120x64xi32, #tpu.memory_space<hbm>> -> memref<80x64xi32, #tpu.memory_space<hbm>>
      %dma_wait3A_156 = arith.constant 80 : i32
      %dma_wait3A_157 = arith.constant 0 : i32
      %dma_wait3A_158 = tpu.memref_slice %arg6[%dma_wait3A_156, %dma_wait3A_157] : memref<160x64xi32, #tpu.memory_space<vmem>> -> memref<80x64xi32, #tpu.memory_space<vmem>>
      %dma_wait3A_159 = arith.constant 0 : i32
      %dma_wait3A_160 = tpu.memref_slice %arg4[%add3A_17, %dma_wait3A_159] : memref<5120x64xi32, #tpu.memory_space<hbm>> -> memref<80x64xi32, #tpu.memory_space<hbm>>
      tpu.wait_dma2 semaphore(%run_scoped3A_140 : memref<!tpu.dma_semaphore, #tpu.memory_space<semaphore_mem>>) src(%dma_wait3A_160 : memref<80x64xi32, #tpu.memory_space<hbm>>) dst(%dma_wait3A_158 : memref<80x64xi32, #tpu.memory_space<vmem>>)
      tpu.yield
    }) : () -> ()
    %dma_start3A = arith.constant 0 : i32
    %dma_start3A_18 = arith.constant 0 : i32
    %dma_start3A_19 = arith.constant 0 : i32
    %dma_start3A_20 = arith.constant 0 : i32
    %dma_start3A_21 = tpu.memref_slice %arg7[%dma_start3A_18, %dma_start3A_19, %dma_start3A_20] : memref<2x64x128xf32, #tpu.memory_space<vmem>> -> memref<1x64x128xf32, #tpu.memory_space<vmem>>
    %dma_start3A_22 = tpu.memref_squeeze %dma_start3A_21 : memref<1x64x128xf32, #tpu.memory_space<vmem>> -> memref<64x128xf32, #tpu.memory_space<vmem>>
    %dma_start3A_23 = arith.constant 0 : i32
    %dma_start3A_24 = tpu.memref_slice %arg6[%dma_start3A, %dma_start3A_23] : memref<160x64xi32, #tpu.memory_space<vmem>> -> memref<1x64xi32, #tpu.memory_space<vmem>>
    %dma_start3A_25 = tpu.memref_squeeze %dma_start3A_24 : memref<1x64xi32, #tpu.memory_space<vmem>> -> memref<64xi32, #tpu.memory_space<vmem>>
    %dma_start3A_26 = arith.constant 0 : i32
    %dma_start3A_27 = arith.constant 0 : i32
    %dma_start3A_28 = tpu.memref_slice %arg2[%dma_start3A_26, %dma_start3A_27] : memref<10240x128xf32, #tpu.memory_space<hbm>> -> memref<10240x128xf32, #tpu.memory_space<hbm>>
    tpu.enqueue_indirect_dma source(%dma_start3A_28 : memref<10240x128xf32, #tpu.memory_space<hbm>>) target(%dma_start3A_22 : memref<64x128xf32, #tpu.memory_space<vmem>>) offsets(%dma_start3A_25 : memref<64xi32, #tpu.memory_space<vmem>>) semaphore(%arg9 : memref<!tpu.dma_semaphore, #tpu.memory_space<semaphore_mem>>)
    %dma_start3A_29 = arith.constant 1 : i32
    %dma_start3A_30 = arith.constant 1 : i32
    %dma_start3A_31 = arith.constant 0 : i32
    %dma_start3A_32 = arith.constant 0 : i32
    %dma_start3A_33 = tpu.memref_slice %arg7[%dma_start3A_30, %dma_start3A_31, %dma_start3A_32] : memref<2x64x128xf32, #tpu.memory_space<vmem>> -> memref<1x64x128xf32, #tpu.memory_space<vmem>>
    %dma_start3A_34 = tpu.memref_squeeze %dma_start3A_33 : memref<1x64x128xf32, #tpu.memory_space<vmem>> -> memref<64x128xf32, #tpu.memory_space<vmem>>
    %dma_start3A_35 = arith.constant 0 : i32
    %dma_start3A_36 = tpu.memref_slice %arg6[%dma_start3A_29, %dma_start3A_35] : memref<160x64xi32, #tpu.memory_space<vmem>> -> memref<1x64xi32, #tpu.memory_space<vmem>>
    %dma_start3A_37 = tpu.memref_squeeze %dma_start3A_36 : memref<1x64xi32, #tpu.memory_space<vmem>> -> memref<64xi32, #tpu.memory_space<vmem>>
    %dma_start3A_38 = arith.constant 0 : i32
    %dma_start3A_39 = arith.constant 0 : i32
    %dma_start3A_40 = tpu.memref_slice %arg2[%dma_start3A_38, %dma_start3A_39] : memref<10240x128xf32, #tpu.memory_space<hbm>> -> memref<10240x128xf32, #tpu.memory_space<hbm>>
    tpu.enqueue_indirect_dma source(%dma_start3A_40 : memref<10240x128xf32, #tpu.memory_space<hbm>>) target(%dma_start3A_34 : memref<64x128xf32, #tpu.memory_space<vmem>>) offsets(%dma_start3A_37 : memref<64xi32, #tpu.memory_space<vmem>>) semaphore(%arg10 : memref<!tpu.dma_semaphore, #tpu.memory_space<semaphore_mem>>)
    %scan3A_41 = arith.constant 0 : i32
    %scan3A_42 = arith.constant 0 : i32
    %scan3A_43 = arith.constant 39 : i32
    %scan3A_44 = arith.addi %scan3A_42, %scan3A_43 : i32
    %scan3A_45 = arith.constant 1 : i32
    scf.for %scan3A_140 = %scan3A_42 to %scan3A_44 step %scan3A_45  : i32 {
      %mul3A_141 = arith.constant 2 : i32
      %mul3A_142 = arith.muli %scan3A_140, %mul3A_141 : i32
      %add3A_143 = arith.constant 0 : i32
      %add3A_144 = arith.addi %mul3A_142, %add3A_143 : i32
      %dma_wait3A_145 = arith.constant 0 : i32
      %dma_wait3A_146 = arith.constant 0 : i32
      %dma_wait3A_147 = arith.constant 0 : i32
      %dma_wait3A_148 = tpu.memref_slice %arg7[%dma_wait3A_145, %dma_wait3A_146, %dma_wait3A_147] : memref<2x64x128xf32, #tpu.memory_space<vmem>> -> memref<1x64x128xf32, #tpu.memory_space<vmem>>
      %dma_wait3A_149 = tpu.memref_squeeze %dma_wait3A_148 : memref<1x64x128xf32, #tpu.memory_space<vmem>> -> memref<64x128xf32, #tpu.memory_space<vmem>>
      %dma_wait3A_150 = arith.constant 0 : i32
      %dma_wait3A_151 = tpu.memref_slice %arg6[%add3A_144, %dma_wait3A_150] : memref<160x64xi32, #tpu.memory_space<vmem>> -> memref<1x64xi32, #tpu.memory_space<vmem>>
      %dma_wait3A_152 = tpu.memref_squeeze %dma_wait3A_151 : memref<1x64xi32, #tpu.memory_space<vmem>> -> memref<64xi32, #tpu.memory_space<vmem>>
      %dma_wait3A_153 = arith.constant 0 : i32
      %dma_wait3A_154 = arith.constant 0 : i32
      %dma_wait3A_155 = tpu.memref_slice %arg2[%dma_wait3A_153, %dma_wait3A_154] : memref<10240x128xf32, #tpu.memory_space<hbm>> -> memref<10240x128xf32, #tpu.memory_space<hbm>>
      tpu.wait_indirect_dma semaphore(%arg9 : memref<!tpu.dma_semaphore, #tpu.memory_space<semaphore_mem>>) src(%dma_wait3A_155 : memref<10240x128xf32, #tpu.memory_space<hbm>>) dst(%dma_wait3A_149 : memref<64x128xf32, #tpu.memory_space<vmem>>)
      %add3A_156 = arith.constant 80 : i32
      %add3A_157 = arith.addi %add3A_156, %add3A_144 : i32
      %run_scoped3A_158 = arith.constant 0 : i32
      "tpu.region"() ({
        %run_scoped3A_203 = tpu.sem_alloc : memref<!tpu.dma_semaphore, #tpu.memory_space<semaphore_mem>>
        %dma_start3A_204 = arith.constant 0 : i32
        %dma_start3A_205 = arith.constant 0 : i32
        %dma_start3A_206 = tpu.memref_slice %arg7[%run_scoped3A_158, %dma_start3A_204, %dma_start3A_205] : memref<2x64x128xf32, #tpu.memory_space<vmem>> -> memref<1x64x128xf32, #tpu.memory_space<vmem>>
        %dma_start3A_207 = tpu.memref_squeeze %dma_start3A_206 : memref<1x64x128xf32, #tpu.memory_space<vmem>> -> memref<64x128xf32, #tpu.memory_space<vmem>>
        %dma_start3A_208 = arith.constant 0 : i32
        %dma_start3A_209 = tpu.memref_slice %arg6[%add3A_157, %dma_start3A_208] : memref<160x64xi32, #tpu.memory_space<vmem>> -> memref<1x64xi32, #tpu.memory_space<vmem>>
        %dma_start3A_210 = tpu.memref_squeeze %dma_start3A_209 : memref<1x64xi32, #tpu.memory_space<vmem>> -> memref<64xi32, #tpu.memory_space<vmem>>
        %dma_start3A_211 = arith.constant 0 : i32
        %dma_start3A_212 = arith.constant 0 : i32
        %dma_start3A_213 = tpu.memref_slice %arg8[%dma_start3A_211, %dma_start3A_212] : memref<10240x128xf32, #tpu.memory_space<vmem_shared>> -> memref<10240x128xf32, #tpu.memory_space<vmem_shared>>
        tpu.enqueue_indirect_dma source(%dma_start3A_207 : memref<64x128xf32, #tpu.memory_space<vmem>>) target(%dma_start3A_213 : memref<10240x128xf32, #tpu.memory_space<vmem_shared>>) offsets(%dma_start3A_210 : memref<64xi32, #tpu.memory_space<vmem>>) semaphore(%run_scoped3A_203 : memref<!tpu.dma_semaphore, #tpu.memory_space<semaphore_mem>>) {add = true}
        %dma_wait3A_214 = arith.constant 0 : i32
        %dma_wait3A_215 = arith.constant 0 : i32
        %dma_wait3A_216 = tpu.memref_slice %arg7[%run_scoped3A_158, %dma_wait3A_214, %dma_wait3A_215] : memref<2x64x128xf32, #tpu.memory_space<vmem>> -> memref<1x64x128xf32, #tpu.memory_space<vmem>>
        %dma_wait3A_217 = tpu.memref_squeeze %dma_wait3A_216 : memref<1x64x128xf32, #tpu.memory_space<vmem>> -> memref<64x128xf32, #tpu.memory_space<vmem>>
        %dma_wait3A_218 = arith.constant 0 : i32
        %dma_wait3A_219 = tpu.memref_slice %arg6[%add3A_157, %dma_wait3A_218] : memref<160x64xi32, #tpu.memory_space<vmem>> -> memref<1x64xi32, #tpu.memory_space<vmem>>
        %dma_wait3A_220 = tpu.memref_squeeze %dma_wait3A_219 : memref<1x64xi32, #tpu.memory_space<vmem>> -> memref<64xi32, #tpu.memory_space<vmem>>
        %dma_wait3A_221 = arith.constant 0 : i32
        %dma_wait3A_222 = arith.constant 0 : i32
        %dma_wait3A_223 = tpu.memref_slice %arg8[%dma_wait3A_221, %dma_wait3A_222] : memref<10240x128xf32, #tpu.memory_space<vmem_shared>> -> memref<10240x128xf32, #tpu.memory_space<vmem_shared>>
        tpu.wait_indirect_dma semaphore(%run_scoped3A_203 : memref<!tpu.dma_semaphore, #tpu.memory_space<semaphore_mem>>) src(%dma_wait3A_217 : memref<64x128xf32, #tpu.memory_space<vmem>>) dst(%dma_wait3A_223 : memref<10240x128xf32, #tpu.memory_space<vmem_shared>>)
        tpu.yield
      }) : () -> ()
      %add3A_159 = arith.constant 2 : i32
      %add3A_160 = arith.addi %add3A_144, %add3A_159 : i32
      %dma_start3A_161 = arith.constant 0 : i32
      %dma_start3A_162 = arith.constant 0 : i32
      %dma_start3A_163 = arith.constant 0 : i32
      %dma_start3A_164 = tpu.memref_slice %arg7[%dma_start3A_161, %dma_start3A_162, %dma_start3A_163] : memref<2x64x128xf32, #tpu.memory_space<vmem>> -> memref<1x64x128xf32, #tpu.memory_space<vmem>>
      %dma_start3A_165 = tpu.memref_squeeze %dma_start3A_164 : memref<1x64x128xf32, #tpu.memory_space<vmem>> -> memref<64x128xf32, #tpu.memory_space<vmem>>
      %dma_start3A_166 = arith.constant 0 : i32
      %dma_start3A_167 = tpu.memref_slice %arg6[%add3A_160, %dma_start3A_166] : memref<160x64xi32, #tpu.memory_space<vmem>> -> memref<1x64xi32, #tpu.memory_space<vmem>>
      %dma_start3A_168 = tpu.memref_squeeze %dma_start3A_167 : memref<1x64xi32, #tpu.memory_space<vmem>> -> memref<64xi32, #tpu.memory_space<vmem>>
      %dma_start3A_169 = arith.constant 0 : i32
      %dma_start3A_170 = arith.constant 0 : i32
      %dma_start3A_171 = tpu.memref_slice %arg2[%dma_start3A_169, %dma_start3A_170] : memref<10240x128xf32, #tpu.memory_space<hbm>> -> memref<10240x128xf32, #tpu.memory_space<hbm>>
      tpu.enqueue_indirect_dma source(%dma_start3A_171 : memref<10240x128xf32, #tpu.memory_space<hbm>>) target(%dma_start3A_165 : memref<64x128xf32, #tpu.memory_space<vmem>>) offsets(%dma_start3A_168 : memref<64xi32, #tpu.memory_space<vmem>>) semaphore(%arg9 : memref<!tpu.dma_semaphore, #tpu.memory_space<semaphore_mem>>)
      %mul3A_172 = arith.constant 2 : i32
      %mul3A_173 = arith.muli %scan3A_140, %mul3A_172 : i32
      %add3A_174 = arith.constant 1 : i32
      %add3A_175 = arith.addi %mul3A_173, %add3A_174 : i32
      %dma_wait3A_176 = arith.constant 1 : i32
      %dma_wait3A_177 = arith.constant 0 : i32
      %dma_wait3A_178 = arith.constant 0 : i32
      %dma_wait3A_179 = tpu.memref_slice %arg7[%dma_wait3A_176, %dma_wait3A_177, %dma_wait3A_178] : memref<2x64x128xf32, #tpu.memory_space<vmem>> -> memref<1x64x128xf32, #tpu.memory_space<vmem>>
      %dma_wait3A_180 = tpu.memref_squeeze %dma_wait3A_179 : memref<1x64x128xf32, #tpu.memory_space<vmem>> -> memref<64x128xf32, #tpu.memory_space<vmem>>
      %dma_wait3A_181 = arith.constant 0 : i32
      %dma_wait3A_182 = tpu.memref_slice %arg6[%add3A_175, %dma_wait3A_181] : memref<160x64xi32, #tpu.memory_space<vmem>> -> memref<1x64xi32, #tpu.memory_space<vmem>>
      %dma_wait3A_183 = tpu.memref_squeeze %dma_wait3A_182 : memref<1x64xi32, #tpu.memory_space<vmem>> -> memref<64xi32, #tpu.memory_space<vmem>>
      %dma_wait3A_184 = arith.constant 0 : i32
      %dma_wait3A_185 = arith.constant 0 : i32
      %dma_wait3A_186 = tpu.memref_slice %arg2[%dma_wait3A_184, %dma_wait3A_185] : memref<10240x128xf32, #tpu.memory_space<hbm>> -> memref<10240x128xf32, #tpu.memory_space<hbm>>
      tpu.wait_indirect_dma semaphore(%arg10 : memref<!tpu.dma_semaphore, #tpu.memory_space<semaphore_mem>>) src(%dma_wait3A_186 : memref<10240x128xf32, #tpu.memory_space<hbm>>) dst(%dma_wait3A_180 : memref<64x128xf32, #tpu.memory_space<vmem>>)
      %add3A_187 = arith.constant 80 : i32
      %add3A_188 = arith.addi %add3A_187, %add3A_175 : i32
      %run_scoped3A_189 = arith.constant 1 : i32
      "tpu.region"() ({
        %run_scoped3A_203 = tpu.sem_alloc : memref<!tpu.dma_semaphore, #tpu.memory_space<semaphore_mem>>
        %dma_start3A_204 = arith.constant 0 : i32
        %dma_start3A_205 = arith.constant 0 : i32
        %dma_start3A_206 = tpu.memref_slice %arg7[%run_scoped3A_189, %dma_start3A_204, %dma_start3A_205] : memref<2x64x128xf32, #tpu.memory_space<vmem>> -> memref<1x64x128xf32, #tpu.memory_space<vmem>>
        %dma_start3A_207 = tpu.memref_squeeze %dma_start3A_206 : memref<1x64x128xf32, #tpu.memory_space<vmem>> -> memref<64x128xf32, #tpu.memory_space<vmem>>
        %dma_start3A_208 = arith.constant 0 : i32
        %dma_start3A_209 = tpu.memref_slice %arg6[%add3A_188, %dma_start3A_208] : memref<160x64xi32, #tpu.memory_space<vmem>> -> memref<1x64xi32, #tpu.memory_space<vmem>>
        %dma_start3A_210 = tpu.memref_squeeze %dma_start3A_209 : memref<1x64xi32, #tpu.memory_space<vmem>> -> memref<64xi32, #tpu.memory_space<vmem>>
        %dma_start3A_211 = arith.constant 0 : i32
        %dma_start3A_212 = arith.constant 0 : i32
        %dma_start3A_213 = tpu.memref_slice %arg8[%dma_start3A_211, %dma_start3A_212] : memref<10240x128xf32, #tpu.memory_space<vmem_shared>> -> memref<10240x128xf32, #tpu.memory_space<vmem_shared>>
        tpu.enqueue_indirect_dma source(%dma_start3A_207 : memref<64x128xf32, #tpu.memory_space<vmem>>) target(%dma_start3A_213 : memref<10240x128xf32, #tpu.memory_space<vmem_shared>>) offsets(%dma_start3A_210 : memref<64xi32, #tpu.memory_space<vmem>>) semaphore(%run_scoped3A_203 : memref<!tpu.dma_semaphore, #tpu.memory_space<semaphore_mem>>) {add = true}
        %dma_wait3A_214 = arith.constant 0 : i32
        %dma_wait3A_215 = arith.constant 0 : i32
        %dma_wait3A_216 = tpu.memref_slice %arg7[%run_scoped3A_189, %dma_wait3A_214, %dma_wait3A_215] : memref<2x64x128xf32, #tpu.memory_space<vmem>> -> memref<1x64x128xf32, #tpu.memory_space<vmem>>
        %dma_wait3A_217 = tpu.memref_squeeze %dma_wait3A_216 : memref<1x64x128xf32, #tpu.memory_space<vmem>> -> memref<64x128xf32, #tpu.memory_space<vmem>>
        %dma_wait3A_218 = arith.constant 0 : i32
        %dma_wait3A_219 = tpu.memref_slice %arg6[%add3A_188, %dma_wait3A_218] : memref<160x64xi32, #tpu.memory_space<vmem>> -> memref<1x64xi32, #tpu.memory_space<vmem>>
        %dma_wait3A_220 = tpu.memref_squeeze %dma_wait3A_219 : memref<1x64xi32, #tpu.memory_space<vmem>> -> memref<64xi32, #tpu.memory_space<vmem>>
        %dma_wait3A_221 = arith.constant 0 : i32
        %dma_wait3A_222 = arith.constant 0 : i32
        %dma_wait3A_223 = tpu.memref_slice %arg8[%dma_wait3A_221, %dma_wait3A_222] : memref<10240x128xf32, #tpu.memory_space<vmem_shared>> -> memref<10240x128xf32, #tpu.memory_space<vmem_shared>>
        tpu.wait_indirect_dma semaphore(%run_scoped3A_203 : memref<!tpu.dma_semaphore, #tpu.memory_space<semaphore_mem>>) src(%dma_wait3A_217 : memref<64x128xf32, #tpu.memory_space<vmem>>) dst(%dma_wait3A_223 : memref<10240x128xf32, #tpu.memory_space<vmem_shared>>)
        tpu.yield
      }) : () -> ()
      %add3A_190 = arith.constant 2 : i32
      %add3A_191 = arith.addi %add3A_175, %add3A_190 : i32
      %dma_start3A_192 = arith.constant 1 : i32
      %dma_start3A_193 = arith.constant 0 : i32
      %dma_start3A_194 = arith.constant 0 : i32
      %dma_start3A_195 = tpu.memref_slice %arg7[%dma_start3A_192, %dma_start3A_193, %dma_start3A_194] : memref<2x64x128xf32, #tpu.memory_space<vmem>> -> memref<1x64x128xf32, #tpu.memory_space<vmem>>
      %dma_start3A_196 = tpu.memref_squeeze %dma_start3A_195 : memref<1x64x128xf32, #tpu.memory_space<vmem>> -> memref<64x128xf32, #tpu.memory_space<vmem>>
      %dma_start3A_197 = arith.constant 0 : i32
      %dma_start3A_198 = tpu.memref_slice %arg6[%add3A_191, %dma_start3A_197] : memref<160x64xi32, #tpu.memory_space<vmem>> -> memref<1x64xi32, #tpu.memory_space<vmem>>
      %dma_start3A_199 = tpu.memref_squeeze %dma_start3A_198 : memref<1x64xi32, #tpu.memory_space<vmem>> -> memref<64xi32, #tpu.memory_space<vmem>>
      %dma_start3A_200 = arith.constant 0 : i32
      %dma_start3A_201 = arith.constant 0 : i32
      %dma_start3A_202 = tpu.memref_slice %arg2[%dma_start3A_200, %dma_start3A_201] : memref<10240x128xf32, #tpu.memory_space<hbm>> -> memref<10240x128xf32, #tpu.memory_space<hbm>>
      tpu.enqueue_indirect_dma source(%dma_start3A_202 : memref<10240x128xf32, #tpu.memory_space<hbm>>) target(%dma_start3A_196 : memref<64x128xf32, #tpu.memory_space<vmem>>) offsets(%dma_start3A_199 : memref<64xi32, #tpu.memory_space<vmem>>) semaphore(%arg10 : memref<!tpu.dma_semaphore, #tpu.memory_space<semaphore_mem>>)
    }
    %scan3A_46 = arith.constant 39 : i32
    %dma_wait3A = arith.constant 78 : i32
    %dma_wait3A_47 = arith.constant 0 : i32
    %dma_wait3A_48 = arith.constant 0 : i32
    %dma_wait3A_49 = arith.constant 0 : i32
    %dma_wait3A_50 = tpu.memref_slice %arg7[%dma_wait3A_47, %dma_wait3A_48, %dma_wait3A_49] : memref<2x64x128xf32, #tpu.memory_space<vmem>> -> memref<1x64x128xf32, #tpu.memory_space<vmem>>
    %dma_wait3A_51 = tpu.memref_squeeze %dma_wait3A_50 : memref<1x64x128xf32, #tpu.memory_space<vmem>> -> memref<64x128xf32, #tpu.memory_space<vmem>>
    %dma_wait3A_52 = arith.constant 0 : i32
    %dma_wait3A_53 = tpu.memref_slice %arg6[%dma_wait3A, %dma_wait3A_52] : memref<160x64xi32, #tpu.memory_space<vmem>> -> memref<1x64xi32, #tpu.memory_space<vmem>>
    %dma_wait3A_54 = tpu.memref_squeeze %dma_wait3A_53 : memref<1x64xi32, #tpu.memory_space<vmem>> -> memref<64xi32, #tpu.memory_space<vmem>>
    %dma_wait3A_55 = arith.constant 0 : i32
    %dma_wait3A_56 = arith.constant 0 : i32
    %dma_wait3A_57 = tpu.memref_slice %arg2[%dma_wait3A_55, %dma_wait3A_56] : memref<10240x128xf32, #tpu.memory_space<hbm>> -> memref<10240x128xf32, #tpu.memory_space<hbm>>
    tpu.wait_indirect_dma semaphore(%arg9 : memref<!tpu.dma_semaphore, #tpu.memory_space<semaphore_mem>>) src(%dma_wait3A_57 : memref<10240x128xf32, #tpu.memory_space<hbm>>) dst(%dma_wait3A_51 : memref<64x128xf32, #tpu.memory_space<vmem>>)
    %run_scoped3A = arith.constant 0 : i32
    %run_scoped3A_58 = arith.constant 158 : i32
    "tpu.region"() ({
      %run_scoped3A_140 = tpu.sem_alloc : memref<!tpu.dma_semaphore, #tpu.memory_space<semaphore_mem>>
      %dma_start3A_141 = arith.constant 0 : i32
      %dma_start3A_142 = arith.constant 0 : i32
      %dma_start3A_143 = tpu.memref_slice %arg7[%run_scoped3A, %dma_start3A_141, %dma_start3A_142] : memref<2x64x128xf32, #tpu.memory_space<vmem>> -> memref<1x64x128xf32, #tpu.memory_space<vmem>>
      %dma_start3A_144 = tpu.memref_squeeze %dma_start3A_143 : memref<1x64x128xf32, #tpu.memory_space<vmem>> -> memref<64x128xf32, #tpu.memory_space<vmem>>
      %dma_start3A_145 = arith.constant 0 : i32
      %dma_start3A_146 = tpu.memref_slice %arg6[%run_scoped3A_58, %dma_start3A_145] : memref<160x64xi32, #tpu.memory_space<vmem>> -> memref<1x64xi32, #tpu.memory_space<vmem>>
      %dma_start3A_147 = tpu.memref_squeeze %dma_start3A_146 : memref<1x64xi32, #tpu.memory_space<vmem>> -> memref<64xi32, #tpu.memory_space<vmem>>
      %dma_start3A_148 = arith.constant 0 : i32
      %dma_start3A_149 = arith.constant 0 : i32
      %dma_start3A_150 = tpu.memref_slice %arg8[%dma_start3A_148, %dma_start3A_149] : memref<10240x128xf32, #tpu.memory_space<vmem_shared>> -> memref<10240x128xf32, #tpu.memory_space<vmem_shared>>
      tpu.enqueue_indirect_dma source(%dma_start3A_144 : memref<64x128xf32, #tpu.memory_space<vmem>>) target(%dma_start3A_150 : memref<10240x128xf32, #tpu.memory_space<vmem_shared>>) offsets(%dma_start3A_147 : memref<64xi32, #tpu.memory_space<vmem>>) semaphore(%run_scoped3A_140 : memref<!tpu.dma_semaphore, #tpu.memory_space<semaphore_mem>>) {add = true}
      %dma_wait3A_151 = arith.constant 0 : i32
      %dma_wait3A_152 = arith.constant 0 : i32
      %dma_wait3A_153 = tpu.memref_slice %arg7[%run_scoped3A, %dma_wait3A_151, %dma_wait3A_152] : memref<2x64x128xf32, #tpu.memory_space<vmem>> -> memref<1x64x128xf32, #tpu.memory_space<vmem>>
      %dma_wait3A_154 = tpu.memref_squeeze %dma_wait3A_153 : memref<1x64x128xf32, #tpu.memory_space<vmem>> -> memref<64x128xf32, #tpu.memory_space<vmem>>
      %dma_wait3A_155 = arith.constant 0 : i32
      %dma_wait3A_156 = tpu.memref_slice %arg6[%run_scoped3A_58, %dma_wait3A_155] : memref<160x64xi32, #tpu.memory_space<vmem>> -> memref<1x64xi32, #tpu.memory_space<vmem>>
      %dma_wait3A_157 = tpu.memref_squeeze %dma_wait3A_156 : memref<1x64xi32, #tpu.memory_space<vmem>> -> memref<64xi32, #tpu.memory_space<vmem>>
      %dma_wait3A_158 = arith.constant 0 : i32
      %dma_wait3A_159 = arith.constant 0 : i32
      %dma_wait3A_160 = tpu.memref_slice %arg8[%dma_wait3A_158, %dma_wait3A_159] : memref<10240x128xf32, #tpu.memory_space<vmem_shared>> -> memref<10240x128xf32, #tpu.memory_space<vmem_shared>>
      tpu.wait_indirect_dma semaphore(%run_scoped3A_140 : memref<!tpu.dma_semaphore, #tpu.memory_space<semaphore_mem>>) src(%dma_wait3A_154 : memref<64x128xf32, #tpu.memory_space<vmem>>) dst(%dma_wait3A_160 : memref<10240x128xf32, #tpu.memory_space<vmem_shared>>)
      tpu.yield
    }) : () -> ()
    %dma_wait3A_59 = arith.constant 79 : i32
    %dma_wait3A_60 = arith.constant 1 : i32
    %dma_wait3A_61 = arith.constant 0 : i32
    %dma_wait3A_62 = arith.constant 0 : i32
    %dma_wait3A_63 = tpu.memref_slice %arg7[%dma_wait3A_60, %dma_wait3A_61, %dma_wait3A_62] : memref<2x64x128xf32, #tpu.memory_space<vmem>> -> memref<1x64x128xf32, #tpu.memory_space<vmem>>
    %dma_wait3A_64 = tpu.memref_squeeze %dma_wait3A_63 : memref<1x64x128xf32, #tpu.memory_space<vmem>> -> memref<64x128xf32, #tpu.memory_space<vmem>>
    %dma_wait3A_65 = arith.constant 0 : i32
    %dma_wait3A_66 = tpu.memref_slice %arg6[%dma_wait3A_59, %dma_wait3A_65] : memref<160x64xi32, #tpu.memory_space<vmem>> -> memref<1x64xi32, #tpu.memory_space<vmem>>
    %dma_wait3A_67 = tpu.memref_squeeze %dma_wait3A_66 : memref<1x64xi32, #tpu.memory_space<vmem>> -> memref<64xi32, #tpu.memory_space<vmem>>
    %dma_wait3A_68 = arith.constant 0 : i32
    %dma_wait3A_69 = arith.constant 0 : i32
    %dma_wait3A_70 = tpu.memref_slice %arg2[%dma_wait3A_68, %dma_wait3A_69] : memref<10240x128xf32, #tpu.memory_space<hbm>> -> memref<10240x128xf32, #tpu.memory_space<hbm>>
    tpu.wait_indirect_dma semaphore(%arg10 : memref<!tpu.dma_semaphore, #tpu.memory_space<semaphore_mem>>) src(%dma_wait3A_70 : memref<10240x128xf32, #tpu.memory_space<hbm>>) dst(%dma_wait3A_64 : memref<64x128xf32, #tpu.memory_space<vmem>>)
    %run_scoped3A_71 = arith.constant 1 : i32
    %run_scoped3A_72 = arith.constant 159 : i32
    "tpu.region"() ({
      %run_scoped3A_140 = tpu.sem_alloc : memref<!tpu.dma_semaphore, #tpu.memory_space<semaphore_mem>>
      %dma_start3A_141 = arith.constant 0 : i32
      %dma_start3A_142 = arith.constant 0 : i32
      %dma_start3A_143 = tpu.memref_slice %arg7[%run_scoped3A_71, %dma_start3A_141, %dma_start3A_142] : memref<2x64x128xf32, #tpu.memory_space<vmem>> -> memref<1x64x128xf32, #tpu.memory_space<vmem>>
      %dma_start3A_144 = tpu.memref_squeeze %dma_start3A_143 : memref<1x64x128xf32, #tpu.memory_space<vmem>> -> memref<64x128xf32, #tpu.memory_space<vmem>>
      %dma_start3A_145 = arith.constant 0 : i32
      %dma_start3A_146 = tpu.memref_slice %arg6[%run_scoped3A_72, %dma_start3A_145] : memref<160x64xi32, #tpu.memory_space<vmem>> -> memref<1x64xi32, #tpu.memory_space<vmem>>
      %dma_start3A_147 = tpu.memref_squeeze %dma_start3A_146 : memref<1x64xi32, #tpu.memory_space<vmem>> -> memref<64xi32, #tpu.memory_space<vmem>>
      %dma_start3A_148 = arith.constant 0 : i32
      %dma_start3A_149 = arith.constant 0 : i32
      %dma_start3A_150 = tpu.memref_slice %arg8[%dma_start3A_148, %dma_start3A_149] : memref<10240x128xf32, #tpu.memory_space<vmem_shared>> -> memref<10240x128xf32, #tpu.memory_space<vmem_shared>>
      tpu.enqueue_indirect_dma source(%dma_start3A_144 : memref<64x128xf32, #tpu.memory_space<vmem>>) target(%dma_start3A_150 : memref<10240x128xf32, #tpu.memory_space<vmem_shared>>) offsets(%dma_start3A_147 : memref<64xi32, #tpu.memory_space<vmem>>) semaphore(%run_scoped3A_140 : memref<!tpu.dma_semaphore, #tpu.memory_space<semaphore_mem>>) {add = true}
      %dma_wait3A_151 = arith.constant 0 : i32
      %dma_wait3A_152 = arith.constant 0 : i32
      %dma_wait3A_153 = tpu.memref_slice %arg7[%run_scoped3A_71, %dma_wait3A_151, %dma_wait3A_152] : memref<2x64x128xf32, #tpu.memory_space<vmem>> -> memref<1x64x128xf32, #tpu.memory_space<vmem>>
      %dma_wait3A_154 = tpu.memref_squeeze %dma_wait3A_153 : memref<1x64x128xf32, #tpu.memory_space<vmem>> -> memref<64x128xf32, #tpu.memory_space<vmem>>
      %dma_wait3A_155 = arith.constant 0 : i32
      %dma_wait3A_156 = tpu.memref_slice %arg6[%run_scoped3A_72, %dma_wait3A_155] : memref<160x64xi32, #tpu.memory_space<vmem>> -> memref<1x64xi32, #tpu.memory_space<vmem>>
      %dma_wait3A_157 = tpu.memref_squeeze %dma_wait3A_156 : memref<1x64xi32, #tpu.memory_space<vmem>> -> memref<64xi32, #tpu.memory_space<vmem>>
      %dma_wait3A_158 = arith.constant 0 : i32
      %dma_wait3A_159 = arith.constant 0 : i32
      %dma_wait3A_160 = tpu.memref_slice %arg8[%dma_wait3A_158, %dma_wait3A_159] : memref<10240x128xf32, #tpu.memory_space<vmem_shared>> -> memref<10240x128xf32, #tpu.memory_space<vmem_shared>>
      tpu.wait_indirect_dma semaphore(%run_scoped3A_140 : memref<!tpu.dma_semaphore, #tpu.memory_space<semaphore_mem>>) src(%dma_wait3A_154 : memref<64x128xf32, #tpu.memory_space<vmem>>) dst(%dma_wait3A_160 : memref<10240x128xf32, #tpu.memory_space<vmem_shared>>)
      tpu.yield
    }) : () -> ()
    %mul3A_73 = arith.constant 160 : i32
    %mul3A_74 = arith.muli %add3A, %mul3A_73 : i32
    %add3A_75 = arith.constant 80 : i32
    %add3A_76 = arith.addi %mul3A_74, %add3A_75 : i32
    "tpu.region"() ({
      %run_scoped3A_140 = tpu.sem_alloc : memref<!tpu.dma_semaphore, #tpu.memory_space<semaphore_mem>>
      %dma_start3A_141 = arith.constant 0 : i32
      %dma_start3A_142 = arith.constant 0 : i32
      %dma_start3A_143 = tpu.memref_slice %arg6[%dma_start3A_141, %dma_start3A_142] : memref<160x64xi32, #tpu.memory_space<vmem>> -> memref<80x64xi32, #tpu.memory_space<vmem>>
      %dma_start3A_144 = arith.constant 0 : i32
      %dma_start3A_145 = tpu.memref_slice %arg3[%add3A_76, %dma_start3A_144] : memref<5120x64xi32, #tpu.memory_space<hbm>> -> memref<80x64xi32, #tpu.memory_space<hbm>>
      %dma_start3A_146 = arith.constant 0 : i32
      %dma_start3A_147 = arith.constant 0 : i32
      %dma_start3A_148 = tpu.memref_slice %arg6[%dma_start3A_146, %dma_start3A_147] : memref<160x64xi32, #tpu.memory_space<vmem>> -> memref<80x64xi32, #tpu.memory_space<vmem>>
      %dma_start3A_149 = arith.constant 0 : i32
      %dma_start3A_150 = tpu.memref_slice %arg3[%add3A_76, %dma_start3A_149] : memref<5120x64xi32, #tpu.memory_space<hbm>> -> memref<80x64xi32, #tpu.memory_space<hbm>>
      tpu.enqueue_dma source(%dma_start3A_150 : memref<80x64xi32, #tpu.memory_space<hbm>>) target(%dma_start3A_148 : memref<80x64xi32, #tpu.memory_space<vmem>>) target_semaphore(%run_scoped3A_140 : memref<!tpu.dma_semaphore, #tpu.memory_space<semaphore_mem>>)
      %dma_wait3A_151 = arith.constant 0 : i32
      %dma_wait3A_152 = arith.constant 0 : i32
      %dma_wait3A_153 = tpu.memref_slice %arg6[%dma_wait3A_151, %dma_wait3A_152] : memref<160x64xi32, #tpu.memory_space<vmem>> -> memref<80x64xi32, #tpu.memory_space<vmem>>
      %dma_wait3A_154 = arith.constant 0 : i32
      %dma_wait3A_155 = tpu.memref_slice %arg3[%add3A_76, %dma_wait3A_154] : memref<5120x64xi32, #tpu.memory_space<hbm>> -> memref<80x64xi32, #tpu.memory_space<hbm>>
      %dma_wait3A_156 = arith.constant 0 : i32
      %dma_wait3A_157 = arith.constant 0 : i32
      %dma_wait3A_158 = tpu.memref_slice %arg6[%dma_wait3A_156, %dma_wait3A_157] : memref<160x64xi32, #tpu.memory_space<vmem>> -> memref<80x64xi32, #tpu.memory_space<vmem>>
      %dma_wait3A_159 = arith.constant 0 : i32
      %dma_wait3A_160 = tpu.memref_slice %arg3[%add3A_76, %dma_wait3A_159] : memref<5120x64xi32, #tpu.memory_space<hbm>> -> memref<80x64xi32, #tpu.memory_space<hbm>>
      tpu.wait_dma2 semaphore(%run_scoped3A_140 : memref<!tpu.dma_semaphore, #tpu.memory_space<semaphore_mem>>) src(%dma_wait3A_160 : memref<80x64xi32, #tpu.memory_space<hbm>>) dst(%dma_wait3A_158 : memref<80x64xi32, #tpu.memory_space<vmem>>)
      tpu.yield
    }) : () -> ()
    "tpu.region"() ({
      %run_scoped3A_140 = tpu.sem_alloc : memref<!tpu.dma_semaphore, #tpu.memory_space<semaphore_mem>>
      %dma_start3A_141 = arith.constant 80 : i32
      %dma_start3A_142 = arith.constant 0 : i32
      %dma_start3A_143 = tpu.memref_slice %arg6[%dma_start3A_141, %dma_start3A_142] : memref<160x64xi32, #tpu.memory_space<vmem>> -> memref<80x64xi32, #tpu.memory_space<vmem>>
      %dma_start3A_144 = arith.constant 0 : i32
      %dma_start3A_145 = tpu.memref_slice %arg4[%add3A_76, %dma_start3A_144] : memref<5120x64xi32, #tpu.memory_space<hbm>> -> memref<80x64xi32, #tpu.memory_space<hbm>>
      %dma_start3A_146 = arith.constant 80 : i32
      %dma_start3A_147 = arith.constant 0 : i32
      %dma_start3A_148 = tpu.memref_slice %arg6[%dma_start3A_146, %dma_start3A_147] : memref<160x64xi32, #tpu.memory_space<vmem>> -> memref<80x64xi32, #tpu.memory_space<vmem>>
      %dma_start3A_149 = arith.constant 0 : i32
      %dma_start3A_150 = tpu.memref_slice %arg4[%add3A_76, %dma_start3A_149] : memref<5120x64xi32, #tpu.memory_space<hbm>> -> memref<80x64xi32, #tpu.memory_space<hbm>>
      tpu.enqueue_dma source(%dma_start3A_150 : memref<80x64xi32, #tpu.memory_space<hbm>>) target(%dma_start3A_148 : memref<80x64xi32, #tpu.memory_space<vmem>>) target_semaphore(%run_scoped3A_140 : memref<!tpu.dma_semaphore, #tpu.memory_space<semaphore_mem>>)
      %dma_wait3A_151 = arith.constant 80 : i32
      %dma_wait3A_152 = arith.constant 0 : i32
      %dma_wait3A_153 = tpu.memref_slice %arg6[%dma_wait3A_151, %dma_wait3A_152] : memref<160x64xi32, #tpu.memory_space<vmem>> -> memref<80x64xi32, #tpu.memory_space<vmem>>
      %dma_wait3A_154 = arith.constant 0 : i32
      %dma_wait3A_155 = tpu.memref_slice %arg4[%add3A_76, %dma_wait3A_154] : memref<5120x64xi32, #tpu.memory_space<hbm>> -> memref<80x64xi32, #tpu.memory_space<hbm>>
      %dma_wait3A_156 = arith.constant 80 : i32
      %dma_wait3A_157 = arith.constant 0 : i32
      %dma_wait3A_158 = tpu.memref_slice %arg6[%dma_wait3A_156, %dma_wait3A_157] : memref<160x64xi32, #tpu.memory_space<vmem>> -> memref<80x64xi32, #tpu.memory_space<vmem>>
      %dma_wait3A_159 = arith.constant 0 : i32
      %dma_wait3A_160 = tpu.memref_slice %arg4[%add3A_76, %dma_wait3A_159] : memref<5120x64xi32, #tpu.memory_space<hbm>> -> memref<80x64xi32, #tpu.memory_space<hbm>>
      tpu.wait_dma2 semaphore(%run_scoped3A_140 : memref<!tpu.dma_semaphore, #tpu.memory_space<semaphore_mem>>) src(%dma_wait3A_160 : memref<80x64xi32, #tpu.memory_space<hbm>>) dst(%dma_wait3A_158 : memref<80x64xi32, #tpu.memory_space<vmem>>)
      tpu.yield
    }) : () -> ()
    %dma_start3A_77 = arith.constant 0 : i32
    %dma_start3A_78 = arith.constant 0 : i32
    %dma_start3A_79 = arith.constant 0 : i32
    %dma_start3A_80 = arith.constant 0 : i32
    %dma_start3A_81 = tpu.memref_slice %arg7[%dma_start3A_78, %dma_start3A_79, %dma_start3A_80] : memref<2x64x128xf32, #tpu.memory_space<vmem>> -> memref<1x64x128xf32, #tpu.memory_space<vmem>>
    %dma_start3A_82 = tpu.memref_squeeze %dma_start3A_81 : memref<1x64x128xf32, #tpu.memory_space<vmem>> -> memref<64x128xf32, #tpu.memory_space<vmem>>
    %dma_start3A_83 = arith.constant 0 : i32
    %dma_start3A_84 = tpu.memref_slice %arg6[%dma_start3A_77, %dma_start3A_83] : memref<160x64xi32, #tpu.memory_space<vmem>> -> memref<1x64xi32, #tpu.memory_space<vmem>>
    %dma_start3A_85 = tpu.memref_squeeze %dma_start3A_84 : memref<1x64xi32, #tpu.memory_space<vmem>> -> memref<64xi32, #tpu.memory_space<vmem>>
    %dma_start3A_86 = arith.constant 0 : i32
    %dma_start3A_87 = arith.constant 0 : i32
    %dma_start3A_88 = tpu.memref_slice %arg2[%dma_start3A_86, %dma_start3A_87] : memref<10240x128xf32, #tpu.memory_space<hbm>> -> memref<10240x128xf32, #tpu.memory_space<hbm>>
    tpu.enqueue_indirect_dma source(%dma_start3A_88 : memref<10240x128xf32, #tpu.memory_space<hbm>>) target(%dma_start3A_82 : memref<64x128xf32, #tpu.memory_space<vmem>>) offsets(%dma_start3A_85 : memref<64xi32, #tpu.memory_space<vmem>>) semaphore(%arg9 : memref<!tpu.dma_semaphore, #tpu.memory_space<semaphore_mem>>)
    %dma_start3A_89 = arith.constant 1 : i32
    %dma_start3A_90 = arith.constant 1 : i32
    %dma_start3A_91 = arith.constant 0 : i32
    %dma_start3A_92 = arith.constant 0 : i32
    %dma_start3A_93 = tpu.memref_slice %arg7[%dma_start3A_90, %dma_start3A_91, %dma_start3A_92] : memref<2x64x128xf32, #tpu.memory_space<vmem>> -> memref<1x64x128xf32, #tpu.memory_space<vmem>>
    %dma_start3A_94 = tpu.memref_squeeze %dma_start3A_93 : memref<1x64x128xf32, #tpu.memory_space<vmem>> -> memref<64x128xf32, #tpu.memory_space<vmem>>
    %dma_start3A_95 = arith.constant 0 : i32
    %dma_start3A_96 = tpu.memref_slice %arg6[%dma_start3A_89, %dma_start3A_95] : memref<160x64xi32, #tpu.memory_space<vmem>> -> memref<1x64xi32, #tpu.memory_space<vmem>>
    %dma_start3A_97 = tpu.memref_squeeze %dma_start3A_96 : memref<1x64xi32, #tpu.memory_space<vmem>> -> memref<64xi32, #tpu.memory_space<vmem>>
    %dma_start3A_98 = arith.constant 0 : i32
    %dma_start3A_99 = arith.constant 0 : i32
    %dma_start3A_100 = tpu.memref_slice %arg2[%dma_start3A_98, %dma_start3A_99] : memref<10240x128xf32, #tpu.memory_space<hbm>> -> memref<10240x128xf32, #tpu.memory_space<hbm>>
    tpu.enqueue_indirect_dma source(%dma_start3A_100 : memref<10240x128xf32, #tpu.memory_space<hbm>>) target(%dma_start3A_94 : memref<64x128xf32, #tpu.memory_space<vmem>>) offsets(%dma_start3A_97 : memref<64xi32, #tpu.memory_space<vmem>>) semaphore(%arg10 : memref<!tpu.dma_semaphore, #tpu.memory_space<semaphore_mem>>)
    %scan3A_101 = arith.constant 0 : i32
    %scan3A_102 = arith.constant 0 : i32
    %scan3A_103 = arith.constant 39 : i32
    %scan3A_104 = arith.addi %scan3A_102, %scan3A_103 : i32
    %scan3A_105 = arith.constant 1 : i32
    scf.for %scan3A_140 = %scan3A_102 to %scan3A_104 step %scan3A_105  : i32 {
      %mul3A_141 = arith.constant 2 : i32
      %mul3A_142 = arith.muli %scan3A_140, %mul3A_141 : i32
      %add3A_143 = arith.constant 0 : i32
      %add3A_144 = arith.addi %mul3A_142, %add3A_143 : i32
      %dma_wait3A_145 = arith.constant 0 : i32
      %dma_wait3A_146 = arith.constant 0 : i32
      %dma_wait3A_147 = arith.constant 0 : i32
      %dma_wait3A_148 = tpu.memref_slice %arg7[%dma_wait3A_145, %dma_wait3A_146, %dma_wait3A_147] : memref<2x64x128xf32, #tpu.memory_space<vmem>> -> memref<1x64x128xf32, #tpu.memory_space<vmem>>
      %dma_wait3A_149 = tpu.memref_squeeze %dma_wait3A_148 : memref<1x64x128xf32, #tpu.memory_space<vmem>> -> memref<64x128xf32, #tpu.memory_space<vmem>>
      %dma_wait3A_150 = arith.constant 0 : i32
      %dma_wait3A_151 = tpu.memref_slice %arg6[%add3A_144, %dma_wait3A_150] : memref<160x64xi32, #tpu.memory_space<vmem>> -> memref<1x64xi32, #tpu.memory_space<vmem>>
      %dma_wait3A_152 = tpu.memref_squeeze %dma_wait3A_151 : memref<1x64xi32, #tpu.memory_space<vmem>> -> memref<64xi32, #tpu.memory_space<vmem>>
      %dma_wait3A_153 = arith.constant 0 : i32
      %dma_wait3A_154 = arith.constant 0 : i32
      %dma_wait3A_155 = tpu.memref_slice %arg2[%dma_wait3A_153, %dma_wait3A_154] : memref<10240x128xf32, #tpu.memory_space<hbm>> -> memref<10240x128xf32, #tpu.memory_space<hbm>>
      tpu.wait_indirect_dma semaphore(%arg9 : memref<!tpu.dma_semaphore, #tpu.memory_space<semaphore_mem>>) src(%dma_wait3A_155 : memref<10240x128xf32, #tpu.memory_space<hbm>>) dst(%dma_wait3A_149 : memref<64x128xf32, #tpu.memory_space<vmem>>)
      %add3A_156 = arith.constant 80 : i32
      %add3A_157 = arith.addi %add3A_156, %add3A_144 : i32
      %run_scoped3A_158 = arith.constant 0 : i32
      "tpu.region"() ({
        %run_scoped3A_203 = tpu.sem_alloc : memref<!tpu.dma_semaphore, #tpu.memory_space<semaphore_mem>>
        %dma_start3A_204 = arith.constant 0 : i32
        %dma_start3A_205 = arith.constant 0 : i32
        %dma_start3A_206 = tpu.memref_slice %arg7[%run_scoped3A_158, %dma_start3A_204, %dma_start3A_205] : memref<2x64x128xf32, #tpu.memory_space<vmem>> -> memref<1x64x128xf32, #tpu.memory_space<vmem>>
        %dma_start3A_207 = tpu.memref_squeeze %dma_start3A_206 : memref<1x64x128xf32, #tpu.memory_space<vmem>> -> memref<64x128xf32, #tpu.memory_space<vmem>>
        %dma_start3A_208 = arith.constant 0 : i32
        %dma_start3A_209 = tpu.memref_slice %arg6[%add3A_157, %dma_start3A_208] : memref<160x64xi32, #tpu.memory_space<vmem>> -> memref<1x64xi32, #tpu.memory_space<vmem>>
        %dma_start3A_210 = tpu.memref_squeeze %dma_start3A_209 : memref<1x64xi32, #tpu.memory_space<vmem>> -> memref<64xi32, #tpu.memory_space<vmem>>
        %dma_start3A_211 = arith.constant 0 : i32
        %dma_start3A_212 = arith.constant 0 : i32
        %dma_start3A_213 = tpu.memref_slice %arg8[%dma_start3A_211, %dma_start3A_212] : memref<10240x128xf32, #tpu.memory_space<vmem_shared>> -> memref<10240x128xf32, #tpu.memory_space<vmem_shared>>
        tpu.enqueue_indirect_dma source(%dma_start3A_207 : memref<64x128xf32, #tpu.memory_space<vmem>>) target(%dma_start3A_213 : memref<10240x128xf32, #tpu.memory_space<vmem_shared>>) offsets(%dma_start3A_210 : memref<64xi32, #tpu.memory_space<vmem>>) semaphore(%run_scoped3A_203 : memref<!tpu.dma_semaphore, #tpu.memory_space<semaphore_mem>>) {add = true}
        %dma_wait3A_214 = arith.constant 0 : i32
        %dma_wait3A_215 = arith.constant 0 : i32
        %dma_wait3A_216 = tpu.memref_slice %arg7[%run_scoped3A_158, %dma_wait3A_214, %dma_wait3A_215] : memref<2x64x128xf32, #tpu.memory_space<vmem>> -> memref<1x64x128xf32, #tpu.memory_space<vmem>>
        %dma_wait3A_217 = tpu.memref_squeeze %dma_wait3A_216 : memref<1x64x128xf32, #tpu.memory_space<vmem>> -> memref<64x128xf32, #tpu.memory_space<vmem>>
        %dma_wait3A_218 = arith.constant 0 : i32
        %dma_wait3A_219 = tpu.memref_slice %arg6[%add3A_157, %dma_wait3A_218] : memref<160x64xi32, #tpu.memory_space<vmem>> -> memref<1x64xi32, #tpu.memory_space<vmem>>
        %dma_wait3A_220 = tpu.memref_squeeze %dma_wait3A_219 : memref<1x64xi32, #tpu.memory_space<vmem>> -> memref<64xi32, #tpu.memory_space<vmem>>
        %dma_wait3A_221 = arith.constant 0 : i32
        %dma_wait3A_222 = arith.constant 0 : i32
        %dma_wait3A_223 = tpu.memref_slice %arg8[%dma_wait3A_221, %dma_wait3A_222] : memref<10240x128xf32, #tpu.memory_space<vmem_shared>> -> memref<10240x128xf32, #tpu.memory_space<vmem_shared>>
        tpu.wait_indirect_dma semaphore(%run_scoped3A_203 : memref<!tpu.dma_semaphore, #tpu.memory_space<semaphore_mem>>) src(%dma_wait3A_217 : memref<64x128xf32, #tpu.memory_space<vmem>>) dst(%dma_wait3A_223 : memref<10240x128xf32, #tpu.memory_space<vmem_shared>>)
        tpu.yield
      }) : () -> ()
      %add3A_159 = arith.constant 2 : i32
      %add3A_160 = arith.addi %add3A_144, %add3A_159 : i32
      %dma_start3A_161 = arith.constant 0 : i32
      %dma_start3A_162 = arith.constant 0 : i32
      %dma_start3A_163 = arith.constant 0 : i32
      %dma_start3A_164 = tpu.memref_slice %arg7[%dma_start3A_161, %dma_start3A_162, %dma_start3A_163] : memref<2x64x128xf32, #tpu.memory_space<vmem>> -> memref<1x64x128xf32, #tpu.memory_space<vmem>>
      %dma_start3A_165 = tpu.memref_squeeze %dma_start3A_164 : memref<1x64x128xf32, #tpu.memory_space<vmem>> -> memref<64x128xf32, #tpu.memory_space<vmem>>
      %dma_start3A_166 = arith.constant 0 : i32
      %dma_start3A_167 = tpu.memref_slice %arg6[%add3A_160, %dma_start3A_166] : memref<160x64xi32, #tpu.memory_space<vmem>> -> memref<1x64xi32, #tpu.memory_space<vmem>>
      %dma_start3A_168 = tpu.memref_squeeze %dma_start3A_167 : memref<1x64xi32, #tpu.memory_space<vmem>> -> memref<64xi32, #tpu.memory_space<vmem>>
      %dma_start3A_169 = arith.constant 0 : i32
      %dma_start3A_170 = arith.constant 0 : i32
      %dma_start3A_171 = tpu.memref_slice %arg2[%dma_start3A_169, %dma_start3A_170] : memref<10240x128xf32, #tpu.memory_space<hbm>> -> memref<10240x128xf32, #tpu.memory_space<hbm>>
      tpu.enqueue_indirect_dma source(%dma_start3A_171 : memref<10240x128xf32, #tpu.memory_space<hbm>>) target(%dma_start3A_165 : memref<64x128xf32, #tpu.memory_space<vmem>>) offsets(%dma_start3A_168 : memref<64xi32, #tpu.memory_space<vmem>>) semaphore(%arg9 : memref<!tpu.dma_semaphore, #tpu.memory_space<semaphore_mem>>)
      %mul3A_172 = arith.constant 2 : i32
      %mul3A_173 = arith.muli %scan3A_140, %mul3A_172 : i32
      %add3A_174 = arith.constant 1 : i32
      %add3A_175 = arith.addi %mul3A_173, %add3A_174 : i32
      %dma_wait3A_176 = arith.constant 1 : i32
      %dma_wait3A_177 = arith.constant 0 : i32
      %dma_wait3A_178 = arith.constant 0 : i32
      %dma_wait3A_179 = tpu.memref_slice %arg7[%dma_wait3A_176, %dma_wait3A_177, %dma_wait3A_178] : memref<2x64x128xf32, #tpu.memory_space<vmem>> -> memref<1x64x128xf32, #tpu.memory_space<vmem>>
      %dma_wait3A_180 = tpu.memref_squeeze %dma_wait3A_179 : memref<1x64x128xf32, #tpu.memory_space<vmem>> -> memref<64x128xf32, #tpu.memory_space<vmem>>
      %dma_wait3A_181 = arith.constant 0 : i32
      %dma_wait3A_182 = tpu.memref_slice %arg6[%add3A_175, %dma_wait3A_181] : memref<160x64xi32, #tpu.memory_space<vmem>> -> memref<1x64xi32, #tpu.memory_space<vmem>>
      %dma_wait3A_183 = tpu.memref_squeeze %dma_wait3A_182 : memref<1x64xi32, #tpu.memory_space<vmem>> -> memref<64xi32, #tpu.memory_space<vmem>>
      %dma_wait3A_184 = arith.constant 0 : i32
      %dma_wait3A_185 = arith.constant 0 : i32
      %dma_wait3A_186 = tpu.memref_slice %arg2[%dma_wait3A_184, %dma_wait3A_185] : memref<10240x128xf32, #tpu.memory_space<hbm>> -> memref<10240x128xf32, #tpu.memory_space<hbm>>
      tpu.wait_indirect_dma semaphore(%arg10 : memref<!tpu.dma_semaphore, #tpu.memory_space<semaphore_mem>>) src(%dma_wait3A_186 : memref<10240x128xf32, #tpu.memory_space<hbm>>) dst(%dma_wait3A_180 : memref<64x128xf32, #tpu.memory_space<vmem>>)
      %add3A_187 = arith.constant 80 : i32
      %add3A_188 = arith.addi %add3A_187, %add3A_175 : i32
      %run_scoped3A_189 = arith.constant 1 : i32
      "tpu.region"() ({
        %run_scoped3A_203 = tpu.sem_alloc : memref<!tpu.dma_semaphore, #tpu.memory_space<semaphore_mem>>
        %dma_start3A_204 = arith.constant 0 : i32
        %dma_start3A_205 = arith.constant 0 : i32
        %dma_start3A_206 = tpu.memref_slice %arg7[%run_scoped3A_189, %dma_start3A_204, %dma_start3A_205] : memref<2x64x128xf32, #tpu.memory_space<vmem>> -> memref<1x64x128xf32, #tpu.memory_space<vmem>>
        %dma_start3A_207 = tpu.memref_squeeze %dma_start3A_206 : memref<1x64x128xf32, #tpu.memory_space<vmem>> -> memref<64x128xf32, #tpu.memory_space<vmem>>
        %dma_start3A_208 = arith.constant 0 : i32
        %dma_start3A_209 = tpu.memref_slice %arg6[%add3A_188, %dma_start3A_208] : memref<160x64xi32, #tpu.memory_space<vmem>> -> memref<1x64xi32, #tpu.memory_space<vmem>>
        %dma_start3A_210 = tpu.memref_squeeze %dma_start3A_209 : memref<1x64xi32, #tpu.memory_space<vmem>> -> memref<64xi32, #tpu.memory_space<vmem>>
        %dma_start3A_211 = arith.constant 0 : i32
        %dma_start3A_212 = arith.constant 0 : i32
        %dma_start3A_213 = tpu.memref_slice %arg8[%dma_start3A_211, %dma_start3A_212] : memref<10240x128xf32, #tpu.memory_space<vmem_shared>> -> memref<10240x128xf32, #tpu.memory_space<vmem_shared>>
        tpu.enqueue_indirect_dma source(%dma_start3A_207 : memref<64x128xf32, #tpu.memory_space<vmem>>) target(%dma_start3A_213 : memref<10240x128xf32, #tpu.memory_space<vmem_shared>>) offsets(%dma_start3A_210 : memref<64xi32, #tpu.memory_space<vmem>>) semaphore(%run_scoped3A_203 : memref<!tpu.dma_semaphore, #tpu.memory_space<semaphore_mem>>) {add = true}
        %dma_wait3A_214 = arith.constant 0 : i32
        %dma_wait3A_215 = arith.constant 0 : i32
        %dma_wait3A_216 = tpu.memref_slice %arg7[%run_scoped3A_189, %dma_wait3A_214, %dma_wait3A_215] : memref<2x64x128xf32, #tpu.memory_space<vmem>> -> memref<1x64x128xf32, #tpu.memory_space<vmem>>
        %dma_wait3A_217 = tpu.memref_squeeze %dma_wait3A_216 : memref<1x64x128xf32, #tpu.memory_space<vmem>> -> memref<64x128xf32, #tpu.memory_space<vmem>>
        %dma_wait3A_218 = arith.constant 0 : i32
        %dma_wait3A_219 = tpu.memref_slice %arg6[%add3A_188, %dma_wait3A_218] : memref<160x64xi32, #tpu.memory_space<vmem>> -> memref<1x64xi32, #tpu.memory_space<vmem>>
        %dma_wait3A_220 = tpu.memref_squeeze %dma_wait3A_219 : memref<1x64xi32, #tpu.memory_space<vmem>> -> memref<64xi32, #tpu.memory_space<vmem>>
        %dma_wait3A_221 = arith.constant 0 : i32
        %dma_wait3A_222 = arith.constant 0 : i32
        %dma_wait3A_223 = tpu.memref_slice %arg8[%dma_wait3A_221, %dma_wait3A_222] : memref<10240x128xf32, #tpu.memory_space<vmem_shared>> -> memref<10240x128xf32, #tpu.memory_space<vmem_shared>>
        tpu.wait_indirect_dma semaphore(%run_scoped3A_203 : memref<!tpu.dma_semaphore, #tpu.memory_space<semaphore_mem>>) src(%dma_wait3A_217 : memref<64x128xf32, #tpu.memory_space<vmem>>) dst(%dma_wait3A_223 : memref<10240x128xf32, #tpu.memory_space<vmem_shared>>)
        tpu.yield
      }) : () -> ()
      %add3A_190 = arith.constant 2 : i32
      %add3A_191 = arith.addi %add3A_175, %add3A_190 : i32
      %dma_start3A_192 = arith.constant 1 : i32
      %dma_start3A_193 = arith.constant 0 : i32
      %dma_start3A_194 = arith.constant 0 : i32
      %dma_start3A_195 = tpu.memref_slice %arg7[%dma_start3A_192, %dma_start3A_193, %dma_start3A_194] : memref<2x64x128xf32, #tpu.memory_space<vmem>> -> memref<1x64x128xf32, #tpu.memory_space<vmem>>
      %dma_start3A_196 = tpu.memref_squeeze %dma_start3A_195 : memref<1x64x128xf32, #tpu.memory_space<vmem>> -> memref<64x128xf32, #tpu.memory_space<vmem>>
      %dma_start3A_197 = arith.constant 0 : i32
      %dma_start3A_198 = tpu.memref_slice %arg6[%add3A_191, %dma_start3A_197] : memref<160x64xi32, #tpu.memory_space<vmem>> -> memref<1x64xi32, #tpu.memory_space<vmem>>
      %dma_start3A_199 = tpu.memref_squeeze %dma_start3A_198 : memref<1x64xi32, #tpu.memory_space<vmem>> -> memref<64xi32, #tpu.memory_space<vmem>>
      %dma_start3A_200 = arith.constant 0 : i32
      %dma_start3A_201 = arith.constant 0 : i32
      %dma_start3A_202 = tpu.memref_slice %arg2[%dma_start3A_200, %dma_start3A_201] : memref<10240x128xf32, #tpu.memory_space<hbm>> -> memref<10240x128xf32, #tpu.memory_space<hbm>>
      tpu.enqueue_indirect_dma source(%dma_start3A_202 : memref<10240x128xf32, #tpu.memory_space<hbm>>) target(%dma_start3A_196 : memref<64x128xf32, #tpu.memory_space<vmem>>) offsets(%dma_start3A_199 : memref<64xi32, #tpu.memory_space<vmem>>) semaphore(%arg10 : memref<!tpu.dma_semaphore, #tpu.memory_space<semaphore_mem>>)
    }
    %scan3A_106 = arith.constant 39 : i32
    %dma_wait3A_107 = arith.constant 78 : i32
    %dma_wait3A_108 = arith.constant 0 : i32
    %dma_wait3A_109 = arith.constant 0 : i32
    %dma_wait3A_110 = arith.constant 0 : i32
    %dma_wait3A_111 = tpu.memref_slice %arg7[%dma_wait3A_108, %dma_wait3A_109, %dma_wait3A_110] : memref<2x64x128xf32, #tpu.memory_space<vmem>> -> memref<1x64x128xf32, #tpu.memory_space<vmem>>
    %dma_wait3A_112 = tpu.memref_squeeze %dma_wait3A_111 : memref<1x64x128xf32, #tpu.memory_space<vmem>> -> memref<64x128xf32, #tpu.memory_space<vmem>>
    %dma_wait3A_113 = arith.constant 0 : i32
    %dma_wait3A_114 = tpu.memref_slice %arg6[%dma_wait3A_107, %dma_wait3A_113] : memref<160x64xi32, #tpu.memory_space<vmem>> -> memref<1x64xi32, #tpu.memory_space<vmem>>
    %dma_wait3A_115 = tpu.memref_squeeze %dma_wait3A_114 : memref<1x64xi32, #tpu.memory_space<vmem>> -> memref<64xi32, #tpu.memory_space<vmem>>
    %dma_wait3A_116 = arith.constant 0 : i32
    %dma_wait3A_117 = arith.constant 0 : i32
    %dma_wait3A_118 = tpu.memref_slice %arg2[%dma_wait3A_116, %dma_wait3A_117] : memref<10240x128xf32, #tpu.memory_space<hbm>> -> memref<10240x128xf32, #tpu.memory_space<hbm>>
    tpu.wait_indirect_dma semaphore(%arg9 : memref<!tpu.dma_semaphore, #tpu.memory_space<semaphore_mem>>) src(%dma_wait3A_118 : memref<10240x128xf32, #tpu.memory_space<hbm>>) dst(%dma_wait3A_112 : memref<64x128xf32, #tpu.memory_space<vmem>>)
    %run_scoped3A_119 = arith.constant 0 : i32
    %run_scoped3A_120 = arith.constant 158 : i32
    "tpu.region"() ({
      %run_scoped3A_140 = tpu.sem_alloc : memref<!tpu.dma_semaphore, #tpu.memory_space<semaphore_mem>>
      %dma_start3A_141 = arith.constant 0 : i32
      %dma_start3A_142 = arith.constant 0 : i32
      %dma_start3A_143 = tpu.memref_slice %arg7[%run_scoped3A_119, %dma_start3A_141, %dma_start3A_142] : memref<2x64x128xf32, #tpu.memory_space<vmem>> -> memref<1x64x128xf32, #tpu.memory_space<vmem>>
      %dma_start3A_144 = tpu.memref_squeeze %dma_start3A_143 : memref<1x64x128xf32, #tpu.memory_space<vmem>> -> memref<64x128xf32, #tpu.memory_space<vmem>>
      %dma_start3A_145 = arith.constant 0 : i32
      %dma_start3A_146 = tpu.memref_slice %arg6[%run_scoped3A_120, %dma_start3A_145] : memref<160x64xi32, #tpu.memory_space<vmem>> -> memref<1x64xi32, #tpu.memory_space<vmem>>
      %dma_start3A_147 = tpu.memref_squeeze %dma_start3A_146 : memref<1x64xi32, #tpu.memory_space<vmem>> -> memref<64xi32, #tpu.memory_space<vmem>>
      %dma_start3A_148 = arith.constant 0 : i32
      %dma_start3A_149 = arith.constant 0 : i32
      %dma_start3A_150 = tpu.memref_slice %arg8[%dma_start3A_148, %dma_start3A_149] : memref<10240x128xf32, #tpu.memory_space<vmem_shared>> -> memref<10240x128xf32, #tpu.memory_space<vmem_shared>>
      tpu.enqueue_indirect_dma source(%dma_start3A_144 : memref<64x128xf32, #tpu.memory_space<vmem>>) target(%dma_start3A_150 : memref<10240x128xf32, #tpu.memory_space<vmem_shared>>) offsets(%dma_start3A_147 : memref<64xi32, #tpu.memory_space<vmem>>) semaphore(%run_scoped3A_140 : memref<!tpu.dma_semaphore, #tpu.memory_space<semaphore_mem>>) {add = true}
      %dma_wait3A_151 = arith.constant 0 : i32
      %dma_wait3A_152 = arith.constant 0 : i32
      %dma_wait3A_153 = tpu.memref_slice %arg7[%run_scoped3A_119, %dma_wait3A_151, %dma_wait3A_152] : memref<2x64x128xf32, #tpu.memory_space<vmem>> -> memref<1x64x128xf32, #tpu.memory_space<vmem>>
      %dma_wait3A_154 = tpu.memref_squeeze %dma_wait3A_153 : memref<1x64x128xf32, #tpu.memory_space<vmem>> -> memref<64x128xf32, #tpu.memory_space<vmem>>
      %dma_wait3A_155 = arith.constant 0 : i32
      %dma_wait3A_156 = tpu.memref_slice %arg6[%run_scoped3A_120, %dma_wait3A_155] : memref<160x64xi32, #tpu.memory_space<vmem>> -> memref<1x64xi32, #tpu.memory_space<vmem>>
      %dma_wait3A_157 = tpu.memref_squeeze %dma_wait3A_156 : memref<1x64xi32, #tpu.memory_space<vmem>> -> memref<64xi32, #tpu.memory_space<vmem>>
      %dma_wait3A_158 = arith.constant 0 : i32
      %dma_wait3A_159 = arith.constant 0 : i32
      %dma_wait3A_160 = tpu.memref_slice %arg8[%dma_wait3A_158, %dma_wait3A_159] : memref<10240x128xf32, #tpu.memory_space<vmem_shared>> -> memref<10240x128xf32, #tpu.memory_space<vmem_shared>>
      tpu.wait_indirect_dma semaphore(%run_scoped3A_140 : memref<!tpu.dma_semaphore, #tpu.memory_space<semaphore_mem>>) src(%dma_wait3A_154 : memref<64x128xf32, #tpu.memory_space<vmem>>) dst(%dma_wait3A_160 : memref<10240x128xf32, #tpu.memory_space<vmem_shared>>)
      tpu.yield
    }) : () -> ()
    %dma_wait3A_121 = arith.constant 79 : i32
    %dma_wait3A_122 = arith.constant 1 : i32
    %dma_wait3A_123 = arith.constant 0 : i32
    %dma_wait3A_124 = arith.constant 0 : i32
    %dma_wait3A_125 = tpu.memref_slice %arg7[%dma_wait3A_122, %dma_wait3A_123, %dma_wait3A_124] : memref<2x64x128xf32, #tpu.memory_space<vmem>> -> memref<1x64x128xf32, #tpu.memory_space<vmem>>
    %dma_wait3A_126 = tpu.memref_squeeze %dma_wait3A_125 : memref<1x64x128xf32, #tpu.memory_space<vmem>> -> memref<64x128xf32, #tpu.memory_space<vmem>>
    %dma_wait3A_127 = arith.constant 0 : i32
    %dma_wait3A_128 = tpu.memref_slice %arg6[%dma_wait3A_121, %dma_wait3A_127] : memref<160x64xi32, #tpu.memory_space<vmem>> -> memref<1x64xi32, #tpu.memory_space<vmem>>
    %dma_wait3A_129 = tpu.memref_squeeze %dma_wait3A_128 : memref<1x64xi32, #tpu.memory_space<vmem>> -> memref<64xi32, #tpu.memory_space<vmem>>
    %dma_wait3A_130 = arith.constant 0 : i32
    %dma_wait3A_131 = arith.constant 0 : i32
    %dma_wait3A_132 = tpu.memref_slice %arg2[%dma_wait3A_130, %dma_wait3A_131] : memref<10240x128xf32, #tpu.memory_space<hbm>> -> memref<10240x128xf32, #tpu.memory_space<hbm>>
    tpu.wait_indirect_dma semaphore(%arg10 : memref<!tpu.dma_semaphore, #tpu.memory_space<semaphore_mem>>) src(%dma_wait3A_132 : memref<10240x128xf32, #tpu.memory_space<hbm>>) dst(%dma_wait3A_126 : memref<64x128xf32, #tpu.memory_space<vmem>>)
    %run_scoped3A_133 = arith.constant 1 : i32
    %run_scoped3A_134 = arith.constant 159 : i32
    "tpu.region"() ({
      %run_scoped3A_140 = tpu.sem_alloc : memref<!tpu.dma_semaphore, #tpu.memory_space<semaphore_mem>>
      %dma_start3A_141 = arith.constant 0 : i32
      %dma_start3A_142 = arith.constant 0 : i32
      %dma_start3A_143 = tpu.memref_slice %arg7[%run_scoped3A_133, %dma_start3A_141, %dma_start3A_142] : memref<2x64x128xf32, #tpu.memory_space<vmem>> -> memref<1x64x128xf32, #tpu.memory_space<vmem>>
      %dma_start3A_144 = tpu.memref_squeeze %dma_start3A_143 : memref<1x64x128xf32, #tpu.memory_space<vmem>> -> memref<64x128xf32, #tpu.memory_space<vmem>>
      %dma_start3A_145 = arith.constant 0 : i32
      %dma_start3A_146 = tpu.memref_slice %arg6[%run_scoped3A_134, %dma_start3A_145] : memref<160x64xi32, #tpu.memory_space<vmem>> -> memref<1x64xi32, #tpu.memory_space<vmem>>
      %dma_start3A_147 = tpu.memref_squeeze %dma_start3A_146 : memref<1x64xi32, #tpu.memory_space<vmem>> -> memref<64xi32, #tpu.memory_space<vmem>>
      %dma_start3A_148 = arith.constant 0 : i32
      %dma_start3A_149 = arith.constant 0 : i32
      %dma_start3A_150 = tpu.memref_slice %arg8[%dma_start3A_148, %dma_start3A_149] : memref<10240x128xf32, #tpu.memory_space<vmem_shared>> -> memref<10240x128xf32, #tpu.memory_space<vmem_shared>>
      tpu.enqueue_indirect_dma source(%dma_start3A_144 : memref<64x128xf32, #tpu.memory_space<vmem>>) target(%dma_start3A_150 : memref<10240x128xf32, #tpu.memory_space<vmem_shared>>) offsets(%dma_start3A_147 : memref<64xi32, #tpu.memory_space<vmem>>) semaphore(%run_scoped3A_140 : memref<!tpu.dma_semaphore, #tpu.memory_space<semaphore_mem>>) {add = true}
      %dma_wait3A_151 = arith.constant 0 : i32
      %dma_wait3A_152 = arith.constant 0 : i32
      %dma_wait3A_153 = tpu.memref_slice %arg7[%run_scoped3A_133, %dma_wait3A_151, %dma_wait3A_152] : memref<2x64x128xf32, #tpu.memory_space<vmem>> -> memref<1x64x128xf32, #tpu.memory_space<vmem>>
      %dma_wait3A_154 = tpu.memref_squeeze %dma_wait3A_153 : memref<1x64x128xf32, #tpu.memory_space<vmem>> -> memref<64x128xf32, #tpu.memory_space<vmem>>
      %dma_wait3A_155 = arith.constant 0 : i32
      %dma_wait3A_156 = tpu.memref_slice %arg6[%run_scoped3A_134, %dma_wait3A_155] : memref<160x64xi32, #tpu.memory_space<vmem>> -> memref<1x64xi32, #tpu.memory_space<vmem>>
      %dma_wait3A_157 = tpu.memref_squeeze %dma_wait3A_156 : memref<1x64xi32, #tpu.memory_space<vmem>> -> memref<64xi32, #tpu.memory_space<vmem>>
      %dma_wait3A_158 = arith.constant 0 : i32
      %dma_wait3A_159 = arith.constant 0 : i32
      %dma_wait3A_160 = tpu.memref_slice %arg8[%dma_wait3A_158, %dma_wait3A_159] : memref<10240x128xf32, #tpu.memory_space<vmem_shared>> -> memref<10240x128xf32, #tpu.memory_space<vmem_shared>>
      tpu.wait_indirect_dma semaphore(%run_scoped3A_140 : memref<!tpu.dma_semaphore, #tpu.memory_space<semaphore_mem>>) src(%dma_wait3A_154 : memref<64x128xf32, #tpu.memory_space<vmem>>) dst(%dma_wait3A_160 : memref<10240x128xf32, #tpu.memory_space<vmem_shared>>)
      tpu.yield
    }) : () -> ()
    %barrier3A_135 = arith.constant 0 : index
    tpu.barrier barrier_id(%barrier3A_135)
    %mul3A_136 = arith.constant 640 : i32
    %mul3A_137 = arith.muli %arg1, %mul3A_136 : i32
    %mul3A_138 = arith.constant 640 : i32
    %mul3A_139 = arith.muli %arg1, %mul3A_138 : i32
    "tpu.region"() ({
      %run_scoped3A_140 = tpu.sem_alloc : memref<!tpu.dma_semaphore, #tpu.memory_space<semaphore_mem>>
      %dma_start3A_141 = arith.constant 0 : i32
      %dma_start3A_142 = tpu.memref_slice %arg5[%arg0, %mul3A_139, %dma_start3A_141] : memref<2x10240x128xf32, #tpu.memory_space<hbm>> -> memref<1x640x128xf32, #tpu.memory_space<hbm>>
      %dma_start3A_143 = tpu.memref_squeeze %dma_start3A_142 : memref<1x640x128xf32, #tpu.memory_space<hbm>> -> memref<640x128xf32, #tpu.memory_space<hbm>>
      %dma_start3A_144 = arith.constant 0 : i32
      %dma_start3A_145 = tpu.memref_slice %arg8[%mul3A_137, %dma_start3A_144] : memref<10240x128xf32, #tpu.memory_space<vmem_shared>> -> memref<640x128xf32, #tpu.memory_space<vmem_shared>>
      tpu.enqueue_dma source(%dma_start3A_145 : memref<640x128xf32, #tpu.memory_space<vmem_shared>>) target(%dma_start3A_143 : memref<640x128xf32, #tpu.memory_space<hbm>>) target_semaphore(%run_scoped3A_140 : memref<!tpu.dma_semaphore, #tpu.memory_space<semaphore_mem>>)
      %dma_wait3A_146 = arith.constant 0 : i32
      %dma_wait3A_147 = tpu.memref_slice %arg5[%arg0, %mul3A_139, %dma_wait3A_146] : memref<2x10240x128xf32, #tpu.memory_space<hbm>> -> memref<1x640x128xf32, #tpu.memory_space<hbm>>
      %dma_wait3A_148 = tpu.memref_squeeze %dma_wait3A_147 : memref<1x640x128xf32, #tpu.memory_space<hbm>> -> memref<640x128xf32, #tpu.memory_space<hbm>>
      %dma_wait3A_149 = arith.constant 0 : i32
      %dma_wait3A_150 = tpu.memref_slice %arg8[%mul3A_137, %dma_wait3A_149] : memref<10240x128xf32, #tpu.memory_space<vmem_shared>> -> memref<640x128xf32, #tpu.memory_space<vmem_shared>>
      tpu.wait_dma2 semaphore(%run_scoped3A_140 : memref<!tpu.dma_semaphore, #tpu.memory_space<semaphore_mem>>) src(%dma_wait3A_150 : memref<640x128xf32, #tpu.memory_space<vmem_shared>>) dst(%dma_wait3A_148 : memref<640x128xf32, #tpu.memory_space<hbm>>)
      tpu.yield
    }) : () -> ()
    return
  }
}

#map = affine_map<(d0, d1) -> (0, 0)>
#map1 = affine_map<(d0, d1) -> (0, 0, 0)>
module attributes {stable_mosaic.version = 14 : i64} {
  func.func @_sc_readout(%arg0: i32, %arg1: i32, %arg2: memref<10240x128xf32, #tpu.memory_space<hbm>>, %arg3: memref<160x64xi32, #tpu.memory_space<hbm>>, %arg4: memref<2x1024x128xf32, #tpu.memory_space<hbm>>, %arg5: memref<2x1024x128xf32, #tpu.memory_space<hbm>>, %arg6: memref<160x64xi32, #tpu.memory_space<vmem>>, %arg7: memref<64x128xf32, #tpu.memory_space<vmem>>, %arg8: memref<64x128xf32, #tpu.memory_space<vmem>>, %arg9: memref<64x128xf32, #tpu.memory_space<vmem>>, %arg10: memref<1024x128xf32, #tpu.memory_space<vmem_shared>>, %arg11: memref<1024x128xf32, #tpu.memory_space<vmem_shared>>) attributes {dimension_semantics = [#tpu.dimension_semantics<core_parallel>, #tpu.dimension_semantics<subcore_parallel>], iteration_bounds = array<i64: 2, 16>, scalar_prefetch = 0 : i64, scratch_operands = 6 : i64, tpu.core_type = #tpu.core_type<sc_vector_subcore>, window_params = [{transform_indices = #map}, {transform_indices = #map}, {transform_indices = #map1}, {transform_indices = #map1}]} {
    %mul3A = arith.constant 16 : i32
    %mul3A_0 = arith.muli %arg0, %mul3A : i32
    %add3A = arith.addi %mul3A_0, %arg1 : i32
    %broadcast_in_dim3A = arith.constant 1.000000e+00 : f32
    %broadcast_in_dim3A_1 = vector.broadcast %broadcast_in_dim3A : f32 to vector<16xf32>
    %scan3A = arith.constant 0 : i32
    %scan3A_2 = arith.constant 0 : i32
    %scan3A_3 = arith.constant 64 : i32
    %scan3A_4 = arith.addi %scan3A_2, %scan3A_3 : i32
    %scan3A_5 = arith.constant 1 : i32
    scf.for %scan3A_34 = %scan3A_2 to %scan3A_4 step %scan3A_5  : i32 {
      %swap3A = arith.index_cast %scan3A_34 : i32 to index
      %swap3A_35 = arith.constant 0 : index
      %swap3A_36 = tpu.vector_load %arg8[%swap3A, %swap3A_35] {strides = array<i32>} : memref<64x128xf32, #tpu.memory_space<vmem>>, vector<1x16xf32>,
      %swap3A_37 = vector.shape_cast %swap3A_36 : vector<1x16xf32> to vector<16xf32>
      %swap3A_38 = vector.shape_cast %broadcast_in_dim3A_1 : vector<16xf32> to vector<1x16xf32>
      tpu.vector_store %arg8[%swap3A, %swap3A_35], %swap3A_38 {strides = array<i32>} : memref<64x128xf32, #tpu.memory_space<vmem>>, vector<1x16xf32>,
      %swap3A_39 = arith.index_cast %scan3A_34 : i32 to index
      %swap3A_40 = arith.constant 16 : index
      %swap3A_41 = tpu.vector_load %arg8[%swap3A_39, %swap3A_40] {strides = array<i32>} : memref<64x128xf32, #tpu.memory_space<vmem>>, vector<1x16xf32>,
      %swap3A_42 = vector.shape_cast %swap3A_41 : vector<1x16xf32> to vector<16xf32>
      %swap3A_43 = vector.shape_cast %broadcast_in_dim3A_1 : vector<16xf32> to vector<1x16xf32>
      tpu.vector_store %arg8[%swap3A_39, %swap3A_40], %swap3A_43 {strides = array<i32>} : memref<64x128xf32, #tpu.memory_space<vmem>>, vector<1x16xf32>,
      %swap3A_44 = arith.index_cast %scan3A_34 : i32 to index
      %swap3A_45 = arith.constant 32 : index
      %swap3A_46 = tpu.vector_load %arg8[%swap3A_44, %swap3A_45] {strides = array<i32>} : memref<64x128xf32, #tpu.memory_space<vmem>>, vector<1x16xf32>,
      %swap3A_47 = vector.shape_cast %swap3A_46 : vector<1x16xf32> to vector<16xf32>
      %swap3A_48 = vector.shape_cast %broadcast_in_dim3A_1 : vector<16xf32> to vector<1x16xf32>
      tpu.vector_store %arg8[%swap3A_44, %swap3A_45], %swap3A_48 {strides = array<i32>} : memref<64x128xf32, #tpu.memory_space<vmem>>, vector<1x16xf32>,
      %swap3A_49 = arith.index_cast %scan3A_34 : i32 to index
      %swap3A_50 = arith.constant 48 : index
      %swap3A_51 = tpu.vector_load %arg8[%swap3A_49, %swap3A_50] {strides = array<i32>} : memref<64x128xf32, #tpu.memory_space<vmem>>, vector<1x16xf32>,
      %swap3A_52 = vector.shape_cast %swap3A_51 : vector<1x16xf32> to vector<16xf32>
      %swap3A_53 = vector.shape_cast %broadcast_in_dim3A_1 : vector<16xf32> to vector<1x16xf32>
      tpu.vector_store %arg8[%swap3A_49, %swap3A_50], %swap3A_53 {strides = array<i32>} : memref<64x128xf32, #tpu.memory_space<vmem>>, vector<1x16xf32>,
      %swap3A_54 = arith.index_cast %scan3A_34 : i32 to index
      %swap3A_55 = arith.constant 64 : index
      %swap3A_56 = tpu.vector_load %arg8[%swap3A_54, %swap3A_55] {strides = array<i32>} : memref<64x128xf32, #tpu.memory_space<vmem>>, vector<1x16xf32>,
      %swap3A_57 = vector.shape_cast %swap3A_56 : vector<1x16xf32> to vector<16xf32>
      %swap3A_58 = vector.shape_cast %broadcast_in_dim3A_1 : vector<16xf32> to vector<1x16xf32>
      tpu.vector_store %arg8[%swap3A_54, %swap3A_55], %swap3A_58 {strides = array<i32>} : memref<64x128xf32, #tpu.memory_space<vmem>>, vector<1x16xf32>,
      %swap3A_59 = arith.index_cast %scan3A_34 : i32 to index
      %swap3A_60 = arith.constant 80 : index
      %swap3A_61 = tpu.vector_load %arg8[%swap3A_59, %swap3A_60] {strides = array<i32>} : memref<64x128xf32, #tpu.memory_space<vmem>>, vector<1x16xf32>,
      %swap3A_62 = vector.shape_cast %swap3A_61 : vector<1x16xf32> to vector<16xf32>
      %swap3A_63 = vector.shape_cast %broadcast_in_dim3A_1 : vector<16xf32> to vector<1x16xf32>
      tpu.vector_store %arg8[%swap3A_59, %swap3A_60], %swap3A_63 {strides = array<i32>} : memref<64x128xf32, #tpu.memory_space<vmem>>, vector<1x16xf32>,
      %swap3A_64 = arith.index_cast %scan3A_34 : i32 to index
      %swap3A_65 = arith.constant 96 : index
      %swap3A_66 = tpu.vector_load %arg8[%swap3A_64, %swap3A_65] {strides = array<i32>} : memref<64x128xf32, #tpu.memory_space<vmem>>, vector<1x16xf32>,
      %swap3A_67 = vector.shape_cast %swap3A_66 : vector<1x16xf32> to vector<16xf32>
      %swap3A_68 = vector.shape_cast %broadcast_in_dim3A_1 : vector<16xf32> to vector<1x16xf32>
      tpu.vector_store %arg8[%swap3A_64, %swap3A_65], %swap3A_68 {strides = array<i32>} : memref<64x128xf32, #tpu.memory_space<vmem>>, vector<1x16xf32>,
      %swap3A_69 = arith.index_cast %scan3A_34 : i32 to index
      %swap3A_70 = arith.constant 112 : index
      %swap3A_71 = tpu.vector_load %arg8[%swap3A_69, %swap3A_70] {strides = array<i32>} : memref<64x128xf32, #tpu.memory_space<vmem>>, vector<1x16xf32>,
      %swap3A_72 = vector.shape_cast %swap3A_71 : vector<1x16xf32> to vector<16xf32>
      %swap3A_73 = vector.shape_cast %broadcast_in_dim3A_1 : vector<16xf32> to vector<1x16xf32>
      tpu.vector_store %arg8[%swap3A_69, %swap3A_70], %swap3A_73 {strides = array<i32>} : memref<64x128xf32, #tpu.memory_space<vmem>>, vector<1x16xf32>,
    }
    %scan3A_6 = arith.constant 64 : i32
    %broadcast_in_dim3A_7 = arith.constant 0.000000e+00 : f32
    %broadcast_in_dim3A_8 = vector.broadcast %broadcast_in_dim3A_7 : f32 to vector<16xf32>
    %scan3A_9 = arith.constant 0 : i32
    %scan3A_10 = arith.constant 0 : i32
    %scan3A_11 = arith.constant 64 : i32
    %scan3A_12 = arith.addi %scan3A_10, %scan3A_11 : i32
    %scan3A_13 = arith.constant 1 : i32
    scf.for %scan3A_34 = %scan3A_10 to %scan3A_12 step %scan3A_13  : i32 {
      %swap3A = arith.index_cast %scan3A_34 : i32 to index
      %swap3A_35 = arith.constant 0 : index
      %swap3A_36 = tpu.vector_load %arg9[%swap3A, %swap3A_35] {strides = array<i32>} : memref<64x128xf32, #tpu.memory_space<vmem>>, vector<1x16xf32>,
      %swap3A_37 = vector.shape_cast %swap3A_36 : vector<1x16xf32> to vector<16xf32>
      %swap3A_38 = vector.shape_cast %broadcast_in_dim3A_8 : vector<16xf32> to vector<1x16xf32>
      tpu.vector_store %arg9[%swap3A, %swap3A_35], %swap3A_38 {strides = array<i32>} : memref<64x128xf32, #tpu.memory_space<vmem>>, vector<1x16xf32>,
      %swap3A_39 = arith.index_cast %scan3A_34 : i32 to index
      %swap3A_40 = arith.constant 16 : index
      %swap3A_41 = tpu.vector_load %arg9[%swap3A_39, %swap3A_40] {strides = array<i32>} : memref<64x128xf32, #tpu.memory_space<vmem>>, vector<1x16xf32>,
      %swap3A_42 = vector.shape_cast %swap3A_41 : vector<1x16xf32> to vector<16xf32>
      %swap3A_43 = vector.shape_cast %broadcast_in_dim3A_8 : vector<16xf32> to vector<1x16xf32>
      tpu.vector_store %arg9[%swap3A_39, %swap3A_40], %swap3A_43 {strides = array<i32>} : memref<64x128xf32, #tpu.memory_space<vmem>>, vector<1x16xf32>,
      %swap3A_44 = arith.index_cast %scan3A_34 : i32 to index
      %swap3A_45 = arith.constant 32 : index
      %swap3A_46 = tpu.vector_load %arg9[%swap3A_44, %swap3A_45] {strides = array<i32>} : memref<64x128xf32, #tpu.memory_space<vmem>>, vector<1x16xf32>,
      %swap3A_47 = vector.shape_cast %swap3A_46 : vector<1x16xf32> to vector<16xf32>
      %swap3A_48 = vector.shape_cast %broadcast_in_dim3A_8 : vector<16xf32> to vector<1x16xf32>
      tpu.vector_store %arg9[%swap3A_44, %swap3A_45], %swap3A_48 {strides = array<i32>} : memref<64x128xf32, #tpu.memory_space<vmem>>, vector<1x16xf32>,
      %swap3A_49 = arith.index_cast %scan3A_34 : i32 to index
      %swap3A_50 = arith.constant 48 : index
      %swap3A_51 = tpu.vector_load %arg9[%swap3A_49, %swap3A_50] {strides = array<i32>} : memref<64x128xf32, #tpu.memory_space<vmem>>, vector<1x16xf32>,
      %swap3A_52 = vector.shape_cast %swap3A_51 : vector<1x16xf32> to vector<16xf32>
      %swap3A_53 = vector.shape_cast %broadcast_in_dim3A_8 : vector<16xf32> to vector<1x16xf32>
      tpu.vector_store %arg9[%swap3A_49, %swap3A_50], %swap3A_53 {strides = array<i32>} : memref<64x128xf32, #tpu.memory_space<vmem>>, vector<1x16xf32>,
      %swap3A_54 = arith.index_cast %scan3A_34 : i32 to index
      %swap3A_55 = arith.constant 64 : index
      %swap3A_56 = tpu.vector_load %arg9[%swap3A_54, %swap3A_55] {strides = array<i32>} : memref<64x128xf32, #tpu.memory_space<vmem>>, vector<1x16xf32>,
      %swap3A_57 = vector.shape_cast %swap3A_56 : vector<1x16xf32> to vector<16xf32>
      %swap3A_58 = vector.shape_cast %broadcast_in_dim3A_8 : vector<16xf32> to vector<1x16xf32>
      tpu.vector_store %arg9[%swap3A_54, %swap3A_55], %swap3A_58 {strides = array<i32>} : memref<64x128xf32, #tpu.memory_space<vmem>>, vector<1x16xf32>,
      %swap3A_59 = arith.index_cast %scan3A_34 : i32 to index
      %swap3A_60 = arith.constant 80 : index
      %swap3A_61 = tpu.vector_load %arg9[%swap3A_59, %swap3A_60] {strides = array<i32>} : memref<64x128xf32, #tpu.memory_space<vmem>>, vector<1x16xf32>,
      %swap3A_62 = vector.shape_cast %swap3A_61 : vector<1x16xf32> to vector<16xf32>
      %swap3A_63 = vector.shape_cast %broadcast_in_dim3A_8 : vector<16xf32> to vector<1x16xf32>
      tpu.vector_store %arg9[%swap3A_59, %swap3A_60], %swap3A_63 {strides = array<i32>} : memref<64x128xf32, #tpu.memory_space<vmem>>, vector<1x16xf32>,
      %swap3A_64 = arith.index_cast %scan3A_34 : i32 to index
      %swap3A_65 = arith.constant 96 : index
      %swap3A_66 = tpu.vector_load %arg9[%swap3A_64, %swap3A_65] {strides = array<i32>} : memref<64x128xf32, #tpu.memory_space<vmem>>, vector<1x16xf32>,
      %swap3A_67 = vector.shape_cast %swap3A_66 : vector<1x16xf32> to vector<16xf32>
      %swap3A_68 = vector.shape_cast %broadcast_in_dim3A_8 : vector<16xf32> to vector<1x16xf32>
      tpu.vector_store %arg9[%swap3A_64, %swap3A_65], %swap3A_68 {strides = array<i32>} : memref<64x128xf32, #tpu.memory_space<vmem>>, vector<1x16xf32>,
      %swap3A_69 = arith.index_cast %scan3A_34 : i32 to index
      %swap3A_70 = arith.constant 112 : index
      %swap3A_71 = tpu.vector_load %arg9[%swap3A_69, %swap3A_70] {strides = array<i32>} : memref<64x128xf32, #tpu.memory_space<vmem>>, vector<1x16xf32>,
      %swap3A_72 = vector.shape_cast %swap3A_71 : vector<1x16xf32> to vector<16xf32>
      %swap3A_73 = vector.shape_cast %broadcast_in_dim3A_8 : vector<16xf32> to vector<1x16xf32>
      tpu.vector_store %arg9[%swap3A_69, %swap3A_70], %swap3A_73 {strides = array<i32>} : memref<64x128xf32, #tpu.memory_space<vmem>>, vector<1x16xf32>,
    }
    %scan3A_14 = arith.constant 64 : i32
    %mul3A_15 = arith.constant 64 : i32
    %mul3A_16 = arith.muli %arg1, %mul3A_15 : i32
    "tpu.region"() ({
      %run_scoped3A = tpu.sem_alloc : memref<!tpu.dma_semaphore, #tpu.memory_space<semaphore_mem>>
      %dma_start3A = arith.constant 0 : i32
      %dma_start3A_34 = tpu.memref_slice %arg10[%mul3A_16, %dma_start3A] : memref<1024x128xf32, #tpu.memory_space<vmem_shared>> -> memref<64x128xf32, #tpu.memory_space<vmem_shared>>
      %dma_start3A_35 = arith.constant 0 : i32
      %dma_start3A_36 = tpu.memref_slice %arg10[%mul3A_16, %dma_start3A_35] : memref<1024x128xf32, #tpu.memory_space<vmem_shared>> -> memref<64x128xf32, #tpu.memory_space<vmem_shared>>
      tpu.enqueue_dma source(%arg9 : memref<64x128xf32, #tpu.memory_space<vmem>>) target(%dma_start3A_36 : memref<64x128xf32, #tpu.memory_space<vmem_shared>>) target_semaphore(%run_scoped3A : memref<!tpu.dma_semaphore, #tpu.memory_space<semaphore_mem>>)
      %dma_wait3A = arith.constant 0 : i32
      %dma_wait3A_37 = tpu.memref_slice %arg10[%mul3A_16, %dma_wait3A] : memref<1024x128xf32, #tpu.memory_space<vmem_shared>> -> memref<64x128xf32, #tpu.memory_space<vmem_shared>>
      %dma_wait3A_38 = arith.constant 0 : i32
      %dma_wait3A_39 = tpu.memref_slice %arg10[%mul3A_16, %dma_wait3A_38] : memref<1024x128xf32, #tpu.memory_space<vmem_shared>> -> memref<64x128xf32, #tpu.memory_space<vmem_shared>>
      tpu.wait_dma2 semaphore(%run_scoped3A : memref<!tpu.dma_semaphore, #tpu.memory_space<semaphore_mem>>) src(%arg9 : memref<64x128xf32, #tpu.memory_space<vmem>>) dst(%dma_wait3A_39 : memref<64x128xf32, #tpu.memory_space<vmem_shared>>)
      tpu.yield
    }) : () -> ()
    %mul3A_17 = arith.constant 64 : i32
    %mul3A_18 = arith.muli %arg1, %mul3A_17 : i32
    "tpu.region"() ({
      %run_scoped3A = tpu.sem_alloc : memref<!tpu.dma_semaphore, #tpu.memory_space<semaphore_mem>>
      %dma_start3A = arith.constant 0 : i32
      %dma_start3A_34 = tpu.memref_slice %arg11[%mul3A_18, %dma_start3A] : memref<1024x128xf32, #tpu.memory_space<vmem_shared>> -> memref<64x128xf32, #tpu.memory_space<vmem_shared>>
      %dma_start3A_35 = arith.constant 0 : i32
      %dma_start3A_36 = tpu.memref_slice %arg11[%mul3A_18, %dma_start3A_35] : memref<1024x128xf32, #tpu.memory_space<vmem_shared>> -> memref<64x128xf32, #tpu.memory_space<vmem_shared>>
      tpu.enqueue_dma source(%arg9 : memref<64x128xf32, #tpu.memory_space<vmem>>) target(%dma_start3A_36 : memref<64x128xf32, #tpu.memory_space<vmem_shared>>) target_semaphore(%run_scoped3A : memref<!tpu.dma_semaphore, #tpu.memory_space<semaphore_mem>>)
      %dma_wait3A = arith.constant 0 : i32
      %dma_wait3A_37 = tpu.memref_slice %arg11[%mul3A_18, %dma_wait3A] : memref<1024x128xf32, #tpu.memory_space<vmem_shared>> -> memref<64x128xf32, #tpu.memory_space<vmem_shared>>
      %dma_wait3A_38 = arith.constant 0 : i32
      %dma_wait3A_39 = tpu.memref_slice %arg11[%mul3A_18, %dma_wait3A_38] : memref<1024x128xf32, #tpu.memory_space<vmem_shared>> -> memref<64x128xf32, #tpu.memory_space<vmem_shared>>
      tpu.wait_dma2 semaphore(%run_scoped3A : memref<!tpu.dma_semaphore, #tpu.memory_space<semaphore_mem>>) src(%arg9 : memref<64x128xf32, #tpu.memory_space<vmem>>) dst(%dma_wait3A_39 : memref<64x128xf32, #tpu.memory_space<vmem_shared>>)
      tpu.yield
    }) : () -> ()
    "tpu.region"() ({
      %run_scoped3A = tpu.sem_alloc : memref<!tpu.dma_semaphore, #tpu.memory_space<semaphore_mem>>
      tpu.enqueue_dma source(%arg3 : memref<160x64xi32, #tpu.memory_space<hbm>>) target(%arg6 : memref<160x64xi32, #tpu.memory_space<vmem>>) target_semaphore(%run_scoped3A : memref<!tpu.dma_semaphore, #tpu.memory_space<semaphore_mem>>)
      tpu.wait_dma2 semaphore(%run_scoped3A : memref<!tpu.dma_semaphore, #tpu.memory_space<semaphore_mem>>) src(%arg3 : memref<160x64xi32, #tpu.memory_space<hbm>>) dst(%arg6 : memref<160x64xi32, #tpu.memory_space<vmem>>)
      tpu.yield
    }) : () -> ()
    %barrier3A = arith.constant 0 : index
    tpu.barrier barrier_id(%barrier3A)
    %scan3A_19 = arith.constant 0 : i32
    %scan3A_20 = arith.constant 0 : i32
    %scan3A_21 = arith.constant 5 : i32
    %scan3A_22 = arith.addi %scan3A_20, %scan3A_21 : i32
    %scan3A_23 = arith.constant 1 : i32
    scf.for %scan3A_34 = %scan3A_20 to %scan3A_22 step %scan3A_23  : i32 {
      %mul3A_35 = arith.constant 5 : i32
      %mul3A_36 = arith.muli %add3A, %mul3A_35 : i32
      %add3A_37 = arith.addi %mul3A_36, %scan3A_34 : i32
      %mul3A_38 = arith.constant 64 : i32
      %mul3A_39 = arith.muli %add3A_37, %mul3A_38 : i32
      "tpu.region"() ({
        %run_scoped3A = tpu.sem_alloc : memref<!tpu.dma_semaphore, #tpu.memory_space<semaphore_mem>>
        %dma_start3A = arith.constant 0 : i32
        %dma_start3A_46 = tpu.memref_slice %arg2[%mul3A_39, %dma_start3A] : memref<10240x128xf32, #tpu.memory_space<hbm>> -> memref<64x128xf32, #tpu.memory_space<hbm>>
        %dma_start3A_47 = arith.constant 0 : i32
        %dma_start3A_48 = tpu.memref_slice %arg2[%mul3A_39, %dma_start3A_47] : memref<10240x128xf32, #tpu.memory_space<hbm>> -> memref<64x128xf32, #tpu.memory_space<hbm>>
        tpu.enqueue_dma source(%dma_start3A_48 : memref<64x128xf32, #tpu.memory_space<hbm>>) target(%arg7 : memref<64x128xf32, #tpu.memory_space<vmem>>) target_semaphore(%run_scoped3A : memref<!tpu.dma_semaphore, #tpu.memory_space<semaphore_mem>>)
        %dma_wait3A = arith.constant 0 : i32
        %dma_wait3A_49 = tpu.memref_slice %arg2[%mul3A_39, %dma_wait3A] : memref<10240x128xf32, #tpu.memory_space<hbm>> -> memref<64x128xf32, #tpu.memory_space<hbm>>
        %dma_wait3A_50 = arith.constant 0 : i32
        %dma_wait3A_51 = tpu.memref_slice %arg2[%mul3A_39, %dma_wait3A_50] : memref<10240x128xf32, #tpu.memory_space<hbm>> -> memref<64x128xf32, #tpu.memory_space<hbm>>
        tpu.wait_dma2 semaphore(%run_scoped3A : memref<!tpu.dma_semaphore, #tpu.memory_space<semaphore_mem>>) src(%dma_wait3A_51 : memref<64x128xf32, #tpu.memory_space<hbm>>) dst(%arg7 : memref<64x128xf32, #tpu.memory_space<vmem>>)
        tpu.yield
      }) : () -> ()
      %mul3A_40 = arith.constant 5 : i32
      %mul3A_41 = arith.muli %add3A, %mul3A_40 : i32
      %add3A_42 = arith.addi %mul3A_41, %scan3A_34 : i32
      "tpu.region"() ({
        %run_scoped3A = tpu.sem_alloc : memref<!tpu.dma_semaphore, #tpu.memory_space<semaphore_mem>>
        %dma_start3A = arith.constant 0 : i32
        %dma_start3A_46 = tpu.memref_slice %arg6[%add3A_42, %dma_start3A] : memref<160x64xi32, #tpu.memory_space<vmem>> -> memref<1x64xi32, #tpu.memory_space<vmem>>
        %dma_start3A_47 = tpu.memref_squeeze %dma_start3A_46 : memref<1x64xi32, #tpu.memory_space<vmem>> -> memref<64xi32, #tpu.memory_space<vmem>>
        %dma_start3A_48 = arith.constant 0 : i32
        %dma_start3A_49 = arith.constant 0 : i32
        %dma_start3A_50 = tpu.memref_slice %arg10[%dma_start3A_48, %dma_start3A_49] : memref<1024x128xf32, #tpu.memory_space<vmem_shared>> -> memref<1024x128xf32, #tpu.memory_space<vmem_shared>>
        tpu.enqueue_indirect_dma source(%arg7 : memref<64x128xf32, #tpu.memory_space<vmem>>) target(%dma_start3A_50 : memref<1024x128xf32, #tpu.memory_space<vmem_shared>>) offsets(%dma_start3A_47 : memref<64xi32, #tpu.memory_space<vmem>>) semaphore(%run_scoped3A : memref<!tpu.dma_semaphore, #tpu.memory_space<semaphore_mem>>) {add = true}
        %dma_wait3A = arith.constant 0 : i32
        %dma_wait3A_51 = tpu.memref_slice %arg6[%add3A_42, %dma_wait3A] : memref<160x64xi32, #tpu.memory_space<vmem>> -> memref<1x64xi32, #tpu.memory_space<vmem>>
        %dma_wait3A_52 = tpu.memref_squeeze %dma_wait3A_51 : memref<1x64xi32, #tpu.memory_space<vmem>> -> memref<64xi32, #tpu.memory_space<vmem>>
        %dma_wait3A_53 = arith.constant 0 : i32
        %dma_wait3A_54 = arith.constant 0 : i32
        %dma_wait3A_55 = tpu.memref_slice %arg10[%dma_wait3A_53, %dma_wait3A_54] : memref<1024x128xf32, #tpu.memory_space<vmem_shared>> -> memref<1024x128xf32, #tpu.memory_space<vmem_shared>>
        tpu.wait_indirect_dma semaphore(%run_scoped3A : memref<!tpu.dma_semaphore, #tpu.memory_space<semaphore_mem>>) src(%arg7 : memref<64x128xf32, #tpu.memory_space<vmem>>) dst(%dma_wait3A_55 : memref<1024x128xf32, #tpu.memory_space<vmem_shared>>)
        tpu.yield
      }) : () -> ()
      %mul3A_43 = arith.constant 5 : i32
      %mul3A_44 = arith.muli %add3A, %mul3A_43 : i32
      %add3A_45 = arith.addi %mul3A_44, %scan3A_34 : i32
      "tpu.region"() ({
        %run_scoped3A = tpu.sem_alloc : memref<!tpu.dma_semaphore, #tpu.memory_space<semaphore_mem>>
        %dma_start3A = arith.constant 0 : i32
        %dma_start3A_46 = tpu.memref_slice %arg6[%add3A_45, %dma_start3A] : memref<160x64xi32, #tpu.memory_space<vmem>> -> memref<1x64xi32, #tpu.memory_space<vmem>>
        %dma_start3A_47 = tpu.memref_squeeze %dma_start3A_46 : memref<1x64xi32, #tpu.memory_space<vmem>> -> memref<64xi32, #tpu.memory_space<vmem>>
        %dma_start3A_48 = arith.constant 0 : i32
        %dma_start3A_49 = arith.constant 0 : i32
        %dma_start3A_50 = tpu.memref_slice %arg11[%dma_start3A_48, %dma_start3A_49] : memref<1024x128xf32, #tpu.memory_space<vmem_shared>> -> memref<1024x128xf32, #tpu.memory_space<vmem_shared>>
        tpu.enqueue_indirect_dma source(%arg8 : memref<64x128xf32, #tpu.memory_space<vmem>>) target(%dma_start3A_50 : memref<1024x128xf32, #tpu.memory_space<vmem_shared>>) offsets(%dma_start3A_47 : memref<64xi32, #tpu.memory_space<vmem>>) semaphore(%run_scoped3A : memref<!tpu.dma_semaphore, #tpu.memory_space<semaphore_mem>>) {add = true}
        %dma_wait3A = arith.constant 0 : i32
        %dma_wait3A_51 = tpu.memref_slice %arg6[%add3A_45, %dma_wait3A] : memref<160x64xi32, #tpu.memory_space<vmem>> -> memref<1x64xi32, #tpu.memory_space<vmem>>
        %dma_wait3A_52 = tpu.memref_squeeze %dma_wait3A_51 : memref<1x64xi32, #tpu.memory_space<vmem>> -> memref<64xi32, #tpu.memory_space<vmem>>
        %dma_wait3A_53 = arith.constant 0 : i32
        %dma_wait3A_54 = arith.constant 0 : i32
        %dma_wait3A_55 = tpu.memref_slice %arg11[%dma_wait3A_53, %dma_wait3A_54] : memref<1024x128xf32, #tpu.memory_space<vmem_shared>> -> memref<1024x128xf32, #tpu.memory_space<vmem_shared>>
        tpu.wait_indirect_dma semaphore(%run_scoped3A : memref<!tpu.dma_semaphore, #tpu.memory_space<semaphore_mem>>) src(%arg8 : memref<64x128xf32, #tpu.memory_space<vmem>>) dst(%dma_wait3A_55 : memref<1024x128xf32, #tpu.memory_space<vmem_shared>>)
        tpu.yield
      }) : () -> ()
    }
    %scan3A_24 = arith.constant 5 : i32
    %barrier3A_25 = arith.constant 0 : index
    tpu.barrier barrier_id(%barrier3A_25)
    %mul3A_26 = arith.constant 64 : i32
    %mul3A_27 = arith.muli %arg1, %mul3A_26 : i32
    %mul3A_28 = arith.constant 64 : i32
    %mul3A_29 = arith.muli %arg1, %mul3A_28 : i32
    "tpu.region"() ({
      %run_scoped3A = tpu.sem_alloc : memref<!tpu.dma_semaphore, #tpu.memory_space<semaphore_mem>>
      %dma_start3A = arith.constant 0 : i32
      %dma_start3A_34 = tpu.memref_slice %arg4[%arg0, %mul3A_29, %dma_start3A] : memref<2x1024x128xf32, #tpu.memory_space<hbm>> -> memref<1x64x128xf32, #tpu.memory_space<hbm>>
      %dma_start3A_35 = tpu.memref_squeeze %dma_start3A_34 : memref<1x64x128xf32, #tpu.memory_space<hbm>> -> memref<64x128xf32, #tpu.memory_space<hbm>>
      %dma_start3A_36 = arith.constant 0 : i32
      %dma_start3A_37 = tpu.memref_slice %arg10[%mul3A_27, %dma_start3A_36] : memref<1024x128xf32, #tpu.memory_space<vmem_shared>> -> memref<64x128xf32, #tpu.memory_space<vmem_shared>>
      tpu.enqueue_dma source(%dma_start3A_37 : memref<64x128xf32, #tpu.memory_space<vmem_shared>>) target(%dma_start3A_35 : memref<64x128xf32, #tpu.memory_space<hbm>>) target_semaphore(%run_scoped3A : memref<!tpu.dma_semaphore, #tpu.memory_space<semaphore_mem>>)
      %dma_wait3A = arith.constant 0 : i32
      %dma_wait3A_38 = tpu.memref_slice %arg4[%arg0, %mul3A_29, %dma_wait3A] : memref<2x1024x128xf32, #tpu.memory_space<hbm>> -> memref<1x64x128xf32, #tpu.memory_space<hbm>>
      %dma_wait3A_39 = tpu.memref_squeeze %dma_wait3A_38 : memref<1x64x128xf32, #tpu.memory_space<hbm>> -> memref<64x128xf32, #tpu.memory_space<hbm>>
      %dma_wait3A_40 = arith.constant 0 : i32
      %dma_wait3A_41 = tpu.memref_slice %arg10[%mul3A_27, %dma_wait3A_40] : memref<1024x128xf32, #tpu.memory_space<vmem_shared>> -> memref<64x128xf32, #tpu.memory_space<vmem_shared>>
      tpu.wait_dma2 semaphore(%run_scoped3A : memref<!tpu.dma_semaphore, #tpu.memory_space<semaphore_mem>>) src(%dma_wait3A_41 : memref<64x128xf32, #tpu.memory_space<vmem_shared>>) dst(%dma_wait3A_39 : memref<64x128xf32, #tpu.memory_space<hbm>>)
      tpu.yield
    }) : () -> ()
    %mul3A_30 = arith.constant 64 : i32
    %mul3A_31 = arith.muli %arg1, %mul3A_30 : i32
    %mul3A_32 = arith.constant 64 : i32
    %mul3A_33 = arith.muli %arg1, %mul3A_32 : i32
    "tpu.region"() ({
      %run_scoped3A = tpu.sem_alloc : memref<!tpu.dma_semaphore, #tpu.memory_space<semaphore_mem>>
      %dma_start3A = arith.constant 0 : i32
      %dma_start3A_34 = tpu.memref_slice %arg5[%arg0, %mul3A_33, %dma_start3A] : memref<2x1024x128xf32, #tpu.memory_space<hbm>> -> memref<1x64x128xf32, #tpu.memory_space<hbm>>
      %dma_start3A_35 = tpu.memref_squeeze %dma_start3A_34 : memref<1x64x128xf32, #tpu.memory_space<hbm>> -> memref<64x128xf32, #tpu.memory_space<hbm>>
      %dma_start3A_36 = arith.constant 0 : i32
      %dma_start3A_37 = tpu.memref_slice %arg11[%mul3A_31, %dma_start3A_36] : memref<1024x128xf32, #tpu.memory_space<vmem_shared>> -> memref<64x128xf32, #tpu.memory_space<vmem_shared>>
      tpu.enqueue_dma source(%dma_start3A_37 : memref<64x128xf32, #tpu.memory_space<vmem_shared>>) target(%dma_start3A_35 : memref<64x128xf32, #tpu.memory_space<hbm>>) target_semaphore(%run_scoped3A : memref<!tpu.dma_semaphore, #tpu.memory_space<semaphore_mem>>)
      %dma_wait3A = arith.constant 0 : i32
      %dma_wait3A_38 = tpu.memref_slice %arg5[%arg0, %mul3A_33, %dma_wait3A] : memref<2x1024x128xf32, #tpu.memory_space<hbm>> -> memref<1x64x128xf32, #tpu.memory_space<hbm>>
      %dma_wait3A_39 = tpu.memref_squeeze %dma_wait3A_38 : memref<1x64x128xf32, #tpu.memory_space<hbm>> -> memref<64x128xf32, #tpu.memory_space<hbm>>
      %dma_wait3A_40 = arith.constant 0 : i32
      %dma_wait3A_41 = tpu.memref_slice %arg11[%mul3A_31, %dma_wait3A_40] : memref<1024x128xf32, #tpu.memory_space<vmem_shared>> -> memref<64x128xf32, #tpu.memory_space<vmem_shared>>
      tpu.wait_dma2 semaphore(%run_scoped3A : memref<!tpu.dma_semaphore, #tpu.memory_space<semaphore_mem>>) src(%dma_wait3A_41 : memref<64x128xf32, #tpu.memory_space<vmem_shared>>) dst(%dma_wait3A_39 : memref<64x128xf32, #tpu.memory_space<hbm>>)
      tpu.yield
    }) : () -> ()
    return
  }
}

module attributes {stable_mosaic.version = 14 : i64} {
  func.func @_emb_body(%arg0: i32, %arg1: memref<5120x16xf32, #tpu.memory_space<vmem>>, %arg2: memref<16x128xf32, #tpu.memory_space<vmem>>, %arg3: memref<5120x128xf32, #tpu.memory_space<vmem>>) attributes {dimension_semantics = [#tpu.dimension_semantics<arbitrary>], iteration_bounds = array<i64: 64>, scalar_prefetch = 0 : i64, scratch_operands = 0 : i64, tpu.core_type = #tpu.core_type<tc>, window_params = [{transform_indices = @transform_0, window_bounds = array<i64: 5120, 16>}, {pipeline_mode = #tpu.pipeline_mode<synchronous>, transform_indices = @transform_1, window_bounds = array<i64: 16, 128>}, {transform_indices = @transform_2, window_bounds = array<i64: 5120, 128>}]} {
    %get3A = arith.constant 0 : index
    %get3A_0 = arith.constant 0 : index
    %get3A_1 = vector.load %arg1[%get3A, %get3A_0] : memref<5120x16xf32, #tpu.memory_space<vmem>>, vector<5120x16xf32>
    %get3A_2 = arith.constant 0 : index
    %get3A_3 = arith.constant 0 : index
    %get3A_4 = vector.load %arg2[%get3A_2, %get3A_3] : memref<16x128xf32, #tpu.memory_space<vmem>>, vector<16x128xf32>
    %dot_general3A = arith.constant dense<0.000000e+00> : vector<5120x128xf32>
    %dot_general3A_5 = tpu.matmul %get3A_1, %get3A_4, %dot_general3A {dimension_numbers = #tpu.dot_dimension_numbers<[1], [0], [0], [1], [0, 0, 1, 1], [], []>, transpose_lhs_hint = false} : vector<5120x16xf32>, vector<16x128xf32>, vector<5120x128xf32> -> vector<5120x128xf32>
    %max3A = arith.constant 0.000000e+00 : f32
    %max3A_6 = vector.broadcast %max3A : f32 to vector<5120x128xf32>
    %max3A_7 = arith.maximumf %dot_general3A_5, %max3A_6 : vector<5120x128xf32>
    %swap3A = arith.constant 0 : index
    %swap3A_8 = arith.constant 0 : index
    %swap3A_9 = vector.load %arg3[%swap3A, %swap3A_8] : memref<5120x128xf32, #tpu.memory_space<vmem>>, vector<5120x128xf32>
    tpu.vector_store %arg3[%swap3A, %swap3A_8], %max3A_7 {strides = array<i32>} : memref<5120x128xf32, #tpu.memory_space<vmem>>, vector<5120x128xf32>,
    return
  }
  func.func @transform_0(%arg0: i32) -> (i32, i32) {
    %c0_i32 = arith.constant 0 : i32
    %c0_i32_0 = arith.constant 0 : i32
    return %arg0, %c0_i32 : i32, i32
  }
  func.func @transform_1(%arg0: i32) -> (i32, i32) {
    %c0_i32 = arith.constant 0 : i32
    %c0_i32_0 = arith.constant 0 : i32
    %c0_i32_1 = arith.constant 0 : i32
    return %c0_i32, %c0_i32_0 : i32, i32
  }
  func.func @transform_2(%arg0: i32) -> (i32, i32) {
    %c0_i32 = arith.constant 0 : i32
    %c0_i32_0 = arith.constant 0 : i32
    return %arg0, %c0_i32 : i32, i32
  }
}

module attributes {stable_mosaic.version = 14 : i64} {
  func.func @_base_body(%arg0: i32, %arg1: memref<1024x128xf32, #tpu.memory_space<vmem>>, %arg2: memref<128x128xf32, #tpu.memory_space<vmem>>, %arg3: memref<1024x128xf32, #tpu.memory_space<vmem>>, %arg4: memref<1024x128xf32, #tpu.memory_space<vmem>>, %arg5: memref<128x128xf32, #tpu.memory_space<vmem>>, %arg6: memref<1024x128xf32, #tpu.memory_space<vmem>>, %arg7: memref<1024x128xf32, #tpu.memory_space<vmem>>) attributes {dimension_semantics = [#tpu.dimension_semantics<arbitrary>], iteration_bounds = array<i64: 10>, scalar_prefetch = 0 : i64, scratch_operands = 0 : i64, tpu.core_type = #tpu.core_type<tc>, window_params = [{transform_indices = @transform_0, window_bounds = array<i64: 1024, 128>}, {pipeline_mode = #tpu.pipeline_mode<synchronous>, transform_indices = @transform_1, window_bounds = array<i64: 128, 128>}, {transform_indices = @transform_2, window_bounds = array<i64: 1024, 128>}, {transform_indices = @transform_3, window_bounds = array<i64: 1024, 128>}, {pipeline_mode = #tpu.pipeline_mode<synchronous>, transform_indices = @transform_4, window_bounds = array<i64: 128, 128>}, {transform_indices = @transform_5, window_bounds = array<i64: 1024, 128>}, {transform_indices = @transform_6, window_bounds = array<i64: 1024, 128>}]} {
    %get3A = arith.constant 0 : index
    %get3A_0 = arith.constant 0 : index
    %get3A_1 = vector.load %arg1[%get3A, %get3A_0] : memref<1024x128xf32, #tpu.memory_space<vmem>>, vector<1024x128xf32>
    %get3A_2 = arith.constant 0 : index
    %get3A_3 = arith.constant 0 : index
    %get3A_4 = vector.load %arg2[%get3A_2, %get3A_3] : memref<128x128xf32, #tpu.memory_space<vmem>>, vector<128x128xf32>
    %dot_general3A = arith.constant dense<0.000000e+00> : vector<1024x128xf32>
    %dot_general3A_5 = tpu.matmul %get3A_1, %get3A_4, %dot_general3A {dimension_numbers = #tpu.dot_dimension_numbers<[1], [0], [0], [1], [0, 0, 1, 1], [], []>, transpose_lhs_hint = false} : vector<1024x128xf32>, vector<128x128xf32>, vector<1024x128xf32> -> vector<1024x128xf32>
    %max3A = arith.constant 0.000000e+00 : f32
    %max3A_6 = vector.broadcast %max3A : f32 to vector<1024x128xf32>
    %max3A_7 = arith.maximumf %dot_general3A_5, %max3A_6 : vector<1024x128xf32>
    %swap3A = arith.constant 0 : index
    %swap3A_8 = arith.constant 0 : index
    %swap3A_9 = vector.load %arg6[%swap3A, %swap3A_8] : memref<1024x128xf32, #tpu.memory_space<vmem>>, vector<1024x128xf32>
    tpu.vector_store %arg6[%swap3A, %swap3A_8], %max3A_7 {strides = array<i32>} : memref<1024x128xf32, #tpu.memory_space<vmem>>, vector<1024x128xf32>,
    %get3A_10 = arith.constant 0 : index
    %get3A_11 = arith.constant 0 : index
    %get3A_12 = vector.load %arg3[%get3A_10, %get3A_11] : memref<1024x128xf32, #tpu.memory_space<vmem>>, vector<1024x128xf32>
    %get3A_13 = arith.constant 0 : index
    %get3A_14 = arith.constant 0 : index
    %get3A_15 = vector.load %arg4[%get3A_13, %get3A_14] : memref<1024x128xf32, #tpu.memory_space<vmem>>, vector<1024x128xf32>
    %add3A = arith.addf %get3A_12, %get3A_15 : vector<1024x128xf32>
    %get3A_16 = arith.constant 0 : index
    %get3A_17 = arith.constant 0 : index
    %get3A_18 = vector.load %arg5[%get3A_16, %get3A_17] : memref<128x128xf32, #tpu.memory_space<vmem>>, vector<128x128xf32>
    %dot_general3A_19 = arith.constant dense<0.000000e+00> : vector<1024x128xf32>
    %dot_general3A_20 = tpu.matmul %add3A, %get3A_18, %dot_general3A_19 {dimension_numbers = #tpu.dot_dimension_numbers<[1], [0], [0], [1], [0, 0, 1, 1], [], []>, transpose_lhs_hint = false} : vector<1024x128xf32>, vector<128x128xf32>, vector<1024x128xf32> -> vector<1024x128xf32>
    %add3A_21 = arith.addf %max3A_7, %dot_general3A_20 : vector<1024x128xf32>
    %swap3A_22 = arith.constant 0 : index
    %swap3A_23 = arith.constant 0 : index
    %swap3A_24 = vector.load %arg7[%swap3A_22, %swap3A_23] : memref<1024x128xf32, #tpu.memory_space<vmem>>, vector<1024x128xf32>
    tpu.vector_store %arg7[%swap3A_22, %swap3A_23], %add3A_21 {strides = array<i32>} : memref<1024x128xf32, #tpu.memory_space<vmem>>, vector<1024x128xf32>,
    return
  }
  func.func @transform_0(%arg0: i32) -> (i32, i32) {
    %c0_i32 = arith.constant 0 : i32
    %c0_i32_0 = arith.constant 0 : i32
    return %arg0, %c0_i32 : i32, i32
  }
  func.func @transform_1(%arg0: i32) -> (i32, i32) {
    %c0_i32 = arith.constant 0 : i32
    %c0_i32_0 = arith.constant 0 : i32
    %c0_i32_1 = arith.constant 0 : i32
    return %c0_i32, %c0_i32_0 : i32, i32
  }
  func.func @transform_2(%arg0: i32) -> (i32, i32) {
    %c0_i32 = arith.constant 0 : i32
    %c0_i32_0 = arith.constant 0 : i32
    return %arg0, %c0_i32 : i32, i32
  }
  func.func @transform_3(%arg0: i32) -> (i32, i32) {
    %c0_i32 = arith.constant 0 : i32
    %c0_i32_0 = arith.constant 0 : i32
    return %arg0, %c0_i32 : i32, i32
  }
  func.func @transform_4(%arg0: i32) -> (i32, i32) {
    %c0_i32 = arith.constant 0 : i32
    %c0_i32_0 = arith.constant 0 : i32
    %c0_i32_1 = arith.constant 0 : i32
    return %c0_i32, %c0_i32_0 : i32, i32
  }
  func.func @transform_5(%arg0: i32) -> (i32, i32) {
    %c0_i32 = arith.constant 0 : i32
    %c0_i32_0 = arith.constant 0 : i32
    return %arg0, %c0_i32 : i32, i32
  }
  func.func @transform_6(%arg0: i32) -> (i32, i32) {
    %c0_i32 = arith.constant 0 : i32
    %c0_i32_0 = arith.constant 0 : i32
    return %arg0, %c0_i32 : i32, i32
  }
}

module attributes {stable_mosaic.version = 14 : i64} {
  func.func @_upd_body(%arg0: i32, %arg1: memref<1024x128xf32, #tpu.memory_space<vmem>>, %arg2: memref<1024x128xf32, #tpu.memory_space<vmem>>, %arg3: memref<1024x128xf32, #tpu.memory_space<vmem>>, %arg4: memref<128x128xf32, #tpu.memory_space<vmem>>, %arg5: memref<1024x128xf32, #tpu.memory_space<vmem>>) attributes {dimension_semantics = [#tpu.dimension_semantics<arbitrary>], iteration_bounds = array<i64: 10>, scalar_prefetch = 0 : i64, scratch_operands = 0 : i64, tpu.core_type = #tpu.core_type<tc>, window_params = [{transform_indices = @transform_0, window_bounds = array<i64: 1024, 128>}, {transform_indices = @transform_1, window_bounds = array<i64: 1024, 128>}, {transform_indices = @transform_2, window_bounds = array<i64: 1024, 128>}, {pipeline_mode = #tpu.pipeline_mode<synchronous>, transform_indices = @transform_3, window_bounds = array<i64: 128, 128>}, {transform_indices = @transform_4, window_bounds = array<i64: 1024, 128>}]} {
    %get3A = arith.constant 0 : index
    %get3A_0 = arith.constant 0 : index
    %get3A_1 = vector.load %arg3[%get3A, %get3A_0] : memref<1024x128xf32, #tpu.memory_space<vmem>>, vector<1024x128xf32>
    %get3A_2 = arith.constant 0 : index
    %get3A_3 = arith.constant 0 : index
    %get3A_4 = vector.load %arg1[%get3A_2, %get3A_3] : memref<1024x128xf32, #tpu.memory_space<vmem>>, vector<1024x128xf32>
    %get3A_5 = arith.constant 0 : index
    %get3A_6 = arith.constant 0 : index
    %get3A_7 = vector.load %arg2[%get3A_5, %get3A_6] : memref<1024x128xf32, #tpu.memory_space<vmem>>, vector<1024x128xf32>
    %add3A = arith.addf %get3A_4, %get3A_7 : vector<1024x128xf32>
    %get3A_8 = arith.constant 0 : index
    %get3A_9 = arith.constant 0 : index
    %get3A_10 = vector.load %arg4[%get3A_8, %get3A_9] : memref<128x128xf32, #tpu.memory_space<vmem>>, vector<128x128xf32>
    %dot_general3A = arith.constant dense<0.000000e+00> : vector<1024x128xf32>
    %dot_general3A_11 = tpu.matmul %add3A, %get3A_10, %dot_general3A {dimension_numbers = #tpu.dot_dimension_numbers<[1], [0], [0], [1], [0, 0, 1, 1], [], []>, transpose_lhs_hint = false} : vector<1024x128xf32>, vector<128x128xf32>, vector<1024x128xf32> -> vector<1024x128xf32>
    %add3A_12 = arith.addf %get3A_1, %dot_general3A_11 : vector<1024x128xf32>
    %max3A = arith.constant 0.000000e+00 : f32
    %max3A_13 = vector.broadcast %max3A : f32 to vector<1024x128xf32>
    %max3A_14 = arith.maximumf %add3A_12, %max3A_13 : vector<1024x128xf32>
    %swap3A = arith.constant 0 : index
    %swap3A_15 = arith.constant 0 : index
    %swap3A_16 = vector.load %arg5[%swap3A, %swap3A_15] : memref<1024x128xf32, #tpu.memory_space<vmem>>, vector<1024x128xf32>
    tpu.vector_store %arg5[%swap3A, %swap3A_15], %max3A_14 {strides = array<i32>} : memref<1024x128xf32, #tpu.memory_space<vmem>>, vector<1024x128xf32>,
    return
  }
  func.func @transform_0(%arg0: i32) -> (i32, i32) {
    %c0_i32 = arith.constant 0 : i32
    %c0_i32_0 = arith.constant 0 : i32
    return %arg0, %c0_i32 : i32, i32
  }
  func.func @transform_1(%arg0: i32) -> (i32, i32) {
    %c0_i32 = arith.constant 0 : i32
    %c0_i32_0 = arith.constant 0 : i32
    return %arg0, %c0_i32 : i32, i32
  }
  func.func @transform_2(%arg0: i32) -> (i32, i32) {
    %c0_i32 = arith.constant 0 : i32
    %c0_i32_0 = arith.constant 0 : i32
    return %arg0, %c0_i32 : i32, i32
  }
  func.func @transform_3(%arg0: i32) -> (i32, i32) {
    %c0_i32 = arith.constant 0 : i32
    %c0_i32_0 = arith.constant 0 : i32
    %c0_i32_1 = arith.constant 0 : i32
    return %c0_i32, %c0_i32_0 : i32, i32
  }
  func.func @transform_4(%arg0: i32) -> (i32, i32) {
    %c0_i32 = arith.constant 0 : i32
    %c0_i32_0 = arith.constant 0 : i32
    return %arg0, %c0_i32 : i32, i32
  }
}

module attributes {stable_mosaic.version = 14 : i64} {
  func.func @_atom_body(%arg0: i32, %arg1: memref<1024x128xf32, #tpu.memory_space<vmem>>, %arg2: memref<1024x128xf32, #tpu.memory_space<vmem>>, %arg3: memref<128x128xf32, #tpu.memory_space<vmem>>, %arg4: memref<128x128xf32, #tpu.memory_space<vmem>>, %arg5: memref<1024x128xf32, #tpu.memory_space<vmem>>) attributes {dimension_semantics = [#tpu.dimension_semantics<arbitrary>], iteration_bounds = array<i64: 10>, scalar_prefetch = 0 : i64, scratch_operands = 0 : i64, tpu.core_type = #tpu.core_type<tc>, window_params = [{transform_indices = @transform_0, window_bounds = array<i64: 1024, 128>}, {transform_indices = @transform_1, window_bounds = array<i64: 1024, 128>}, {pipeline_mode = #tpu.pipeline_mode<synchronous>, transform_indices = @transform_2, window_bounds = array<i64: 128, 128>}, {pipeline_mode = #tpu.pipeline_mode<synchronous>, transform_indices = @transform_3, window_bounds = array<i64: 128, 128>}, {transform_indices = @transform_4, window_bounds = array<i64: 1024, 128>}]} {
    %get3A = arith.constant 0 : index
    %get3A_0 = arith.constant 0 : index
    %get3A_1 = vector.load %arg1[%get3A, %get3A_0] : memref<1024x128xf32, #tpu.memory_space<vmem>>, vector<1024x128xf32>
    %get3A_2 = arith.constant 0 : index
    %get3A_3 = arith.constant 0 : index
    %get3A_4 = vector.load %arg3[%get3A_2, %get3A_3] : memref<128x128xf32, #tpu.memory_space<vmem>>, vector<128x128xf32>
    %dot_general3A = arith.constant dense<0.000000e+00> : vector<1024x128xf32>
    %dot_general3A_5 = tpu.matmul %get3A_1, %get3A_4, %dot_general3A {dimension_numbers = #tpu.dot_dimension_numbers<[1], [0], [0], [1], [0, 0, 1, 1], [], []>, transpose_lhs_hint = false} : vector<1024x128xf32>, vector<128x128xf32>, vector<1024x128xf32> -> vector<1024x128xf32>
    %get3A_6 = arith.constant 0 : index
    %get3A_7 = arith.constant 0 : index
    %get3A_8 = vector.load %arg2[%get3A_6, %get3A_7] : memref<1024x128xf32, #tpu.memory_space<vmem>>, vector<1024x128xf32>
    %get3A_9 = arith.constant 0 : index
    %get3A_10 = arith.constant 0 : index
    %get3A_11 = vector.load %arg4[%get3A_9, %get3A_10] : memref<128x128xf32, #tpu.memory_space<vmem>>, vector<128x128xf32>
    %dot_general3A_12 = arith.constant dense<0.000000e+00> : vector<1024x128xf32>
    %dot_general3A_13 = tpu.matmul %get3A_8, %get3A_11, %dot_general3A_12 {dimension_numbers = #tpu.dot_dimension_numbers<[1], [0], [0], [1], [0, 0, 1, 1], [], []>, transpose_lhs_hint = false} : vector<1024x128xf32>, vector<128x128xf32>, vector<1024x128xf32> -> vector<1024x128xf32>
    %add3A = arith.addf %dot_general3A_5, %dot_general3A_13 : vector<1024x128xf32>
    %max3A = arith.constant 0.000000e+00 : f32
    %max3A_14 = vector.broadcast %max3A : f32 to vector<1024x128xf32>
    %max3A_15 = arith.maximumf %add3A, %max3A_14 : vector<1024x128xf32>
    %swap3A = arith.constant 0 : index
    %swap3A_16 = arith.constant 0 : index
    %swap3A_17 = vector.load %arg5[%swap3A, %swap3A_16] : memref<1024x128xf32, #tpu.memory_space<vmem>>, vector<1024x128xf32>
    tpu.vector_store %arg5[%swap3A, %swap3A_16], %max3A_15 {strides = array<i32>} : memref<1024x128xf32, #tpu.memory_space<vmem>>, vector<1024x128xf32>,
    return
  }
  func.func @transform_0(%arg0: i32) -> (i32, i32) {
    %c0_i32 = arith.constant 0 : i32
    %c0_i32_0 = arith.constant 0 : i32
    return %arg0, %c0_i32 : i32, i32
  }
  func.func @transform_1(%arg0: i32) -> (i32, i32) {
    %c0_i32 = arith.constant 0 : i32
    %c0_i32_0 = arith.constant 0 : i32
    return %arg0, %c0_i32 : i32, i32
  }
  func.func @transform_2(%arg0: i32) -> (i32, i32) {
    %c0_i32 = arith.constant 0 : i32
    %c0_i32_0 = arith.constant 0 : i32
    %c0_i32_1 = arith.constant 0 : i32
    return %c0_i32, %c0_i32_0 : i32, i32
  }
  func.func @transform_3(%arg0: i32) -> (i32, i32) {
    %c0_i32 = arith.constant 0 : i32
    %c0_i32_0 = arith.constant 0 : i32
    %c0_i32_1 = arith.constant 0 : i32
    return %c0_i32, %c0_i32_0 : i32, i32
  }
  func.func @transform_4(%arg0: i32) -> (i32, i32) {
    %c0_i32 = arith.constant 0 : i32
    %c0_i32_0 = arith.constant 0 : i32
    return %arg0, %c0_i32 : i32, i32
  }
}

module attributes {stable_mosaic.version = 14 : i64} {
  func.func @_head_body(%arg0: memref<1024x128xf32, #tpu.memory_space<vmem>>, %arg1: memref<1024x128xf32, #tpu.memory_space<vmem>>, %arg2: memref<1024x128xf32, #tpu.memory_space<vmem>>, %arg3: memref<1024x128xf32, #tpu.memory_space<vmem>>, %arg4: memref<128x128xf32, #tpu.memory_space<vmem>>, %arg5: memref<1x128xf32, #tpu.memory_space<vmem>>, %arg6: memref<128x1xf32, #tpu.memory_space<vmem>>, %arg7: memref<1x1xf32, #tpu.memory_space<vmem>>, %arg8: memref<1024x1xf32, #tpu.memory_space<vmem>>) attributes {dimension_semantics = [], scalar_prefetch = 0 : i64, scratch_operands = 0 : i64, tpu.core_type = #tpu.core_type<tc>} {
    %get3A = arith.constant 0 : index
    %get3A_0 = arith.constant 0 : index
    %get3A_1 = vector.load %arg2[%get3A, %get3A_0] : memref<1024x128xf32, #tpu.memory_space<vmem>>, vector<1024x128xf32>
    %get3A_2 = arith.constant 0 : index
    %get3A_3 = arith.constant 0 : index
    %get3A_4 = vector.load %arg3[%get3A_2, %get3A_3] : memref<1024x128xf32, #tpu.memory_space<vmem>>, vector<1024x128xf32>
    %add3A = arith.addf %get3A_1, %get3A_4 : vector<1024x128xf32>
    %max3A = arith.constant 1.000000e+00 : f32
    %max3A_5 = vector.broadcast %max3A : f32 to vector<1024x128xf32>
    %max3A_6 = arith.maximumf %add3A, %max3A_5 : vector<1024x128xf32>
    %get3A_7 = arith.constant 0 : index
    %get3A_8 = arith.constant 0 : index
    %get3A_9 = vector.load %arg0[%get3A_7, %get3A_8] : memref<1024x128xf32, #tpu.memory_space<vmem>>, vector<1024x128xf32>
    %get3A_10 = arith.constant 0 : index
    %get3A_11 = arith.constant 0 : index
    %get3A_12 = vector.load %arg1[%get3A_10, %get3A_11] : memref<1024x128xf32, #tpu.memory_space<vmem>>, vector<1024x128xf32>
    %add3A_13 = arith.addf %get3A_9, %get3A_12 : vector<1024x128xf32>
    %div3A = arith.divf %add3A_13, %max3A_6 : vector<1024x128xf32>
    %get3A_14 = arith.constant 0 : index
    %get3A_15 = arith.constant 0 : index
    %get3A_16 = vector.load %arg4[%get3A_14, %get3A_15] : memref<128x128xf32, #tpu.memory_space<vmem>>, vector<128x128xf32>
    %dot_general3A = arith.constant dense<0.000000e+00> : vector<1024x128xf32>
    %dot_general3A_17 = tpu.matmul %div3A, %get3A_16, %dot_general3A {dimension_numbers = #tpu.dot_dimension_numbers<[1], [0], [0], [1], [0, 0, 1, 1], [], []>, transpose_lhs_hint = false} : vector<1024x128xf32>, vector<128x128xf32>, vector<1024x128xf32> -> vector<1024x128xf32>
    %get3A_18 = arith.constant 0 : index
    %get3A_19 = arith.constant 0 : index
    %get3A_20 = vector.load %arg5[%get3A_18, %get3A_19] : memref<1x128xf32, #tpu.memory_space<vmem>>, vector<1x128xf32>
    %add3A_21 = vector.broadcast %get3A_20 : vector<1x128xf32> to vector<1024x128xf32>
    %add3A_22 = arith.addf %dot_general3A_17, %add3A_21 : vector<1024x128xf32>
    %max3A_23 = arith.constant 0.000000e+00 : f32
    %max3A_24 = vector.broadcast %max3A_23 : f32 to vector<1024x128xf32>
    %max3A_25 = arith.maximumf %add3A_22, %max3A_24 : vector<1024x128xf32>
    %get3A_26 = arith.constant 0 : index
    %get3A_27 = arith.constant 0 : index
    %get3A_28 = vector.load %arg6[%get3A_26, %get3A_27] : memref<128x1xf32, #tpu.memory_space<vmem>>, vector<128x1xf32>
    %dot_general3A_29 = arith.constant dense<0.000000e+00> : vector<1024x1xf32>
    %dot_general3A_30 = tpu.matmul %max3A_25, %get3A_28, %dot_general3A_29 {dimension_numbers = #tpu.dot_dimension_numbers<[1], [0], [0], [1], [0, 0, 1, 1], [], []>, transpose_lhs_hint = false} : vector<1024x128xf32>, vector<128x1xf32>, vector<1024x1xf32> -> vector<1024x1xf32>
    %get3A_31 = arith.constant 0 : index
    %get3A_32 = arith.constant 0 : index
    %get3A_33 = vector.load %arg7[%get3A_31, %get3A_32] : memref<1x1xf32, #tpu.memory_space<vmem>>, vector<1x1xf32>
    %add3A_34 = vector.broadcast %get3A_33 : vector<1x1xf32> to vector<1024x1xf32>
    %add3A_35 = arith.addf %dot_general3A_30, %add3A_34 : vector<1024x1xf32>
    %swap3A = arith.constant 0 : index
    %swap3A_36 = arith.constant 0 : index
    %swap3A_37 = vector.load %arg8[%swap3A, %swap3A_36] : memref<1024x1xf32, #tpu.memory_space<vmem>>, vector<1024x1xf32>
    tpu.vector_store %arg8[%swap3A, %swap3A_36], %add3A_35 {strides = array<i32>} : memref<1024x1xf32, #tpu.memory_space<vmem>>, vector<1024x1xf32>,
    return
  }
}

</mosaic_0001>

<sc_bundles>
// kernel: kernel.14.cloned.1.call-start
scs
__scs_entry_jumppad:
0x0: {  	(pc) =	sbr.rel $0x88, $3  }
0x1: {  	(tag) =	ssettag $0x0;
	lr =	simm.s32 $0x1  }
0x2: {  	[smem:$0x3F95] =	sst lr;
	_ =	strace $0xD0000000  }
0x3: {  	_ = 	snop  }
0x4: {  	_ = 	snop  }
0x5: {  	_ = 	snop  }
0x6: {  	_ = 	snop  }
0x7: {  	_ = 	snop  }
__scs_overlays_trampoline_lowered:
0x8: {  	[smem:$0x3FA4] =	sst s0  }
0x9: {  	[smem:$0x3FA5] =	sst s1  }
0xa: {  	[smem:$0x3FA6] =	sst s2  }
0xb: {  	[smem:$0x3FA7] =	sst s3  }
0xc: {  	[smem:$0x3FA8] =	sst s4  }
0xd: {  	[smem:$0x3FA9] =	sst s5  }
0xe: {  	[smem:$0x3FAA] =	sst s6  }
0xf: {  	[smem:$0x3FAB] =	sst s7  }
0x10: {  	[smem:$0x3FAC] =	sst s8  }
0x11: {  	[smem:$0x3FAD] =	sst s9;
	s0 =	simm.s32 @!p0 $0x0  }
0x12: {  	s1 =	sld [smem:$0x3F93];
	s0 =	simm.s32 @p0 $0x1  }
0x13: {  	[smem:$0x3FAE] =	sst s0;
	s0 =	simm.s32 @!p1 $0x0  }
0x14: {  	s2 =	sld [smem:$0x3F92];
	s0 =	simm.s32 @p1 $0x1  }
0x15: {  	[smem:$0x3FAF] =	sst s0;
	s0 =	simm.s32 @!p2 $0x0  }
0x16: {  	s3 =	sld [smem:$0x3FDB];
	s0 =	simm.s32 @p2 $0x1  }
0x17: {  	s4 =	simm.s32 $0x1BF5;
	[smem:$0x3FB1] =	sst s0  }
0x18: {  	s0 =	sld [smem:$0x3F94];
	_ =	swait.ge [sflag:s4], $0x0  }
0x19: {  	s7 =	sld [smem:$0x3F95]  }
0x1a: {  	s8 =	sadd.s32 $0xFFFFE003, lr  }
0x1b: {  	s9 =	sadd.s32 $0xFFFFFEF7, lr;
	s5 =	simm.s32 $0xFFFFFFFF;
	p2 =	slt.u32 s8, $0xFFFFF086  }
0x1c: {  	p1 =	slt.u32 s9, $0xF7A;
	s5 =	simm.s32 @!p2 $0x0  }
0x1d: {  	s5 =	simm.s32 @p1 $0x1;
	p0 =	seq.s32 s7, s2  }
0x1e: {  	s7 =	smul.u32 @!p0 $0xF7A, s2;
	p2 =	seq.s32 @!p0 s5, $0x0  }
0x1f: {  	s9 =	smul.u32 $0xF7A, s1;
	s8 =	simm.s32 @!p0 $0x1BF5;
	p2 =	por !p2, p0  }
0x20: {  	[sflag:s8] =	ssyncset.s32 @!p0 $0xFFFFF086;
	s6 =	sadd.s32 @!p0 s3, s7;
	s7 =	simm.s32 @!p0 $0x108  }
0x21: {  	s3 =	sadd.s32 s3, s9;
	s6 =	sadd.s32 @!p0 $0x88, s6;
	s7 =	simm.s32 @p2 $0x1082  }
0x22: {  	[simem:s7], [sflag:s8] =	dma.local @!p0 [hbm:s6], $0xF7A  }
0x23: {  	s9 =	sor.u32 $0xD0000000, s2;
	s6 =	simm.s32 $0x108;
	_ =	swait.ge @!p0 [sflag:s8], $0x0  }
0x24: {  	s3 =	sadd.s32 $0x88, s3;
	s6 =	simm.s32 @!p1 $0x1082;
	[sflag:s4] =	ssyncset.s32 $0xFFFFF086  }
0x25: {  	[simem:s6], [sflag:s4] =	dma.local [hbm:s3], $0xF7A  }
0x26: {  	[smem:$0x3F95] =	sst s1;
	(tag) =	ssettag s2;
	_ =	strace s9  }
0x27: {  	s1 =	sld [smem:$0x3FA5]  }
0x28: {  	s2 =	sld [smem:$0x3FA6]  }
0x29: {  	s4 =	sld [smem:$0x3FA8]  }
0x2a: {  	p0 =	seq.s32 s5, $0x0;
	s5 =	sld [smem:$0x3FA9]  }
0x2b: {  	s6 =	sld [smem:$0x3FAA]  }
0x2c: {  	s7 =	sld [smem:$0x3FAB]  }
0x2d: {  	s3 =	simm.s32 $0x108;
	s8 =	sld [smem:$0x3FAC]  }
0x2e: {  	s3 =	simm.s32 @!p0 $0x1082;
	s9 =	sld [smem:$0x3FAD]  }
0x2f: {  	lr =	sadd.s32 s0, s3;
	s0 =	sld [smem:$0x3FA4]  }
0x30: {  	s3 =	sld [smem:$0x3FA7]  }
0x31: {  	[smem:$0x3FB0] =	sst s10  }
0x32: {  	s10 =	sld [smem:$0x3FAE];
	_ =	sdelay $0x3  }
0x33: {  	p0 =	seq.s32 s10, $0x1;
	s10 =	sld [smem:$0x3FB0];
	_ =	sdelay $0x3  }
0x34: {  	[smem:$0x3FB0] =	sst s10  }
0x35: {  	s10 =	sld [smem:$0x3FAF];
	_ =	sdelay $0x3  }
0x36: {  	p1 =	seq.s32 s10, $0x1;
	s10 =	sld [smem:$0x3FB0];
	_ =	sdelay $0x3  }
0x37: {  	[smem:$0x3FB0] =	sst s10  }
0x38: {  	s10 =	sld [smem:$0x3FB1]  }
0x39: {  	_ = 	snop;
	(pc) =	sbr.ind lr, $3  }
0x3a: {  	_ = 	snop  }
0x3b: {  	_ = 	snop  }
0x3c: {  	p2 =	seq.s32 s10, $0x1;
	s10 =	sld [smem:$0x3FB0]  }
0x3d: {  	_ =	shalt  }
0x3e: {  	_ =	shalt  }
0x3f: {  	_ =	shalt  }
0x40: {  	_ =	shalt  }
0x41: {  	_ =	shalt  }
0x42: {  	_ =	shalt  }
0x43: {  	_ =	shalt  }
0x44: {  	_ =	shalt  }
0x45: {  	_ =	shalt  }
0x46: {  	_ =	shalt  }
0x47: {  	_ =	shalt  }
0x48: {  	_ =	shalt  }
0x49: {  	_ =	shalt  }
0x4a: {  	_ =	shalt  }
0x4b: {  	_ =	shalt  }
0x4c: {  	_ =	shalt  }
0x4d: {  	_ =	shalt  }
0x4e: {  	_ =	shalt  }
0x4f: {  	_ =	shalt  }
0x50: {  	_ =	shalt  }
0x51: {  	_ =	shalt  }
0x52: {  	_ =	shalt  }
0x53: {  	_ =	shalt  }
0x54: {  	_ =	shalt  }
0x55: {  	_ =	shalt  }
0x56: {  	_ =	shalt  }
0x57: {  	_ =	shalt  }
0x58: {  	_ =	shalt  }
0x59: {  	_ =	shalt  }
0x5a: {  	_ =	shalt  }
0x5b: {  	_ =	shalt  }
0x5c: {  	_ =	shalt  }
0x5d: {  	_ =	shalt  }
0x5e: {  	_ =	shalt  }
0x5f: {  	_ =	shalt  }
0x60: {  	_ =	shalt  }
0x61: {  	_ =	shalt  }
0x62: {  	_ =	shalt  }
0x63: {  	_ =	shalt  }
0x64: {  	_ =	shalt  }
0x65: {  	_ =	shalt  }
0x66: {  	_ =	shalt  }
0x67: {  	_ =	shalt  }
0x68: {  	_ =	shalt  }
0x69: {  	_ =	shalt  }
0x6a: {  	_ =	shalt  }
0x6b: {  	_ =	shalt  }
0x6c: {  	_ =	shalt  }
0x6d: {  	_ =	shalt  }
0x6e: {  	_ =	shalt  }
0x6f: {  	_ =	shalt  }
0x70: {  	_ =	shalt  }
0x71: {  	_ =	shalt  }
0x72: {  	_ =	shalt  }
0x73: {  	_ =	shalt  }
0x74: {  	_ =	shalt  }
0x75: {  	_ =	shalt  }
0x76: {  	_ =	shalt  }
0x77: {  	_ =	shalt  }
0x78: {  	_ =	shalt  }
0x79: {  	_ =	shalt  }
0x7a: {  	_ =	shalt  }
0x7b: {  	_ =	shalt  }
0x7c: {  	_ =	shalt  }
0x7d: {  	_ =	shalt  }
0x7e: {  	_ =	shalt  }
0x7f: {  	_ =	shalt  }
0x80: {  	_ =	shalt  }
0x81: {  	_ =	shalt  }
0x82: {  	_ =	shalt  }
0x83: {  	_ =	shalt  }
0x84: {  	_ =	shalt  }
0x85: {  	_ =	shalt  }
0x86: {  	_ =	shalt  }
0x87: {  	_ =	shalt  }
.Lfunc_end0:
.L_simem_size_0:
called_computation_lowered:
.L_overlay_start_0:
0x88: {  	s2 =	sld [smem:$0x3FD9]  }
0x89: {  	s3 =	sld [smem:$0x3FFE];
	_ =	sdelay $0x1  }
0x8a: {  	s1 =	srdreg.scid  }
0x8b: {  	s0 =	sand.u32 $0x1, s1  }
0x8c: {  	s16 =	sshll.u32 s0, $0xA;
	s2 =	sadd.s32 s3, s2  }
0x8d: {  	s2 =	sadd.s32 s2, s16  }
0x8e: {  	[smem:$0x3FBC] =	sst s2  }
0x8f: {  	_ = 	snop  }
0x90: {  	(tm) =	ssettm $0x1  }
0x91: {  	s17 =	sld [smem:$0x3FFB];
	_ =	sdelay $0x3  }
0x92: {  	_ =	strace s17  }
0x93: {  	s2 =	sld [smem:$0x3FFC];
	_ =	sdelay $0x3  }
0x94: {  	_ =	strace s2  }
0x95: {  	s2 =	sld [smem:$0x3FFD];
	_ =	sdelay $0x3  }
0x96: {  	_ =	strace s2  }
0x97: {  	_ =	strace $0x8FFFFFFF  }
0x98: {  	s18 =	sld [smem:$0x3FDB];
	_ =	sdelay $0x1  }
0x99: {  	s19 =	simm.s32 $_scs_section_size  }
0x9a: {  	s4 =	simm.s32 $_size__tile_overlayer_lowered;
	s5 =	simm.s32 $_tile_overlayer_lowered  }
0x9b: {  	s22 =	simm.s32 $0x1BFF;
	s21 =	sshll.u32 s5, $0x1;
	s2 =	sadd.s32 s19, s18  }
0x9c: {  	s6 =	simm.s32 $0x0;
	s20 =	sshll.u32 s4, $0x1;
	s4 =	sadd.s32 s21, s2  }
0x9d: {  	[timem:s6], [sflag:s22] =	dma.local [hbm:s4], s20  }
0x9e: {  	_ =	swait.ge [sflag:s22], s20  }
0x9f: {  	s3 =	ssub.s32 $0x0, s20;
	[sflag:s22] =	ssyncset.done $0x0  }
0xa0: {  	[sflag:s22] =	ssyncadd.s32 s3;
	_ =	sdelay $0x1  }
0xa1: {  	s23 =	simm.s32 $0x1B8B  }
0xa2: {  	_ =	swait.ge [sflag:s23], $0x1  }
0xa3: {  	[sflag:s23] =	ssyncset.done $0x0  }
0xa4: {  	s25 =	simm.s32 $0x1B8E;
	s24 =	sld [smem:$0x3FFE];
	[sflag:s23] =	ssyncadd.s32 $0xFFFFFFFF  }
0xa5: {  	s26 =	simm.s32 $execute0_lowered;
	[smem:$0x3FD2] =	sst s25  }
0xa6: {  	s4 =	sshll.u32 s26, $0x1;
	_ =	strace $0x80000046;
	[dreg:$0x1] =	wrdreg $0xFFFFFFFF  }
0xa7: {  	s28 =	simm.s32 $_size_execute0_lowered;
	s2 =	sadd.s32 s2, s4;
	[dreg:$0x0] =	wrdreg $0x0  }
0xa8: {  	s4 =	sshll.u32 s28, $0x1;
	[dreg:$0x2] =	wrdreg s2  }
0xa9: {  	[dreg:$0x3] =	wrdreg s4  }
0xaa: {  	[dreg:$0x4] =	wrdreg $0xC0  }
0xab: {  	_ =	task [dreg:s6], $0x5FFFF  }
0xac: {  	[dreg:$0x1] =	wrdreg $0xFFFFFFFF  }
0xad: {  	[dreg:$0x0] =	wrdreg $0x60  }
0xae: {  	[dreg:$0x2] =	wrdreg s24  }
0xaf: {  	[dreg:$0x3] =	wrdreg $0x90000  }
0xb0: {  	[dreg:$0x4] =	wrdreg $0x9  }
0xb1: {  	_ =	task.clear_ibuf [dreg:s6], $0x5FFFF;
	_ =	strace $0x90000046  }
0xb2: {  	s29 =	simm.s32 $0x9;
	_ =	strace $0x80000048  }
0xb3: {  	_ =	swait.ge [sflag:s29], $0x1  }
0xb4: {  	[sflag:s29] =	ssyncadd.s32 $0xFFFFFFFF  }
0xb5: {  	_ =	strace $0x90000048  }
0xb6: {  	_ =	sfence  }
0xb7: {  	s30 =	sld [smem:$0x0];
	_ =	sdelay $0x2  }
0xb8: {  	s31 =	sshll.u32 s1, $0xD;
	s1 =	sshrl.u32 s1, $0x2  }
0xb9: {  	s3 =	sand.u32 $0x4000, s31;
	s1 =	sadd.s32 s1, s30  }
0xba: {  	s0 =	sor.u32 s3, s0;
	s1 =	sshll.u32 s1, $0x11  }
0xbb: {  	s0 =	sor.u32 s1, s0  }
0xbc: {  	s0 =	sadd.s32 $0x8F2B, s0  }
0xbd: {  	[sflag:s0] =	ssyncadd.remote.s32 $0x1  }
0xbe: {  	_ =	sfence.sel $0xFFFF  }
0xbf: {  	[dreg:$0x0] =	wrdreg $0xFFFFFFFF;
	(pc) =	sbr.abs _section_cstart, $3  }
0xc0: {  	[dreg:$0x1] =	wrdreg $0xFFFFFFFF  }
0xc1: {  	_ =	task.clear_ibuf [dreg:s6], $0x2FFFF;
	_ =	strace $0x9FFFFFFF  }
0xc2: {  	(tm) =	ssettm $0x7FFFFFFF  }
0xc3: {  	_ =	shalt  }
tec
execute0_lowered:
.L_overlay_start_1:
0x0: {  	(tag) =	ssettag $0x1  }
0x1: {  	s0 =	srdreg.scid  }
0x2: {  	s25 =	stileid.u32;
	s4 =	rddreg [dreg:$0x0];
	s3 =	simm.s32 $0x0  }
0x3: {  	s20 =	simm.s32 $0x5000;
	s21 =	simm.s32 $0x3;
	s22 =	simm.s32 $0x7000  }
0x4: {  	s23 =	simm.s32 $0x1;
	s24 =	simm.s32 $0x40;
	s8 =	smul.u32 $0x14000, s25  }
0x5: {  	s28 =	simm.s32 $0x4F80;
	s29 =	simm.s32 $0x0;
	s26 =	smul.u32 $0x50000, s25  }
0x6: {  	s1 =	sand.u32 $0x1, s0;
	[smem:$0x7FF] =	sst s3;
	s17 =	smul.u32 $0x28000, s25  }
0x7: {  	s15 =	sadd.s32 $0xA03C00, s4;
	s2 =	sshll.u32 s1, $0x4;
	s7 =	smul.u32 $0x140000, s1  }
0x8: {  	s9 =	ssub.s32 $0x2, s1;
	s1 =	smul.u32 $0x280000, s1;
	s5 =	sor.u32 s25, s2  }
0x9: {  	s2 =	rddreg [dreg:$0x1];
	_ =	strace $0x80000047;
	s30 =	sshrl.u32 s9, $0x1  }
0xa: {  	s31 =	sshrl.u32 s26, $0x2;
	s25 =	simm.s32 $0x2;
	s6 =	smul.u32 $0xA00, s5  }
0xb: {  	s7 =	sadd.s32 s8, s7;
	s5 =	smul.u32 $0x28000, s5;
	s9 =	ssub.s32 s9, s30  }
0xc: {  	s1 =	sadd.s32 s1, s15;
	s7 =	sshrl.u32 s7, $0x3;
	s9 =	smax.u32 s9, $0x1  }
0xd: {  	s1 =	sadd.s32 s17, s1;
	s6 =	sadd.s32 s6, s4;
	s10 =	sadd.s32 s7, s4  }
0xe: {  	s4 =	sadd.s32 s31, s2;
	s5 =	sadd.s32 s15, s5;
	s1 =	sadd.s32 $0xC00, s1  }
0xf: {  	s6 =	sadd.s32 $0xDC00, s6;
	s7 =	sadd.s32 $0x400, s5;
	s8 =	sadd.s32 $0x21C00, s10  }
0x10: {  	s10 =	sadd.s32 $0x2000, s4;
	s11 =	sadd.s32 $0x4000, s4;
	s12 =	sadd.s32 $0x6000, s4  }
0x11: {  	s13 =	sadd.s32 $0x8000, s4;
	s14 =	sadd.s32 $0xA000, s4;
	s15 =	sadd.s32 $0xC000, s4  }
0x12: {  	v0 =	vimm.f32 $0.0e+00;
	s16 =	sadd.s32 $0xE000, s4;
	s17 =	sadd.s32 $0x10000, s4;
	s18 =	sadd.s32 $0x12000, s4  }
.LBB2_1:
0x13: {  	s19 =	simm.s32 $0x0;
	s30 =	simm.s32 $0x200  }
.LBB2_2:
0x14: {  	p0 =	sne.s32 s30, $0x7E00;
	[tilespmem:s19+$0x5070] =	vst v0  }
0x15: {  	[tilespmem:s19+$0x5000] =	vst v0  }
0x16: {  	[tilespmem:s19+$0x5010] =	vst v0  }
.Ltmp0:
0x17: {  	[tilespmem:s19+$0x5020] =	vst v0;
	(pc) =	sbr.rel @p0 .LBB2_2-.Ltmp0, $4  }
0x18: {  	[tilespmem:s19+$0x5030] =	vst v0  }
0x19: {  	[tilespmem:s19+$0x5040] =	vst v0  }
0x1a: {  	[tilespmem:s19+$0x5050] =	vst v0  }
0x1b: {  	[tilespmem:s19+$0x5060] =	vst v0;
	s19 =	sshra.s32 s30, $0x2;
	s30 =	sadd.s32 $0x200, s30  }
0x1c: {  	[tilespmem:s19+$0x5070] =	vst v0  }
0x1d: {  	[tilespmem:s19+$0x5000] =	vst v0  }
0x1e: {  	[tilespmem:s19+$0x5010] =	vst v0  }
0x1f: {  	[tilespmem:s19+$0x5020] =	vst v0  }
0x20: {  	[tilespmem:s19+$0x5030] =	vst v0  }
0x21: {  	[tilespmem:s19+$0x5040] =	vst v0  }
0x22: {  	[tilespmem:s19+$0x5050] =	vst v0  }
0x23: {  	[tilespmem:s19+$0x5060] =	vst v0  }
0x24: {  	[spmem:s4] =	stream.linear.scatter [tilespmem:s20], [sflag:$0x3], $0x2000, $0x38;
	[tilespmem:$0x1D000] =	vst v63  }
0x25: {  	_ =	swait.ge [sflag:s21], $0x2000  }
0x26: {  	[sflag:s21] =	ssyncset.done $0x0  }
0x27: {  	[sflag:s21] =	ssyncadd.s32 $0xFFFFE000  }
0x28: {  	[spmem:s10] =	stream.linear.scatter [tilespmem:s20], [sflag:$0x3], $0x2000, $0x38;
	[tilespmem:$0x1D000] =	vst v63  }
0x29: {  	_ =	swait.ge [sflag:s21], $0x2000  }
0x2a: {  	[sflag:s21] =	ssyncset.done $0x0  }
0x2b: {  	[sflag:s21] =	ssyncadd.s32 $0xFFFFE000  }
0x2c: {  	[spmem:s11] =	stream.linear.scatter [tilespmem:s20], [sflag:$0x3], $0x2000, $0x38;
	[tilespmem:$0x1D000] =	vst v63  }
0x2d: {  	_ =	swait.ge [sflag:s21], $0x2000  }
0x2e: {  	[sflag:s21] =	ssyncset.done $0x0  }
0x2f: {  	[sflag:s21] =	ssyncadd.s32 $0xFFFFE000  }
0x30: {  	[spmem:s12] =	stream.linear.scatter [tilespmem:s20], [sflag:$0x3], $0x2000, $0x38;
	[tilespmem:$0x1D000] =	vst v63  }
0x31: {  	_ =	swait.ge [sflag:s21], $0x2000  }
0x32: {  	[sflag:s21] =	ssyncset.done $0x0  }
0x33: {  	[sflag:s21] =	ssyncadd.s32 $0xFFFFE000  }
0x34: {  	[spmem:s13] =	stream.linear.scatter [tilespmem:s20], [sflag:$0x3], $0x2000, $0x38;
	[tilespmem:$0x1D000] =	vst v63  }
0x35: {  	_ =	swait.ge [sflag:s21], $0x2000  }
0x36: {  	[sflag:s21] =	ssyncset.done $0x0  }
0x37: {  	[sflag:s21] =	ssyncadd.s32 $0xFFFFE000  }
0x38: {  	[spmem:s14] =	stream.linear.scatter [tilespmem:s20], [sflag:$0x3], $0x2000, $0x38;
	[tilespmem:$0x1D000] =	vst v63  }
0x39: {  	_ =	swait.ge [sflag:s21], $0x2000  }
0x3a: {  	[sflag:s21] =	ssyncset.done $0x0  }
0x3b: {  	[sflag:s21] =	ssyncadd.s32 $0xFFFFE000  }
0x3c: {  	[spmem:s15] =	stream.linear.scatter [tilespmem:s20], [sflag:$0x3], $0x2000, $0x38;
	[tilespmem:$0x1D000] =	vst v63  }
0x3d: {  	_ =	swait.ge [sflag:s21], $0x2000  }
0x3e: {  	[sflag:s21] =	ssyncset.done $0x0  }
0x3f: {  	[sflag:s21] =	ssyncadd.s32 $0xFFFFE000  }
0x40: {  	[spmem:s16] =	stream.linear.scatter [tilespmem:s20], [sflag:$0x3], $0x2000, $0x38;
	[tilespmem:$0x1D000] =	vst v63  }
0x41: {  	_ =	swait.ge [sflag:s21], $0x2000  }
0x42: {  	[sflag:s21] =	ssyncset.done $0x0  }
0x43: {  	[sflag:s21] =	ssyncadd.s32 $0xFFFFE000  }
0x44: {  	[spmem:s17] =	stream.linear.scatter [tilespmem:s20], [sflag:$0x3], $0x2000, $0x38;
	[tilespmem:$0x1D000] =	vst v63  }
0x45: {  	_ =	swait.ge [sflag:s21], $0x2000  }
0x46: {  	[sflag:s21] =	ssyncset.done $0x0  }
0x47: {  	[sflag:s21] =	ssyncadd.s32 $0xFFFFE000  }
0x48: {  	[spmem:s18] =	stream.linear.scatter [tilespmem:s20], [sflag:$0x3], $0x2000, $0x38;
	[tilespmem:$0x1D000] =	vst v63  }
0x49: {  	_ =	swait.ge [sflag:s21], $0x2000  }
0x4a: {  	[sflag:s21] =	ssyncset.done $0x0  }
0x4b: {  	s0 =	simm.s32 $0x0;
	[sflag:s21] =	ssyncadd.s32 $0xFFFFE000  }
0x4c: {  	[tilespmem:s0], [sflag:$0x3] =	stream.linear.gather [hbm4b:s6+s0], $0x5000, $0x38;
	[tilespmem:$0x1D000] =	vst v63  }
0x4d: {  	_ =	swait.ge [sflag:s21], $0x5000  }
0x4e: {  	[sflag:s21] =	ssyncset.done $0x0  }
0x4f: {  	[sflag:s21] =	ssyncadd.s32 $0xFFFFB000  }
0x50: {  	[bflag:$0x0] =	sbarrier.arrive $0xFFFF  }
0x51: {  	[tilespmem:s20], [sflag:$0x1] =	stream.linear.gather [hbm4b:s5+s0], $0x2000, $0x38;
	[tilespmem:$0x1D000] =	vst v63  }
0x52: {  	_ = 	snop  }
0x53: {  	[tilespmem:s22], [sflag:$0x2] =	stream.linear.gather [hbm4b:s7+s0], $0x2000, $0x38;
	[tilespmem:$0x1D000] =	vst v63  }
0x54: {  	_ =	swait.ge [sflag:s23], $0x2000  }
0x55: {  	[sflag:s23] =	ssyncset.done $0x0  }
0x56: {  	s26 =	simm.s32 $0x0;
	[sflag:s23] =	ssyncadd.s32 $0xFFFFE000  }
0x57: {  	[spmem:s2] =	stream.indirect.scatter.add.f32 [tilespmem:s20], [sflag:$0x3], $0x80, s26, s24, $0xb8;
	[tilespmem:$0x1D000] =	vst v63  }
0x58: {  	_ =	swait.ge [sflag:s21], $0x2000  }
0x59: {  	[sflag:s21] =	ssyncset.done $0x0  }
0x5a: {  	s0 =	sadd.s32 $0xFFFFFC00, s1;
	[sflag:s21] =	ssyncadd.s32 $0xFFFFE000  }
0x5b: {  	[tilespmem:s20], [sflag:$0x1] =	stream.linear.gather [hbm4b:s0+s3], $0x2000, $0x38;
	[tilespmem:$0x1D000] =	vst v63  }
0x5c: {  	_ =	swait.ge [sflag:s25], $0x2000  }
0x5d: {  	[sflag:s25] =	ssyncset.done $0x0  }
0x5e: {  	s26 =	simm.s32 $0x80;
	[sflag:s25] =	ssyncadd.s32 $0xFFFFE000  }
0x5f: {  	[spmem:s2] =	stream.indirect.scatter.add.f32 [tilespmem:s22], [sflag:$0x3], $0x80, s26, s24, $0xb8;
	[tilespmem:$0x1D000] =	vst v63  }
0x60: {  	_ =	swait.ge [sflag:s21], $0x2000  }
0x61: {  	s30 =	simm.s32 $0x400;
	[sflag:s21] =	ssyncset.done $0x0  }
0x62: {  	s31 =	sadd.s32 $0x800, s1;
	s19 =	smov.u32 s1;
	[sflag:s21] =	ssyncadd.s32 $0xFFFFE000  }
.LBB2_4:
0x63: {  	[tilespmem:s22], [sflag:$0x2] =	stream.linear.gather [hbm4b:s19+s3], $0x2000, $0x38;
	[tilespmem:$0x1D000] =	vst v63  }
0x64: {  	s0 =	smov.u32 s30;
	s19 =	smov.u32 s31  }
0x65: {  	p0 =	sne.s32 s30, $0x13800;
	s30 =	sadd.s32 $0x400, s30;
	_ =	swait.ge [sflag:s23], $0x2000  }
0x66: {  	[sflag:s23] =	ssyncset.done $0x0  }
0x67: {  	s0 =	sshra.s32 s0, $0x2;
	[sflag:s23] =	ssyncadd.s32 $0xFFFFE000  }
0x68: {  	[spmem:s2] =	stream.indirect.scatter.add.f32 [tilespmem:s20], [sflag:$0x3], $0x80, s0, s24, $0xb8;
	[tilespmem:$0x1D000] =	vst v63  }
0x69: {  	_ =	swait.ge [sflag:s21], $0x2000  }
0x6a: {  	[sflag:s21] =	ssyncset.done $0x0  }
0x6b: {  	s26 =	sadd.s32 $0xFFFFFC00, s31;
	[sflag:s21] =	ssyncadd.s32 $0xFFFFE000  }
0x6c: {  	[tilespmem:s20], [sflag:$0x1] =	stream.linear.gather [hbm4b:s26+s3], $0x2000, $0x38;
	[tilespmem:$0x1D000] =	vst v63  }
0x6d: {  	_ =	swait.ge [sflag:s25], $0x2000  }
0x6e: {  	[sflag:s25] =	ssyncset.done $0x0  }
.Ltmp1:
0x6f: {  	s0 =	sadd.s32 $0x80, s0;
	[sflag:s25] =	ssyncadd.s32 $0xFFFFE000;
	(pc) =	sbr.rel @p0 .LBB2_4-.Ltmp1, $4  }
0x70: {  	[spmem:s2] =	stream.indirect.scatter.add.f32 [tilespmem:s22], [sflag:$0x3], $0x80, s0, s24, $0xb8;
	[tilespmem:$0x1D000] =	vst v63  }
0x71: {  	_ =	swait.ge [sflag:s21], $0x2000  }
0x72: {  	[sflag:s21] =	ssyncset.done $0x0  }
0x73: {  	s31 =	sadd.s32 $0x800, s31;
	[sflag:s21] =	ssyncadd.s32 $0xFFFFE000  }
0x74: {  	[tilespmem:s22], [sflag:$0x2] =	stream.linear.gather [hbm4b:s19+s3], $0x2000, $0x38;
	[tilespmem:$0x1D000] =	vst v63  }
0x75: {  	_ =	swait.ge [sflag:s23], $0x2000  }
0x76: {  	[sflag:s23] =	ssyncset.done $0x0  }
0x77: {  	s0 =	simm.s32 $0x4F00;
	[sflag:s23] =	ssyncadd.s32 $0xFFFFE000  }
0x78: {  	[spmem:s2] =	stream.indirect.scatter.add.f32 [tilespmem:s20], [sflag:$0x3], $0x80, s0, s24, $0xb8;
	[tilespmem:$0x1D000] =	vst v63  }
0x79: {  	_ =	swait.ge [sflag:s21], $0x2000  }
0x7a: {  	[sflag:s21] =	ssyncset.done $0x0  }
0x7b: {  	[sflag:s21] =	ssyncadd.s32 $0xFFFFE000  }
0x7c: {  	_ =	swait.ge [sflag:s25], $0x2000  }
0x7d: {  	[sflag:s25] =	ssyncset.done $0x0  }
0x7e: {  	[sflag:s25] =	ssyncadd.s32 $0xFFFFE000  }
0x7f: {  	[spmem:s2] =	stream.indirect.scatter.add.f32 [tilespmem:s22], [sflag:$0x3], $0x80, s28, s24, $0xb8;
	[tilespmem:$0x1D000] =	vst v63  }
0x80: {  	s30 =	stileid.u32;
	_ =	swait.ge [sflag:s21], $0x2000  }
0x81: {  	s31 =	sshrl.u32 s4, $0x3;
	s29 =	sadd.s32 $0x1, s29;
	[sflag:s21] =	ssyncset.done $0x0  }
0x82: {  	p0 =	sne.s32 s29, s9;
	s0 =	sshll.u32 s30, $0x6;
	[sflag:s21] =	ssyncadd.s32 $0xFFFFE000  }
.Ltmp2:
0x83: {  	s0 =	sor.u32 $0x1C03, s0;
	[bflag:$0x0] =	sbarrier.arrive $0xFFFF;
	(pc) =	sbr.rel @p0 .LBB2_1-.Ltmp2, $4  }
0x84: {  	[hbm:s8], [sflag:s0] =	dma.local [spmem:s31], $0x2800  }
0x85: {  	_ =	swait.ge [sflag:s21], $0x2800  }
0x86: {  	[sflag:s21] =	ssyncset.done $0x0  }
0x87: {  	[sflag:s21] =	ssyncadd.s32 $0xFFFFD800  }
0x88: {  	_ =	sfence.sel $0x180000  }
0x89: {  	[bflag:$0x0] =	sbarrier.arrive $0xFFFF  }
0x8a: {  	_ =	strace $0x90000047  }
0x8b: {  	s0 =	stileid.u32;
	[bflag:$0x2] =	sbarrier.arrive $0xFFFF  }
0x8c: {  	p0 =	sne.s32 s0, $0x0;
	s0 =	rddreg [dreg:$0x2]  }
0x8d: {  	s0 =	sadd.s32 @!p0 $0x100000, s0  }
0x8e: {  	[sflag:s0] =	ssyncadd.tile.s32 @!p0 $0x1;
	_ =	shalt  }
.Lfunc_end2:
_tile_overlayer_lowered:
.L_overlay_start_2:
0x8f: {  	(tag) =	ssettag $0x2  }
0x90: {  	s0 =	rddreg [dreg:$0x0];
	s2 =	stileid.u32  }
0x91: {  	s1 =	rddreg [dreg:$0x1];
	p0 =	sne.s32 s2, $0x0  }
0x92: {  	s3 =	rddreg [dreg:$0x2];
	[bflag:$0x3] =	sbarrier.arrive $0xFFFF;
	s2 =	simm.s32 @!p0 $0x1C03  }
0x93: {  	[timem:s3], [sflag:s2] =	dma.local @!p0 [hbm:s0], s1  }
0x94: {  	s0 =	simm.s32 @!p0 $0x3  }
0x95: {  	_ =	swait.ge @!p0 [sflag:s0], s1  }
0x96: {  	s1 =	ssub.s32 @!p0 $0x0, s1;
	[sflag:s0] =	ssyncset.done @!p0 $0x0  }
0x97: {  	[sflag:s0] =	ssyncadd.s32 @!p0 s1  }
0x98: {  	[bflag:$0x3] =	sbarrier.arrive $0xFFFF  }
0x99: {  	_ =	shalt  }

// kernel: kernel.17.cloned.1.call-start
scs
__scs_entry_jumppad:
0x0: {  	(pc) =	sbr.rel $0x88, $3  }
0x1: {  	(tag) =	ssettag $0x0;
	lr =	simm.s32 $0x1  }
0x2: {  	[smem:$0x3F95] =	sst lr;
	_ =	strace $0xD0000000  }
0x3: {  	_ = 	snop  }
0x4: {  	_ = 	snop  }
0x5: {  	_ = 	snop  }
0x6: {  	_ = 	snop  }
0x7: {  	_ = 	snop  }
__scs_overlays_trampoline_lowered:
0x8: {  	[smem:$0x3FA4] =	sst s0  }
0x9: {  	[smem:$0x3FA5] =	sst s1  }
0xa: {  	[smem:$0x3FA6] =	sst s2  }
0xb: {  	[smem:$0x3FA7] =	sst s3  }
0xc: {  	[smem:$0x3FA8] =	sst s4  }
0xd: {  	[smem:$0x3FA9] =	sst s5  }
0xe: {  	[smem:$0x3FAA] =	sst s6  }
0xf: {  	[smem:$0x3FAB] =	sst s7  }
0x10: {  	[smem:$0x3FAC] =	sst s8  }
0x11: {  	[smem:$0x3FAD] =	sst s9;
	s0 =	simm.s32 @!p0 $0x0  }
0x12: {  	s1 =	sld [smem:$0x3F93];
	s0 =	simm.s32 @p0 $0x1  }
0x13: {  	[smem:$0x3FAE] =	sst s0;
	s0 =	simm.s32 @!p1 $0x0  }
0x14: {  	s2 =	sld [smem:$0x3F92];
	s0 =	simm.s32 @p1 $0x1  }
0x15: {  	[smem:$0x3FAF] =	sst s0;
	s0 =	simm.s32 @!p2 $0x0  }
0x16: {  	s3 =	sld [smem:$0x3FDB];
	s0 =	simm.s32 @p2 $0x1  }
0x17: {  	s4 =	simm.s32 $0x1BF5;
	[smem:$0x3FB1] =	sst s0  }
0x18: {  	s0 =	sld [smem:$0x3F94];
	_ =	swait.ge [sflag:s4], $0x0  }
0x19: {  	s7 =	sld [smem:$0x3F95]  }
0x1a: {  	s8 =	sadd.s32 $0xFFFFE003, lr  }
0x1b: {  	s9 =	sadd.s32 $0xFFFFFEF7, lr;
	s5 =	simm.s32 $0xFFFFFFFF;
	p2 =	slt.u32 s8, $0xFFFFF086  }
0x1c: {  	p1 =	slt.u32 s9, $0xF7A;
	s5 =	simm.s32 @!p2 $0x0  }
0x1d: {  	s5 =	simm.s32 @p1 $0x1;
	p0 =	seq.s32 s7, s2  }
0x1e: {  	s7 =	smul.u32 @!p0 $0xF7A, s2;
	p2 =	seq.s32 @!p0 s5, $0x0  }
0x1f: {  	s9 =	smul.u32 $0xF7A, s1;
	s8 =	simm.s32 @!p0 $0x1BF5;
	p2 =	por !p2, p0  }
0x20: {  	[sflag:s8] =	ssyncset.s32 @!p0 $0xFFFFF086;
	s6 =	sadd.s32 @!p0 s3, s7;
	s7 =	simm.s32 @!p0 $0x108  }
0x21: {  	s3 =	sadd.s32 s3, s9;
	s6 =	sadd.s32 @!p0 $0x88, s6;
	s7 =	simm.s32 @p2 $0x1082  }
0x22: {  	[simem:s7], [sflag:s8] =	dma.local @!p0 [hbm:s6], $0xF7A  }
0x23: {  	s9 =	sor.u32 $0xD0000000, s2;
	s6 =	simm.s32 $0x108;
	_ =	swait.ge @!p0 [sflag:s8], $0x0  }
0x24: {  	s3 =	sadd.s32 $0x88, s3;
	s6 =	simm.s32 @!p1 $0x1082;
	[sflag:s4] =	ssyncset.s32 $0xFFFFF086  }
0x25: {  	[simem:s6], [sflag:s4] =	dma.local [hbm:s3], $0xF7A  }
0x26: {  	[smem:$0x3F95] =	sst s1;
	(tag) =	ssettag s2;
	_ =	strace s9  }
0x27: {  	s1 =	sld [smem:$0x3FA5]  }
0x28: {  	s2 =	sld [smem:$0x3FA6]  }
0x29: {  	s4 =	sld [smem:$0x3FA8]  }
0x2a: {  	p0 =	seq.s32 s5, $0x0;
	s5 =	sld [smem:$0x3FA9]  }
0x2b: {  	s6 =	sld [smem:$0x3FAA]  }
0x2c: {  	s7 =	sld [smem:$0x3FAB]  }
0x2d: {  	s3 =	simm.s32 $0x108;
	s8 =	sld [smem:$0x3FAC]  }
0x2e: {  	s3 =	simm.s32 @!p0 $0x1082;
	s9 =	sld [smem:$0x3FAD]  }
0x2f: {  	lr =	sadd.s32 s0, s3;
	s0 =	sld [smem:$0x3FA4]  }
0x30: {  	s3 =	sld [smem:$0x3FA7]  }
0x31: {  	[smem:$0x3FB0] =	sst s10  }
0x32: {  	s10 =	sld [smem:$0x3FAE];
	_ =	sdelay $0x3  }
0x33: {  	p0 =	seq.s32 s10, $0x1;
	s10 =	sld [smem:$0x3FB0];
	_ =	sdelay $0x3  }
0x34: {  	[smem:$0x3FB0] =	sst s10  }
0x35: {  	s10 =	sld [smem:$0x3FAF];
	_ =	sdelay $0x3  }
0x36: {  	p1 =	seq.s32 s10, $0x1;
	s10 =	sld [smem:$0x3FB0];
	_ =	sdelay $0x3  }
0x37: {  	[smem:$0x3FB0] =	sst s10  }
0x38: {  	s10 =	sld [smem:$0x3FB1]  }
0x39: {  	_ = 	snop;
	(pc) =	sbr.ind lr, $3  }
0x3a: {  	_ = 	snop  }
0x3b: {  	_ = 	snop  }
0x3c: {  	p2 =	seq.s32 s10, $0x1;
	s10 =	sld [smem:$0x3FB0]  }
0x3d: {  	_ =	shalt  }
0x3e: {  	_ =	shalt  }
0x3f: {  	_ =	shalt  }
0x40: {  	_ =	shalt  }
0x41: {  	_ =	shalt  }
0x42: {  	_ =	shalt  }
0x43: {  	_ =	shalt  }
0x44: {  	_ =	shalt  }
0x45: {  	_ =	shalt  }
0x46: {  	_ =	shalt  }
0x47: {  	_ =	shalt  }
0x48: {  	_ =	shalt  }
0x49: {  	_ =	shalt  }
0x4a: {  	_ =	shalt  }
0x4b: {  	_ =	shalt  }
0x4c: {  	_ =	shalt  }
0x4d: {  	_ =	shalt  }
0x4e: {  	_ =	shalt  }
0x4f: {  	_ =	shalt  }
0x50: {  	_ =	shalt  }
0x51: {  	_ =	shalt  }
0x52: {  	_ =	shalt  }
0x53: {  	_ =	shalt  }
0x54: {  	_ =	shalt  }
0x55: {  	_ =	shalt  }
0x56: {  	_ =	shalt  }
0x57: {  	_ =	shalt  }
0x58: {  	_ =	shalt  }
0x59: {  	_ =	shalt  }
0x5a: {  	_ =	shalt  }
0x5b: {  	_ =	shalt  }
0x5c: {  	_ =	shalt  }
0x5d: {  	_ =	shalt  }
0x5e: {  	_ =	shalt  }
0x5f: {  	_ =	shalt  }
0x60: {  	_ =	shalt  }
0x61: {  	_ =	shalt  }
0x62: {  	_ =	shalt  }
0x63: {  	_ =	shalt  }
0x64: {  	_ =	shalt  }
0x65: {  	_ =	shalt  }
0x66: {  	_ =	shalt  }
0x67: {  	_ =	shalt  }
0x68: {  	_ =	shalt  }
0x69: {  	_ =	shalt  }
0x6a: {  	_ =	shalt  }
0x6b: {  	_ =	shalt  }
0x6c: {  	_ =	shalt  }
0x6d: {  	_ =	shalt  }
0x6e: {  	_ =	shalt  }
0x6f: {  	_ =	shalt  }
0x70: {  	_ =	shalt  }
0x71: {  	_ =	shalt  }
0x72: {  	_ =	shalt  }
0x73: {  	_ =	shalt  }
0x74: {  	_ =	shalt  }
0x75: {  	_ =	shalt  }
0x76: {  	_ =	shalt  }
0x77: {  	_ =	shalt  }
0x78: {  	_ =	shalt  }
0x79: {  	_ =	shalt  }
0x7a: {  	_ =	shalt  }
0x7b: {  	_ =	shalt  }
0x7c: {  	_ =	shalt  }
0x7d: {  	_ =	shalt  }
0x7e: {  	_ =	shalt  }
0x7f: {  	_ =	shalt  }
0x80: {  	_ =	shalt  }
0x81: {  	_ =	shalt  }
0x82: {  	_ =	shalt  }
0x83: {  	_ =	shalt  }
0x84: {  	_ =	shalt  }
0x85: {  	_ =	shalt  }
0x86: {  	_ =	shalt  }
0x87: {  	_ =	shalt  }
.Lfunc_end0:
.L_simem_size_0:
called_computation.1_lowered:
.L_overlay_start_0:
0x88: {  	s2 =	sld [smem:$0x3FD9]  }
0x89: {  	s3 =	sld [smem:$0x3FFE];
	_ =	sdelay $0x1  }
0x8a: {  	s1 =	srdreg.scid  }
0x8b: {  	s0 =	sand.u32 $0x1, s1  }
0x8c: {  	s16 =	sshll.u32 s0, $0xA;
	s2 =	sadd.s32 s3, s2  }
0x8d: {  	s2 =	sadd.s32 s2, s16  }
0x8e: {  	[smem:$0x3FBC] =	sst s2  }
0x8f: {  	_ = 	snop  }
0x90: {  	(tm) =	ssettm $0x1  }
0x91: {  	s17 =	sld [smem:$0x3FFB];
	_ =	sdelay $0x3  }
0x92: {  	_ =	strace s17  }
0x93: {  	s2 =	sld [smem:$0x3FFC];
	_ =	sdelay $0x3  }
0x94: {  	_ =	strace s2  }
0x95: {  	s2 =	sld [smem:$0x3FFD];
	_ =	sdelay $0x3  }
0x96: {  	_ =	strace s2  }
0x97: {  	_ =	strace $0x8FFFFFFF  }
0x98: {  	s18 =	sld [smem:$0x3FDB];
	_ =	sdelay $0x1  }
0x99: {  	s19 =	simm.s32 $_scs_section_size  }
0x9a: {  	s4 =	simm.s32 $_size__tile_overlayer_lowered;
	s5 =	simm.s32 $_tile_overlayer_lowered  }
0x9b: {  	s22 =	simm.s32 $0x1BFF;
	s21 =	sshll.u32 s5, $0x1;
	s2 =	sadd.s32 s19, s18  }
0x9c: {  	s6 =	simm.s32 $0x0;
	s20 =	sshll.u32 s4, $0x1;
	s4 =	sadd.s32 s21, s2  }
0x9d: {  	[timem:s6], [sflag:s22] =	dma.local [hbm:s4], s20  }
0x9e: {  	_ =	swait.ge [sflag:s22], s20  }
0x9f: {  	s3 =	ssub.s32 $0x0, s20;
	[sflag:s22] =	ssyncset.done $0x0  }
0xa0: {  	[sflag:s22] =	ssyncadd.s32 s3;
	_ =	sdelay $0x1  }
0xa1: {  	s23 =	simm.s32 $0x1B8B  }
0xa2: {  	_ =	swait.ge [sflag:s23], $0x1  }
0xa3: {  	[sflag:s23] =	ssyncset.done $0x0  }
0xa4: {  	s25 =	simm.s32 $0x1B8E;
	s24 =	sld [smem:$0x3FFE];
	[sflag:s23] =	ssyncadd.s32 $0xFFFFFFFF  }
0xa5: {  	s26 =	simm.s32 $execute0_lowered;
	[smem:$0x3FD2] =	sst s25  }
0xa6: {  	s4 =	sshll.u32 s26, $0x1;
	_ =	strace $0x80000049;
	[dreg:$0x1] =	wrdreg $0xFFFFFFFF  }
0xa7: {  	s28 =	simm.s32 $_size_execute0_lowered;
	s2 =	sadd.s32 s2, s4;
	[dreg:$0x0] =	wrdreg $0x0  }
0xa8: {  	s4 =	sshll.u32 s28, $0x1;
	[dreg:$0x2] =	wrdreg s2  }
0xa9: {  	[dreg:$0x3] =	wrdreg s4  }
0xaa: {  	[dreg:$0x4] =	wrdreg $0xC0  }
0xab: {  	_ =	task [dreg:s6], $0x5FFFF  }
0xac: {  	[dreg:$0x1] =	wrdreg $0xFFFFFFFF  }
0xad: {  	[dreg:$0x0] =	wrdreg $0x60  }
0xae: {  	[dreg:$0x2] =	wrdreg s24  }
0xaf: {  	[dreg:$0x3] =	wrdreg $0x90000  }
0xb0: {  	[dreg:$0x4] =	wrdreg $0x9  }
0xb1: {  	_ =	task.clear_ibuf [dreg:s6], $0x5FFFF;
	_ =	strace $0x90000049  }
0xb2: {  	s29 =	simm.s32 $0x9;
	_ =	strace $0x8000004B  }
0xb3: {  	_ =	swait.ge [sflag:s29], $0x1  }
0xb4: {  	[sflag:s29] =	ssyncadd.s32 $0xFFFFFFFF  }
0xb5: {  	_ =	strace $0x9000004B  }
0xb6: {  	_ =	sfence  }
0xb7: {  	s30 =	sld [smem:$0x0];
	_ =	sdelay $0x2  }
0xb8: {  	s31 =	sshll.u32 s1, $0xD;
	s1 =	sshrl.u32 s1, $0x2  }
0xb9: {  	s3 =	sand.u32 $0x4000, s31;
	s1 =	sadd.s32 s1, s30  }
0xba: {  	s0 =	sor.u32 s3, s0;
	s1 =	sshll.u32 s1, $0x11  }
0xbb: {  	s0 =	sor.u32 s1, s0  }
0xbc: {  	s0 =	sadd.s32 $0x8F2B, s0  }
0xbd: {  	[sflag:s0] =	ssyncadd.remote.s32 $0x1  }
0xbe: {  	_ =	sfence.sel $0xFFFF  }
0xbf: {  	[dreg:$0x0] =	wrdreg $0xFFFFFFFF;
	(pc) =	sbr.abs _section_cstart, $3  }
0xc0: {  	[dreg:$0x1] =	wrdreg $0xFFFFFFFF  }
0xc1: {  	_ =	task.clear_ibuf [dreg:s6], $0x2FFFF;
	_ =	strace $0x9FFFFFFF  }
0xc2: {  	(tm) =	ssettm $0x7FFFFFFF  }
0xc3: {  	_ =	shalt  }
tec
execute0_lowered:
.L_overlay_start_1:
0x0: {  	(tag) =	ssettag $0x1  }
0x1: {  	s0 =	rddreg [dreg:$0x0]  }
0x2: {  	s1 =	rddreg [dreg:$0x1]  }
0x3: {  	s2 =	srdreg.scid;
	s3 =	simm.s32 $0x0;
	s7 =	stileid.u32  }
0x4: {  	s21 =	simm.s32 $0x5000;
	s22 =	simm.s32 $0x3;
	s28 =	simm.s32 $0x1  }
0x5: {  	s29 =	simm.s32 $0x2;
	s30 =	simm.s32 $0x4F00;
	s31 =	simm.s32 $0x4F80  }
0x6: {  	s2 =	sand.u32 $0x1, s2;
	[smem:$0x7FF] =	sst s3;
	s6 =	smul.u32 $0x14000, s7  }
0x7: {  	s4 =	sadd.s32 $0x21C00, s0;
	s8 =	sadd.s32 $0x71C00, s0;
	s5 =	smul.u32 $0x140000, s2  }
0x8: {  	s9 =	sadd.s32 $0xDC00, s0;
	s23 =	sshll.u32 s2, $0x4;
	s2 =	ssub.s32 $0x2, s2  }
0x9: {  	s5 =	sadd.s32 s6, s5;
	s6 =	sor.u32 s7, s23;
	s7 =	smul.u32 $0x50000, s7  }
0xa: {  	_ =	strace $0x8000004A;
	s24 =	sshrl.u32 s2, $0x1;
	s10 =	smul.u32 $0x5000, s6  }
0xb: {  	s2 =	ssub.s32 s2, s24;
	s23 =	simm.s32 $0x2800;
	s6 =	smul.u32 $0xA00, s6  }
0xc: {  	s24 =	simm.s32 $0x40;
	s5 =	sshrl.u32 s5, $0x3;
	s11 =	smax.u32 s2, $0x1  }
0xd: {  	s0 =	sadd.s32 s5, s0;
	s7 =	sshrl.u32 s7, $0x2;
	s25 =	sadd.s32 s8, s6  }
0xe: {  	s10 =	sshrl.u32 s10, $0x3;
	s6 =	sadd.s32 s9, s6;
	[dreg:$0x3] =	wrdreg s25  }
0xf: {  	s5 =	sadd.s32 s7, s1;
	[dreg:$0x4] =	wrdreg s6;
	s26 =	sadd.s32 $0x500, s10  }
0x10: {  	s10 =	sadd.s32 $0x85C00, s0;
	s12 =	sadd.s32 $0x2000, s5;
	s13 =	sadd.s32 $0x4000, s5  }
0x11: {  	s14 =	sadd.s32 $0x6000, s5;
	s15 =	sadd.s32 $0x8000, s5;
	s16 =	sadd.s32 $0xA000, s5  }
0x12: {  	s17 =	sadd.s32 $0xC000, s5;
	s18 =	sadd.s32 $0xE000, s5;
	s19 =	sadd.s32 $0x10000, s5  }
0x13: {  	s20 =	sadd.s32 $0x12000, s5;
	s25 =	simm.s32 $0x80;
	s0 =	simm.s32 $0x0  }
0x14: {  	v0 =	vimm.f32 $0.0e+00;
	s8 =	sadd.s32 s8, s26;
	s9 =	sadd.s32 s9, s26;
	s26 =	simm.s32 $0x7000  }
.LBB2_1:
0x15: {  	s2 =	simm.s32 $0x0;
	s6 =	simm.s32 $0x200  }
.LBB2_2:
0x16: {  	p0 =	sne.s32 s6, $0x7E00;
	[tilespmem:s2+$0x5070] =	vst v0  }
0x17: {  	[tilespmem:s2+$0x5000] =	vst v0  }
0x18: {  	[tilespmem:s2+$0x5010] =	vst v0  }
.Ltmp0:
0x19: {  	[tilespmem:s2+$0x5020] =	vst v0;
	(pc) =	sbr.rel @p0 .LBB2_2-.Ltmp0, $4  }
0x1a: {  	[tilespmem:s2+$0x5030] =	vst v0  }
0x1b: {  	[tilespmem:s2+$0x5040] =	vst v0  }
0x1c: {  	[tilespmem:s2+$0x5050] =	vst v0  }
0x1d: {  	[tilespmem:s2+$0x5060] =	vst v0;
	s2 =	sshra.s32 s6, $0x2;
	s6 =	sadd.s32 $0x200, s6  }
0x1e: {  	[tilespmem:s2+$0x5070] =	vst v0  }
0x1f: {  	[tilespmem:s2+$0x5000] =	vst v0  }
0x20: {  	[tilespmem:s2+$0x5010] =	vst v0  }
0x21: {  	[tilespmem:s2+$0x5020] =	vst v0  }
0x22: {  	[tilespmem:s2+$0x5030] =	vst v0  }
0x23: {  	[tilespmem:s2+$0x5040] =	vst v0  }
0x24: {  	[tilespmem:s2+$0x5050] =	vst v0  }
0x25: {  	[tilespmem:s2+$0x5060] =	vst v0  }
0x26: {  	[spmem:s5] =	stream.linear.scatter [tilespmem:s21], [sflag:$0x3], $0x2000, $0x38;
	[tilespmem:$0x1D000] =	vst v63  }
0x27: {  	_ =	swait.ge [sflag:s22], $0x2000  }
0x28: {  	[sflag:s22] =	ssyncset.done $0x0  }
0x29: {  	[sflag:s22] =	ssyncadd.s32 $0xFFFFE000  }
0x2a: {  	[spmem:s12] =	stream.linear.scatter [tilespmem:s21], [sflag:$0x3], $0x2000, $0x38;
	[tilespmem:$0x1D000] =	vst v63  }
0x2b: {  	_ =	swait.ge [sflag:s22], $0x2000  }
0x2c: {  	[sflag:s22] =	ssyncset.done $0x0  }
0x2d: {  	[sflag:s22] =	ssyncadd.s32 $0xFFFFE000  }
0x2e: {  	[spmem:s13] =	stream.linear.scatter [tilespmem:s21], [sflag:$0x3], $0x2000, $0x38;
	[tilespmem:$0x1D000] =	vst v63  }
0x2f: {  	_ =	swait.ge [sflag:s22], $0x2000  }
0x30: {  	[sflag:s22] =	ssyncset.done $0x0  }
0x31: {  	[sflag:s22] =	ssyncadd.s32 $0xFFFFE000  }
0x32: {  	[spmem:s14] =	stream.linear.scatter [tilespmem:s21], [sflag:$0x3], $0x2000, $0x38;
	[tilespmem:$0x1D000] =	vst v63  }
0x33: {  	_ =	swait.ge [sflag:s22], $0x2000  }
0x34: {  	[sflag:s22] =	ssyncset.done $0x0  }
0x35: {  	[sflag:s22] =	ssyncadd.s32 $0xFFFFE000  }
0x36: {  	[spmem:s15] =	stream.linear.scatter [tilespmem:s21], [sflag:$0x3], $0x2000, $0x38;
	[tilespmem:$0x1D000] =	vst v63  }
0x37: {  	_ =	swait.ge [sflag:s22], $0x2000  }
0x38: {  	[sflag:s22] =	ssyncset.done $0x0  }
0x39: {  	[sflag:s22] =	ssyncadd.s32 $0xFFFFE000  }
0x3a: {  	[spmem:s16] =	stream.linear.scatter [tilespmem:s21], [sflag:$0x3], $0x2000, $0x38;
	[tilespmem:$0x1D000] =	vst v63  }
0x3b: {  	_ =	swait.ge [sflag:s22], $0x2000  }
0x3c: {  	[sflag:s22] =	ssyncset.done $0x0  }
0x3d: {  	[sflag:s22] =	ssyncadd.s32 $0xFFFFE000  }
0x3e: {  	[spmem:s17] =	stream.linear.scatter [tilespmem:s21], [sflag:$0x3], $0x2000, $0x38;
	[tilespmem:$0x1D000] =	vst v63  }
0x3f: {  	_ =	swait.ge [sflag:s22], $0x2000  }
0x40: {  	[sflag:s22] =	ssyncset.done $0x0  }
0x41: {  	[sflag:s22] =	ssyncadd.s32 $0xFFFFE000  }
0x42: {  	[spmem:s18] =	stream.linear.scatter [tilespmem:s21], [sflag:$0x3], $0x2000, $0x38;
	[tilespmem:$0x1D000] =	vst v63  }
0x43: {  	_ =	swait.ge [sflag:s22], $0x2000  }
0x44: {  	[sflag:s22] =	ssyncset.done $0x0  }
0x45: {  	[sflag:s22] =	ssyncadd.s32 $0xFFFFE000  }
0x46: {  	[spmem:s19] =	stream.linear.scatter [tilespmem:s21], [sflag:$0x3], $0x2000, $0x38;
	[tilespmem:$0x1D000] =	vst v63  }
0x47: {  	_ =	swait.ge [sflag:s22], $0x2000  }
0x48: {  	[sflag:s22] =	ssyncset.done $0x0  }
0x49: {  	[sflag:s22] =	ssyncadd.s32 $0xFFFFE000  }
0x4a: {  	[spmem:s20] =	stream.linear.scatter [tilespmem:s21], [sflag:$0x3], $0x2000, $0x38;
	[tilespmem:$0x1D000] =	vst v63  }
0x4b: {  	_ =	swait.ge [sflag:s22], $0x2000  }
0x4c: {  	[sflag:s22] =	ssyncset.done $0x0  }
0x4d: {  	[sflag:s22] =	ssyncadd.s32 $0xFFFFE000  }
0x4e: {  	[bflag:$0x0] =	sbarrier.arrive $0xFFFF  }
0x4f: {  	s7 =	rddreg [dreg:$0x3]  }
0x50: {  	[tilespmem:s3], [sflag:$0x3] =	stream.linear.gather [hbm4b:s7+s3], $0x2800, $0x38;
	[tilespmem:$0x1D000] =	vst v63  }
0x51: {  	_ =	swait.ge [sflag:s22], $0x2800  }
0x52: {  	[sflag:s22] =	ssyncset.done $0x0  }
0x53: {  	s6 =	rddreg [dreg:$0x4];
	[sflag:s22] =	ssyncadd.s32 $0xFFFFD800  }
0x54: {  	[tilespmem:s23], [sflag:$0x3] =	stream.linear.gather [hbm4b:s6+s3], $0x2800, $0x38;
	[tilespmem:$0x1D000] =	vst v63  }
0x55: {  	_ =	swait.ge [sflag:s22], $0x2800  }
0x56: {  	[sflag:s22] =	ssyncset.done $0x0  }
0x57: {  	[sflag:s22] =	ssyncadd.s32 $0xFFFFD800  }
0x58: {  	[tilespmem:s21], [sflag:$0x1] =	stream.indirect.gather [hbm4b:s4+s24], $0x80, s3, s24, $0xb8;
	[tilespmem:$0x1D000] =	vst v63  }
0x59: {  	_ = 	snop  }
0x5a: {  	[tilespmem:s26], [sflag:$0x2] =	stream.indirect.gather [hbm4b:s4+s24], $0x80, s25, s24, $0xb8;
	[tilespmem:$0x1D000] =	vst v63  }
0x5b: {  	_ =	swait.ge [sflag:s28], $0x2000  }
0x5c: {  	[sflag:s28] =	ssyncset.done $0x0  }
0x5d: {  	s7 =	simm.s32 $0x2800;
	[sflag:s28] =	ssyncadd.s32 $0xFFFFE000  }
0x5e: {  	[spmem:s1] =	stream.indirect.scatter.add.f32 [tilespmem:s21], [sflag:$0x3], $0x80, s7, s24, $0xb8;
	[tilespmem:$0x1D000] =	vst v63  }
0x5f: {  	_ =	swait.ge [sflag:s22], $0x2000  }
0x60: {  	[sflag:s22] =	ssyncset.done $0x0  }
0x61: {  	s6 =	simm.s32 $0x100;
	[sflag:s22] =	ssyncadd.s32 $0xFFFFE000  }
0x62: {  	[tilespmem:s21], [sflag:$0x1] =	stream.indirect.gather [hbm4b:s4+s24], $0x80, s6, s24, $0xb8;
	[tilespmem:$0x1D000] =	vst v63  }
0x63: {  	_ =	swait.ge [sflag:s29], $0x2000  }
0x64: {  	[sflag:s29] =	ssyncset.done $0x0  }
0x65: {  	s7 =	simm.s32 $0x2880;
	[sflag:s29] =	ssyncadd.s32 $0xFFFFE000  }
0x66: {  	[spmem:s1] =	stream.indirect.scatter.add.f32 [tilespmem:s26], [sflag:$0x3], $0x80, s7, s24, $0xb8;
	[tilespmem:$0x1D000] =	vst v63  }
0x67: {  	_ =	swait.ge [sflag:s22], $0x2000  }
0x68: {  	[sflag:s22] =	ssyncset.done $0x0  }
0x69: {  	s2 =	simm.s32 $0x800;
	s6 =	simm.s32 $0x180;
	[sflag:s22] =	ssyncadd.s32 $0xFFFFE000  }
.LBB2_4:
0x6a: {  	[tilespmem:s26], [sflag:$0x2] =	stream.indirect.gather [hbm4b:s4+s24], $0x80, s6, s24, $0xb8;
	[tilespmem:$0x1D000] =	vst v63  }
0x6b: {  	s6 =	smov.u32 s2  }
0x6c: {  	p0 =	sne.s32 s2, $0x9C00;
	s2 =	sadd.s32 $0x400, s2;
	_ =	swait.ge [sflag:s28], $0x2000  }
0x6d: {  	s6 =	sshra.s32 s6, $0x2;
	[sflag:s28] =	ssyncset.done $0x0  }
0x6e: {  	s7 =	sadd.s32 $0x2700, s6;
	[sflag:s28] =	ssyncadd.s32 $0xFFFFE000  }
0x6f: {  	[spmem:s1] =	stream.indirect.scatter.add.f32 [tilespmem:s21], [sflag:$0x3], $0x80, s7, s24, $0xb8;
	[tilespmem:$0x1D000] =	vst v63  }
0x70: {  	_ =	swait.ge [sflag:s22], $0x2000  }
0x71: {  	[sflag:s22] =	ssyncset.done $0x0  }
0x72: {  	[sflag:s22] =	ssyncadd.s32 $0xFFFFE000  }
0x73: {  	[tilespmem:s21], [sflag:$0x1] =	stream.indirect.gather [hbm4b:s4+s24], $0x80, s6, s24, $0xb8;
	[tilespmem:$0x1D000] =	vst v63  }
0x74: {  	_ =	swait.ge [sflag:s29], $0x2000  }
0x75: {  	[sflag:s29] =	ssyncset.done $0x0  }
.Ltmp1:
0x76: {  	s7 =	sadd.s32 $0x2780, s6;
	[sflag:s29] =	ssyncadd.s32 $0xFFFFE000;
	(pc) =	sbr.rel @p0 .LBB2_4-.Ltmp1, $4  }
0x77: {  	[spmem:s1] =	stream.indirect.scatter.add.f32 [tilespmem:s26], [sflag:$0x3], $0x80, s7, s24, $0xb8;
	[tilespmem:$0x1D000] =	vst v63  }
0x78: {  	_ =	swait.ge [sflag:s22], $0x2000  }
0x79: {  	[sflag:s22] =	ssyncset.done $0x0  }
0x7a: {  	s6 =	sadd.s32 $0x80, s6;
	[sflag:s22] =	ssyncadd.s32 $0xFFFFE000  }
0x7b: {  	[tilespmem:s26], [sflag:$0x2] =	stream.indirect.gather [hbm4b:s4+s24], $0x80, s6, s24, $0xb8;
	[tilespmem:$0x1D000] =	vst v63  }
0x7c: {  	_ =	swait.ge [sflag:s28], $0x2000  }
0x7d: {  	[sflag:s28] =	ssyncset.done $0x0  }
0x7e: {  	[sflag:s28] =	ssyncadd.s32 $0xFFFFE000  }
0x7f: {  	[spmem:s1] =	stream.indirect.scatter.add.f32 [tilespmem:s21], [sflag:$0x3], $0x80, s30, s24, $0xb8;
	[tilespmem:$0x1D000] =	vst v63  }
0x80: {  	_ =	swait.ge [sflag:s22], $0x2000  }
0x81: {  	[sflag:s22] =	ssyncset.done $0x0  }
0x82: {  	[sflag:s22] =	ssyncadd.s32 $0xFFFFE000  }
0x83: {  	_ =	swait.ge [sflag:s29], $0x2000  }
0x84: {  	[sflag:s29] =	ssyncset.done $0x0  }
0x85: {  	[sflag:s29] =	ssyncadd.s32 $0xFFFFE000  }
0x86: {  	[spmem:s1] =	stream.indirect.scatter.add.f32 [tilespmem:s26], [sflag:$0x3], $0x80, s31, s24, $0xb8;
	[tilespmem:$0x1D000] =	vst v63  }
0x87: {  	_ =	swait.ge [sflag:s22], $0x2000  }
0x88: {  	[sflag:s22] =	ssyncset.done $0x0  }
0x89: {  	[sflag:s22] =	ssyncadd.s32 $0xFFFFE000  }
0x8a: {  	[tilespmem:s3], [sflag:$0x3] =	stream.linear.gather [hbm4b:s8+s3], $0x2800, $0x38;
	[tilespmem:$0x1D000] =	vst v63  }
0x8b: {  	_ =	swait.ge [sflag:s22], $0x2800  }
0x8c: {  	[sflag:s22] =	ssyncset.done $0x0  }
0x8d: {  	[sflag:s22] =	ssyncadd.s32 $0xFFFFD800  }
0x8e: {  	[tilespmem:s23], [sflag:$0x3] =	stream.linear.gather [hbm4b:s9+s3], $0x2800, $0x38;
	[tilespmem:$0x1D000] =	vst v63  }
0x8f: {  	_ =	swait.ge [sflag:s22], $0x2800  }
0x90: {  	[sflag:s22] =	ssyncset.done $0x0  }
0x91: {  	[sflag:s22] =	ssyncadd.s32 $0xFFFFD800  }
0x92: {  	[tilespmem:s21], [sflag:$0x1] =	stream.indirect.gather [hbm4b:s4+s24], $0x80, s3, s24, $0xb8;
	[tilespmem:$0x1D000] =	vst v63  }
0x93: {  	_ = 	snop  }
0x94: {  	[tilespmem:s26], [sflag:$0x2] =	stream.indirect.gather [hbm4b:s4+s24], $0x80, s25, s24, $0xb8;
	[tilespmem:$0x1D000] =	vst v63  }
0x95: {  	_ =	swait.ge [sflag:s28], $0x2000  }
0x96: {  	[sflag:s28] =	ssyncset.done $0x0  }
0x97: {  	s2 =	simm.s32 $0x2800;
	[sflag:s28] =	ssyncadd.s32 $0xFFFFE000  }
0x98: {  	[spmem:s1] =	stream.indirect.scatter.add.f32 [tilespmem:s21], [sflag:$0x3], $0x80, s2, s24, $0xb8;
	[tilespmem:$0x1D000] =	vst v63  }
0x99: {  	_ =	swait.ge [sflag:s22], $0x2000  }
0x9a: {  	[sflag:s22] =	ssyncset.done $0x0  }
0x9b: {  	s6 =	simm.s32 $0x100;
	[sflag:s22] =	ssyncadd.s32 $0xFFFFE000  }
0x9c: {  	[tilespmem:s21], [sflag:$0x1] =	stream.indirect.gather [hbm4b:s4+s24], $0x80, s6, s24, $0xb8;
	[tilespmem:$0x1D000] =	vst v63  }
0x9d: {  	_ =	swait.ge [sflag:s29], $0x2000  }
0x9e: {  	[sflag:s29] =	ssyncset.done $0x0  }
0x9f: {  	s7 =	simm.s32 $0x2880;
	[sflag:s29] =	ssyncadd.s32 $0xFFFFE000  }
0xa0: {  	[spmem:s1] =	stream.indirect.scatter.add.f32 [tilespmem:s26], [sflag:$0x3], $0x80, s7, s24, $0xb8;
	[tilespmem:$0x1D000] =	vst v63  }
0xa1: {  	_ =	swait.ge [sflag:s22], $0x2000  }
0xa2: {  	[sflag:s22] =	ssyncset.done $0x0  }
0xa3: {  	s2 =	simm.s32 $0x800;
	s6 =	simm.s32 $0x180;
	[sflag:s22] =	ssyncadd.s32 $0xFFFFE000  }
.LBB2_6:
0xa4: {  	[tilespmem:s26], [sflag:$0x2] =	stream.indirect.gather [hbm4b:s4+s24], $0x80, s6, s24, $0xb8;
	[tilespmem:$0x1D000] =	vst v63  }
0xa5: {  	s6 =	smov.u32 s2  }
0xa6: {  	p0 =	sne.s32 s2, $0x9C00;
	s2 =	sadd.s32 $0x400, s2;
	_ =	swait.ge [sflag:s28], $0x2000  }
0xa7: {  	s6 =	sshra.s32 s6, $0x2;
	[sflag:s28] =	ssyncset.done $0x0  }
0xa8: {  	s7 =	sadd.s32 $0x2700, s6;
	[sflag:s28] =	ssyncadd.s32 $0xFFFFE000  }
0xa9: {  	[spmem:s1] =	stream.indirect.scatter.add.f32 [tilespmem:s21], [sflag:$0x3], $0x80, s7, s24, $0xb8;
	[tilespmem:$0x1D000] =	vst v63  }
0xaa: {  	_ =	swait.ge [sflag:s22], $0x2000  }
0xab: {  	[sflag:s22] =	ssyncset.done $0x0  }
0xac: {  	[sflag:s22] =	ssyncadd.s32 $0xFFFFE000  }
0xad: {  	[tilespmem:s21], [sflag:$0x1] =	stream.indirect.gather [hbm4b:s4+s24], $0x80, s6, s24, $0xb8;
	[tilespmem:$0x1D000] =	vst v63  }
0xae: {  	_ =	swait.ge [sflag:s29], $0x2000  }
0xaf: {  	[sflag:s29] =	ssyncset.done $0x0  }
.Ltmp2:
0xb0: {  	s7 =	sadd.s32 $0x2780, s6;
	[sflag:s29] =	ssyncadd.s32 $0xFFFFE000;
	(pc) =	sbr.rel @p0 .LBB2_6-.Ltmp2, $4  }
0xb1: {  	[spmem:s1] =	stream.indirect.scatter.add.f32 [tilespmem:s26], [sflag:$0x3], $0x80, s7, s24, $0xb8;
	[tilespmem:$0x1D000] =	vst v63  }
0xb2: {  	_ =	swait.ge [sflag:s22], $0x2000  }
0xb3: {  	[sflag:s22] =	ssyncset.done $0x0  }
0xb4: {  	s6 =	sadd.s32 $0x80, s6;
	[sflag:s22] =	ssyncadd.s32 $0xFFFFE000  }
0xb5: {  	[tilespmem:s26], [sflag:$0x2] =	stream.indirect.gather [hbm4b:s4+s24], $0x80, s6, s24, $0xb8;
	[tilespmem:$0x1D000] =	vst v63  }
0xb6: {  	_ =	swait.ge [sflag:s28], $0x2000  }
0xb7: {  	[sflag:s28] =	ssyncset.done $0x0  }
0xb8: {  	[sflag:s28] =	ssyncadd.s32 $0xFFFFE000  }
0xb9: {  	[spmem:s1] =	stream.indirect.scatter.add.f32 [tilespmem:s21], [sflag:$0x3], $0x80, s30, s24, $0xb8;
	[tilespmem:$0x1D000] =	vst v63  }
0xba: {  	_ =	swait.ge [sflag:s22], $0x2000  }
0xbb: {  	[sflag:s22] =	ssyncset.done $0x0  }
0xbc: {  	[sflag:s22] =	ssyncadd.s32 $0xFFFFE000  }
0xbd: {  	_ =	swait.ge [sflag:s29], $0x2000  }
0xbe: {  	[sflag:s29] =	ssyncset.done $0x0  }
0xbf: {  	[sflag:s29] =	ssyncadd.s32 $0xFFFFE000  }
0xc0: {  	[spmem:s1] =	stream.indirect.scatter.add.f32 [tilespmem:s26], [sflag:$0x3], $0x80, s31, s24, $0xb8;
	[tilespmem:$0x1D000] =	vst v63  }
0xc1: {  	s2 =	stileid.u32;
	_ =	swait.ge [sflag:s22], $0x2000  }
0xc2: {  	s7 =	sshrl.u32 s5, $0x3;
	s0 =	sadd.s32 $0x1, s0;
	[sflag:s22] =	ssyncset.done $0x0  }
0xc3: {  	s2 =	sshll.u32 s2, $0x6;
	p0 =	sne.s32 s0, s11;
	[sflag:s22] =	ssyncadd.s32 $0xFFFFE000  }
.Ltmp3:
0xc4: {  	s2 =	sor.u32 $0x1C03, s2;
	[bflag:$0x0] =	sbarrier.arrive $0xFFFF;
	(pc) =	sbr.rel @p0 .LBB2_1-.Ltmp3, $4  }
0xc5: {  	[hbm:s10], [sflag:s2] =	dma.local [spmem:s7], $0x2800  }
0xc6: {  	_ =	swait.ge [sflag:s22], $0x2800  }
0xc7: {  	[sflag:s22] =	ssyncset.done $0x0  }
0xc8: {  	[sflag:s22] =	ssyncadd.s32 $0xFFFFD800  }
0xc9: {  	_ =	sfence.sel $0x180000  }
0xca: {  	[bflag:$0x0] =	sbarrier.arrive $0xFFFF  }
0xcb: {  	_ =	strace $0x9000004A  }
0xcc: {  	s0 =	stileid.u32;
	[bflag:$0x2] =	sbarrier.arrive $0xFFFF  }
0xcd: {  	p0 =	sne.s32 s0, $0x0;
	s0 =	rddreg [dreg:$0x2]  }
0xce: {  	s0 =	sadd.s32 @!p0 $0x100000, s0  }
0xcf: {  	[sflag:s0] =	ssyncadd.tile.s32 @!p0 $0x1;
	_ =	shalt  }
.Lfunc_end2:
_tile_overlayer_lowered:
.L_overlay_start_2:
0xd0: {  	(tag) =	ssettag $0x2  }
0xd1: {  	s0 =	rddreg [dreg:$0x0];
	s2 =	stileid.u32  }
0xd2: {  	s1 =	rddreg [dreg:$0x1];
	p0 =	sne.s32 s2, $0x0  }
0xd3: {  	s3 =	rddreg [dreg:$0x2];
	[bflag:$0x3] =	sbarrier.arrive $0xFFFF;
	s2 =	simm.s32 @!p0 $0x1C03  }
0xd4: {  	[timem:s3], [sflag:s2] =	dma.local @!p0 [hbm:s0], s1  }
0xd5: {  	s0 =	simm.s32 @!p0 $0x3  }
0xd6: {  	_ =	swait.ge @!p0 [sflag:s0], s1  }
0xd7: {  	s1 =	ssub.s32 @!p0 $0x0, s1;
	[sflag:s0] =	ssyncset.done @!p0 $0x0  }
0xd8: {  	[sflag:s0] =	ssyncadd.s32 @!p0 s1  }
0xd9: {  	[bflag:$0x3] =	sbarrier.arrive $0xFFFF  }
0xda: {  	_ =	shalt  }

// kernel: kernel.20.cloned.1.call-start
scs
__scs_entry_jumppad:
0x0: {  	(pc) =	sbr.rel $0x88, $3  }
0x1: {  	(tag) =	ssettag $0x0;
	lr =	simm.s32 $0x1  }
0x2: {  	[smem:$0x3F95] =	sst lr;
	_ =	strace $0xD0000000  }
0x3: {  	_ = 	snop  }
0x4: {  	_ = 	snop  }
0x5: {  	_ = 	snop  }
0x6: {  	_ = 	snop  }
0x7: {  	_ = 	snop  }
__scs_overlays_trampoline_lowered:
0x8: {  	[smem:$0x3FA4] =	sst s0  }
0x9: {  	[smem:$0x3FA5] =	sst s1  }
0xa: {  	[smem:$0x3FA6] =	sst s2  }
0xb: {  	[smem:$0x3FA7] =	sst s3  }
0xc: {  	[smem:$0x3FA8] =	sst s4  }
0xd: {  	[smem:$0x3FA9] =	sst s5  }
0xe: {  	[smem:$0x3FAA] =	sst s6  }
0xf: {  	[smem:$0x3FAB] =	sst s7  }
0x10: {  	[smem:$0x3FAC] =	sst s8  }
0x11: {  	[smem:$0x3FAD] =	sst s9;
	s0 =	simm.s32 @!p0 $0x0  }
0x12: {  	s1 =	sld [smem:$0x3F93];
	s0 =	simm.s32 @p0 $0x1  }
0x13: {  	[smem:$0x3FAE] =	sst s0;
	s0 =	simm.s32 @!p1 $0x0  }
0x14: {  	s2 =	sld [smem:$0x3F92];
	s0 =	simm.s32 @p1 $0x1  }
0x15: {  	[smem:$0x3FAF] =	sst s0;
	s0 =	simm.s32 @!p2 $0x0  }
0x16: {  	s3 =	sld [smem:$0x3FDB];
	s0 =	simm.s32 @p2 $0x1  }
0x17: {  	s4 =	simm.s32 $0x1BF5;
	[smem:$0x3FB1] =	sst s0  }
0x18: {  	s0 =	sld [smem:$0x3F94];
	_ =	swait.ge [sflag:s4], $0x0  }
0x19: {  	s7 =	sld [smem:$0x3F95]  }
0x1a: {  	s8 =	sadd.s32 $0xFFFFE003, lr  }
0x1b: {  	s9 =	sadd.s32 $0xFFFFFEF7, lr;
	s5 =	simm.s32 $0xFFFFFFFF;
	p2 =	slt.u32 s8, $0xFFFFF086  }
0x1c: {  	p1 =	slt.u32 s9, $0xF7A;
	s5 =	simm.s32 @!p2 $0x0  }
0x1d: {  	s5 =	simm.s32 @p1 $0x1;
	p0 =	seq.s32 s7, s2  }
0x1e: {  	s7 =	smul.u32 @!p0 $0xF7A, s2;
	p2 =	seq.s32 @!p0 s5, $0x0  }
0x1f: {  	s9 =	smul.u32 $0xF7A, s1;
	s8 =	simm.s32 @!p0 $0x1BF5;
	p2 =	por !p2, p0  }
0x20: {  	[sflag:s8] =	ssyncset.s32 @!p0 $0xFFFFF086;
	s6 =	sadd.s32 @!p0 s3, s7;
	s7 =	simm.s32 @!p0 $0x108  }
0x21: {  	s3 =	sadd.s32 s3, s9;
	s6 =	sadd.s32 @!p0 $0x88, s6;
	s7 =	simm.s32 @p2 $0x1082  }
0x22: {  	[simem:s7], [sflag:s8] =	dma.local @!p0 [hbm:s6], $0xF7A  }
0x23: {  	s9 =	sor.u32 $0xD0000000, s2;
	s6 =	simm.s32 $0x108;
	_ =	swait.ge @!p0 [sflag:s8], $0x0  }
0x24: {  	s3 =	sadd.s32 $0x88, s3;
	s6 =	simm.s32 @!p1 $0x1082;
	[sflag:s4] =	ssyncset.s32 $0xFFFFF086  }
0x25: {  	[simem:s6], [sflag:s4] =	dma.local [hbm:s3], $0xF7A  }
0x26: {  	[smem:$0x3F95] =	sst s1;
	(tag) =	ssettag s2;
	_ =	strace s9  }
0x27: {  	s1 =	sld [smem:$0x3FA5]  }
0x28: {  	s2 =	sld [smem:$0x3FA6]  }
0x29: {  	s4 =	sld [smem:$0x3FA8]  }
0x2a: {  	p0 =	seq.s32 s5, $0x0;
	s5 =	sld [smem:$0x3FA9]  }
0x2b: {  	s6 =	sld [smem:$0x3FAA]  }
0x2c: {  	s7 =	sld [smem:$0x3FAB]  }
0x2d: {  	s3 =	simm.s32 $0x108;
	s8 =	sld [smem:$0x3FAC]  }
0x2e: {  	s3 =	simm.s32 @!p0 $0x1082;
	s9 =	sld [smem:$0x3FAD]  }
0x2f: {  	lr =	sadd.s32 s0, s3;
	s0 =	sld [smem:$0x3FA4]  }
0x30: {  	s3 =	sld [smem:$0x3FA7]  }
0x31: {  	[smem:$0x3FB0] =	sst s10  }
0x32: {  	s10 =	sld [smem:$0x3FAE];
	_ =	sdelay $0x3  }
0x33: {  	p0 =	seq.s32 s10, $0x1;
	s10 =	sld [smem:$0x3FB0];
	_ =	sdelay $0x3  }
0x34: {  	[smem:$0x3FB0] =	sst s10  }
0x35: {  	s10 =	sld [smem:$0x3FAF];
	_ =	sdelay $0x3  }
0x36: {  	p1 =	seq.s32 s10, $0x1;
	s10 =	sld [smem:$0x3FB0];
	_ =	sdelay $0x3  }
0x37: {  	[smem:$0x3FB0] =	sst s10  }
0x38: {  	s10 =	sld [smem:$0x3FB1]  }
0x39: {  	_ = 	snop;
	(pc) =	sbr.ind lr, $3  }
0x3a: {  	_ = 	snop  }
0x3b: {  	_ = 	snop  }
0x3c: {  	p2 =	seq.s32 s10, $0x1;
	s10 =	sld [smem:$0x3FB0]  }
0x3d: {  	_ =	shalt  }
0x3e: {  	_ =	shalt  }
0x3f: {  	_ =	shalt  }
0x40: {  	_ =	shalt  }
0x41: {  	_ =	shalt  }
0x42: {  	_ =	shalt  }
0x43: {  	_ =	shalt  }
0x44: {  	_ =	shalt  }
0x45: {  	_ =	shalt  }
0x46: {  	_ =	shalt  }
0x47: {  	_ =	shalt  }
0x48: {  	_ =	shalt  }
0x49: {  	_ =	shalt  }
0x4a: {  	_ =	shalt  }
0x4b: {  	_ =	shalt  }
0x4c: {  	_ =	shalt  }
0x4d: {  	_ =	shalt  }
0x4e: {  	_ =	shalt  }
0x4f: {  	_ =	shalt  }
0x50: {  	_ =	shalt  }
0x51: {  	_ =	shalt  }
0x52: {  	_ =	shalt  }
0x53: {  	_ =	shalt  }
0x54: {  	_ =	shalt  }
0x55: {  	_ =	shalt  }
0x56: {  	_ =	shalt  }
0x57: {  	_ =	shalt  }
0x58: {  	_ =	shalt  }
0x59: {  	_ =	shalt  }
0x5a: {  	_ =	shalt  }
0x5b: {  	_ =	shalt  }
0x5c: {  	_ =	shalt  }
0x5d: {  	_ =	shalt  }
0x5e: {  	_ =	shalt  }
0x5f: {  	_ =	shalt  }
0x60: {  	_ =	shalt  }
0x61: {  	_ =	shalt  }
0x62: {  	_ =	shalt  }
0x63: {  	_ =	shalt  }
0x64: {  	_ =	shalt  }
0x65: {  	_ =	shalt  }
0x66: {  	_ =	shalt  }
0x67: {  	_ =	shalt  }
0x68: {  	_ =	shalt  }
0x69: {  	_ =	shalt  }
0x6a: {  	_ =	shalt  }
0x6b: {  	_ =	shalt  }
0x6c: {  	_ =	shalt  }
0x6d: {  	_ =	shalt  }
0x6e: {  	_ =	shalt  }
0x6f: {  	_ =	shalt  }
0x70: {  	_ =	shalt  }
0x71: {  	_ =	shalt  }
0x72: {  	_ =	shalt  }
0x73: {  	_ =	shalt  }
0x74: {  	_ =	shalt  }
0x75: {  	_ =	shalt  }
0x76: {  	_ =	shalt  }
0x77: {  	_ =	shalt  }
0x78: {  	_ =	shalt  }
0x79: {  	_ =	shalt  }
0x7a: {  	_ =	shalt  }
0x7b: {  	_ =	shalt  }
0x7c: {  	_ =	shalt  }
0x7d: {  	_ =	shalt  }
0x7e: {  	_ =	shalt  }
0x7f: {  	_ =	shalt  }
0x80: {  	_ =	shalt  }
0x81: {  	_ =	shalt  }
0x82: {  	_ =	shalt  }
0x83: {  	_ =	shalt  }
0x84: {  	_ =	shalt  }
0x85: {  	_ =	shalt  }
0x86: {  	_ =	shalt  }
0x87: {  	_ =	shalt  }
.Lfunc_end0:
.L_simem_size_0:
called_computation.2_lowered:
.L_overlay_start_0:
0x88: {  	s2 =	sld [smem:$0x3FD9]  }
0x89: {  	s3 =	sld [smem:$0x3FFE];
	_ =	sdelay $0x1  }
0x8a: {  	s1 =	srdreg.scid  }
0x8b: {  	s0 =	sand.u32 $0x1, s1  }
0x8c: {  	s16 =	sshll.u32 s0, $0xA;
	s2 =	sadd.s32 s3, s2  }
0x8d: {  	s2 =	sadd.s32 s2, s16  }
0x8e: {  	[smem:$0x3FBC] =	sst s2  }
0x8f: {  	_ = 	snop  }
0x90: {  	(tm) =	ssettm $0x1  }
0x91: {  	s17 =	sld [smem:$0x3FFB];
	_ =	sdelay $0x3  }
0x92: {  	_ =	strace s17  }
0x93: {  	s2 =	sld [smem:$0x3FFC];
	_ =	sdelay $0x3  }
0x94: {  	_ =	strace s2  }
0x95: {  	s2 =	sld [smem:$0x3FFD];
	_ =	sdelay $0x3  }
0x96: {  	_ =	strace s2  }
0x97: {  	_ =	strace $0x8FFFFFFF  }
0x98: {  	s18 =	sld [smem:$0x3FDB];
	_ =	sdelay $0x1  }
0x99: {  	s19 =	simm.s32 $_scs_section_size  }
0x9a: {  	s4 =	simm.s32 $_size__tile_overlayer_lowered;
	s5 =	simm.s32 $_tile_overlayer_lowered  }
0x9b: {  	s22 =	simm.s32 $0x1BFF;
	s21 =	sshll.u32 s5, $0x1;
	s2 =	sadd.s32 s19, s18  }
0x9c: {  	s6 =	simm.s32 $0x0;
	s20 =	sshll.u32 s4, $0x1;
	s4 =	sadd.s32 s21, s2  }
0x9d: {  	[timem:s6], [sflag:s22] =	dma.local [hbm:s4], s20  }
0x9e: {  	_ =	swait.ge [sflag:s22], s20  }
0x9f: {  	s3 =	ssub.s32 $0x0, s20;
	[sflag:s22] =	ssyncset.done $0x0  }
0xa0: {  	[sflag:s22] =	ssyncadd.s32 s3;
	_ =	sdelay $0x1  }
0xa1: {  	s23 =	simm.s32 $0x1B8B  }
0xa2: {  	_ =	swait.ge [sflag:s23], $0x1  }
0xa3: {  	[sflag:s23] =	ssyncset.done $0x0  }
0xa4: {  	s25 =	simm.s32 $0x1B8E;
	s24 =	sld [smem:$0x3FFE];
	[sflag:s23] =	ssyncadd.s32 $0xFFFFFFFF  }
0xa5: {  	s26 =	simm.s32 $execute0_lowered;
	[smem:$0x3FD2] =	sst s25  }
0xa6: {  	s4 =	sshll.u32 s26, $0x1;
	_ =	strace $0x8000004C;
	[dreg:$0x1] =	wrdreg $0xFFFFFFFF  }
0xa7: {  	s28 =	simm.s32 $_size_execute0_lowered;
	s2 =	sadd.s32 s2, s4;
	[dreg:$0x0] =	wrdreg $0x0  }
0xa8: {  	s4 =	sshll.u32 s28, $0x1;
	[dreg:$0x2] =	wrdreg s2  }
0xa9: {  	[dreg:$0x3] =	wrdreg s4  }
0xaa: {  	[dreg:$0x4] =	wrdreg $0xC0  }
0xab: {  	_ =	task [dreg:s6], $0x5FFFF  }
0xac: {  	[dreg:$0x1] =	wrdreg $0xFFFFFFFF  }
0xad: {  	[dreg:$0x0] =	wrdreg $0x60  }
0xae: {  	[dreg:$0x2] =	wrdreg s24  }
0xaf: {  	[dreg:$0x3] =	wrdreg $0x90000  }
0xb0: {  	[dreg:$0x4] =	wrdreg $0x9  }
0xb1: {  	_ =	task.clear_ibuf [dreg:s6], $0x5FFFF;
	_ =	strace $0x9000004C  }
0xb2: {  	s29 =	simm.s32 $0x9;
	_ =	strace $0x8000004E  }
0xb3: {  	_ =	swait.ge [sflag:s29], $0x1  }
0xb4: {  	[sflag:s29] =	ssyncadd.s32 $0xFFFFFFFF  }
0xb5: {  	_ =	strace $0x9000004E  }
0xb6: {  	_ =	sfence  }
0xb7: {  	s30 =	sld [smem:$0x0];
	_ =	sdelay $0x2  }
0xb8: {  	s31 =	sshll.u32 s1, $0xD;
	s1 =	sshrl.u32 s1, $0x2  }
0xb9: {  	s3 =	sand.u32 $0x4000, s31;
	s1 =	sadd.s32 s1, s30  }
0xba: {  	s0 =	sor.u32 s3, s0;
	s1 =	sshll.u32 s1, $0x11  }
0xbb: {  	s0 =	sor.u32 s1, s0  }
0xbc: {  	s0 =	sadd.s32 $0x8F2B, s0  }
0xbd: {  	[sflag:s0] =	ssyncadd.remote.s32 $0x1  }
0xbe: {  	_ =	sfence.sel $0xFFFF  }
0xbf: {  	[dreg:$0x0] =	wrdreg $0xFFFFFFFF;
	(pc) =	sbr.abs _section_cstart, $3  }
0xc0: {  	[dreg:$0x1] =	wrdreg $0xFFFFFFFF  }
0xc1: {  	_ =	task.clear_ibuf [dreg:s6], $0x2FFFF;
	_ =	strace $0x9FFFFFFF  }
0xc2: {  	(tm) =	ssettm $0x7FFFFFFF  }
0xc3: {  	_ =	shalt  }
tec
execute0_lowered:
.L_overlay_start_1:
0x0: {  	(tag) =	ssettag $0x1  }
0x1: {  	s0 =	rddreg [dreg:$0x0]  }
0x2: {  	s1 =	rddreg [dreg:$0x1]  }
0x3: {  	s2 =	srdreg.scid;
	s3 =	simm.s32 $0x0;
	s7 =	stileid.u32  }
0x4: {  	s21 =	simm.s32 $0x5000;
	s22 =	simm.s32 $0x3;
	s28 =	simm.s32 $0x1  }
0x5: {  	s29 =	simm.s32 $0x2;
	s30 =	simm.s32 $0x4F00;
	s31 =	simm.s32 $0x4F80  }
0x6: {  	s2 =	sand.u32 $0x1, s2;
	[smem:$0x7FF] =	sst s3;
	s6 =	smul.u32 $0x14000, s7  }
0x7: {  	s4 =	sadd.s32 $0x21C00, s0;
	s8 =	sadd.s32 $0x71C00, s0;
	s5 =	smul.u32 $0x140000, s2  }
0x8: {  	s9 =	sadd.s32 $0xDC00, s0;
	s23 =	sshll.u32 s2, $0x4;
	s2 =	ssub.s32 $0x2, s2  }
0x9: {  	s5 =	sadd.s32 s6, s5;
	s6 =	sor.u32 s7, s23;
	s7 =	smul.u32 $0x50000, s7  }
0xa: {  	_ =	strace $0x8000004D;
	s24 =	sshrl.u32 s2, $0x1;
	s10 =	smul.u32 $0x5000, s6  }
0xb: {  	s2 =	ssub.s32 s2, s24;
	s23 =	simm.s32 $0x2800;
	s6 =	smul.u32 $0xA00, s6  }
0xc: {  	s24 =	simm.s32 $0x40;
	s5 =	sshrl.u32 s5, $0x3;
	s11 =	smax.u32 s2, $0x1  }
0xd: {  	s0 =	sadd.s32 s5, s0;
	s7 =	sshrl.u32 s7, $0x2;
	s25 =	sadd.s32 s8, s6  }
0xe: {  	s10 =	sshrl.u32 s10, $0x3;
	s6 =	sadd.s32 s9, s6;
	[dreg:$0x3] =	wrdreg s25  }
0xf: {  	s5 =	sadd.s32 s7, s1;
	[dreg:$0x4] =	wrdreg s6;
	s26 =	sadd.s32 $0x500, s10  }
0x10: {  	s10 =	sadd.s32 $0x85C00, s0;
	s12 =	sadd.s32 $0x2000, s5;
	s13 =	sadd.s32 $0x4000, s5  }
0x11: {  	s14 =	sadd.s32 $0x6000, s5;
	s15 =	sadd.s32 $0x8000, s5;
	s16 =	sadd.s32 $0xA000, s5  }
0x12: {  	s17 =	sadd.s32 $0xC000, s5;
	s18 =	sadd.s32 $0xE000, s5;
	s19 =	sadd.s32 $0x10000, s5  }
0x13: {  	s20 =	sadd.s32 $0x12000, s5;
	s25 =	simm.s32 $0x80;
	s0 =	simm.s32 $0x0  }
0x14: {  	v0 =	vimm.f32 $0.0e+00;
	s8 =	sadd.s32 s8, s26;
	s9 =	sadd.s32 s9, s26;
	s26 =	simm.s32 $0x7000  }
.LBB2_1:
0x15: {  	s2 =	simm.s32 $0x0;
	s6 =	simm.s32 $0x200  }
.LBB2_2:
0x16: {  	p0 =	sne.s32 s6, $0x7E00;
	[tilespmem:s2+$0x5070] =	vst v0  }
0x17: {  	[tilespmem:s2+$0x5000] =	vst v0  }
0x18: {  	[tilespmem:s2+$0x5010] =	vst v0  }
.Ltmp0:
0x19: {  	[tilespmem:s2+$0x5020] =	vst v0;
	(pc) =	sbr.rel @p0 .LBB2_2-.Ltmp0, $4  }
0x1a: {  	[tilespmem:s2+$0x5030] =	vst v0  }
0x1b: {  	[tilespmem:s2+$0x5040] =	vst v0  }
0x1c: {  	[tilespmem:s2+$0x5050] =	vst v0  }
0x1d: {  	[tilespmem:s2+$0x5060] =	vst v0;
	s2 =	sshra.s32 s6, $0x2;
	s6 =	sadd.s32 $0x200, s6  }
0x1e: {  	[tilespmem:s2+$0x5070] =	vst v0  }
0x1f: {  	[tilespmem:s2+$0x5000] =	vst v0  }
0x20: {  	[tilespmem:s2+$0x5010] =	vst v0  }
0x21: {  	[tilespmem:s2+$0x5020] =	vst v0  }
0x22: {  	[tilespmem:s2+$0x5030] =	vst v0  }
0x23: {  	[tilespmem:s2+$0x5040] =	vst v0  }
0x24: {  	[tilespmem:s2+$0x5050] =	vst v0  }
0x25: {  	[tilespmem:s2+$0x5060] =	vst v0  }
0x26: {  	[spmem:s5] =	stream.linear.scatter [tilespmem:s21], [sflag:$0x3], $0x2000, $0x38;
	[tilespmem:$0x1D000] =	vst v63  }
0x27: {  	_ =	swait.ge [sflag:s22], $0x2000  }
0x28: {  	[sflag:s22] =	ssyncset.done $0x0  }
0x29: {  	[sflag:s22] =	ssyncadd.s32 $0xFFFFE000  }
0x2a: {  	[spmem:s12] =	stream.linear.scatter [tilespmem:s21], [sflag:$0x3], $0x2000, $0x38;
	[tilespmem:$0x1D000] =	vst v63  }
0x2b: {  	_ =	swait.ge [sflag:s22], $0x2000  }
0x2c: {  	[sflag:s22] =	ssyncset.done $0x0  }
0x2d: {  	[sflag:s22] =	ssyncadd.s32 $0xFFFFE000  }
0x2e: {  	[spmem:s13] =	stream.linear.scatter [tilespmem:s21], [sflag:$0x3], $0x2000, $0x38;
	[tilespmem:$0x1D000] =	vst v63  }
0x2f: {  	_ =	swait.ge [sflag:s22], $0x2000  }
0x30: {  	[sflag:s22] =	ssyncset.done $0x0  }
0x31: {  	[sflag:s22] =	ssyncadd.s32 $0xFFFFE000  }
0x32: {  	[spmem:s14] =	stream.linear.scatter [tilespmem:s21], [sflag:$0x3], $0x2000, $0x38;
	[tilespmem:$0x1D000] =	vst v63  }
0x33: {  	_ =	swait.ge [sflag:s22], $0x2000  }
0x34: {  	[sflag:s22] =	ssyncset.done $0x0  }
0x35: {  	[sflag:s22] =	ssyncadd.s32 $0xFFFFE000  }
0x36: {  	[spmem:s15] =	stream.linear.scatter [tilespmem:s21], [sflag:$0x3], $0x2000, $0x38;
	[tilespmem:$0x1D000] =	vst v63  }
0x37: {  	_ =	swait.ge [sflag:s22], $0x2000  }
0x38: {  	[sflag:s22] =	ssyncset.done $0x0  }
0x39: {  	[sflag:s22] =	ssyncadd.s32 $0xFFFFE000  }
0x3a: {  	[spmem:s16] =	stream.linear.scatter [tilespmem:s21], [sflag:$0x3], $0x2000, $0x38;
	[tilespmem:$0x1D000] =	vst v63  }
0x3b: {  	_ =	swait.ge [sflag:s22], $0x2000  }
0x3c: {  	[sflag:s22] =	ssyncset.done $0x0  }
0x3d: {  	[sflag:s22] =	ssyncadd.s32 $0xFFFFE000  }
0x3e: {  	[spmem:s17] =	stream.linear.scatter [tilespmem:s21], [sflag:$0x3], $0x2000, $0x38;
	[tilespmem:$0x1D000] =	vst v63  }
0x3f: {  	_ =	swait.ge [sflag:s22], $0x2000  }
0x40: {  	[sflag:s22] =	ssyncset.done $0x0  }
0x41: {  	[sflag:s22] =	ssyncadd.s32 $0xFFFFE000  }
0x42: {  	[spmem:s18] =	stream.linear.scatter [tilespmem:s21], [sflag:$0x3], $0x2000, $0x38;
	[tilespmem:$0x1D000] =	vst v63  }
0x43: {  	_ =	swait.ge [sflag:s22], $0x2000  }
0x44: {  	[sflag:s22] =	ssyncset.done $0x0  }
0x45: {  	[sflag:s22] =	ssyncadd.s32 $0xFFFFE000  }
0x46: {  	[spmem:s19] =	stream.linear.scatter [tilespmem:s21], [sflag:$0x3], $0x2000, $0x38;
	[tilespmem:$0x1D000] =	vst v63  }
0x47: {  	_ =	swait.ge [sflag:s22], $0x2000  }
0x48: {  	[sflag:s22] =	ssyncset.done $0x0  }
0x49: {  	[sflag:s22] =	ssyncadd.s32 $0xFFFFE000  }
0x4a: {  	[spmem:s20] =	stream.linear.scatter [tilespmem:s21], [sflag:$0x3], $0x2000, $0x38;
	[tilespmem:$0x1D000] =	vst v63  }
0x4b: {  	_ =	swait.ge [sflag:s22], $0x2000  }
0x4c: {  	[sflag:s22] =	ssyncset.done $0x0  }
0x4d: {  	[sflag:s22] =	ssyncadd.s32 $0xFFFFE000  }
0x4e: {  	[bflag:$0x0] =	sbarrier.arrive $0xFFFF  }
0x4f: {  	s7 =	rddreg [dreg:$0x3]  }
0x50: {  	[tilespmem:s3], [sflag:$0x3] =	stream.linear.gather [hbm4b:s7+s3], $0x2800, $0x38;
	[tilespmem:$0x1D000] =	vst v63  }
0x51: {  	_ =	swait.ge [sflag:s22], $0x2800  }
0x52: {  	[sflag:s22] =	ssyncset.done $0x0  }
0x53: {  	s6 =	rddreg [dreg:$0x4];
	[sflag:s22] =	ssyncadd.s32 $0xFFFFD800  }
0x54: {  	[tilespmem:s23], [sflag:$0x3] =	stream.linear.gather [hbm4b:s6+s3], $0x2800, $0x38;
	[tilespmem:$0x1D000] =	vst v63  }
0x55: {  	_ =	swait.ge [sflag:s22], $0x2800  }
0x56: {  	[sflag:s22] =	ssyncset.done $0x0  }
0x57: {  	[sflag:s22] =	ssyncadd.s32 $0xFFFFD800  }
0x58: {  	[tilespmem:s21], [sflag:$0x1] =	stream.indirect.gather [hbm4b:s4+s24], $0x80, s3, s24, $0xb8;
	[tilespmem:$0x1D000] =	vst v63  }
0x59: {  	_ = 	snop  }
0x5a: {  	[tilespmem:s26], [sflag:$0x2] =	stream.indirect.gather [hbm4b:s4+s24], $0x80, s25, s24, $0xb8;
	[tilespmem:$0x1D000] =	vst v63  }
0x5b: {  	_ =	swait.ge [sflag:s28], $0x2000  }
0x5c: {  	[sflag:s28] =	ssyncset.done $0x0  }
0x5d: {  	s7 =	simm.s32 $0x2800;
	[sflag:s28] =	ssyncadd.s32 $0xFFFFE000  }
0x5e: {  	[spmem:s1] =	stream.indirect.scatter.add.f32 [tilespmem:s21], [sflag:$0x3], $0x80, s7, s24, $0xb8;
	[tilespmem:$0x1D000] =	vst v63  }
0x5f: {  	_ =	swait.ge [sflag:s22], $0x2000  }
0x60: {  	[sflag:s22] =	ssyncset.done $0x0  }
0x61: {  	s6 =	simm.s32 $0x100;
	[sflag:s22] =	ssyncadd.s32 $0xFFFFE000  }
0x62: {  	[tilespmem:s21], [sflag:$0x1] =	stream.indirect.gather [hbm4b:s4+s24], $0x80, s6, s24, $0xb8;
	[tilespmem:$0x1D000] =	vst v63  }
0x63: {  	_ =	swait.ge [sflag:s29], $0x2000  }
0x64: {  	[sflag:s29] =	ssyncset.done $0x0  }
0x65: {  	s7 =	simm.s32 $0x2880;
	[sflag:s29] =	ssyncadd.s32 $0xFFFFE000  }
0x66: {  	[spmem:s1] =	stream.indirect.scatter.add.f32 [tilespmem:s26], [sflag:$0x3], $0x80, s7, s24, $0xb8;
	[tilespmem:$0x1D000] =	vst v63  }
0x67: {  	_ =	swait.ge [sflag:s22], $0x2000  }
0x68: {  	[sflag:s22] =	ssyncset.done $0x0  }
0x69: {  	s2 =	simm.s32 $0x800;
	s6 =	simm.s32 $0x180;
	[sflag:s22] =	ssyncadd.s32 $0xFFFFE000  }
.LBB2_4:
0x6a: {  	[tilespmem:s26], [sflag:$0x2] =	stream.indirect.gather [hbm4b:s4+s24], $0x80, s6, s24, $0xb8;
	[tilespmem:$0x1D000] =	vst v63  }
0x6b: {  	s6 =	smov.u32 s2  }
0x6c: {  	p0 =	sne.s32 s2, $0x9C00;
	s2 =	sadd.s32 $0x400, s2;
	_ =	swait.ge [sflag:s28], $0x2000  }
0x6d: {  	s6 =	sshra.s32 s6, $0x2;
	[sflag:s28] =	ssyncset.done $0x0  }
0x6e: {  	s7 =	sadd.s32 $0x2700, s6;
	[sflag:s28] =	ssyncadd.s32 $0xFFFFE000  }
0x6f: {  	[spmem:s1] =	stream.indirect.scatter.add.f32 [tilespmem:s21], [sflag:$0x3], $0x80, s7, s24, $0xb8;
	[tilespmem:$0x1D000] =	vst v63  }
0x70: {  	_ =	swait.ge [sflag:s22], $0x2000  }
0x71: {  	[sflag:s22] =	ssyncset.done $0x0  }
0x72: {  	[sflag:s22] =	ssyncadd.s32 $0xFFFFE000  }
0x73: {  	[tilespmem:s21], [sflag:$0x1] =	stream.indirect.gather [hbm4b:s4+s24], $0x80, s6, s24, $0xb8;
	[tilespmem:$0x1D000] =	vst v63  }
0x74: {  	_ =	swait.ge [sflag:s29], $0x2000  }
0x75: {  	[sflag:s29] =	ssyncset.done $0x0  }
.Ltmp1:
0x76: {  	s7 =	sadd.s32 $0x2780, s6;
	[sflag:s29] =	ssyncadd.s32 $0xFFFFE000;
	(pc) =	sbr.rel @p0 .LBB2_4-.Ltmp1, $4  }
0x77: {  	[spmem:s1] =	stream.indirect.scatter.add.f32 [tilespmem:s26], [sflag:$0x3], $0x80, s7, s24, $0xb8;
	[tilespmem:$0x1D000] =	vst v63  }
0x78: {  	_ =	swait.ge [sflag:s22], $0x2000  }
0x79: {  	[sflag:s22] =	ssyncset.done $0x0  }
0x7a: {  	s6 =	sadd.s32 $0x80, s6;
	[sflag:s22] =	ssyncadd.s32 $0xFFFFE000  }
0x7b: {  	[tilespmem:s26], [sflag:$0x2] =	stream.indirect.gather [hbm4b:s4+s24], $0x80, s6, s24, $0xb8;
	[tilespmem:$0x1D000] =	vst v63  }
0x7c: {  	_ =	swait.ge [sflag:s28], $0x2000  }
0x7d: {  	[sflag:s28] =	ssyncset.done $0x0  }
0x7e: {  	[sflag:s28] =	ssyncadd.s32 $0xFFFFE000  }
0x7f: {  	[spmem:s1] =	stream.indirect.scatter.add.f32 [tilespmem:s21], [sflag:$0x3], $0x80, s30, s24, $0xb8;
	[tilespmem:$0x1D000] =	vst v63  }
0x80: {  	_ =	swait.ge [sflag:s22], $0x2000  }
0x81: {  	[sflag:s22] =	ssyncset.done $0x0  }
0x82: {  	[sflag:s22] =	ssyncadd.s32 $0xFFFFE000  }
0x83: {  	_ =	swait.ge [sflag:s29], $0x2000  }
0x84: {  	[sflag:s29] =	ssyncset.done $0x0  }
0x85: {  	[sflag:s29] =	ssyncadd.s32 $0xFFFFE000  }
0x86: {  	[spmem:s1] =	stream.indirect.scatter.add.f32 [tilespmem:s26], [sflag:$0x3], $0x80, s31, s24, $0xb8;
	[tilespmem:$0x1D000] =	vst v63  }
0x87: {  	_ =	swait.ge [sflag:s22], $0x2000  }
0x88: {  	[sflag:s22] =	ssyncset.done $0x0  }
0x89: {  	[sflag:s22] =	ssyncadd.s32 $0xFFFFE000  }
0x8a: {  	[tilespmem:s3], [sflag:$0x3] =	stream.linear.gather [hbm4b:s8+s3], $0x2800, $0x38;
	[tilespmem:$0x1D000] =	vst v63  }
0x8b: {  	_ =	swait.ge [sflag:s22], $0x2800  }
0x8c: {  	[sflag:s22] =	ssyncset.done $0x0  }
0x8d: {  	[sflag:s22] =	ssyncadd.s32 $0xFFFFD800  }
0x8e: {  	[tilespmem:s23], [sflag:$0x3] =	stream.linear.gather [hbm4b:s9+s3], $0x2800, $0x38;
	[tilespmem:$0x1D000] =	vst v63  }
0x8f: {  	_ =	swait.ge [sflag:s22], $0x2800  }
0x90: {  	[sflag:s22] =	ssyncset.done $0x0  }
0x91: {  	[sflag:s22] =	ssyncadd.s32 $0xFFFFD800  }
0x92: {  	[tilespmem:s21], [sflag:$0x1] =	stream.indirect.gather [hbm4b:s4+s24], $0x80, s3, s24, $0xb8;
	[tilespmem:$0x1D000] =	vst v63  }
0x93: {  	_ = 	snop  }
0x94: {  	[tilespmem:s26], [sflag:$0x2] =	stream.indirect.gather [hbm4b:s4+s24], $0x80, s25, s24, $0xb8;
	[tilespmem:$0x1D000] =	vst v63  }
0x95: {  	_ =	swait.ge [sflag:s28], $0x2000  }
0x96: {  	[sflag:s28] =	ssyncset.done $0x0  }
0x97: {  	s2 =	simm.s32 $0x2800;
	[sflag:s28] =	ssyncadd.s32 $0xFFFFE000  }
0x98: {  	[spmem:s1] =	stream.indirect.scatter.add.f32 [tilespmem:s21], [sflag:$0x3], $0x80, s2, s24, $0xb8;
	[tilespmem:$0x1D000] =	vst v63  }
0x99: {  	_ =	swait.ge [sflag:s22], $0x2000  }
0x9a: {  	[sflag:s22] =	ssyncset.done $0x0  }
0x9b: {  	s6 =	simm.s32 $0x100;
	[sflag:s22] =	ssyncadd.s32 $0xFFFFE000  }
0x9c: {  	[tilespmem:s21], [sflag:$0x1] =	stream.indirect.gather [hbm4b:s4+s24], $0x80, s6, s24, $0xb8;
	[tilespmem:$0x1D000] =	vst v63  }
0x9d: {  	_ =	swait.ge [sflag:s29], $0x2000  }
0x9e: {  	[sflag:s29] =	ssyncset.done $0x0  }
0x9f: {  	s7 =	simm.s32 $0x2880;
	[sflag:s29] =	ssyncadd.s32 $0xFFFFE000  }
0xa0: {  	[spmem:s1] =	stream.indirect.scatter.add.f32 [tilespmem:s26], [sflag:$0x3], $0x80, s7, s24, $0xb8;
	[tilespmem:$0x1D000] =	vst v63  }
0xa1: {  	_ =	swait.ge [sflag:s22], $0x2000  }
0xa2: {  	[sflag:s22] =	ssyncset.done $0x0  }
0xa3: {  	s2 =	simm.s32 $0x800;
	s6 =	simm.s32 $0x180;
	[sflag:s22] =	ssyncadd.s32 $0xFFFFE000  }
.LBB2_6:
0xa4: {  	[tilespmem:s26], [sflag:$0x2] =	stream.indirect.gather [hbm4b:s4+s24], $0x80, s6, s24, $0xb8;
	[tilespmem:$0x1D000] =	vst v63  }
0xa5: {  	s6 =	smov.u32 s2  }
0xa6: {  	p0 =	sne.s32 s2, $0x9C00;
	s2 =	sadd.s32 $0x400, s2;
	_ =	swait.ge [sflag:s28], $0x2000  }
0xa7: {  	s6 =	sshra.s32 s6, $0x2;
	[sflag:s28] =	ssyncset.done $0x0  }
0xa8: {  	s7 =	sadd.s32 $0x2700, s6;
	[sflag:s28] =	ssyncadd.s32 $0xFFFFE000  }
0xa9: {  	[spmem:s1] =	stream.indirect.scatter.add.f32 [tilespmem:s21], [sflag:$0x3], $0x80, s7, s24, $0xb8;
	[tilespmem:$0x1D000] =	vst v63  }
0xaa: {  	_ =	swait.ge [sflag:s22], $0x2000  }
0xab: {  	[sflag:s22] =	ssyncset.done $0x0  }
0xac: {  	[sflag:s22] =	ssyncadd.s32 $0xFFFFE000  }
0xad: {  	[tilespmem:s21], [sflag:$0x1] =	stream.indirect.gather [hbm4b:s4+s24], $0x80, s6, s24, $0xb8;
	[tilespmem:$0x1D000] =	vst v63  }
0xae: {  	_ =	swait.ge [sflag:s29], $0x2000  }
0xaf: {  	[sflag:s29] =	ssyncset.done $0x0  }
.Ltmp2:
0xb0: {  	s7 =	sadd.s32 $0x2780, s6;
	[sflag:s29] =	ssyncadd.s32 $0xFFFFE000;
	(pc) =	sbr.rel @p0 .LBB2_6-.Ltmp2, $4  }
0xb1: {  	[spmem:s1] =	stream.indirect.scatter.add.f32 [tilespmem:s26], [sflag:$0x3], $0x80, s7, s24, $0xb8;
	[tilespmem:$0x1D000] =	vst v63  }
0xb2: {  	_ =	swait.ge [sflag:s22], $0x2000  }
0xb3: {  	[sflag:s22] =	ssyncset.done $0x0  }
0xb4: {  	s6 =	sadd.s32 $0x80, s6;
	[sflag:s22] =	ssyncadd.s32 $0xFFFFE000  }
0xb5: {  	[tilespmem:s26], [sflag:$0x2] =	stream.indirect.gather [hbm4b:s4+s24], $0x80, s6, s24, $0xb8;
	[tilespmem:$0x1D000] =	vst v63  }
0xb6: {  	_ =	swait.ge [sflag:s28], $0x2000  }
0xb7: {  	[sflag:s28] =	ssyncset.done $0x0  }
0xb8: {  	[sflag:s28] =	ssyncadd.s32 $0xFFFFE000  }
0xb9: {  	[spmem:s1] =	stream.indirect.scatter.add.f32 [tilespmem:s21], [sflag:$0x3], $0x80, s30, s24, $0xb8;
	[tilespmem:$0x1D000] =	vst v63  }
0xba: {  	_ =	swait.ge [sflag:s22], $0x2000  }
0xbb: {  	[sflag:s22] =	ssyncset.done $0x0  }
0xbc: {  	[sflag:s22] =	ssyncadd.s32 $0xFFFFE000  }
0xbd: {  	_ =	swait.ge [sflag:s29], $0x2000  }
0xbe: {  	[sflag:s29] =	ssyncset.done $0x0  }
0xbf: {  	[sflag:s29] =	ssyncadd.s32 $0xFFFFE000  }
0xc0: {  	[spmem:s1] =	stream.indirect.scatter.add.f32 [tilespmem:s26], [sflag:$0x3], $0x80, s31, s24, $0xb8;
	[tilespmem:$0x1D000] =	vst v63  }
0xc1: {  	s2 =	stileid.u32;
	_ =	swait.ge [sflag:s22], $0x2000  }
0xc2: {  	s7 =	sshrl.u32 s5, $0x3;
	s0 =	sadd.s32 $0x1, s0;
	[sflag:s22] =	ssyncset.done $0x0  }
0xc3: {  	s2 =	sshll.u32 s2, $0x6;
	p0 =	sne.s32 s0, s11;
	[sflag:s22] =	ssyncadd.s32 $0xFFFFE000  }
.Ltmp3:
0xc4: {  	s2 =	sor.u32 $0x1C03, s2;
	[bflag:$0x0] =	sbarrier.arrive $0xFFFF;
	(pc) =	sbr.rel @p0 .LBB2_1-.Ltmp3, $4  }
0xc5: {  	[hbm:s10], [sflag:s2] =	dma.local [spmem:s7], $0x2800  }
0xc6: {  	_ =	swait.ge [sflag:s22], $0x2800  }
0xc7: {  	[sflag:s22] =	ssyncset.done $0x0  }
0xc8: {  	[sflag:s22] =	ssyncadd.s32 $0xFFFFD800  }
0xc9: {  	_ =	sfence.sel $0x180000  }
0xca: {  	[bflag:$0x0] =	sbarrier.arrive $0xFFFF  }
0xcb: {  	_ =	strace $0x9000004D  }
0xcc: {  	s0 =	stileid.u32;
	[bflag:$0x2] =	sbarrier.arrive $0xFFFF  }
0xcd: {  	p0 =	sne.s32 s0, $0x0;
	s0 =	rddreg [dreg:$0x2]  }
0xce: {  	s0 =	sadd.s32 @!p0 $0x100000, s0  }
0xcf: {  	[sflag:s0] =	ssyncadd.tile.s32 @!p0 $0x1;
	_ =	shalt  }
.Lfunc_end2:
_tile_overlayer_lowered:
.L_overlay_start_2:
0xd0: {  	(tag) =	ssettag $0x2  }
0xd1: {  	s0 =	rddreg [dreg:$0x0];
	s2 =	stileid.u32  }
0xd2: {  	s1 =	rddreg [dreg:$0x1];
	p0 =	sne.s32 s2, $0x0  }
0xd3: {  	s3 =	rddreg [dreg:$0x2];
	[bflag:$0x3] =	sbarrier.arrive $0xFFFF;
	s2 =	simm.s32 @!p0 $0x1C03  }
0xd4: {  	[timem:s3], [sflag:s2] =	dma.local @!p0 [hbm:s0], s1  }
0xd5: {  	s0 =	simm.s32 @!p0 $0x3  }
0xd6: {  	_ =	swait.ge @!p0 [sflag:s0], s1  }
0xd7: {  	s1 =	ssub.s32 @!p0 $0x0, s1;
	[sflag:s0] =	ssyncset.done @!p0 $0x0  }
0xd8: {  	[sflag:s0] =	ssyncadd.s32 @!p0 s1  }
0xd9: {  	[bflag:$0x3] =	sbarrier.arrive $0xFFFF  }
0xda: {  	_ =	shalt  }

// kernel: kernel.23.cloned.1.call-start
scs
__scs_entry_jumppad:
0x0: {  	(pc) =	sbr.rel $0x88, $3  }
0x1: {  	(tag) =	ssettag $0x0;
	lr =	simm.s32 $0x1  }
0x2: {  	[smem:$0x3F95] =	sst lr;
	_ =	strace $0xD0000000  }
0x3: {  	_ = 	snop  }
0x4: {  	_ = 	snop  }
0x5: {  	_ = 	snop  }
0x6: {  	_ = 	snop  }
0x7: {  	_ = 	snop  }
__scs_overlays_trampoline_lowered:
0x8: {  	[smem:$0x3FA4] =	sst s0  }
0x9: {  	[smem:$0x3FA5] =	sst s1  }
0xa: {  	[smem:$0x3FA6] =	sst s2  }
0xb: {  	[smem:$0x3FA7] =	sst s3  }
0xc: {  	[smem:$0x3FA8] =	sst s4  }
0xd: {  	[smem:$0x3FA9] =	sst s5  }
0xe: {  	[smem:$0x3FAA] =	sst s6  }
0xf: {  	[smem:$0x3FAB] =	sst s7  }
0x10: {  	[smem:$0x3FAC] =	sst s8  }
0x11: {  	[smem:$0x3FAD] =	sst s9;
	s0 =	simm.s32 @!p0 $0x0  }
0x12: {  	s1 =	sld [smem:$0x3F93];
	s0 =	simm.s32 @p0 $0x1  }
0x13: {  	[smem:$0x3FAE] =	sst s0;
	s0 =	simm.s32 @!p1 $0x0  }
0x14: {  	s2 =	sld [smem:$0x3F92];
	s0 =	simm.s32 @p1 $0x1  }
0x15: {  	[smem:$0x3FAF] =	sst s0;
	s0 =	simm.s32 @!p2 $0x0  }
0x16: {  	s3 =	sld [smem:$0x3FDB];
	s0 =	simm.s32 @p2 $0x1  }
0x17: {  	s4 =	simm.s32 $0x1BF5;
	[smem:$0x3FB1] =	sst s0  }
0x18: {  	s0 =	sld [smem:$0x3F94];
	_ =	swait.ge [sflag:s4], $0x0  }
0x19: {  	s7 =	sld [smem:$0x3F95]  }
0x1a: {  	s8 =	sadd.s32 $0xFFFFE003, lr  }
0x1b: {  	s9 =	sadd.s32 $0xFFFFFEF7, lr;
	s5 =	simm.s32 $0xFFFFFFFF;
	p2 =	slt.u32 s8, $0xFFFFF086  }
0x1c: {  	p1 =	slt.u32 s9, $0xF7A;
	s5 =	simm.s32 @!p2 $0x0  }
0x1d: {  	s5 =	simm.s32 @p1 $0x1;
	p0 =	seq.s32 s7, s2  }
0x1e: {  	s7 =	smul.u32 @!p0 $0xF7A, s2;
	p2 =	seq.s32 @!p0 s5, $0x0  }
0x1f: {  	s9 =	smul.u32 $0xF7A, s1;
	s8 =	simm.s32 @!p0 $0x1BF5;
	p2 =	por !p2, p0  }
0x20: {  	[sflag:s8] =	ssyncset.s32 @!p0 $0xFFFFF086;
	s6 =	sadd.s32 @!p0 s3, s7;
	s7 =	simm.s32 @!p0 $0x108  }
0x21: {  	s3 =	sadd.s32 s3, s9;
	s6 =	sadd.s32 @!p0 $0x88, s6;
	s7 =	simm.s32 @p2 $0x1082  }
0x22: {  	[simem:s7], [sflag:s8] =	dma.local @!p0 [hbm:s6], $0xF7A  }
0x23: {  	s9 =	sor.u32 $0xD0000000, s2;
	s6 =	simm.s32 $0x108;
	_ =	swait.ge @!p0 [sflag:s8], $0x0  }
0x24: {  	s3 =	sadd.s32 $0x88, s3;
	s6 =	simm.s32 @!p1 $0x1082;
	[sflag:s4] =	ssyncset.s32 $0xFFFFF086  }
0x25: {  	[simem:s6], [sflag:s4] =	dma.local [hbm:s3], $0xF7A  }
0x26: {  	[smem:$0x3F95] =	sst s1;
	(tag) =	ssettag s2;
	_ =	strace s9  }
0x27: {  	s1 =	sld [smem:$0x3FA5]  }
0x28: {  	s2 =	sld [smem:$0x3FA6]  }
0x29: {  	s4 =	sld [smem:$0x3FA8]  }
0x2a: {  	p0 =	seq.s32 s5, $0x0;
	s5 =	sld [smem:$0x3FA9]  }
0x2b: {  	s6 =	sld [smem:$0x3FAA]  }
0x2c: {  	s7 =	sld [smem:$0x3FAB]  }
0x2d: {  	s3 =	simm.s32 $0x108;
	s8 =	sld [smem:$0x3FAC]  }
0x2e: {  	s3 =	simm.s32 @!p0 $0x1082;
	s9 =	sld [smem:$0x3FAD]  }
0x2f: {  	lr =	sadd.s32 s0, s3;
	s0 =	sld [smem:$0x3FA4]  }
0x30: {  	s3 =	sld [smem:$0x3FA7]  }
0x31: {  	[smem:$0x3FB0] =	sst s10  }
0x32: {  	s10 =	sld [smem:$0x3FAE];
	_ =	sdelay $0x3  }
0x33: {  	p0 =	seq.s32 s10, $0x1;
	s10 =	sld [smem:$0x3FB0];
	_ =	sdelay $0x3  }
0x34: {  	[smem:$0x3FB0] =	sst s10  }
0x35: {  	s10 =	sld [smem:$0x3FAF];
	_ =	sdelay $0x3  }
0x36: {  	p1 =	seq.s32 s10, $0x1;
	s10 =	sld [smem:$0x3FB0];
	_ =	sdelay $0x3  }
0x37: {  	[smem:$0x3FB0] =	sst s10  }
0x38: {  	s10 =	sld [smem:$0x3FB1]  }
0x39: {  	_ = 	snop;
	(pc) =	sbr.ind lr, $3  }
0x3a: {  	_ = 	snop  }
0x3b: {  	_ = 	snop  }
0x3c: {  	p2 =	seq.s32 s10, $0x1;
	s10 =	sld [smem:$0x3FB0]  }
0x3d: {  	_ =	shalt  }
0x3e: {  	_ =	shalt  }
0x3f: {  	_ =	shalt  }
0x40: {  	_ =	shalt  }
0x41: {  	_ =	shalt  }
0x42: {  	_ =	shalt  }
0x43: {  	_ =	shalt  }
0x44: {  	_ =	shalt  }
0x45: {  	_ =	shalt  }
0x46: {  	_ =	shalt  }
0x47: {  	_ =	shalt  }
0x48: {  	_ =	shalt  }
0x49: {  	_ =	shalt  }
0x4a: {  	_ =	shalt  }
0x4b: {  	_ =	shalt  }
0x4c: {  	_ =	shalt  }
0x4d: {  	_ =	shalt  }
0x4e: {  	_ =	shalt  }
0x4f: {  	_ =	shalt  }
0x50: {  	_ =	shalt  }
0x51: {  	_ =	shalt  }
0x52: {  	_ =	shalt  }
0x53: {  	_ =	shalt  }
0x54: {  	_ =	shalt  }
0x55: {  	_ =	shalt  }
0x56: {  	_ =	shalt  }
0x57: {  	_ =	shalt  }
0x58: {  	_ =	shalt  }
0x59: {  	_ =	shalt  }
0x5a: {  	_ =	shalt  }
0x5b: {  	_ =	shalt  }
0x5c: {  	_ =	shalt  }
0x5d: {  	_ =	shalt  }
0x5e: {  	_ =	shalt  }
0x5f: {  	_ =	shalt  }
0x60: {  	_ =	shalt  }
0x61: {  	_ =	shalt  }
0x62: {  	_ =	shalt  }
0x63: {  	_ =	shalt  }
0x64: {  	_ =	shalt  }
0x65: {  	_ =	shalt  }
0x66: {  	_ =	shalt  }
0x67: {  	_ =	shalt  }
0x68: {  	_ =	shalt  }
0x69: {  	_ =	shalt  }
0x6a: {  	_ =	shalt  }
0x6b: {  	_ =	shalt  }
0x6c: {  	_ =	shalt  }
0x6d: {  	_ =	shalt  }
0x6e: {  	_ =	shalt  }
0x6f: {  	_ =	shalt  }
0x70: {  	_ =	shalt  }
0x71: {  	_ =	shalt  }
0x72: {  	_ =	shalt  }
0x73: {  	_ =	shalt  }
0x74: {  	_ =	shalt  }
0x75: {  	_ =	shalt  }
0x76: {  	_ =	shalt  }
0x77: {  	_ =	shalt  }
0x78: {  	_ =	shalt  }
0x79: {  	_ =	shalt  }
0x7a: {  	_ =	shalt  }
0x7b: {  	_ =	shalt  }
0x7c: {  	_ =	shalt  }
0x7d: {  	_ =	shalt  }
0x7e: {  	_ =	shalt  }
0x7f: {  	_ =	shalt  }
0x80: {  	_ =	shalt  }
0x81: {  	_ =	shalt  }
0x82: {  	_ =	shalt  }
0x83: {  	_ =	shalt  }
0x84: {  	_ =	shalt  }
0x85: {  	_ =	shalt  }
0x86: {  	_ =	shalt  }
0x87: {  	_ =	shalt  }
.Lfunc_end0:
.L_simem_size_0:
called_computation.3_lowered:
.L_overlay_start_0:
0x88: {  	s2 =	sld [smem:$0x3FD9]  }
0x89: {  	s3 =	sld [smem:$0x3FFE];
	_ =	sdelay $0x1  }
0x8a: {  	s1 =	srdreg.scid  }
0x8b: {  	s0 =	sand.u32 $0x1, s1  }
0x8c: {  	s16 =	sshll.u32 s0, $0xA;
	s2 =	sadd.s32 s3, s2  }
0x8d: {  	s2 =	sadd.s32 s2, s16  }
0x8e: {  	[smem:$0x3FBC] =	sst s2  }
0x8f: {  	_ = 	snop  }
0x90: {  	(tm) =	ssettm $0x1  }
0x91: {  	s17 =	sld [smem:$0x3FFB];
	_ =	sdelay $0x3  }
0x92: {  	_ =	strace s17  }
0x93: {  	s2 =	sld [smem:$0x3FFC];
	_ =	sdelay $0x3  }
0x94: {  	_ =	strace s2  }
0x95: {  	s2 =	sld [smem:$0x3FFD];
	_ =	sdelay $0x3  }
0x96: {  	_ =	strace s2  }
0x97: {  	_ =	strace $0x8FFFFFFF  }
0x98: {  	s18 =	sld [smem:$0x3FDB];
	_ =	sdelay $0x1  }
0x99: {  	s19 =	simm.s32 $_scs_section_size  }
0x9a: {  	s4 =	simm.s32 $_size__tile_overlayer_lowered;
	s5 =	simm.s32 $_tile_overlayer_lowered  }
0x9b: {  	s22 =	simm.s32 $0x1BFF;
	s21 =	sshll.u32 s5, $0x1;
	s2 =	sadd.s32 s19, s18  }
0x9c: {  	s6 =	simm.s32 $0x0;
	s20 =	sshll.u32 s4, $0x1;
	s4 =	sadd.s32 s21, s2  }
0x9d: {  	[timem:s6], [sflag:s22] =	dma.local [hbm:s4], s20  }
0x9e: {  	_ =	swait.ge [sflag:s22], s20  }
0x9f: {  	s3 =	ssub.s32 $0x0, s20;
	[sflag:s22] =	ssyncset.done $0x0  }
0xa0: {  	[sflag:s22] =	ssyncadd.s32 s3;
	_ =	sdelay $0x1  }
0xa1: {  	s23 =	simm.s32 $0x1B8B  }
0xa2: {  	_ =	swait.ge [sflag:s23], $0x1  }
0xa3: {  	[sflag:s23] =	ssyncset.done $0x0  }
0xa4: {  	s25 =	simm.s32 $0x1B8E;
	s24 =	sld [smem:$0x3FFE];
	[sflag:s23] =	ssyncadd.s32 $0xFFFFFFFF  }
0xa5: {  	s26 =	simm.s32 $execute0_lowered;
	[smem:$0x3FD2] =	sst s25  }
0xa6: {  	s4 =	sshll.u32 s26, $0x1;
	_ =	strace $0x8000004F;
	[dreg:$0x1] =	wrdreg $0xFFFFFFFF  }
0xa7: {  	s28 =	simm.s32 $_size_execute0_lowered;
	s2 =	sadd.s32 s2, s4;
	[dreg:$0x0] =	wrdreg $0x0  }
0xa8: {  	s4 =	sshll.u32 s28, $0x1;
	[dreg:$0x2] =	wrdreg s2  }
0xa9: {  	[dreg:$0x3] =	wrdreg s4  }
0xaa: {  	[dreg:$0x4] =	wrdreg $0xC0  }
0xab: {  	_ =	task [dreg:s6], $0x5FFFF  }
0xac: {  	[dreg:$0x1] =	wrdreg $0xFFFFFFFF  }
0xad: {  	[dreg:$0x0] =	wrdreg $0x60  }
0xae: {  	[dreg:$0x2] =	wrdreg s24  }
0xaf: {  	[dreg:$0x3] =	wrdreg $0x90000  }
0xb0: {  	[dreg:$0x4] =	wrdreg $0x9  }
0xb1: {  	_ =	task.clear_ibuf [dreg:s6], $0x5FFFF;
	_ =	strace $0x9000004F  }
0xb2: {  	s29 =	simm.s32 $0x9;
	_ =	strace $0x80000051  }
0xb3: {  	_ =	swait.ge [sflag:s29], $0x1  }
0xb4: {  	[sflag:s29] =	ssyncadd.s32 $0xFFFFFFFF  }
0xb5: {  	_ =	strace $0x90000051  }
0xb6: {  	_ =	sfence  }
0xb7: {  	s30 =	sld [smem:$0x0];
	_ =	sdelay $0x2  }
0xb8: {  	s31 =	sshll.u32 s1, $0xD;
	s1 =	sshrl.u32 s1, $0x2  }
0xb9: {  	s3 =	sand.u32 $0x4000, s31;
	s1 =	sadd.s32 s1, s30  }
0xba: {  	s0 =	sor.u32 s3, s0;
	s1 =	sshll.u32 s1, $0x11  }
0xbb: {  	s0 =	sor.u32 s1, s0  }
0xbc: {  	s0 =	sadd.s32 $0x8F2B, s0  }
0xbd: {  	[sflag:s0] =	ssyncadd.remote.s32 $0x1  }
0xbe: {  	_ =	sfence.sel $0xFFFF  }
0xbf: {  	[dreg:$0x0] =	wrdreg $0xFFFFFFFF;
	(pc) =	sbr.abs _section_cstart, $3  }
0xc0: {  	[dreg:$0x1] =	wrdreg $0xFFFFFFFF  }
0xc1: {  	_ =	task.clear_ibuf [dreg:s6], $0x2FFFF;
	_ =	strace $0x9FFFFFFF  }
0xc2: {  	(tm) =	ssettm $0x7FFFFFFF  }
0xc3: {  	_ =	shalt  }
tec
execute0_lowered:
.L_overlay_start_1:
0x0: {  	(tag) =	ssettag $0x1  }
0x1: {  	s0 =	rddreg [dreg:$0x0]  }
0x2: {  	s1 =	rddreg [dreg:$0x1]  }
0x3: {  	s2 =	srdreg.scid;
	s3 =	simm.s32 $0x0;
	s7 =	stileid.u32  }
0x4: {  	s21 =	simm.s32 $0x5000;
	s22 =	simm.s32 $0x3;
	s28 =	simm.s32 $0x1  }
0x5: {  	s29 =	simm.s32 $0x2;
	s30 =	simm.s32 $0x4F00;
	s31 =	simm.s32 $0x4F80  }
0x6: {  	s2 =	sand.u32 $0x1, s2;
	[smem:$0x7FF] =	sst s3;
	s6 =	smul.u32 $0x14000, s7  }
0x7: {  	s4 =	sadd.s32 $0x21C00, s0;
	s8 =	sadd.s32 $0x71C00, s0;
	s5 =	smul.u32 $0x140000, s2  }
0x8: {  	s9 =	sadd.s32 $0xDC00, s0;
	s23 =	sshll.u32 s2, $0x4;
	s2 =	ssub.s32 $0x2, s2  }
0x9: {  	s5 =	sadd.s32 s6, s5;
	s6 =	sor.u32 s7, s23;
	s7 =	smul.u32 $0x50000, s7  }
0xa: {  	_ =	strace $0x80000050;
	s24 =	sshrl.u32 s2, $0x1;
	s10 =	smul.u32 $0x5000, s6  }
0xb: {  	s2 =	ssub.s32 s2, s24;
	s23 =	simm.s32 $0x2800;
	s6 =	smul.u32 $0xA00, s6  }
0xc: {  	s24 =	simm.s32 $0x40;
	s5 =	sshrl.u32 s5, $0x3;
	s11 =	smax.u32 s2, $0x1  }
0xd: {  	s0 =	sadd.s32 s5, s0;
	s7 =	sshrl.u32 s7, $0x2;
	s25 =	sadd.s32 s8, s6  }
0xe: {  	s10 =	sshrl.u32 s10, $0x3;
	s6 =	sadd.s32 s9, s6;
	[dreg:$0x3] =	wrdreg s25  }
0xf: {  	s5 =	sadd.s32 s7, s1;
	[dreg:$0x4] =	wrdreg s6;
	s26 =	sadd.s32 $0x500, s10  }
0x10: {  	s10 =	sadd.s32 $0x85C00, s0;
	s12 =	sadd.s32 $0x2000, s5;
	s13 =	sadd.s32 $0x4000, s5  }
0x11: {  	s14 =	sadd.s32 $0x6000, s5;
	s15 =	sadd.s32 $0x8000, s5;
	s16 =	sadd.s32 $0xA000, s5  }
0x12: {  	s17 =	sadd.s32 $0xC000, s5;
	s18 =	sadd.s32 $0xE000, s5;
	s19 =	sadd.s32 $0x10000, s5  }
0x13: {  	s20 =	sadd.s32 $0x12000, s5;
	s25 =	simm.s32 $0x80;
	s0 =	simm.s32 $0x0  }
0x14: {  	v0 =	vimm.f32 $0.0e+00;
	s8 =	sadd.s32 s8, s26;
	s9 =	sadd.s32 s9, s26;
	s26 =	simm.s32 $0x7000  }
.LBB2_1:
0x15: {  	s2 =	simm.s32 $0x0;
	s6 =	simm.s32 $0x200  }
.LBB2_2:
0x16: {  	p0 =	sne.s32 s6, $0x7E00;
	[tilespmem:s2+$0x5070] =	vst v0  }
0x17: {  	[tilespmem:s2+$0x5000] =	vst v0  }
0x18: {  	[tilespmem:s2+$0x5010] =	vst v0  }
.Ltmp0:
0x19: {  	[tilespmem:s2+$0x5020] =	vst v0;
	(pc) =	sbr.rel @p0 .LBB2_2-.Ltmp0, $4  }
0x1a: {  	[tilespmem:s2+$0x5030] =	vst v0  }
0x1b: {  	[tilespmem:s2+$0x5040] =	vst v0  }
0x1c: {  	[tilespmem:s2+$0x5050] =	vst v0  }
0x1d: {  	[tilespmem:s2+$0x5060] =	vst v0;
	s2 =	sshra.s32 s6, $0x2;
	s6 =	sadd.s32 $0x200, s6  }
0x1e: {  	[tilespmem:s2+$0x5070] =	vst v0  }
0x1f: {  	[tilespmem:s2+$0x5000] =	vst v0  }
0x20: {  	[tilespmem:s2+$0x5010] =	vst v0  }
0x21: {  	[tilespmem:s2+$0x5020] =	vst v0  }
0x22: {  	[tilespmem:s2+$0x5030] =	vst v0  }
0x23: {  	[tilespmem:s2+$0x5040] =	vst v0  }
0x24: {  	[tilespmem:s2+$0x5050] =	vst v0  }
0x25: {  	[tilespmem:s2+$0x5060] =	vst v0  }
0x26: {  	[spmem:s5] =	stream.linear.scatter [tilespmem:s21], [sflag:$0x3], $0x2000, $0x38;
	[tilespmem:$0x1D000] =	vst v63  }
0x27: {  	_ =	swait.ge [sflag:s22], $0x2000  }
0x28: {  	[sflag:s22] =	ssyncset.done $0x0  }
0x29: {  	[sflag:s22] =	ssyncadd.s32 $0xFFFFE000  }
0x2a: {  	[spmem:s12] =	stream.linear.scatter [tilespmem:s21], [sflag:$0x3], $0x2000, $0x38;
	[tilespmem:$0x1D000] =	vst v63  }
0x2b: {  	_ =	swait.ge [sflag:s22], $0x2000  }
0x2c: {  	[sflag:s22] =	ssyncset.done $0x0  }
0x2d: {  	[sflag:s22] =	ssyncadd.s32 $0xFFFFE000  }
0x2e: {  	[spmem:s13] =	stream.linear.scatter [tilespmem:s21], [sflag:$0x3], $0x2000, $0x38;
	[tilespmem:$0x1D000] =	vst v63  }
0x2f: {  	_ =	swait.ge [sflag:s22], $0x2000  }
0x30: {  	[sflag:s22] =	ssyncset.done $0x0  }
0x31: {  	[sflag:s22] =	ssyncadd.s32 $0xFFFFE000  }
0x32: {  	[spmem:s14] =	stream.linear.scatter [tilespmem:s21], [sflag:$0x3], $0x2000, $0x38;
	[tilespmem:$0x1D000] =	vst v63  }
0x33: {  	_ =	swait.ge [sflag:s22], $0x2000  }
0x34: {  	[sflag:s22] =	ssyncset.done $0x0  }
0x35: {  	[sflag:s22] =	ssyncadd.s32 $0xFFFFE000  }
0x36: {  	[spmem:s15] =	stream.linear.scatter [tilespmem:s21], [sflag:$0x3], $0x2000, $0x38;
	[tilespmem:$0x1D000] =	vst v63  }
0x37: {  	_ =	swait.ge [sflag:s22], $0x2000  }
0x38: {  	[sflag:s22] =	ssyncset.done $0x0  }
0x39: {  	[sflag:s22] =	ssyncadd.s32 $0xFFFFE000  }
0x3a: {  	[spmem:s16] =	stream.linear.scatter [tilespmem:s21], [sflag:$0x3], $0x2000, $0x38;
	[tilespmem:$0x1D000] =	vst v63  }
0x3b: {  	_ =	swait.ge [sflag:s22], $0x2000  }
0x3c: {  	[sflag:s22] =	ssyncset.done $0x0  }
0x3d: {  	[sflag:s22] =	ssyncadd.s32 $0xFFFFE000  }
0x3e: {  	[spmem:s17] =	stream.linear.scatter [tilespmem:s21], [sflag:$0x3], $0x2000, $0x38;
	[tilespmem:$0x1D000] =	vst v63  }
0x3f: {  	_ =	swait.ge [sflag:s22], $0x2000  }
0x40: {  	[sflag:s22] =	ssyncset.done $0x0  }
0x41: {  	[sflag:s22] =	ssyncadd.s32 $0xFFFFE000  }
0x42: {  	[spmem:s18] =	stream.linear.scatter [tilespmem:s21], [sflag:$0x3], $0x2000, $0x38;
	[tilespmem:$0x1D000] =	vst v63  }
0x43: {  	_ =	swait.ge [sflag:s22], $0x2000  }
0x44: {  	[sflag:s22] =	ssyncset.done $0x0  }
0x45: {  	[sflag:s22] =	ssyncadd.s32 $0xFFFFE000  }
0x46: {  	[spmem:s19] =	stream.linear.scatter [tilespmem:s21], [sflag:$0x3], $0x2000, $0x38;
	[tilespmem:$0x1D000] =	vst v63  }
0x47: {  	_ =	swait.ge [sflag:s22], $0x2000  }
0x48: {  	[sflag:s22] =	ssyncset.done $0x0  }
0x49: {  	[sflag:s22] =	ssyncadd.s32 $0xFFFFE000  }
0x4a: {  	[spmem:s20] =	stream.linear.scatter [tilespmem:s21], [sflag:$0x3], $0x2000, $0x38;
	[tilespmem:$0x1D000] =	vst v63  }
0x4b: {  	_ =	swait.ge [sflag:s22], $0x2000  }
0x4c: {  	[sflag:s22] =	ssyncset.done $0x0  }
0x4d: {  	[sflag:s22] =	ssyncadd.s32 $0xFFFFE000  }
0x4e: {  	[bflag:$0x0] =	sbarrier.arrive $0xFFFF  }
0x4f: {  	s7 =	rddreg [dreg:$0x3]  }
0x50: {  	[tilespmem:s3], [sflag:$0x3] =	stream.linear.gather [hbm4b:s7+s3], $0x2800, $0x38;
	[tilespmem:$0x1D000] =	vst v63  }
0x51: {  	_ =	swait.ge [sflag:s22], $0x2800  }
0x52: {  	[sflag:s22] =	ssyncset.done $0x0  }
0x53: {  	s6 =	rddreg [dreg:$0x4];
	[sflag:s22] =	ssyncadd.s32 $0xFFFFD800  }
0x54: {  	[tilespmem:s23], [sflag:$0x3] =	stream.linear.gather [hbm4b:s6+s3], $0x2800, $0x38;
	[tilespmem:$0x1D000] =	vst v63  }
0x55: {  	_ =	swait.ge [sflag:s22], $0x2800  }
0x56: {  	[sflag:s22] =	ssyncset.done $0x0  }
0x57: {  	[sflag:s22] =	ssyncadd.s32 $0xFFFFD800  }
0x58: {  	[tilespmem:s21], [sflag:$0x1] =	stream.indirect.gather [hbm4b:s4+s24], $0x80, s3, s24, $0xb8;
	[tilespmem:$0x1D000] =	vst v63  }
0x59: {  	_ = 	snop  }
0x5a: {  	[tilespmem:s26], [sflag:$0x2] =	stream.indirect.gather [hbm4b:s4+s24], $0x80, s25, s24, $0xb8;
	[tilespmem:$0x1D000] =	vst v63  }
0x5b: {  	_ =	swait.ge [sflag:s28], $0x2000  }
0x5c: {  	[sflag:s28] =	ssyncset.done $0x0  }
0x5d: {  	s7 =	simm.s32 $0x2800;
	[sflag:s28] =	ssyncadd.s32 $0xFFFFE000  }
0x5e: {  	[spmem:s1] =	stream.indirect.scatter.add.f32 [tilespmem:s21], [sflag:$0x3], $0x80, s7, s24, $0xb8;
	[tilespmem:$0x1D000] =	vst v63  }
0x5f: {  	_ =	swait.ge [sflag:s22], $0x2000  }
0x60: {  	[sflag:s22] =	ssyncset.done $0x0  }
0x61: {  	s6 =	simm.s32 $0x100;
	[sflag:s22] =	ssyncadd.s32 $0xFFFFE000  }
0x62: {  	[tilespmem:s21], [sflag:$0x1] =	stream.indirect.gather [hbm4b:s4+s24], $0x80, s6, s24, $0xb8;
	[tilespmem:$0x1D000] =	vst v63  }
0x63: {  	_ =	swait.ge [sflag:s29], $0x2000  }
0x64: {  	[sflag:s29] =	ssyncset.done $0x0  }
0x65: {  	s7 =	simm.s32 $0x2880;
	[sflag:s29] =	ssyncadd.s32 $0xFFFFE000  }
0x66: {  	[spmem:s1] =	stream.indirect.scatter.add.f32 [tilespmem:s26], [sflag:$0x3], $0x80, s7, s24, $0xb8;
	[tilespmem:$0x1D000] =	vst v63  }
0x67: {  	_ =	swait.ge [sflag:s22], $0x2000  }
0x68: {  	[sflag:s22] =	ssyncset.done $0x0  }
0x69: {  	s2 =	simm.s32 $0x800;
	s6 =	simm.s32 $0x180;
	[sflag:s22] =	ssyncadd.s32 $0xFFFFE000  }
.LBB2_4:
0x6a: {  	[tilespmem:s26], [sflag:$0x2] =	stream.indirect.gather [hbm4b:s4+s24], $0x80, s6, s24, $0xb8;
	[tilespmem:$0x1D000] =	vst v63  }
0x6b: {  	s6 =	smov.u32 s2  }
0x6c: {  	p0 =	sne.s32 s2, $0x9C00;
	s2 =	sadd.s32 $0x400, s2;
	_ =	swait.ge [sflag:s28], $0x2000  }
0x6d: {  	s6 =	sshra.s32 s6, $0x2;
	[sflag:s28] =	ssyncset.done $0x0  }
0x6e: {  	s7 =	sadd.s32 $0x2700, s6;
	[sflag:s28] =	ssyncadd.s32 $0xFFFFE000  }
0x6f: {  	[spmem:s1] =	stream.indirect.scatter.add.f32 [tilespmem:s21], [sflag:$0x3], $0x80, s7, s24, $0xb8;
	[tilespmem:$0x1D000] =	vst v63  }
0x70: {  	_ =	swait.ge [sflag:s22], $0x2000  }
0x71: {  	[sflag:s22] =	ssyncset.done $0x0  }
0x72: {  	[sflag:s22] =	ssyncadd.s32 $0xFFFFE000  }
0x73: {  	[tilespmem:s21], [sflag:$0x1] =	stream.indirect.gather [hbm4b:s4+s24], $0x80, s6, s24, $0xb8;
	[tilespmem:$0x1D000] =	vst v63  }
0x74: {  	_ =	swait.ge [sflag:s29], $0x2000  }
0x75: {  	[sflag:s29] =	ssyncset.done $0x0  }
.Ltmp1:
0x76: {  	s7 =	sadd.s32 $0x2780, s6;
	[sflag:s29] =	ssyncadd.s32 $0xFFFFE000;
	(pc) =	sbr.rel @p0 .LBB2_4-.Ltmp1, $4  }
0x77: {  	[spmem:s1] =	stream.indirect.scatter.add.f32 [tilespmem:s26], [sflag:$0x3], $0x80, s7, s24, $0xb8;
	[tilespmem:$0x1D000] =	vst v63  }
0x78: {  	_ =	swait.ge [sflag:s22], $0x2000  }
0x79: {  	[sflag:s22] =	ssyncset.done $0x0  }
0x7a: {  	s6 =	sadd.s32 $0x80, s6;
	[sflag:s22] =	ssyncadd.s32 $0xFFFFE000  }
0x7b: {  	[tilespmem:s26], [sflag:$0x2] =	stream.indirect.gather [hbm4b:s4+s24], $0x80, s6, s24, $0xb8;
	[tilespmem:$0x1D000] =	vst v63  }
0x7c: {  	_ =	swait.ge [sflag:s28], $0x2000  }
0x7d: {  	[sflag:s28] =	ssyncset.done $0x0  }
0x7e: {  	[sflag:s28] =	ssyncadd.s32 $0xFFFFE000  }
0x7f: {  	[spmem:s1] =	stream.indirect.scatter.add.f32 [tilespmem:s21], [sflag:$0x3], $0x80, s30, s24, $0xb8;
	[tilespmem:$0x1D000] =	vst v63  }
0x80: {  	_ =	swait.ge [sflag:s22], $0x2000  }
0x81: {  	[sflag:s22] =	ssyncset.done $0x0  }
0x82: {  	[sflag:s22] =	ssyncadd.s32 $0xFFFFE000  }
0x83: {  	_ =	swait.ge [sflag:s29], $0x2000  }
0x84: {  	[sflag:s29] =	ssyncset.done $0x0  }
0x85: {  	[sflag:s29] =	ssyncadd.s32 $0xFFFFE000  }
0x86: {  	[spmem:s1] =	stream.indirect.scatter.add.f32 [tilespmem:s26], [sflag:$0x3], $0x80, s31, s24, $0xb8;
	[tilespmem:$0x1D000] =	vst v63  }
0x87: {  	_ =	swait.ge [sflag:s22], $0x2000  }
0x88: {  	[sflag:s22] =	ssyncset.done $0x0  }
0x89: {  	[sflag:s22] =	ssyncadd.s32 $0xFFFFE000  }
0x8a: {  	[tilespmem:s3], [sflag:$0x3] =	stream.linear.gather [hbm4b:s8+s3], $0x2800, $0x38;
	[tilespmem:$0x1D000] =	vst v63  }
0x8b: {  	_ =	swait.ge [sflag:s22], $0x2800  }
0x8c: {  	[sflag:s22] =	ssyncset.done $0x0  }
0x8d: {  	[sflag:s22] =	ssyncadd.s32 $0xFFFFD800  }
0x8e: {  	[tilespmem:s23], [sflag:$0x3] =	stream.linear.gather [hbm4b:s9+s3], $0x2800, $0x38;
	[tilespmem:$0x1D000] =	vst v63  }
0x8f: {  	_ =	swait.ge [sflag:s22], $0x2800  }
0x90: {  	[sflag:s22] =	ssyncset.done $0x0  }
0x91: {  	[sflag:s22] =	ssyncadd.s32 $0xFFFFD800  }
0x92: {  	[tilespmem:s21], [sflag:$0x1] =	stream.indirect.gather [hbm4b:s4+s24], $0x80, s3, s24, $0xb8;
	[tilespmem:$0x1D000] =	vst v63  }
0x93: {  	_ = 	snop  }
0x94: {  	[tilespmem:s26], [sflag:$0x2] =	stream.indirect.gather [hbm4b:s4+s24], $0x80, s25, s24, $0xb8;
	[tilespmem:$0x1D000] =	vst v63  }
0x95: {  	_ =	swait.ge [sflag:s28], $0x2000  }
0x96: {  	[sflag:s28] =	ssyncset.done $0x0  }
0x97: {  	s2 =	simm.s32 $0x2800;
	[sflag:s28] =	ssyncadd.s32 $0xFFFFE000  }
0x98: {  	[spmem:s1] =	stream.indirect.scatter.add.f32 [tilespmem:s21], [sflag:$0x3], $0x80, s2, s24, $0xb8;
	[tilespmem:$0x1D000] =	vst v63  }
0x99: {  	_ =	swait.ge [sflag:s22], $0x2000  }
0x9a: {  	[sflag:s22] =	ssyncset.done $0x0  }
0x9b: {  	s6 =	simm.s32 $0x100;
	[sflag:s22] =	ssyncadd.s32 $0xFFFFE000  }
0x9c: {  	[tilespmem:s21], [sflag:$0x1] =	stream.indirect.gather [hbm4b:s4+s24], $0x80, s6, s24, $0xb8;
	[tilespmem:$0x1D000] =	vst v63  }
0x9d: {  	_ =	swait.ge [sflag:s29], $0x2000  }
0x9e: {  	[sflag:s29] =	ssyncset.done $0x0  }
0x9f: {  	s7 =	simm.s32 $0x2880;
	[sflag:s29] =	ssyncadd.s32 $0xFFFFE000  }
0xa0: {  	[spmem:s1] =	stream.indirect.scatter.add.f32 [tilespmem:s26], [sflag:$0x3], $0x80, s7, s24, $0xb8;
	[tilespmem:$0x1D000] =	vst v63  }
0xa1: {  	_ =	swait.ge [sflag:s22], $0x2000  }
0xa2: {  	[sflag:s22] =	ssyncset.done $0x0  }
0xa3: {  	s2 =	simm.s32 $0x800;
	s6 =	simm.s32 $0x180;
	[sflag:s22] =	ssyncadd.s32 $0xFFFFE000  }
.LBB2_6:
0xa4: {  	[tilespmem:s26], [sflag:$0x2] =	stream.indirect.gather [hbm4b:s4+s24], $0x80, s6, s24, $0xb8;
	[tilespmem:$0x1D000] =	vst v63  }
0xa5: {  	s6 =	smov.u32 s2  }
0xa6: {  	p0 =	sne.s32 s2, $0x9C00;
	s2 =	sadd.s32 $0x400, s2;
	_ =	swait.ge [sflag:s28], $0x2000  }
0xa7: {  	s6 =	sshra.s32 s6, $0x2;
	[sflag:s28] =	ssyncset.done $0x0  }
0xa8: {  	s7 =	sadd.s32 $0x2700, s6;
	[sflag:s28] =	ssyncadd.s32 $0xFFFFE000  }
0xa9: {  	[spmem:s1] =	stream.indirect.scatter.add.f32 [tilespmem:s21], [sflag:$0x3], $0x80, s7, s24, $0xb8;
	[tilespmem:$0x1D000] =	vst v63  }
0xaa: {  	_ =	swait.ge [sflag:s22], $0x2000  }
0xab: {  	[sflag:s22] =	ssyncset.done $0x0  }
0xac: {  	[sflag:s22] =	ssyncadd.s32 $0xFFFFE000  }
0xad: {  	[tilespmem:s21], [sflag:$0x1] =	stream.indirect.gather [hbm4b:s4+s24], $0x80, s6, s24, $0xb8;
	[tilespmem:$0x1D000] =	vst v63  }
0xae: {  	_ =	swait.ge [sflag:s29], $0x2000  }
0xaf: {  	[sflag:s29] =	ssyncset.done $0x0  }
.Ltmp2:
0xb0: {  	s7 =	sadd.s32 $0x2780, s6;
	[sflag:s29] =	ssyncadd.s32 $0xFFFFE000;
	(pc) =	sbr.rel @p0 .LBB2_6-.Ltmp2, $4  }
0xb1: {  	[spmem:s1] =	stream.indirect.scatter.add.f32 [tilespmem:s26], [sflag:$0x3], $0x80, s7, s24, $0xb8;
	[tilespmem:$0x1D000] =	vst v63  }
0xb2: {  	_ =	swait.ge [sflag:s22], $0x2000  }
0xb3: {  	[sflag:s22] =	ssyncset.done $0x0  }
0xb4: {  	s6 =	sadd.s32 $0x80, s6;
	[sflag:s22] =	ssyncadd.s32 $0xFFFFE000  }
0xb5: {  	[tilespmem:s26], [sflag:$0x2] =	stream.indirect.gather [hbm4b:s4+s24], $0x80, s6, s24, $0xb8;
	[tilespmem:$0x1D000] =	vst v63  }
0xb6: {  	_ =	swait.ge [sflag:s28], $0x2000  }
0xb7: {  	[sflag:s28] =	ssyncset.done $0x0  }
0xb8: {  	[sflag:s28] =	ssyncadd.s32 $0xFFFFE000  }
0xb9: {  	[spmem:s1] =	stream.indirect.scatter.add.f32 [tilespmem:s21], [sflag:$0x3], $0x80, s30, s24, $0xb8;
	[tilespmem:$0x1D000] =	vst v63  }
0xba: {  	_ =	swait.ge [sflag:s22], $0x2000  }
0xbb: {  	[sflag:s22] =	ssyncset.done $0x0  }
0xbc: {  	[sflag:s22] =	ssyncadd.s32 $0xFFFFE000  }
0xbd: {  	_ =	swait.ge [sflag:s29], $0x2000  }
0xbe: {  	[sflag:s29] =	ssyncset.done $0x0  }
0xbf: {  	[sflag:s29] =	ssyncadd.s32 $0xFFFFE000  }
0xc0: {  	[spmem:s1] =	stream.indirect.scatter.add.f32 [tilespmem:s26], [sflag:$0x3], $0x80, s31, s24, $0xb8;
	[tilespmem:$0x1D000] =	vst v63  }
0xc1: {  	s2 =	stileid.u32;
	_ =	swait.ge [sflag:s22], $0x2000  }
0xc2: {  	s7 =	sshrl.u32 s5, $0x3;
	s0 =	sadd.s32 $0x1, s0;
	[sflag:s22] =	ssyncset.done $0x0  }
0xc3: {  	s2 =	sshll.u32 s2, $0x6;
	p0 =	sne.s32 s0, s11;
	[sflag:s22] =	ssyncadd.s32 $0xFFFFE000  }
.Ltmp3:
0xc4: {  	s2 =	sor.u32 $0x1C03, s2;
	[bflag:$0x0] =	sbarrier.arrive $0xFFFF;
	(pc) =	sbr.rel @p0 .LBB2_1-.Ltmp3, $4  }
0xc5: {  	[hbm:s10], [sflag:s2] =	dma.local [spmem:s7], $0x2800  }
0xc6: {  	_ =	swait.ge [sflag:s22], $0x2800  }
0xc7: {  	[sflag:s22] =	ssyncset.done $0x0  }
0xc8: {  	[sflag:s22] =	ssyncadd.s32 $0xFFFFD800  }
0xc9: {  	_ =	sfence.sel $0x180000  }
0xca: {  	[bflag:$0x0] =	sbarrier.arrive $0xFFFF  }
0xcb: {  	_ =	strace $0x90000050  }
0xcc: {  	s0 =	stileid.u32;
	[bflag:$0x2] =	sbarrier.arrive $0xFFFF  }
0xcd: {  	p0 =	sne.s32 s0, $0x0;
	s0 =	rddreg [dreg:$0x2]  }
0xce: {  	s0 =	sadd.s32 @!p0 $0x100000, s0  }
0xcf: {  	[sflag:s0] =	ssyncadd.tile.s32 @!p0 $0x1;
	_ =	shalt  }
.Lfunc_end2:
_tile_overlayer_lowered:
.L_overlay_start_2:
0xd0: {  	(tag) =	ssettag $0x2  }
0xd1: {  	s0 =	rddreg [dreg:$0x0];
	s2 =	stileid.u32  }
0xd2: {  	s1 =	rddreg [dreg:$0x1];
	p0 =	sne.s32 s2, $0x0  }
0xd3: {  	s3 =	rddreg [dreg:$0x2];
	[bflag:$0x3] =	sbarrier.arrive $0xFFFF;
	s2 =	simm.s32 @!p0 $0x1C03  }
0xd4: {  	[timem:s3], [sflag:s2] =	dma.local @!p0 [hbm:s0], s1  }
0xd5: {  	s0 =	simm.s32 @!p0 $0x3  }
0xd6: {  	_ =	swait.ge @!p0 [sflag:s0], s1  }
0xd7: {  	s1 =	ssub.s32 @!p0 $0x0, s1;
	[sflag:s0] =	ssyncset.done @!p0 $0x0  }
0xd8: {  	[sflag:s0] =	ssyncadd.s32 @!p0 s1  }
0xd9: {  	[bflag:$0x3] =	sbarrier.arrive $0xFFFF  }
0xda: {  	_ =	shalt  }

// kernel: kernel.26.cloned.1.call-start
scs
__scs_entry_jumppad:
0x0: {  	(pc) =	sbr.rel $0x88, $3  }
0x1: {  	(tag) =	ssettag $0x0;
	lr =	simm.s32 $0x1  }
0x2: {  	[smem:$0x3F95] =	sst lr;
	_ =	strace $0xD0000000  }
0x3: {  	_ = 	snop  }
0x4: {  	_ = 	snop  }
0x5: {  	_ = 	snop  }
0x6: {  	_ = 	snop  }
0x7: {  	_ = 	snop  }
__scs_overlays_trampoline_lowered:
0x8: {  	[smem:$0x3FA4] =	sst s0  }
0x9: {  	[smem:$0x3FA5] =	sst s1  }
0xa: {  	[smem:$0x3FA6] =	sst s2  }
0xb: {  	[smem:$0x3FA7] =	sst s3  }
0xc: {  	[smem:$0x3FA8] =	sst s4  }
0xd: {  	[smem:$0x3FA9] =	sst s5  }
0xe: {  	[smem:$0x3FAA] =	sst s6  }
0xf: {  	[smem:$0x3FAB] =	sst s7  }
0x10: {  	[smem:$0x3FAC] =	sst s8  }
0x11: {  	[smem:$0x3FAD] =	sst s9;
	s0 =	simm.s32 @!p0 $0x0  }
0x12: {  	s1 =	sld [smem:$0x3F93];
	s0 =	simm.s32 @p0 $0x1  }
0x13: {  	[smem:$0x3FAE] =	sst s0;
	s0 =	simm.s32 @!p1 $0x0  }
0x14: {  	s2 =	sld [smem:$0x3F92];
	s0 =	simm.s32 @p1 $0x1  }
0x15: {  	[smem:$0x3FAF] =	sst s0;
	s0 =	simm.s32 @!p2 $0x0  }
0x16: {  	s3 =	sld [smem:$0x3FDB];
	s0 =	simm.s32 @p2 $0x1  }
0x17: {  	s4 =	simm.s32 $0x1BF5;
	[smem:$0x3FB1] =	sst s0  }
0x18: {  	s0 =	sld [smem:$0x3F94];
	_ =	swait.ge [sflag:s4], $0x0  }
0x19: {  	s7 =	sld [smem:$0x3F95]  }
0x1a: {  	s8 =	sadd.s32 $0xFFFFE003, lr  }
0x1b: {  	s9 =	sadd.s32 $0xFFFFFEF7, lr;
	s5 =	simm.s32 $0xFFFFFFFF;
	p2 =	slt.u32 s8, $0xFFFFF086  }
0x1c: {  	p1 =	slt.u32 s9, $0xF7A;
	s5 =	simm.s32 @!p2 $0x0  }
0x1d: {  	s5 =	simm.s32 @p1 $0x1;
	p0 =	seq.s32 s7, s2  }
0x1e: {  	s7 =	smul.u32 @!p0 $0xF7A, s2;
	p2 =	seq.s32 @!p0 s5, $0x0  }
0x1f: {  	s9 =	smul.u32 $0xF7A, s1;
	s8 =	simm.s32 @!p0 $0x1BF5;
	p2 =	por !p2, p0  }
0x20: {  	[sflag:s8] =	ssyncset.s32 @!p0 $0xFFFFF086;
	s6 =	sadd.s32 @!p0 s3, s7;
	s7 =	simm.s32 @!p0 $0x108  }
0x21: {  	s3 =	sadd.s32 s3, s9;
	s6 =	sadd.s32 @!p0 $0x88, s6;
	s7 =	simm.s32 @p2 $0x1082  }
0x22: {  	[simem:s7], [sflag:s8] =	dma.local @!p0 [hbm:s6], $0xF7A  }
0x23: {  	s9 =	sor.u32 $0xD0000000, s2;
	s6 =	simm.s32 $0x108;
	_ =	swait.ge @!p0 [sflag:s8], $0x0  }
0x24: {  	s3 =	sadd.s32 $0x88, s3;
	s6 =	simm.s32 @!p1 $0x1082;
	[sflag:s4] =	ssyncset.s32 $0xFFFFF086  }
0x25: {  	[simem:s6], [sflag:s4] =	dma.local [hbm:s3], $0xF7A  }
0x26: {  	[smem:$0x3F95] =	sst s1;
	(tag) =	ssettag s2;
	_ =	strace s9  }
0x27: {  	s1 =	sld [smem:$0x3FA5]  }
0x28: {  	s2 =	sld [smem:$0x3FA6]  }
0x29: {  	s4 =	sld [smem:$0x3FA8]  }
0x2a: {  	p0 =	seq.s32 s5, $0x0;
	s5 =	sld [smem:$0x3FA9]  }
0x2b: {  	s6 =	sld [smem:$0x3FAA]  }
0x2c: {  	s7 =	sld [smem:$0x3FAB]  }
0x2d: {  	s3 =	simm.s32 $0x108;
	s8 =	sld [smem:$0x3FAC]  }
0x2e: {  	s3 =	simm.s32 @!p0 $0x1082;
	s9 =	sld [smem:$0x3FAD]  }
0x2f: {  	lr =	sadd.s32 s0, s3;
	s0 =	sld [smem:$0x3FA4]  }
0x30: {  	s3 =	sld [smem:$0x3FA7]  }
0x31: {  	[smem:$0x3FB0] =	sst s10  }
0x32: {  	s10 =	sld [smem:$0x3FAE];
	_ =	sdelay $0x3  }
0x33: {  	p0 =	seq.s32 s10, $0x1;
	s10 =	sld [smem:$0x3FB0];
	_ =	sdelay $0x3  }
0x34: {  	[smem:$0x3FB0] =	sst s10  }
0x35: {  	s10 =	sld [smem:$0x3FAF];
	_ =	sdelay $0x3  }
0x36: {  	p1 =	seq.s32 s10, $0x1;
	s10 =	sld [smem:$0x3FB0];
	_ =	sdelay $0x3  }
0x37: {  	[smem:$0x3FB0] =	sst s10  }
0x38: {  	s10 =	sld [smem:$0x3FB1]  }
0x39: {  	_ = 	snop;
	(pc) =	sbr.ind lr, $3  }
0x3a: {  	_ = 	snop  }
0x3b: {  	_ = 	snop  }
0x3c: {  	p2 =	seq.s32 s10, $0x1;
	s10 =	sld [smem:$0x3FB0]  }
0x3d: {  	_ =	shalt  }
0x3e: {  	_ =	shalt  }
0x3f: {  	_ =	shalt  }
0x40: {  	_ =	shalt  }
0x41: {  	_ =	shalt  }
0x42: {  	_ =	shalt  }
0x43: {  	_ =	shalt  }
0x44: {  	_ =	shalt  }
0x45: {  	_ =	shalt  }
0x46: {  	_ =	shalt  }
0x47: {  	_ =	shalt  }
0x48: {  	_ =	shalt  }
0x49: {  	_ =	shalt  }
0x4a: {  	_ =	shalt  }
0x4b: {  	_ =	shalt  }
0x4c: {  	_ =	shalt  }
0x4d: {  	_ =	shalt  }
0x4e: {  	_ =	shalt  }
0x4f: {  	_ =	shalt  }
0x50: {  	_ =	shalt  }
0x51: {  	_ =	shalt  }
0x52: {  	_ =	shalt  }
0x53: {  	_ =	shalt  }
0x54: {  	_ =	shalt  }
0x55: {  	_ =	shalt  }
0x56: {  	_ =	shalt  }
0x57: {  	_ =	shalt  }
0x58: {  	_ =	shalt  }
0x59: {  	_ =	shalt  }
0x5a: {  	_ =	shalt  }
0x5b: {  	_ =	shalt  }
0x5c: {  	_ =	shalt  }
0x5d: {  	_ =	shalt  }
0x5e: {  	_ =	shalt  }
0x5f: {  	_ =	shalt  }
0x60: {  	_ =	shalt  }
0x61: {  	_ =	shalt  }
0x62: {  	_ =	shalt  }
0x63: {  	_ =	shalt  }
0x64: {  	_ =	shalt  }
0x65: {  	_ =	shalt  }
0x66: {  	_ =	shalt  }
0x67: {  	_ =	shalt  }
0x68: {  	_ =	shalt  }
0x69: {  	_ =	shalt  }
0x6a: {  	_ =	shalt  }
0x6b: {  	_ =	shalt  }
0x6c: {  	_ =	shalt  }
0x6d: {  	_ =	shalt  }
0x6e: {  	_ =	shalt  }
0x6f: {  	_ =	shalt  }
0x70: {  	_ =	shalt  }
0x71: {  	_ =	shalt  }
0x72: {  	_ =	shalt  }
0x73: {  	_ =	shalt  }
0x74: {  	_ =	shalt  }
0x75: {  	_ =	shalt  }
0x76: {  	_ =	shalt  }
0x77: {  	_ =	shalt  }
0x78: {  	_ =	shalt  }
0x79: {  	_ =	shalt  }
0x7a: {  	_ =	shalt  }
0x7b: {  	_ =	shalt  }
0x7c: {  	_ =	shalt  }
0x7d: {  	_ =	shalt  }
0x7e: {  	_ =	shalt  }
0x7f: {  	_ =	shalt  }
0x80: {  	_ =	shalt  }
0x81: {  	_ =	shalt  }
0x82: {  	_ =	shalt  }
0x83: {  	_ =	shalt  }
0x84: {  	_ =	shalt  }
0x85: {  	_ =	shalt  }
0x86: {  	_ =	shalt  }
0x87: {  	_ =	shalt  }
.Lfunc_end0:
.L_simem_size_0:
called_computation.4_lowered:
.L_overlay_start_0:
0x88: {  	s2 =	sld [smem:$0x3FD9]  }
0x89: {  	s3 =	sld [smem:$0x3FFE];
	_ =	sdelay $0x1  }
0x8a: {  	s1 =	srdreg.scid  }
0x8b: {  	s0 =	sand.u32 $0x1, s1  }
0x8c: {  	s16 =	sshll.u32 s0, $0xA;
	s2 =	sadd.s32 s3, s2  }
0x8d: {  	s2 =	sadd.s32 s2, s16  }
0x8e: {  	[smem:$0x3FBC] =	sst s2  }
0x8f: {  	_ = 	snop  }
0x90: {  	(tm) =	ssettm $0x1  }
0x91: {  	s17 =	sld [smem:$0x3FFB];
	_ =	sdelay $0x3  }
0x92: {  	_ =	strace s17  }
0x93: {  	s2 =	sld [smem:$0x3FFC];
	_ =	sdelay $0x3  }
0x94: {  	_ =	strace s2  }
0x95: {  	s2 =	sld [smem:$0x3FFD];
	_ =	sdelay $0x3  }
0x96: {  	_ =	strace s2  }
0x97: {  	_ =	strace $0x8FFFFFFF  }
0x98: {  	s18 =	sld [smem:$0x3FDB];
	_ =	sdelay $0x1  }
0x99: {  	s19 =	simm.s32 $_scs_section_size  }
0x9a: {  	s4 =	simm.s32 $_size__tile_overlayer_lowered;
	s5 =	simm.s32 $_tile_overlayer_lowered  }
0x9b: {  	s22 =	simm.s32 $0x1BFF;
	s21 =	sshll.u32 s5, $0x1;
	s2 =	sadd.s32 s19, s18  }
0x9c: {  	s6 =	simm.s32 $0x0;
	s20 =	sshll.u32 s4, $0x1;
	s4 =	sadd.s32 s21, s2  }
0x9d: {  	[timem:s6], [sflag:s22] =	dma.local [hbm:s4], s20  }
0x9e: {  	_ =	swait.ge [sflag:s22], s20  }
0x9f: {  	s3 =	ssub.s32 $0x0, s20;
	[sflag:s22] =	ssyncset.done $0x0  }
0xa0: {  	[sflag:s22] =	ssyncadd.s32 s3;
	_ =	sdelay $0x1  }
0xa1: {  	s23 =	simm.s32 $0x1B8B  }
0xa2: {  	_ =	swait.ge [sflag:s23], $0x1  }
0xa3: {  	[sflag:s23] =	ssyncset.done $0x0  }
0xa4: {  	s25 =	simm.s32 $0x1B8E;
	s24 =	sld [smem:$0x3FFE];
	[sflag:s23] =	ssyncadd.s32 $0xFFFFFFFF  }
0xa5: {  	s26 =	simm.s32 $execute0_lowered;
	[smem:$0x3FD2] =	sst s25  }
0xa6: {  	s4 =	sshll.u32 s26, $0x1;
	_ =	strace $0x80000052;
	[dreg:$0x1] =	wrdreg $0xFFFFFFFF  }
0xa7: {  	s28 =	simm.s32 $_size_execute0_lowered;
	s2 =	sadd.s32 s2, s4;
	[dreg:$0x0] =	wrdreg $0x0  }
0xa8: {  	s4 =	sshll.u32 s28, $0x1;
	[dreg:$0x2] =	wrdreg s2  }
0xa9: {  	[dreg:$0x3] =	wrdreg s4  }
0xaa: {  	[dreg:$0x4] =	wrdreg $0xC0  }
0xab: {  	_ =	task [dreg:s6], $0x5FFFF  }
0xac: {  	[dreg:$0x1] =	wrdreg $0xFFFFFFFF  }
0xad: {  	[dreg:$0x0] =	wrdreg $0x60  }
0xae: {  	[dreg:$0x2] =	wrdreg s24  }
0xaf: {  	[dreg:$0x3] =	wrdreg $0xB0000  }
0xb0: {  	[dreg:$0x4] =	wrdreg $0xD0000  }
0xb1: {  	[dreg:$0x5] =	wrdreg $0x9  }
0xb2: {  	_ =	task.clear_ibuf [dreg:s6], $0x6FFFF;
	_ =	strace $0x90000052  }
0xb3: {  	s29 =	simm.s32 $0x9;
	_ =	strace $0x80000054  }
0xb4: {  	_ =	swait.ge [sflag:s29], $0x1  }
0xb5: {  	[sflag:s29] =	ssyncadd.s32 $0xFFFFFFFF  }
0xb6: {  	_ =	strace $0x90000054  }
0xb7: {  	_ =	sfence  }
0xb8: {  	s30 =	sld [smem:$0x0];
	_ =	sdelay $0x2  }
0xb9: {  	s31 =	sshll.u32 s1, $0xD;
	s1 =	sshrl.u32 s1, $0x2  }
0xba: {  	s3 =	sand.u32 $0x4000, s31;
	s1 =	sadd.s32 s1, s30  }
0xbb: {  	s0 =	sor.u32 s3, s0;
	s1 =	sshll.u32 s1, $0x11  }
0xbc: {  	s0 =	sor.u32 s1, s0  }
0xbd: {  	s0 =	sadd.s32 $0x8F2B, s0  }
0xbe: {  	[sflag:s0] =	ssyncadd.remote.s32 $0x1  }
0xbf: {  	_ =	sfence.sel $0xFFFF  }
0xc0: {  	[dreg:$0x0] =	wrdreg $0xFFFFFFFF;
	(pc) =	sbr.abs _section_cstart, $3  }
0xc1: {  	[dreg:$0x1] =	wrdreg $0xFFFFFFFF  }
0xc2: {  	_ =	task.clear_ibuf [dreg:s6], $0x2FFFF;
	_ =	strace $0x9FFFFFFF  }
0xc3: {  	(tm) =	ssettm $0x7FFFFFFF  }
tec
execute0_lowered:
.L_overlay_start_1:
0x0: {  	(tag) =	ssettag $0x1  }
0x1: {  	s6 =	rddreg [dreg:$0x0]  }
0x2: {  	s1 =	rddreg [dreg:$0x1]  }
0x3: {  	s2 =	rddreg [dreg:$0x2]  }
0x4: {  	s0 =	rddreg [dreg:$0x3];
	s4 =	simm.s32 $0x0;
	s5 =	srdreg.scid  }
0x5: {  	s3 =	stileid.u32;
	s22 =	simm.s32 $0x1;
	s23 =	simm.s32 $0x5000  }
0x6: {  	s24 =	simm.s32 $0x40;
	s25 =	simm.s32 $0x7000;
	s26 =	simm.s32 $0x0  }
0x7: {  	[smem:$0x7FF] =	sst s4;
	s7 =	sand.u32 $0x1, s5;
	s8 =	sshll.u32 s3, $0xD  }
0x8: {  	s9 =	sshll.u32 s7, $0x11;
	s10 =	ssub.s32 $0x2, s7;
	s7 =	sshll.u32 s7, $0x4  }
0x9: {  	s19 =	sadd.s32 $0x4800, s6;
	s5 =	sadd.s32 $0x3E00, s6;
	s11 =	sor.u32 s3, s7  }
0xa: {  	_ =	strace $0x80000053;
	s9 =	sor.u32 s8, s9;
	s16 =	smul.u32 $0x5, s11  }
0xb: {  	s28 =	sshrl.u32 s10, $0x1;
	s7 =	sadd.s32 s8, s2;
	s29 =	smul.u32 $0x1400, s11  }
0xc: {  	s9 =	sshrl.u32 s9, $0x3;
	s12 =	ssub.s32 s10, s28;
	s13 =	smul.u32 $0xA00, s11  }
0xd: {  	s9 =	sadd.s32 s9, s6;
	s6 =	sadd.s32 s8, s1;
	s11 =	smax.u32 s12, $0x1  }
0xe: {  	s8 =	sadd.s32 $0x2C800, s9;
	s9 =	sadd.s32 $0x34800, s9;
	s14 =	sadd.s32 $0x1, s16  }
0xf: {  	s10 =	sadd.s32 s19, s29;
	s12 =	sshrl.u32 s13, $0x2;
	s17 =	sadd.s32 $0x2, s16  }
0x10: {  	s18 =	sadd.s32 $0x3, s16;
	s21 =	sadd.s32 $0x4, s16;
	s15 =	sshll.u32 s14, $0xA  }
0x11: {  	s14 =	sshll.u32 s14, $0x7;
	s30 =	sshll.u32 s17, $0xA;
	s20 =	sshll.u32 s18, $0xA  }
0x12: {  	s16 =	sshll.u32 s17, $0x7;
	s31 =	sshll.u32 s21, $0xA;
	s18 =	sshll.u32 s18, $0x7  }
0x13: {  	s13 =	sadd.s32 s19, s15;
	s15 =	sadd.s32 s19, s30;
	s17 =	sadd.s32 s19, s20  }
0x14: {  	v0 =	vimm.f32 $1.000000000e+00;
	v1 =	vimm.f32 $0.0e+00;
	s19 =	sadd.s32 s19, s31;
	s20 =	sshll.u32 s21, $0x7;
	s21 =	simm.s32 $0x9000  }
.LBB2_1:
0x15: {  	s28 =	simm.s32 $0x0;
	s29 =	simm.s32 $0x200  }
.LBB2_2:
0x16: {  	p0 =	sne.s32 s29, $0x7E00;
	[tilespmem:s28+$0x7070] =	vst v0  }
0x17: {  	[tilespmem:s28+$0x7000] =	vst v0  }
0x18: {  	[tilespmem:s28+$0x7010] =	vst v0  }
.Ltmp0:
0x19: {  	[tilespmem:s28+$0x7020] =	vst v0;
	(pc) =	sbr.rel @p0 .LBB2_2-.Ltmp0, $4  }
0x1a: {  	[tilespmem:s28+$0x7030] =	vst v0  }
0x1b: {  	[tilespmem:s28+$0x7040] =	vst v0  }
0x1c: {  	[tilespmem:s28+$0x7050] =	vst v0  }
0x1d: {  	[tilespmem:s28+$0x7060] =	vst v0;
	s28 =	sshra.s32 s29, $0x2;
	s29 =	sadd.s32 $0x200, s29  }
0x1e: {  	[tilespmem:s28+$0x7070] =	vst v0  }
0x1f: {  	[tilespmem:s28+$0x7000] =	vst v0  }
0x20: {  	[tilespmem:s28+$0x7010] =	vst v0  }
0x21: {  	[tilespmem:s28+$0x7020] =	vst v0  }
0x22: {  	[tilespmem:s28+$0x7030] =	vst v0  }
0x23: {  	[tilespmem:s28+$0x7040] =	vst v0  }
0x24: {  	[tilespmem:s28+$0x7050] =	vst v0  }
0x25: {  	[tilespmem:s28+$0x7060] =	vst v0;
	s28 =	simm.s32 $0x0;
	s29 =	simm.s32 $0x200  }
.LBB2_4:
0x26: {  	p0 =	sne.s32 s29, $0x7E00;
	[tilespmem:s28+$0x9070] =	vst v1  }
0x27: {  	[tilespmem:s28+$0x9000] =	vst v1  }
0x28: {  	[tilespmem:s28+$0x9010] =	vst v1  }
.Ltmp1:
0x29: {  	[tilespmem:s28+$0x9020] =	vst v1;
	(pc) =	sbr.rel @p0 .LBB2_4-.Ltmp1, $4  }
0x2a: {  	[tilespmem:s28+$0x9030] =	vst v1  }
0x2b: {  	[tilespmem:s28+$0x9040] =	vst v1  }
0x2c: {  	[tilespmem:s28+$0x9050] =	vst v1  }
0x2d: {  	[tilespmem:s28+$0x9060] =	vst v1;
	s28 =	sshra.s32 s29, $0x2;
	s29 =	sadd.s32 $0x200, s29  }
0x2e: {  	[tilespmem:s28+$0x9070] =	vst v1  }
0x2f: {  	[tilespmem:s28+$0x9000] =	vst v1  }
0x30: {  	[tilespmem:s28+$0x9010] =	vst v1  }
0x31: {  	[tilespmem:s28+$0x9020] =	vst v1  }
0x32: {  	[tilespmem:s28+$0x9030] =	vst v1  }
0x33: {  	[tilespmem:s28+$0x9040] =	vst v1  }
0x34: {  	[tilespmem:s28+$0x9050] =	vst v1  }
0x35: {  	[tilespmem:s28+$0x9060] =	vst v1  }
0x36: {  	[spmem:s6] =	stream.linear.scatter [tilespmem:s21], [sflag:$0x1], $0x2000, $0x38;
	[tilespmem:$0xF000] =	vst v63  }
0x37: {  	_ =	swait.ge [sflag:s22], $0x2000  }
0x38: {  	[sflag:s22] =	ssyncset.done $0x0  }
0x39: {  	[sflag:s22] =	ssyncadd.s32 $0xFFFFE000  }
0x3a: {  	[spmem:s7] =	stream.linear.scatter [tilespmem:s21], [sflag:$0x1], $0x2000, $0x38;
	[tilespmem:$0xF000] =	vst v63  }
0x3b: {  	_ =	swait.ge [sflag:s22], $0x2000  }
0x3c: {  	[sflag:s22] =	ssyncset.done $0x0  }
0x3d: {  	[sflag:s22] =	ssyncadd.s32 $0xFFFFE000  }
0x3e: {  	[tilespmem:s4], [sflag:$0x1] =	stream.linear.gather [hbm4b:s5+s4], $0x5000, $0x38;
	[tilespmem:$0xF000] =	vst v63  }
0x3f: {  	_ =	swait.ge [sflag:s22], $0x5000  }
0x40: {  	[sflag:s22] =	ssyncset.done $0x0  }
0x41: {  	[sflag:s22] =	ssyncadd.s32 $0xFFFFB000  }
0x42: {  	[bflag:$0x0] =	sbarrier.arrive $0xFFFF  }
0x43: {  	[tilespmem:s23], [sflag:$0x1] =	stream.linear.gather [hbm4b:s10+s4], $0x2000, $0x38;
	[tilespmem:$0xF000] =	vst v63  }
0x44: {  	_ =	swait.ge [sflag:s22], $0x2000  }
0x45: {  	[sflag:s22] =	ssyncset.done $0x0  }
0x46: {  	[sflag:s22] =	ssyncadd.s32 $0xFFFFE000  }
0x47: {  	[spmem:s1] =	stream.indirect.scatter.add.f32 [tilespmem:s23], [sflag:$0x1], $0x80, s12, s24, $0xb8;
	[tilespmem:$0xF000] =	vst v63  }
0x48: {  	_ =	swait.ge [sflag:s22], $0x2000  }
0x49: {  	[sflag:s22] =	ssyncset.done $0x0  }
0x4a: {  	[sflag:s22] =	ssyncadd.s32 $0xFFFFE000  }
0x4b: {  	[spmem:s2] =	stream.indirect.scatter.add.f32 [tilespmem:s25], [sflag:$0x1], $0x80, s12, s24, $0xb8;
	[tilespmem:$0xF000] =	vst v63  }
0x4c: {  	_ =	swait.ge [sflag:s22], $0x2000  }
0x4d: {  	[sflag:s22] =	ssyncset.done $0x0  }
0x4e: {  	[sflag:s22] =	ssyncadd.s32 $0xFFFFE000  }
0x4f: {  	[tilespmem:s23], [sflag:$0x1] =	stream.linear.gather [hbm4b:s13+s4], $0x2000, $0x38;
	[tilespmem:$0xF000] =	vst v63  }
0x50: {  	_ =	swait.ge [sflag:s22], $0x2000  }
0x51: {  	[sflag:s22] =	ssyncset.done $0x0  }
0x52: {  	[sflag:s22] =	ssyncadd.s32 $0xFFFFE000  }
0x53: {  	[spmem:s1] =	stream.indirect.scatter.add.f32 [tilespmem:s23], [sflag:$0x1], $0x80, s14, s24, $0xb8;
	[tilespmem:$0xF000] =	vst v63  }
0x54: {  	_ =	swait.ge [sflag:s22], $0x2000  }
0x55: {  	[sflag:s22] =	ssyncset.done $0x0  }
0x56: {  	[sflag:s22] =	ssyncadd.s32 $0xFFFFE000  }
0x57: {  	[spmem:s2] =	stream.indirect.scatter.add.f32 [tilespmem:s25], [sflag:$0x1], $0x80, s14, s24, $0xb8;
	[tilespmem:$0xF000] =	vst v63  }
0x58: {  	_ =	swait.ge [sflag:s22], $0x2000  }
0x59: {  	[sflag:s22] =	ssyncset.done $0x0  }
0x5a: {  	[sflag:s22] =	ssyncadd.s32 $0xFFFFE000  }
0x5b: {  	[tilespmem:s23], [sflag:$0x1] =	stream.linear.gather [hbm4b:s15+s4], $0x2000, $0x38;
	[tilespmem:$0xF000] =	vst v63  }
0x5c: {  	_ =	swait.ge [sflag:s22], $0x2000  }
0x5d: {  	[sflag:s22] =	ssyncset.done $0x0  }
0x5e: {  	[sflag:s22] =	ssyncadd.s32 $0xFFFFE000  }
0x5f: {  	[spmem:s1] =	stream.indirect.scatter.add.f32 [tilespmem:s23], [sflag:$0x1], $0x80, s16, s24, $0xb8;
	[tilespmem:$0xF000] =	vst v63  }
0x60: {  	_ =	swait.ge [sflag:s22], $0x2000  }
0x61: {  	[sflag:s22] =	ssyncset.done $0x0  }
0x62: {  	[sflag:s22] =	ssyncadd.s32 $0xFFFFE000  }
0x63: {  	[spmem:s2] =	stream.indirect.scatter.add.f32 [tilespmem:s25], [sflag:$0x1], $0x80, s16, s24, $0xb8;
	[tilespmem:$0xF000] =	vst v63  }
0x64: {  	_ =	swait.ge [sflag:s22], $0x2000  }
0x65: {  	[sflag:s22] =	ssyncset.done $0x0  }
0x66: {  	[sflag:s22] =	ssyncadd.s32 $0xFFFFE000  }
0x67: {  	[tilespmem:s23], [sflag:$0x1] =	stream.linear.gather [hbm4b:s17+s4], $0x2000, $0x38;
	[tilespmem:$0xF000] =	vst v63  }
0x68: {  	_ =	swait.ge [sflag:s22], $0x2000  }
0x69: {  	[sflag:s22] =	ssyncset.done $0x0  }
0x6a: {  	[sflag:s22] =	ssyncadd.s32 $0xFFFFE000  }
0x6b: {  	[spmem:s1] =	stream.indirect.scatter.add.f32 [tilespmem:s23], [sflag:$0x1], $0x80, s18, s24, $0xb8;
	[tilespmem:$0xF000] =	vst v63  }
0x6c: {  	_ =	swait.ge [sflag:s22], $0x2000  }
0x6d: {  	[sflag:s22] =	ssyncset.done $0x0  }
0x6e: {  	[sflag:s22] =	ssyncadd.s32 $0xFFFFE000  }
0x6f: {  	[spmem:s2] =	stream.indirect.scatter.add.f32 [tilespmem:s25], [sflag:$0x1], $0x80, s18, s24, $0xb8;
	[tilespmem:$0xF000] =	vst v63  }
0x70: {  	_ =	swait.ge [sflag:s22], $0x2000  }
0x71: {  	[sflag:s22] =	ssyncset.done $0x0  }
0x72: {  	[sflag:s22] =	ssyncadd.s32 $0xFFFFE000  }
0x73: {  	[tilespmem:s23], [sflag:$0x1] =	stream.linear.gather [hbm4b:s19+s4], $0x2000, $0x38;
	[tilespmem:$0xF000] =	vst v63  }
0x74: {  	_ =	swait.ge [sflag:s22], $0x2000  }
0x75: {  	[sflag:s22] =	ssyncset.done $0x0  }
0x76: {  	[sflag:s22] =	ssyncadd.s32 $0xFFFFE000  }
0x77: {  	[spmem:s1] =	stream.indirect.scatter.add.f32 [tilespmem:s23], [sflag:$0x1], $0x80, s20, s24, $0xb8;
	[tilespmem:$0xF000] =	vst v63  }
0x78: {  	_ =	swait.ge [sflag:s22], $0x2000  }
0x79: {  	[sflag:s22] =	ssyncset.done $0x0  }
0x7a: {  	[sflag:s22] =	ssyncadd.s32 $0xFFFFE000  }
0x7b: {  	[spmem:s2] =	stream.indirect.scatter.add.f32 [tilespmem:s25], [sflag:$0x1], $0x80, s20, s24, $0xb8;
	[tilespmem:$0xF000] =	vst v63  }
0x7c: {  	_ =	swait.ge [sflag:s22], $0x2000  }
0x7d: {  	[sflag:s22] =	ssyncset.done $0x0  }
0x7e: {  	s30 =	sshll.u32 s3, $0x6;
	[sflag:s22] =	ssyncadd.s32 $0xFFFFE000  }
0x7f: {  	s29 =	sshrl.u32 s6, $0x3;
	s28 =	sor.u32 $0x1C01, s30;
	[bflag:$0x0] =	sbarrier.arrive $0xFFFF  }
0x80: {  	[hbm:s8], [sflag:s28] =	dma.local [spmem:s29], $0x400  }
0x81: {  	s26 =	sadd.s32 $0x1, s26;
	_ =	swait.ge [sflag:s22], $0x400  }
0x82: {  	p0 =	sne.s32 s26, s11;
	[sflag:s22] =	ssyncset.done $0x0  }
.Ltmp2:
0x83: {  	s31 =	sshrl.u32 s7, $0x3;
	[sflag:s22] =	ssyncadd.s32 $0xFFFFFC00;
	(pc) =	sbr.rel @p0 .LBB2_1-.Ltmp2, $4  }
0x84: {  	[hbm:s9], [sflag:s28] =	dma.local [spmem:s31], $0x400  }
0x85: {  	_ =	swait.ge [sflag:s22], $0x400  }
0x86: {  	[sflag:s22] =	ssyncset.done $0x0  }
0x87: {  	[sflag:s22] =	ssyncadd.s32 $0xFFFFFC00  }
0x88: {  	_ =	sfence.sel $0x180000  }
0x89: {  	[bflag:$0x0] =	sbarrier.arrive $0xFFFF  }
0x8a: {  	p0 =	sne.s32 s3, $0x0;
	_ =	strace $0x90000053  }
0x8b: {  	s0 =	sadd.s32 @!p0 $0x100000, s0;
	[bflag:$0x2] =	sbarrier.arrive $0xFFFF  }
0x8c: {  	[sflag:s0] =	ssyncadd.tile.s32 @!p0 $0x1;
	_ =	shalt  }
.Lfunc_end2:
_tile_overlayer_lowered:
.L_overlay_start_2:
0x8d: {  	(tag) =	ssettag $0x2  }
0x8e: {  	s0 =	rddreg [dreg:$0x0];
	s2 =	stileid.u32  }
0x8f: {  	s1 =	rddreg [dreg:$0x1];
	p0 =	sne.s32 s2, $0x0  }
0x90: {  	s3 =	rddreg [dreg:$0x2];
	[bflag:$0x3] =	sbarrier.arrive $0xFFFF;
	s2 =	simm.s32 @!p0 $0x1C01  }
0x91: {  	[timem:s3], [sflag:s2] =	dma.local @!p0 [hbm:s0], s1  }
0x92: {  	s0 =	simm.s32 @!p0 $0x1  }
0x93: {  	_ =	swait.ge @!p0 [sflag:s0], s1  }
0x94: {  	s1 =	ssub.s32 @!p0 $0x0, s1;
	[sflag:s0] =	ssyncset.done @!p0 $0x0  }
0x95: {  	[sflag:s0] =	ssyncadd.s32 @!p0 s1  }
0x96: {  	[bflag:$0x3] =	sbarrier.arrive $0xFFFF  }
0x97: {  	_ =	shalt  }

</sc_bundles>
